<compile_context>
chip_gen: v7x
topology: tpu7x:2x2x1
jax: 0.10.2.dev20260603
libtpu: 0.0.44.dev20260713+nightly
codegen_flags: <defaults>
</compile_context>

<pallas_src>
import jax
import jax.numpy as jnp
from jax import lax
from jax.experimental import pallas as pl
from jax.experimental.pallas import tpu as pltpu
from jax.experimental.pallas import tpu_sc as plsc

N = 32768
D = 128
B = 16
FLAT = 53
GLOB = 95
NLAYER = 3

NC = 2
NS = 16
NW = NC * NS
S_SC = 16384
RPW = S_SC // NW
CHUNK = 256
NCH = RPW // CHUNK
DC = D // 16

BLK = 512
NBLK = (N - S_SC) // BLK


def _sc_body(x_hbm, qt_hbm, scope2_hbm, attw_hbm, pr_hbm, ps_hbm,
             attw_v, q_v, scope_v, xbuf, racc, sacc, sems):
    wid = lax.axis_index("s") * NC + lax.axis_index("c")
    base = wid * RPW

    pltpu.sync_copy(attw_hbm, attw_v)
    pltpu.sync_copy(qt_hbm.at[:, pl.ds(base, RPW)], q_v)
    pltpu.sync_copy(scope2_hbm, scope_v)

    zero = jnp.zeros((16,), jnp.float32)
    iota16 = jax.lax.iota(jnp.int32, 16)
    rot = (iota16 + 1) % 16
    bfly = [iota16 ^ sh for sh in (8, 4, 2, 1)]

    def hsum_splat(v):
        for idx in bfly:
            v = v + v.at[idx].get(mode="promise_in_bounds")
        return v

    def zero_body(i, _):
        racc[pl.ds(pl.multiple_of(i * 16, 16), 16)] = zero
        return 0
    lax.fori_loop(0, NLAYER * B * DC, zero_body, 0)

    def zero_s_body(i, _):
        sacc[pl.ds(pl.multiple_of(i * 16, 16), 16)] = zero
        return 0
    lax.fori_loop(0, NLAYER * B, zero_s_body, 0)

    def x_copy(c, rb):
        return pltpu.make_async_copy(
            x_hbm.at[pl.ds(base + c * CHUNK, CHUNK)], xbuf.at[rb],
            sems.at[rb])

    def process_chunk(cbuf, c_lo):
        lo_all = scope_v[0, pl.ds(0, 16)]
        hi_all = scope_v[1, pl.ds(0, 16)]

        def bag_body(bag, carry):
            lovec, hivec = carry
            lo = jnp.maximum(lovec[0], c_lo)
            hi = jnp.minimum(hivec[0], c_lo + CHUNK)

            @pl.when(hi > lo)
            def _seg():
                init = (tuple(zero for _ in range(NLAYER * DC)),
                        tuple(zero for _ in range(NLAYER)))

                def row_body(i, carry_r):
                    accs, ss = carry_r
                    off = i - c_lo
                    ioff = i - base
                    tb = pl.multiple_of((ioff // 16) * 16, 16)
                    lane = jnp.broadcast_to(ioff - tb, (16,))
                    xr = [cbuf[off, pl.ds(k * 16, 16)] for k in range(DC)]
                    new_accs = list(accs)
                    new_ss = list(ss)
                    for l in range(NLAYER):
                        qvec = q_v[l, pl.ds(tb, 16)]
                        qrep = qvec.at[lane].get(mode="promise_in_bounds")
                        dot = xr[0] * plsc.load_gather(attw_v, [qrep, iota16])
                        for k in range(1, DC):
                            dot = dot + xr[k] * plsc.load_gather(
                                attw_v, [qrep, iota16 + k * 16])
                        wv = jnp.exp(hsum_splat(dot))
                        new_ss[l] = new_ss[l] + wv
                        for k in range(DC):
                            new_accs[l * DC + k] = new_accs[l * DC + k] + wv * xr[k]
                    return (tuple(new_accs), tuple(new_ss))

                accs, ss = lax.fori_loop(lo, hi, row_body, init)
                for l in range(NLAYER):
                    for k in range(DC):
                        o = pl.multiple_of((l * B + bag) * D + k * 16, 16)
                        racc[pl.ds(o, 16)] = racc[pl.ds(o, 16)] + accs[l * DC + k]
                    so = pl.multiple_of((l * B + bag) * 16, 16)
                    sacc[pl.ds(so, 16)] = sacc[pl.ds(so, 16)] + ss[l]

            lovec = lovec.at[rot].get(mode="promise_in_bounds")
            hivec = hivec.at[rot].get(mode="promise_in_bounds")
            return (lovec, hivec)

        lax.fori_loop(0, B, bag_body, (lo_all, hi_all))

    x_copy(0, 0).start()

    def chunk_pair(p, _):
        c0 = p * 2
        x_copy(c0, 0).wait()
        x_copy(c0 + 1, 1).start()
        process_chunk(xbuf.at[0], base + c0 * CHUNK)
        x_copy(c0 + 1, 1).wait()

        @pl.when(c0 + 2 < NCH)
        def _pref():
            x_copy(c0 + 2, 0).start()
        process_chunk(xbuf.at[1], base + (c0 + 1) * CHUNK)
        return 0

    lax.fori_loop(0, NCH // 2, chunk_pair, 0)

    pltpu.sync_copy(racc, pr_hbm.at[wid])
    pltpu.sync_copy(sacc, ps_hbm.at[wid])


def _tcp_body(scope_ref, x_ref, q_ref, attw_ref, rtc_out, stc_out,
              r_scr, s_scr):
    i = pl.program_id(0)

    @pl.when(i == 0)
    def _init():
        r_scr[...] = jnp.zeros_like(r_scr)
        s_scr[...] = jnp.zeros_like(s_scr)

    x = x_ref[...]
    s_mat = jax.lax.dot_general(
        x, attw_ref[...], (((1,), (1,)), ((), ())),
        preferred_element_type=jnp.float32)

    giota = jax.lax.broadcasted_iota(jnp.int32, (BLK, GLOB), 1)
    gid_row = (S_SC + i * BLK
               + jax.lax.broadcasted_iota(jnp.int32, (1, BLK), 1))
    bnd = [scope_ref[b] for b in range(B + 1)]
    masks_t = jnp.concatenate(
        [((gid_row >= bnd[b]) & (gid_row < bnd[b + 1])).astype(jnp.float32)
         for b in range(B)], axis=0)

    for layer in range(NLAYER):
        ql = q_ref[:, layer:layer + 1]
        logit = jnp.sum(jnp.where(giota == ql, s_mat, 0.0),
                        axis=1, keepdims=True)
        w = jnp.exp(logit)
        y = w * x
        r_scr[layer * B:(layer + 1) * B, :] += jax.lax.dot_general(
            masks_t, y, (((1,), (0,)), ((), ())),
            preferred_element_type=jnp.float32)
        s_scr[layer * B:(layer + 1) * B, :] += jax.lax.dot_general(
            masks_t, w, (((1,), (0,)), ((), ())),
            preferred_element_type=jnp.float32)

    @pl.when(i == NBLK - 1)
    def _finish():
        rtc_out[...] = r_scr[...]
        stc_out[...] = s_scr[...]


def _fin_body(pr_ref, ps_ref, rtc_ref, stc_ref, relw_ref, bias_ref,
              stack_out, lt_out, probs_out):
    r = rtc_ref[...]
    s = stc_ref[...]
    for w in range(NW):
        r = r + pr_ref[w]
        s = s + ps_ref[w]
    stack = r / s[:, 0:1]
    stack_out[...] = stack.reshape(NLAYER, B, D)
    lt = jnp.concatenate(
        [stack[0:B], stack[B:2 * B], stack[2 * B:3 * B]], axis=1)
    lt_out[...] = lt
    probs_out[...] = jax.lax.dot_general(
        lt, relw_ref[...], (((1,), (1,)), ((), ())),
        preferred_element_type=jnp.float32) + bias_ref[...]


@jax.jit
def kernel(x, scope, attention_query, rel_W, bias, att_W):
    scope = scope.astype(jnp.int32)
    scope2 = jnp.stack([scope[:B], scope[1:B + 1]])
    qt = attention_query.astype(jnp.int32).T
    bias2 = bias.reshape(1, FLAT)

    mesh = plsc.VectorSubcoreMesh(core_axis_name="c", subcore_axis_name="s",
                                  num_cores=NC, num_subcores=NS)
    sc = pl.kernel(
        _sc_body,
        out_type=[
            jax.ShapeDtypeStruct((NW, NLAYER * B * D), jnp.float32),
            jax.ShapeDtypeStruct((NW, NLAYER * B * 16), jnp.float32),
        ],
        mesh=mesh,
        compiler_params=pltpu.CompilerParams(needs_layout_passes=False),
        scratch_types=[
            pltpu.VMEM((GLOB, D), jnp.float32),
            pltpu.VMEM((NLAYER, RPW), jnp.int32),
            pltpu.VMEM((2, 16), jnp.int32),
            pltpu.VMEM((2, CHUNK, D), jnp.float32),
            pltpu.VMEM((NLAYER * B * D,), jnp.float32),
            pltpu.VMEM((NLAYER * B * 16,), jnp.float32),
            pltpu.SemaphoreType.DMA((2,)),
        ],
    )
    q = attention_query.astype(jnp.int32)
    tcp_grid = pltpu.PrefetchScalarGridSpec(
        num_scalar_prefetch=1,
        grid=(NBLK,),
        in_specs=[
            pl.BlockSpec((BLK, D), lambda i, sref: (i + S_SC // BLK, 0)),
            pl.BlockSpec((BLK, NLAYER), lambda i, sref: (i + S_SC // BLK, 0)),
            pl.BlockSpec((GLOB, D), lambda i, sref: (0, 0)),
        ],
        out_specs=[
            pl.BlockSpec((NLAYER * B, D), lambda i, sref: (0, 0)),
            pl.BlockSpec((NLAYER * B, 16), lambda i, sref: (0, 0)),
        ],
        scratch_shapes=[
            pltpu.VMEM((NLAYER * B, D), jnp.float32),
            pltpu.VMEM((NLAYER * B, 16), jnp.float32),
        ],
    )
    rtc, stc = pl.pallas_call(
        _tcp_body,
        grid_spec=tcp_grid,
        out_shape=[
            jax.ShapeDtypeStruct((NLAYER * B, D), jnp.float32),
            jax.ShapeDtypeStruct((NLAYER * B, 16), jnp.float32),
        ],
        compiler_params=pltpu.CompilerParams(
            dimension_semantics=("arbitrary",),
        ),
    )(scope, x, q, att_W)

    pr, ps = sc(x, qt, scope2, att_W)
    pr = pr.reshape(NW, NLAYER * B, D)
    ps = ps.reshape(NW, NLAYER * B, 16)

    stack, lt, probs = pl.pallas_call(
        _fin_body,
        out_shape=[
            jax.ShapeDtypeStruct((NLAYER, B, D), jnp.float32),
            jax.ShapeDtypeStruct((B, NLAYER * D), jnp.float32),
            jax.ShapeDtypeStruct((B, FLAT), jnp.float32),
        ],
    )(pr, ps, rtc, stc, rel_W, bias2)
    return stack, lt, probs

# --- scband reference (transcript-rebuilt; emitter-appended) ---
"""Pipeline reference for scband-attention-6519760355548 (READ-ONLY COPY).

The authoritative reference and input builder live on the scoring server;
editing this copy changes nothing except your own understanding.
"""

import jax, jax.numpy as jnp
import numpy as np

N = 32768   # total sentences (tokens)
D = 128     # relation_dim
B = 16      # number of bags (len(scope)-1)
FLAT = 53   # flat_num_classes
GLOB = 95   # global_num_classes


def setup_inputs(seed: int = 0) -> dict:
    key = jax.random.key(seed)
    k1, k2, k3, k4, k5 = jax.random.split(key, 5)
    x = jax.random.normal(k1, (N, D), dtype=jnp.float32)
    # ragged bag boundaries (the module's self.scope), static numpy ints
    rng = np.random.default_rng(0)
    inner = np.sort(rng.choice(np.arange(1, N), size=B - 1, replace=False))
    scope = np.concatenate([[0], inner, [N]]).astype(np.int32)
    # per-sentence hierarchical label query (self.attention_query), one id per layer
    attention_query = jax.random.randint(k2, (N, 3), 0, GLOB)
    # learned parameters
    rel_W = jax.random.normal(k3, (FLAT, 3 * D), dtype=jnp.float32) * 0.05
    bias = jax.random.normal(k4, (FLAT,), dtype=jnp.float32)
    att_W = jax.random.normal(k5, (GLOB, D), dtype=jnp.float32) * 0.05
    return {"x": x, "scope": scope, "attention_query": attention_query,
            "rel_W": rel_W, "bias": bias, "att_W": att_W}


def reference(x, scope, attention_query, rel_W, bias, att_W):
    num_bags = scope.shape[0] - 1
    idx = jnp.arange(x.shape[0])
    logits_layers = []
    for layer in range(3):
        # _attention_train_logit: embedding gather + rowwise dot
        att = jnp.take(att_W, attention_query[:, layer], axis=0)  # [N, D]
        attention_logit = jnp.sum(x * att, axis=1, keepdims=True)  # [N, 1]
        tower_repre = []
        for i in range(num_bags):
            mask = (idx >= scope[i]) & (idx < scope[i + 1])        # [N]
            masked_logit = jnp.where(
                mask, jnp.transpose(attention_logit), -jnp.inf)    # [1, N]
            attention_score = jax.nn.softmax(masked_logit, axis=1) # [1, N]
            final_repre = jnp.squeeze(jnp.matmul(attention_score, x))  # [D]
            tower_repre.append(final_repre)
        logits_layers.append(jnp.stack(tower_repre))                # [B, D]
    stack_logits_layers = jnp.stack(logits_layers)                  # [3, B, D]
    # global_ratio > 0 branch; dropout is identity in eval mode
    logits_total = jnp.concatenate(logits_layers, axis=1)           # [B, 3D]
    probs = jnp.matmul(logits_total, jnp.transpose(rel_W)) + bias   # [B, FLAT]
    return (stack_logits_layers, logits_total, probs)

if __name__ == "__main__":
    import jax
    _d = setup_inputs()
    print(jax.jit(kernel)(*tuple(_d.values())))

</pallas_src>

<mosaic_0001>
#map = affine_map<(d0, d1) -> (0, 0)>
module attributes {stable_mosaic.version = 14 : i64} {
  func.func @_sc_body(%arg0: i32, %arg1: i32, %arg2: memref<32768x128xf32, #tpu.memory_space<hbm>>, %arg3: memref<3x32768xi32, #tpu.memory_space<hbm>>, %arg4: memref<2x16xi32, #tpu.memory_space<hbm>>, %arg5: memref<95x128xf32, #tpu.memory_space<hbm>>, %arg6: memref<32x6144xf32, #tpu.memory_space<hbm>>, %arg7: memref<32x768xf32, #tpu.memory_space<hbm>>, %arg8: memref<95x128xf32, #tpu.memory_space<vmem>>, %arg9: memref<3x512xi32, #tpu.memory_space<vmem>>, %arg10: memref<2x16xi32, #tpu.memory_space<vmem>>, %arg11: memref<2x256x128xf32, #tpu.memory_space<vmem>>, %arg12: memref<6144xf32, #tpu.memory_space<vmem>>, %arg13: memref<768xf32, #tpu.memory_space<vmem>>, %arg14: memref<2x!tpu.dma_semaphore, #tpu.memory_space<semaphore_mem>>) attributes {dimension_semantics = [#tpu.dimension_semantics<core_parallel>, #tpu.dimension_semantics<subcore_parallel>], iteration_bounds = array<i64: 2, 16>, scalar_prefetch = 0 : i64, scratch_operands = 7 : i64, tpu.core_type = #tpu.core_type<sc_vector_subcore>, window_params = [{transform_indices = #map}, {transform_indices = #map}, {transform_indices = #map}, {transform_indices = #map}, {transform_indices = #map}, {transform_indices = #map}]} {
    %mul3A = arith.constant 2 : i32
    %mul3A_0 = arith.muli %arg1, %mul3A : i32
    %add3A = arith.addi %mul3A_0, %arg0 : i32
    %mul3A_1 = arith.constant 512 : i32
    %mul3A_2 = arith.muli %add3A, %mul3A_1 : i32
    "tpu.region"() ({
      %run_scoped3A = tpu.sem_alloc : memref<!tpu.dma_semaphore, #tpu.memory_space<semaphore_mem>>
      tpu.enqueue_dma source(%arg5 : memref<95x128xf32, #tpu.memory_space<hbm>>) target(%arg8 : memref<95x128xf32, #tpu.memory_space<vmem>>) target_semaphore(%run_scoped3A : memref<!tpu.dma_semaphore, #tpu.memory_space<semaphore_mem>>)
      tpu.wait_dma2 semaphore(%run_scoped3A : memref<!tpu.dma_semaphore, #tpu.memory_space<semaphore_mem>>) src(%arg5 : memref<95x128xf32, #tpu.memory_space<hbm>>) dst(%arg8 : memref<95x128xf32, #tpu.memory_space<vmem>>)
      tpu.yield
    }) : () -> ()
    "tpu.region"() ({
      %run_scoped3A = tpu.sem_alloc : memref<!tpu.dma_semaphore, #tpu.memory_space<semaphore_mem>>
      %dma_start3A_171 = arith.constant 0 : i32
      %dma_start3A_172 = tpu.memref_slice %arg3[%dma_start3A_171, %mul3A_2] : memref<3x32768xi32, #tpu.memory_space<hbm>> -> memref<3x512xi32, #tpu.memory_space<hbm>>
      %dma_start3A_173 = arith.constant 0 : i32
      %dma_start3A_174 = tpu.memref_slice %arg3[%dma_start3A_173, %mul3A_2] : memref<3x32768xi32, #tpu.memory_space<hbm>> -> memref<3x512xi32, #tpu.memory_space<hbm>>
      tpu.enqueue_dma source(%dma_start3A_174 : memref<3x512xi32, #tpu.memory_space<hbm>>) target(%arg9 : memref<3x512xi32, #tpu.memory_space<vmem>>) target_semaphore(%run_scoped3A : memref<!tpu.dma_semaphore, #tpu.memory_space<semaphore_mem>>)
      %dma_wait3A_175 = arith.constant 0 : i32
      %dma_wait3A_176 = tpu.memref_slice %arg3[%dma_wait3A_175, %mul3A_2] : memref<3x32768xi32, #tpu.memory_space<hbm>> -> memref<3x512xi32, #tpu.memory_space<hbm>>
      %dma_wait3A_177 = arith.constant 0 : i32
      %dma_wait3A_178 = tpu.memref_slice %arg3[%dma_wait3A_177, %mul3A_2] : memref<3x32768xi32, #tpu.memory_space<hbm>> -> memref<3x512xi32, #tpu.memory_space<hbm>>
      tpu.wait_dma2 semaphore(%run_scoped3A : memref<!tpu.dma_semaphore, #tpu.memory_space<semaphore_mem>>) src(%dma_wait3A_178 : memref<3x512xi32, #tpu.memory_space<hbm>>) dst(%arg9 : memref<3x512xi32, #tpu.memory_space<vmem>>)
      tpu.yield
    }) : () -> ()
    "tpu.region"() ({
      %run_scoped3A = tpu.sem_alloc : memref<!tpu.dma_semaphore, #tpu.memory_space<semaphore_mem>>
      tpu.enqueue_dma source(%arg4 : memref<2x16xi32, #tpu.memory_space<hbm>>) target(%arg10 : memref<2x16xi32, #tpu.memory_space<vmem>>) target_semaphore(%run_scoped3A : memref<!tpu.dma_semaphore, #tpu.memory_space<semaphore_mem>>)
      tpu.wait_dma2 semaphore(%run_scoped3A : memref<!tpu.dma_semaphore, #tpu.memory_space<semaphore_mem>>) src(%arg4 : memref<2x16xi32, #tpu.memory_space<hbm>>) dst(%arg10 : memref<2x16xi32, #tpu.memory_space<vmem>>)
      tpu.yield
    }) : () -> ()
    %broadcast_in_dim3A = arith.constant 0.000000e+00 : f32
    %broadcast_in_dim3A_3 = vector.broadcast %broadcast_in_dim3A : f32 to vector<16xf32>
    %iota3A = tpu.iota {dimensions = array<i32: 0>} : vector<16xi32>
    %add3A_4 = arith.constant 1 : i32
    %add3A_5 = vector.broadcast %add3A_4 : i32 to vector<16xi32>
    %add3A_6 = arith.addi %iota3A, %add3A_5 : vector<16xi32>
    %jit3A = arith.constant 16 : i32
    %eq3A = arith.constant 0 : i32
    %eq3A_7 = arith.cmpi eq, %jit3A, %eq3A : i32
    %jit3A_8 = arith.constant 1 : i32
    %select_n3A = arith.select %eq3A_7, %jit3A_8, %jit3A : i32
    %rem3A = vector.broadcast %select_n3A : i32 to vector<16xi32>
    %rem3A_9 = arith.remsi %add3A_6, %rem3A : vector<16xi32>
    %ne3A = arith.constant 0 : i32
    %ne3A_10 = vector.broadcast %ne3A : i32 to vector<16xi32>
    %ne3A_11 = arith.cmpi ne, %rem3A_9, %ne3A_10 : vector<16xi32>
    %lt3A = arith.constant 0 : i32
    %lt3A_12 = vector.broadcast %lt3A : i32 to vector<16xi32>
    %lt3A_13 = arith.cmpi slt, %rem3A_9, %lt3A_12 : vector<16xi32>
    %lt3A_14 = arith.constant 0 : i32
    %lt3A_15 = arith.cmpi slt, %select_n3A, %lt3A_14 : i32
    %ne3A_16 = vector.broadcast %lt3A_15 : i1 to vector<16xi1>
    %ne3A_17 = vector.broadcast %ne3A_16 : vector<16xi1> to vector<16xi1>
    %ne3A_18 = arith.xori %lt3A_13, %ne3A_17 : vector<16xi1>
    %and3A = arith.andi %ne3A_18, %ne3A_11 : vector<16xi1>
    %add3A_19 = vector.broadcast %select_n3A : i32 to vector<16xi32>
    %add3A_20 = arith.addi %rem3A_9, %add3A_19 : vector<16xi32>
    %select_n3A_21 = arith.select %and3A, %add3A_20, %rem3A_9 : vector<16xi1>, vector<16xi32>
    %xor3A = arith.constant 8 : i32
    %xor3A_22 = vector.broadcast %xor3A : i32 to vector<16xi32>
    %xor3A_23 = arith.xori %iota3A, %xor3A_22 : vector<16xi32>
    %xor3A_24 = arith.constant 4 : i32
    %xor3A_25 = vector.broadcast %xor3A_24 : i32 to vector<16xi32>
    %xor3A_26 = arith.xori %iota3A, %xor3A_25 : vector<16xi32>
    %xor3A_27 = arith.constant 2 : i32
    %xor3A_28 = vector.broadcast %xor3A_27 : i32 to vector<16xi32>
    %xor3A_29 = arith.xori %iota3A, %xor3A_28 : vector<16xi32>
    %xor3A_30 = arith.constant 1 : i32
    %xor3A_31 = vector.broadcast %xor3A_30 : i32 to vector<16xi32>
    %xor3A_32 = arith.xori %iota3A, %xor3A_31 : vector<16xi32>
    %scan3A = arith.constant 0 : i32
    %scan3A_33 = arith.constant 0 : i32
    %scan3A_34 = arith.constant 384 : i32
    %scan3A_35 = arith.addi %scan3A_33, %scan3A_34 : i32
    %scan3A_36 = arith.constant 1 : i32
    %scan3A_37 = scf.for %scan3A_171 = %scan3A_33 to %scan3A_35 step %scan3A_36 iter_args(%scan3A_172 = %scan3A) -> (i32)  : i32 {
      %mul3A_173 = arith.constant 16 : i32
      %mul3A_174 = arith.muli %scan3A_171, %mul3A_173 : i32
      %multiple_of3A = tpu.assume_multiple %mul3A_174, 16 : i32
      %swap3A = arith.index_cast %multiple_of3A : i32 to index
      %swap3A_175 = tpu.vector_load %arg12[%swap3A] {strides = array<i32>} : memref<6144xf32, #tpu.memory_space<vmem>>, vector<16xf32>,
      tpu.vector_store %arg12[%swap3A], %broadcast_in_dim3A_3 {strides = array<i32>} : memref<6144xf32, #tpu.memory_space<vmem>>, vector<16xf32>,
      %scan3A_176 = arith.constant 0 : i32
      scf.yield %scan3A_176 : i32
    }
    %scan3A_38 = arith.constant 384 : i32
    %scan3A_39 = arith.constant 0 : i32
    %scan3A_40 = arith.constant 0 : i32
    %scan3A_41 = arith.constant 48 : i32
    %scan3A_42 = arith.addi %scan3A_40, %scan3A_41 : i32
    %scan3A_43 = arith.constant 1 : i32
    %scan3A_44 = scf.for %scan3A_171 = %scan3A_40 to %scan3A_42 step %scan3A_43 iter_args(%scan3A_172 = %scan3A_39) -> (i32)  : i32 {
      %mul3A_173 = arith.constant 16 : i32
      %mul3A_174 = arith.muli %scan3A_171, %mul3A_173 : i32
      %multiple_of3A = tpu.assume_multiple %mul3A_174, 16 : i32
      %swap3A = arith.index_cast %multiple_of3A : i32 to index
      %swap3A_175 = tpu.vector_load %arg13[%swap3A] {strides = array<i32>} : memref<768xf32, #tpu.memory_space<vmem>>, vector<16xf32>,
      tpu.vector_store %arg13[%swap3A], %broadcast_in_dim3A_3 {strides = array<i32>} : memref<768xf32, #tpu.memory_space<vmem>>, vector<16xf32>,
      %scan3A_176 = arith.constant 0 : i32
      scf.yield %scan3A_176 : i32
    }
    %scan3A_45 = arith.constant 48 : i32
    %add3A_46 = arith.constant 0 : i32
    %add3A_47 = arith.addi %mul3A_2, %add3A_46 : i32
    %dma_start3A = arith.constant 0 : i32
    %dma_start3A_48 = arith.constant 0 : i32
    %dma_start3A_49 = arith.constant 0 : i32
    %dma_start3A_50 = arith.constant 0 : i32
    %dma_start3A_51 = tpu.memref_slice %arg11[%dma_start3A, %dma_start3A_49, %dma_start3A_50] : memref<2x256x128xf32, #tpu.memory_space<vmem>> -> memref<1x256x128xf32, #tpu.memory_space<vmem>>
    %dma_start3A_52 = tpu.memref_squeeze %dma_start3A_51 : memref<1x256x128xf32, #tpu.memory_space<vmem>> -> memref<256x128xf32, #tpu.memory_space<vmem>>
    %dma_start3A_53 = arith.constant 0 : i32
    %dma_start3A_54 = tpu.memref_slice %arg2[%add3A_47, %dma_start3A_53] : memref<32768x128xf32, #tpu.memory_space<hbm>> -> memref<256x128xf32, #tpu.memory_space<hbm>>
    %dma_start3A_55 = tpu.memref_slice %arg14[%dma_start3A_48] : memref<2x!tpu.dma_semaphore, #tpu.memory_space<semaphore_mem>> -> memref<1x!tpu.dma_semaphore, #tpu.memory_space<semaphore_mem>>
    %dma_start3A_56 = tpu.memref_squeeze %dma_start3A_55 : memref<1x!tpu.dma_semaphore, #tpu.memory_space<semaphore_mem>> -> memref<!tpu.dma_semaphore, #tpu.memory_space<semaphore_mem>>
    %dma_start3A_57 = arith.constant 0 : i32
    %dma_start3A_58 = arith.constant 0 : i32
    %dma_start3A_59 = tpu.memref_slice %arg11[%dma_start3A, %dma_start3A_57, %dma_start3A_58] : memref<2x256x128xf32, #tpu.memory_space<vmem>> -> memref<1x256x128xf32, #tpu.memory_space<vmem>>
    %dma_start3A_60 = tpu.memref_squeeze %dma_start3A_59 : memref<1x256x128xf32, #tpu.memory_space<vmem>> -> memref<256x128xf32, #tpu.memory_space<vmem>>
    %dma_start3A_61 = arith.constant 0 : i32
    %dma_start3A_62 = tpu.memref_slice %arg2[%add3A_47, %dma_start3A_61] : memref<32768x128xf32, #tpu.memory_space<hbm>> -> memref<256x128xf32, #tpu.memory_space<hbm>>
    tpu.enqueue_dma source(%dma_start3A_62 : memref<256x128xf32, #tpu.memory_space<hbm>>) target(%dma_start3A_60 : memref<256x128xf32, #tpu.memory_space<vmem>>) target_semaphore(%dma_start3A_56 : memref<!tpu.dma_semaphore, #tpu.memory_space<semaphore_mem>>)
    %scan3A_63 = arith.constant 0 : i32
    %scan3A_64 = arith.constant 0 : i32
    %mul3A_65 = arith.constant 2 : i32
    %mul3A_66 = arith.muli %scan3A_64, %mul3A_65 : i32
    %mul3A_67 = arith.constant 256 : i32
    %mul3A_68 = arith.muli %mul3A_66, %mul3A_67 : i32
    %add3A_69 = arith.addi %mul3A_2, %mul3A_68 : i32
    %dma_wait3A = arith.constant 0 : i32
    %dma_wait3A_70 = arith.constant 0 : i32
    %dma_wait3A_71 = arith.constant 0 : i32
    %dma_wait3A_72 = arith.constant 0 : i32
    %dma_wait3A_73 = tpu.memref_slice %arg11[%dma_wait3A, %dma_wait3A_71, %dma_wait3A_72] : memref<2x256x128xf32, #tpu.memory_space<vmem>> -> memref<1x256x128xf32, #tpu.memory_space<vmem>>
    %dma_wait3A_74 = tpu.memref_squeeze %dma_wait3A_73 : memref<1x256x128xf32, #tpu.memory_space<vmem>> -> memref<256x128xf32, #tpu.memory_space<vmem>>
    %dma_wait3A_75 = arith.constant 0 : i32
    %dma_wait3A_76 = tpu.memref_slice %arg2[%add3A_69, %dma_wait3A_75] : memref<32768x128xf32, #tpu.memory_space<hbm>> -> memref<256x128xf32, #tpu.memory_space<hbm>>
    %dma_wait3A_77 = tpu.memref_slice %arg14[%dma_wait3A_70] : memref<2x!tpu.dma_semaphore, #tpu.memory_space<semaphore_mem>> -> memref<1x!tpu.dma_semaphore, #tpu.memory_space<semaphore_mem>>
    %dma_wait3A_78 = tpu.memref_squeeze %dma_wait3A_77 : memref<1x!tpu.dma_semaphore, #tpu.memory_space<semaphore_mem>> -> memref<!tpu.dma_semaphore, #tpu.memory_space<semaphore_mem>>
    %dma_wait3A_79 = arith.constant 0 : i32
    %dma_wait3A_80 = arith.constant 0 : i32
    %dma_wait3A_81 = tpu.memref_slice %arg11[%dma_wait3A, %dma_wait3A_79, %dma_wait3A_80] : memref<2x256x128xf32, #tpu.memory_space<vmem>> -> memref<1x256x128xf32, #tpu.memory_space<vmem>>
    %dma_wait3A_82 = tpu.memref_squeeze %dma_wait3A_81 : memref<1x256x128xf32, #tpu.memory_space<vmem>> -> memref<256x128xf32, #tpu.memory_space<vmem>>
    %dma_wait3A_83 = arith.constant 0 : i32
    %dma_wait3A_84 = tpu.memref_slice %arg2[%add3A_69, %dma_wait3A_83] : memref<32768x128xf32, #tpu.memory_space<hbm>> -> memref<256x128xf32, #tpu.memory_space<hbm>>
    tpu.wait_dma2 semaphore(%dma_wait3A_78 : memref<!tpu.dma_semaphore, #tpu.memory_space<semaphore_mem>>) src(%dma_wait3A_84 : memref<256x128xf32, #tpu.memory_space<hbm>>) dst(%dma_wait3A_82 : memref<256x128xf32, #tpu.memory_space<vmem>>)
    %add3A_85 = arith.constant 1 : i32
    %add3A_86 = arith.addi %mul3A_66, %add3A_85 : i32
    %mul3A_87 = arith.constant 256 : i32
    %mul3A_88 = arith.muli %add3A_86, %mul3A_87 : i32
    %add3A_89 = arith.addi %mul3A_2, %mul3A_88 : i32
    %dma_start3A_90 = arith.constant 1 : i32
    %dma_start3A_91 = arith.constant 1 : i32
    %dma_start3A_92 = arith.constant 0 : i32
    %dma_start3A_93 = arith.constant 0 : i32
    %dma_start3A_94 = tpu.memref_slice %arg11[%dma_start3A_90, %dma_start3A_92, %dma_start3A_93] : memref<2x256x128xf32, #tpu.memory_space<vmem>> -> memref<1x256x128xf32, #tpu.memory_space<vmem>>
    %dma_start3A_95 = tpu.memref_squeeze %dma_start3A_94 : memref<1x256x128xf32, #tpu.memory_space<vmem>> -> memref<256x128xf32, #tpu.memory_space<vmem>>
    %dma_start3A_96 = arith.constant 0 : i32
    %dma_start3A_97 = tpu.memref_slice %arg2[%add3A_89, %dma_start3A_96] : memref<32768x128xf32, #tpu.memory_space<hbm>> -> memref<256x128xf32, #tpu.memory_space<hbm>>
    %dma_start3A_98 = tpu.memref_slice %arg14[%dma_start3A_91] : memref<2x!tpu.dma_semaphore, #tpu.memory_space<semaphore_mem>> -> memref<1x!tpu.dma_semaphore, #tpu.memory_space<semaphore_mem>>
    %dma_start3A_99 = tpu.memref_squeeze %dma_start3A_98 : memref<1x!tpu.dma_semaphore, #tpu.memory_space<semaphore_mem>> -> memref<!tpu.dma_semaphore, #tpu.memory_space<semaphore_mem>>
    %dma_start3A_100 = arith.constant 0 : i32
    %dma_start3A_101 = arith.constant 0 : i32
    %dma_start3A_102 = tpu.memref_slice %arg11[%dma_start3A_90, %dma_start3A_100, %dma_start3A_101] : memref<2x256x128xf32, #tpu.memory_space<vmem>> -> memref<1x256x128xf32, #tpu.memory_space<vmem>>
    %dma_start3A_103 = tpu.memref_squeeze %dma_start3A_102 : memref<1x256x128xf32, #tpu.memory_space<vmem>> -> memref<256x128xf32, #tpu.memory_space<vmem>>
    %dma_start3A_104 = arith.constant 0 : i32
    %dma_start3A_105 = tpu.memref_slice %arg2[%add3A_89, %dma_start3A_104] : memref<32768x128xf32, #tpu.memory_space<hbm>> -> memref<256x128xf32, #tpu.memory_space<hbm>>
    tpu.enqueue_dma source(%dma_start3A_105 : memref<256x128xf32, #tpu.memory_space<hbm>>) target(%dma_start3A_103 : memref<256x128xf32, #tpu.memory_space<vmem>>) target_semaphore(%dma_start3A_99 : memref<!tpu.dma_semaphore, #tpu.memory_space<semaphore_mem>>)
    %mul3A_106 = arith.constant 256 : i32
    %mul3A_107 = arith.muli %mul3A_66, %mul3A_106 : i32
    %add3A_108 = arith.addi %mul3A_2, %mul3A_107 : i32
    %get3A = arith.constant 0 : i32
    %get3A_109 = arith.index_cast %get3A : i32 to index
    %get3A_110 = arith.constant 0 : index
    %get3A_111 = tpu.vector_load %arg10[%get3A_109, %get3A_110] {strides = array<i32>} : memref<2x16xi32, #tpu.memory_space<vmem>>, vector<16xi32>,
    %get3A_112 = arith.constant 1 : i32
    %get3A_113 = arith.index_cast %get3A_112 : i32 to index
    %get3A_114 = arith.constant 0 : index
    %get3A_115 = tpu.vector_load %arg10[%get3A_113, %get3A_114] {strides = array<i32>} : memref<2x16xi32, #tpu.memory_space<vmem>>, vector<16xi32>,
    %scan3A_116 = arith.constant 0 : i32
    %scan3A_117 = arith.constant 0 : i32
    %scan3A_118 = arith.constant 16 : i32
    %scan3A_119 = arith.addi %scan3A_117, %scan3A_118 : i32
    %scan3A_120 = arith.constant 1 : i32
    %scan3A_121:2 = scf.for %scan3A_171 = %scan3A_117 to %scan3A_119 step %scan3A_120 iter_args(%scan3A_172 = %get3A_111, %scan3A_173 = %get3A_115) -> (vector<16xi32>, vector<16xi32>)  : i32 {
      %slice3A = vector.extract_strided_slice %scan3A_172 {offsets = [0], sizes = [1], strides = [1]} : vector<16xi32> to vector<1xi32>
      %squeeze3A = vector.extract %slice3A[0] : i32 from vector<1xi32>
      %max3A = arith.maxsi %squeeze3A, %add3A_108 : i32
      %slice3A_174 = vector.extract_strided_slice %scan3A_173 {offsets = [0], sizes = [1], strides = [1]} : vector<16xi32> to vector<1xi32>
      %squeeze3A_175 = vector.extract %slice3A_174[0] : i32 from vector<1xi32>
      %add3A_176 = arith.constant 256 : i32
      %add3A_177 = arith.addi %add3A_108, %add3A_176 : i32
      %min3A = arith.minsi %squeeze3A_175, %add3A_177 : i32
      %gt3A = arith.cmpi sgt, %min3A, %max3A : i32
      %convert_element_type3A_178 = arith.extui %gt3A : i1 to i32
      %cond3A_179 = arith.constant 0 : i32
      %cond3A_180 = arith.cmpi ne, %convert_element_type3A_178, %cond3A_179 : i32
      scf.if %cond3A_180 {
        %while3A = arith.subi %min3A, %max3A : i32
        %while3A_200 = arith.addi %max3A, %while3A : i32
        %while3A_201 = arith.constant 1 : i32
        %while3A_202 = arith.divsi %while3A, %while3A_201 : i32
        %while3A_203 = arith.muli %while3A_202, %while3A_201 : i32
        %while3A_204 = arith.addi %max3A, %while3A_203 : i32
        %while3A_205 = arith.constant 1 : i32
        %while3A_206:27 = scf.for %while3A_525 = %max3A to %while3A_204 step %while3A_205 iter_args(%while3A_526 = %broadcast_in_dim3A_3, %while3A_527 = %broadcast_in_dim3A_3, %while3A_528 = %broadcast_in_dim3A_3, %while3A_529 = %broadcast_in_dim3A_3, %while3A_530 = %broadcast_in_dim3A_3, %while3A_531 = %broadcast_in_dim3A_3, %while3A_532 = %broadcast_in_dim3A_3, %while3A_533 = %broadcast_in_dim3A_3, %while3A_534 = %broadcast_in_dim3A_3, %while3A_535 = %broadcast_in_dim3A_3, %while3A_536 = %broadcast_in_dim3A_3, %while3A_537 = %broadcast_in_dim3A_3, %while3A_538 = %broadcast_in_dim3A_3, %while3A_539 = %broadcast_in_dim3A_3, %while3A_540 = %broadcast_in_dim3A_3, %while3A_541 = %broadcast_in_dim3A_3, %while3A_542 = %broadcast_in_dim3A_3, %while3A_543 = %broadcast_in_dim3A_3, %while3A_544 = %broadcast_in_dim3A_3, %while3A_545 = %broadcast_in_dim3A_3, %while3A_546 = %broadcast_in_dim3A_3, %while3A_547 = %broadcast_in_dim3A_3, %while3A_548 = %broadcast_in_dim3A_3, %while3A_549 = %broadcast_in_dim3A_3, %while3A_550 = %broadcast_in_dim3A_3, %while3A_551 = %broadcast_in_dim3A_3, %while3A_552 = %broadcast_in_dim3A_3) -> (vector<16xf32>, vector<16xf32>, vector<16xf32>, vector<16xf32>, vector<16xf32>, vector<16xf32>, vector<16xf32>, vector<16xf32>, vector<16xf32>, vector<16xf32>, vector<16xf32>, vector<16xf32>, vector<16xf32>, vector<16xf32>, vector<16xf32>, vector<16xf32>, vector<16xf32>, vector<16xf32>, vector<16xf32>, vector<16xf32>, vector<16xf32>, vector<16xf32>, vector<16xf32>, vector<16xf32>, vector<16xf32>, vector<16xf32>, vector<16xf32>)  : i32 {
          %sub3A = arith.subi %while3A_525, %add3A_108 : i32
          %sub3A_553 = arith.subi %while3A_525, %mul3A_2 : i32
          %jit3A_554 = arith.constant 16 : i32
          %div3A = arith.divsi %sub3A_553, %jit3A_554 : i32
          %sign3A = arith.constant 0 : i32
          %sign3A_555 = arith.cmpi sgt, %sub3A_553, %sign3A : i32
          %sign3A_556 = arith.extui %sign3A_555 : i1 to i32
          %sign3A_557 = arith.constant 0 : i32
          %sign3A_558 = arith.cmpi slt, %sub3A_553, %sign3A_557 : i32
          %sign3A_559 = arith.extui %sign3A_558 : i1 to i32
          %sign3A_560 = arith.subi %sign3A_556, %sign3A_559 : i32
          %sign3A_561 = arith.constant 0 : i32
          %sign3A_562 = arith.cmpi sgt, %jit3A_554, %sign3A_561 : i32
          %sign3A_563 = arith.extui %sign3A_562 : i1 to i32
          %sign3A_564 = arith.constant 0 : i32
          %sign3A_565 = arith.cmpi slt, %jit3A_554, %sign3A_564 : i32
          %sign3A_566 = arith.extui %sign3A_565 : i1 to i32
          %sign3A_567 = arith.subi %sign3A_563, %sign3A_566 : i32
          %ne3A_568 = arith.cmpi ne, %sign3A_560, %sign3A_567 : i32
          %rem3A_569 = arith.remsi %sub3A_553, %jit3A_554 : i32
          %ne3A_570 = arith.constant 0 : i32
          %ne3A_571 = arith.cmpi ne, %rem3A_569, %ne3A_570 : i32
          %and3A_572 = arith.andi %ne3A_568, %ne3A_571 : i1
          %sub3A_573 = arith.constant 1 : i32
          %sub3A_574 = arith.subi %div3A, %sub3A_573 : i32
          %select_n3A_575 = arith.select %and3A_572, %sub3A_574, %div3A : i32
          %mul3A_576 = arith.constant 16 : i32
          %mul3A_577 = arith.muli %select_n3A_575, %mul3A_576 : i32
          %multiple_of3A_578 = tpu.assume_multiple %mul3A_577, 16 : i32
          %sub3A_579 = arith.subi %sub3A_553, %multiple_of3A_578 : i32
          %broadcast_in_dim3A_580 = vector.broadcast %sub3A_579 : i32 to vector<16xi32>
          %get3A_581 = arith.constant 0 : i32
          %get3A_582 = arith.constant 0 : i32
          %get3A_583 = tpu.memref_slice %arg11[%scan3A_116, %get3A_581, %get3A_582] : memref<2x256x128xf32, #tpu.memory_space<vmem>> -> memref<1x256x128xf32, #tpu.memory_space<vmem>>
          %get3A_584 = tpu.memref_squeeze %get3A_583 : memref<1x256x128xf32, #tpu.memory_space<vmem>> -> memref<256x128xf32, #tpu.memory_space<vmem>>
          %get3A_585 = arith.index_cast %sub3A : i32 to index
          %get3A_586 = arith.constant 0 : index
          %get3A_587 = tpu.vector_load %get3A_584[%get3A_585, %get3A_586] {strides = array<i32>} : memref<256x128xf32, #tpu.memory_space<vmem>>, vector<16xf32>,
          %get3A_588 = arith.constant 0 : i32
          %get3A_589 = arith.constant 0 : i32
          %get3A_590 = tpu.memref_slice %arg11[%scan3A_116, %get3A_588, %get3A_589] : memref<2x256x128xf32, #tpu.memory_space<vmem>> -> memref<1x256x128xf32, #tpu.memory_space<vmem>>
          %get3A_591 = tpu.memref_squeeze %get3A_590 : memref<1x256x128xf32, #tpu.memory_space<vmem>> -> memref<256x128xf32, #tpu.memory_space<vmem>>
          %get3A_592 = arith.index_cast %sub3A : i32 to index
          %get3A_593 = arith.constant 16 : index
          %get3A_594 = tpu.vector_load %get3A_591[%get3A_592, %get3A_593] {strides = array<i32>} : memref<256x128xf32, #tpu.memory_space<vmem>>, vector<16xf32>,
          %get3A_595 = arith.constant 0 : i32
          %get3A_596 = arith.constant 0 : i32
          %get3A_597 = tpu.memref_slice %arg11[%scan3A_116, %get3A_595, %get3A_596] : memref<2x256x128xf32, #tpu.memory_space<vmem>> -> memref<1x256x128xf32, #tpu.memory_space<vmem>>
          %get3A_598 = tpu.memref_squeeze %get3A_597 : memref<1x256x128xf32, #tpu.memory_space<vmem>> -> memref<256x128xf32, #tpu.memory_space<vmem>>
          %get3A_599 = arith.index_cast %sub3A : i32 to index
          %get3A_600 = arith.constant 32 : index
          %get3A_601 = tpu.vector_load %get3A_598[%get3A_599, %get3A_600] {strides = array<i32>} : memref<256x128xf32, #tpu.memory_space<vmem>>, vector<16xf32>,
          %get3A_602 = arith.constant 0 : i32
          %get3A_603 = arith.constant 0 : i32
          %get3A_604 = tpu.memref_slice %arg11[%scan3A_116, %get3A_602, %get3A_603] : memref<2x256x128xf32, #tpu.memory_space<vmem>> -> memref<1x256x128xf32, #tpu.memory_space<vmem>>
          %get3A_605 = tpu.memref_squeeze %get3A_604 : memref<1x256x128xf32, #tpu.memory_space<vmem>> -> memref<256x128xf32, #tpu.memory_space<vmem>>
          %get3A_606 = arith.index_cast %sub3A : i32 to index
          %get3A_607 = arith.constant 48 : index
          %get3A_608 = tpu.vector_load %get3A_605[%get3A_606, %get3A_607] {strides = array<i32>} : memref<256x128xf32, #tpu.memory_space<vmem>>, vector<16xf32>,
          %get3A_609 = arith.constant 0 : i32
          %get3A_610 = arith.constant 0 : i32
          %get3A_611 = tpu.memref_slice %arg11[%scan3A_116, %get3A_609, %get3A_610] : memref<2x256x128xf32, #tpu.memory_space<vmem>> -> memref<1x256x128xf32, #tpu.memory_space<vmem>>
          %get3A_612 = tpu.memref_squeeze %get3A_611 : memref<1x256x128xf32, #tpu.memory_space<vmem>> -> memref<256x128xf32, #tpu.memory_space<vmem>>
          %get3A_613 = arith.index_cast %sub3A : i32 to index
          %get3A_614 = arith.constant 64 : index
          %get3A_615 = tpu.vector_load %get3A_612[%get3A_613, %get3A_614] {strides = array<i32>} : memref<256x128xf32, #tpu.memory_space<vmem>>, vector<16xf32>,
          %get3A_616 = arith.constant 0 : i32
          %get3A_617 = arith.constant 0 : i32
          %get3A_618 = tpu.memref_slice %arg11[%scan3A_116, %get3A_616, %get3A_617] : memref<2x256x128xf32, #tpu.memory_space<vmem>> -> memref<1x256x128xf32, #tpu.memory_space<vmem>>
          %get3A_619 = tpu.memref_squeeze %get3A_618 : memref<1x256x128xf32, #tpu.memory_space<vmem>> -> memref<256x128xf32, #tpu.memory_space<vmem>>
          %get3A_620 = arith.index_cast %sub3A : i32 to index
          %get3A_621 = arith.constant 80 : index
          %get3A_622 = tpu.vector_load %get3A_619[%get3A_620, %get3A_621] {strides = array<i32>} : memref<256x128xf32, #tpu.memory_space<vmem>>, vector<16xf32>,
          %get3A_623 = arith.constant 0 : i32
          %get3A_624 = arith.constant 0 : i32
          %get3A_625 = tpu.memref_slice %arg11[%scan3A_116, %get3A_623, %get3A_624] : memref<2x256x128xf32, #tpu.memory_space<vmem>> -> memref<1x256x128xf32, #tpu.memory_space<vmem>>
          %get3A_626 = tpu.memref_squeeze %get3A_625 : memref<1x256x128xf32, #tpu.memory_space<vmem>> -> memref<256x128xf32, #tpu.memory_space<vmem>>
          %get3A_627 = arith.index_cast %sub3A : i32 to index
          %get3A_628 = arith.constant 96 : index
          %get3A_629 = tpu.vector_load %get3A_626[%get3A_627, %get3A_628] {strides = array<i32>} : memref<256x128xf32, #tpu.memory_space<vmem>>, vector<16xf32>,
          %get3A_630 = arith.constant 0 : i32
          %get3A_631 = arith.constant 0 : i32
          %get3A_632 = tpu.memref_slice %arg11[%scan3A_116, %get3A_630, %get3A_631] : memref<2x256x128xf32, #tpu.memory_space<vmem>> -> memref<1x256x128xf32, #tpu.memory_space<vmem>>
          %get3A_633 = tpu.memref_squeeze %get3A_632 : memref<1x256x128xf32, #tpu.memory_space<vmem>> -> memref<256x128xf32, #tpu.memory_space<vmem>>
          %get3A_634 = arith.index_cast %sub3A : i32 to index
          %get3A_635 = arith.constant 112 : index
          %get3A_636 = tpu.vector_load %get3A_633[%get3A_634, %get3A_635] {strides = array<i32>} : memref<256x128xf32, #tpu.memory_space<vmem>>, vector<16xf32>,
          %get3A_637 = arith.constant 0 : i32
          %get3A_638 = arith.index_cast %get3A_637 : i32 to index
          %get3A_639 = arith.index_cast %multiple_of3A_578 : i32 to index
          %get3A_640 = tpu.vector_load %arg9[%get3A_638, %get3A_639] {strides = array<i32>} : memref<3x512xi32, #tpu.memory_space<vmem>>, vector<16xi32>,
          %lt3A_641 = arith.constant 0 : i32
          %lt3A_642 = vector.broadcast %lt3A_641 : i32 to vector<16xi32>
          %lt3A_643 = arith.cmpi slt, %broadcast_in_dim3A_580, %lt3A_642 : vector<16xi32>
          %add3A_644 = arith.constant 16 : i32
          %add3A_645 = vector.broadcast %add3A_644 : i32 to vector<16xi32>
          %add3A_646 = arith.addi %broadcast_in_dim3A_580, %add3A_645 : vector<16xi32>
          %select_n3A_647 = arith.select %lt3A_643, %add3A_646, %broadcast_in_dim3A_580 : vector<16xi1>, vector<16xi32>
          %broadcast_in_dim3A_648 = vector.shape_cast %select_n3A_647 : vector<16xi32> to vector<16x1xi32>
          %gather3A_649 = vector.shape_cast %broadcast_in_dim3A_648 : vector<16x1xi32> to vector<16xi32>
          %gather3A_650 = tpu.dynamic_gather %get3A_640[%gather3A_649] in [0] : vector<16xi32>, vector<16xi32> -> vector<16xi32>
          %gather3A_651 = tpu.vector_load_idx %arg8[%gather3A_650, %iota3A] : memref<95x128xf32, #tpu.memory_space<vmem>>[vector<16xi32>, vector<16xi32>], vector<16xf32>,
          %mul3A_652 = arith.mulf %get3A_587, %gather3A_651 : vector<16xf32>
          %add3A_653 = arith.constant 16 : i32
          %add3A_654 = vector.broadcast %add3A_653 : i32 to vector<16xi32>
          %add3A_655 = arith.addi %iota3A, %add3A_654 : vector<16xi32>
          %gather3A_656 = tpu.vector_load_idx %arg8[%gather3A_650, %add3A_655] : memref<95x128xf32, #tpu.memory_space<vmem>>[vector<16xi32>, vector<16xi32>], vector<16xf32>,
          %mul3A_657 = arith.mulf %get3A_594, %gather3A_656 : vector<16xf32>
          %add3A_658 = arith.addf %mul3A_652, %mul3A_657 : vector<16xf32>
          %add3A_659 = arith.constant 32 : i32
          %add3A_660 = vector.broadcast %add3A_659 : i32 to vector<16xi32>
          %add3A_661 = arith.addi %iota3A, %add3A_660 : vector<16xi32>
          %gather3A_662 = tpu.vector_load_idx %arg8[%gather3A_650, %add3A_661] : memref<95x128xf32, #tpu.memory_space<vmem>>[vector<16xi32>, vector<16xi32>], vector<16xf32>,
          %mul3A_663 = arith.mulf %get3A_601, %gather3A_662 : vector<16xf32>
          %add3A_664 = arith.addf %add3A_658, %mul3A_663 : vector<16xf32>
          %add3A_665 = arith.constant 48 : i32
          %add3A_666 = vector.broadcast %add3A_665 : i32 to vector<16xi32>
          %add3A_667 = arith.addi %iota3A, %add3A_666 : vector<16xi32>
          %gather3A_668 = tpu.vector_load_idx %arg8[%gather3A_650, %add3A_667] : memref<95x128xf32, #tpu.memory_space<vmem>>[vector<16xi32>, vector<16xi32>], vector<16xf32>,
          %mul3A_669 = arith.mulf %get3A_608, %gather3A_668 : vector<16xf32>
          %add3A_670 = arith.addf %add3A_664, %mul3A_669 : vector<16xf32>
          %add3A_671 = arith.constant 64 : i32
          %add3A_672 = vector.broadcast %add3A_671 : i32 to vector<16xi32>
          %add3A_673 = arith.addi %iota3A, %add3A_672 : vector<16xi32>
          %gather3A_674 = tpu.vector_load_idx %arg8[%gather3A_650, %add3A_673] : memref<95x128xf32, #tpu.memory_space<vmem>>[vector<16xi32>, vector<16xi32>], vector<16xf32>,
          %mul3A_675 = arith.mulf %get3A_615, %gather3A_674 : vector<16xf32>
          %add3A_676 = arith.addf %add3A_670, %mul3A_675 : vector<16xf32>
          %add3A_677 = arith.constant 80 : i32
          %add3A_678 = vector.broadcast %add3A_677 : i32 to vector<16xi32>
          %add3A_679 = arith.addi %iota3A, %add3A_678 : vector<16xi32>
          %gather3A_680 = tpu.vector_load_idx %arg8[%gather3A_650, %add3A_679] : memref<95x128xf32, #tpu.memory_space<vmem>>[vector<16xi32>, vector<16xi32>], vector<16xf32>,
          %mul3A_681 = arith.mulf %get3A_622, %gather3A_680 : vector<16xf32>
          %add3A_682 = arith.addf %add3A_676, %mul3A_681 : vector<16xf32>
          %add3A_683 = arith.constant 96 : i32
          %add3A_684 = vector.broadcast %add3A_683 : i32 to vector<16xi32>
          %add3A_685 = arith.addi %iota3A, %add3A_684 : vector<16xi32>
          %gather3A_686 = tpu.vector_load_idx %arg8[%gather3A_650, %add3A_685] : memref<95x128xf32, #tpu.memory_space<vmem>>[vector<16xi32>, vector<16xi32>], vector<16xf32>,
          %mul3A_687 = arith.mulf %get3A_629, %gather3A_686 : vector<16xf32>
          %add3A_688 = arith.addf %add3A_682, %mul3A_687 : vector<16xf32>
          %add3A_689 = arith.constant 112 : i32
          %add3A_690 = vector.broadcast %add3A_689 : i32 to vector<16xi32>
          %add3A_691 = arith.addi %iota3A, %add3A_690 : vector<16xi32>
          %gather3A_692 = tpu.vector_load_idx %arg8[%gather3A_650, %add3A_691] : memref<95x128xf32, #tpu.memory_space<vmem>>[vector<16xi32>, vector<16xi32>], vector<16xf32>,
          %mul3A_693 = arith.mulf %get3A_636, %gather3A_692 : vector<16xf32>
          %add3A_694 = arith.addf %add3A_688, %mul3A_693 : vector<16xf32>
          %lt3A_695 = arith.constant 0 : i32
          %lt3A_696 = vector.broadcast %lt3A_695 : i32 to vector<16xi32>
          %lt3A_697 = arith.cmpi slt, %xor3A_23, %lt3A_696 : vector<16xi32>
          %add3A_698 = arith.constant 16 : i32
          %add3A_699 = vector.broadcast %add3A_698 : i32 to vector<16xi32>
          %add3A_700 = arith.addi %xor3A_23, %add3A_699 : vector<16xi32>
          %select_n3A_701 = arith.select %lt3A_697, %add3A_700, %xor3A_23 : vector<16xi1>, vector<16xi32>
          %broadcast_in_dim3A_702 = vector.shape_cast %select_n3A_701 : vector<16xi32> to vector<16x1xi32>
          %gather3A_703 = vector.shape_cast %broadcast_in_dim3A_702 : vector<16x1xi32> to vector<16xi32>
          %gather3A_704 = tpu.dynamic_gather %add3A_694[%gather3A_703] in [0] : vector<16xf32>, vector<16xi32> -> vector<16xf32>
          %add3A_705 = arith.addf %add3A_694, %gather3A_704 : vector<16xf32>
          %lt3A_706 = arith.constant 0 : i32
          %lt3A_707 = vector.broadcast %lt3A_706 : i32 to vector<16xi32>
          %lt3A_708 = arith.cmpi slt, %xor3A_26, %lt3A_707 : vector<16xi32>
          %add3A_709 = arith.constant 16 : i32
          %add3A_710 = vector.broadcast %add3A_709 : i32 to vector<16xi32>
          %add3A_711 = arith.addi %xor3A_26, %add3A_710 : vector<16xi32>
          %select_n3A_712 = arith.select %lt3A_708, %add3A_711, %xor3A_26 : vector<16xi1>, vector<16xi32>
          %broadcast_in_dim3A_713 = vector.shape_cast %select_n3A_712 : vector<16xi32> to vector<16x1xi32>
          %gather3A_714 = vector.shape_cast %broadcast_in_dim3A_713 : vector<16x1xi32> to vector<16xi32>
          %gather3A_715 = tpu.dynamic_gather %add3A_705[%gather3A_714] in [0] : vector<16xf32>, vector<16xi32> -> vector<16xf32>
          %add3A_716 = arith.addf %add3A_705, %gather3A_715 : vector<16xf32>
          %lt3A_717 = arith.constant 0 : i32
          %lt3A_718 = vector.broadcast %lt3A_717 : i32 to vector<16xi32>
          %lt3A_719 = arith.cmpi slt, %xor3A_29, %lt3A_718 : vector<16xi32>
          %add3A_720 = arith.constant 16 : i32
          %add3A_721 = vector.broadcast %add3A_720 : i32 to vector<16xi32>
          %add3A_722 = arith.addi %xor3A_29, %add3A_721 : vector<16xi32>
          %select_n3A_723 = arith.select %lt3A_719, %add3A_722, %xor3A_29 : vector<16xi1>, vector<16xi32>
          %broadcast_in_dim3A_724 = vector.shape_cast %select_n3A_723 : vector<16xi32> to vector<16x1xi32>
          %gather3A_725 = vector.shape_cast %broadcast_in_dim3A_724 : vector<16x1xi32> to vector<16xi32>
          %gather3A_726 = tpu.dynamic_gather %add3A_716[%gather3A_725] in [0] : vector<16xf32>, vector<16xi32> -> vector<16xf32>
          %add3A_727 = arith.addf %add3A_716, %gather3A_726 : vector<16xf32>
          %lt3A_728 = arith.constant 0 : i32
          %lt3A_729 = vector.broadcast %lt3A_728 : i32 to vector<16xi32>
          %lt3A_730 = arith.cmpi slt, %xor3A_32, %lt3A_729 : vector<16xi32>
          %add3A_731 = arith.constant 16 : i32
          %add3A_732 = vector.broadcast %add3A_731 : i32 to vector<16xi32>
          %add3A_733 = arith.addi %xor3A_32, %add3A_732 : vector<16xi32>
          %select_n3A_734 = arith.select %lt3A_730, %add3A_733, %xor3A_32 : vector<16xi1>, vector<16xi32>
          %broadcast_in_dim3A_735 = vector.shape_cast %select_n3A_734 : vector<16xi32> to vector<16x1xi32>
          %gather3A_736 = vector.shape_cast %broadcast_in_dim3A_735 : vector<16x1xi32> to vector<16xi32>
          %gather3A_737 = tpu.dynamic_gather %add3A_727[%gather3A_736] in [0] : vector<16xf32>, vector<16xi32> -> vector<16xf32>
          %add3A_738 = arith.addf %add3A_727, %gather3A_737 : vector<16xf32>
          %exp3A = math.exp %add3A_738 : vector<16xf32>
          %add3A_739 = arith.addf %while3A_550, %exp3A : vector<16xf32>
          %mul3A_740 = arith.mulf %exp3A, %get3A_587 : vector<16xf32>
          %add3A_741 = arith.addf %while3A_526, %mul3A_740 : vector<16xf32>
          %mul3A_742 = arith.mulf %exp3A, %get3A_594 : vector<16xf32>
          %add3A_743 = arith.addf %while3A_527, %mul3A_742 : vector<16xf32>
          %mul3A_744 = arith.mulf %exp3A, %get3A_601 : vector<16xf32>
          %add3A_745 = arith.addf %while3A_528, %mul3A_744 : vector<16xf32>
          %mul3A_746 = arith.mulf %exp3A, %get3A_608 : vector<16xf32>
          %add3A_747 = arith.addf %while3A_529, %mul3A_746 : vector<16xf32>
          %mul3A_748 = arith.mulf %exp3A, %get3A_615 : vector<16xf32>
          %add3A_749 = arith.addf %while3A_530, %mul3A_748 : vector<16xf32>
          %mul3A_750 = arith.mulf %exp3A, %get3A_622 : vector<16xf32>
          %add3A_751 = arith.addf %while3A_531, %mul3A_750 : vector<16xf32>
          %mul3A_752 = arith.mulf %exp3A, %get3A_629 : vector<16xf32>
          %add3A_753 = arith.addf %while3A_532, %mul3A_752 : vector<16xf32>
          %mul3A_754 = arith.mulf %exp3A, %get3A_636 : vector<16xf32>
          %add3A_755 = arith.addf %while3A_533, %mul3A_754 : vector<16xf32>
          %get3A_756 = arith.constant 1 : i32
          %get3A_757 = arith.index_cast %get3A_756 : i32 to index
          %get3A_758 = arith.index_cast %multiple_of3A_578 : i32 to index
          %get3A_759 = tpu.vector_load %arg9[%get3A_757, %get3A_758] {strides = array<i32>} : memref<3x512xi32, #tpu.memory_space<vmem>>, vector<16xi32>,
          %lt3A_760 = arith.constant 0 : i32
          %lt3A_761 = vector.broadcast %lt3A_760 : i32 to vector<16xi32>
          %lt3A_762 = arith.cmpi slt, %broadcast_in_dim3A_580, %lt3A_761 : vector<16xi32>
          %add3A_763 = arith.constant 16 : i32
          %add3A_764 = vector.broadcast %add3A_763 : i32 to vector<16xi32>
          %add3A_765 = arith.addi %broadcast_in_dim3A_580, %add3A_764 : vector<16xi32>
          %select_n3A_766 = arith.select %lt3A_762, %add3A_765, %broadcast_in_dim3A_580 : vector<16xi1>, vector<16xi32>
          %broadcast_in_dim3A_767 = vector.shape_cast %select_n3A_766 : vector<16xi32> to vector<16x1xi32>
          %gather3A_768 = vector.shape_cast %broadcast_in_dim3A_767 : vector<16x1xi32> to vector<16xi32>
          %gather3A_769 = tpu.dynamic_gather %get3A_759[%gather3A_768] in [0] : vector<16xi32>, vector<16xi32> -> vector<16xi32>
          %gather3A_770 = tpu.vector_load_idx %arg8[%gather3A_769, %iota3A] : memref<95x128xf32, #tpu.memory_space<vmem>>[vector<16xi32>, vector<16xi32>], vector<16xf32>,
          %mul3A_771 = arith.mulf %get3A_587, %gather3A_770 : vector<16xf32>
          %add3A_772 = arith.constant 16 : i32
          %add3A_773 = vector.broadcast %add3A_772 : i32 to vector<16xi32>
          %add3A_774 = arith.addi %iota3A, %add3A_773 : vector<16xi32>
          %gather3A_775 = tpu.vector_load_idx %arg8[%gather3A_769, %add3A_774] : memref<95x128xf32, #tpu.memory_space<vmem>>[vector<16xi32>, vector<16xi32>], vector<16xf32>,
          %mul3A_776 = arith.mulf %get3A_594, %gather3A_775 : vector<16xf32>
          %add3A_777 = arith.addf %mul3A_771, %mul3A_776 : vector<16xf32>
          %add3A_778 = arith.constant 32 : i32
          %add3A_779 = vector.broadcast %add3A_778 : i32 to vector<16xi32>
          %add3A_780 = arith.addi %iota3A, %add3A_779 : vector<16xi32>
          %gather3A_781 = tpu.vector_load_idx %arg8[%gather3A_769, %add3A_780] : memref<95x128xf32, #tpu.memory_space<vmem>>[vector<16xi32>, vector<16xi32>], vector<16xf32>,
          %mul3A_782 = arith.mulf %get3A_601, %gather3A_781 : vector<16xf32>
          %add3A_783 = arith.addf %add3A_777, %mul3A_782 : vector<16xf32>
          %add3A_784 = arith.constant 48 : i32
          %add3A_785 = vector.broadcast %add3A_784 : i32 to vector<16xi32>
          %add3A_786 = arith.addi %iota3A, %add3A_785 : vector<16xi32>
          %gather3A_787 = tpu.vector_load_idx %arg8[%gather3A_769, %add3A_786] : memref<95x128xf32, #tpu.memory_space<vmem>>[vector<16xi32>, vector<16xi32>], vector<16xf32>,
          %mul3A_788 = arith.mulf %get3A_608, %gather3A_787 : vector<16xf32>
          %add3A_789 = arith.addf %add3A_783, %mul3A_788 : vector<16xf32>
          %add3A_790 = arith.constant 64 : i32
          %add3A_791 = vector.broadcast %add3A_790 : i32 to vector<16xi32>
          %add3A_792 = arith.addi %iota3A, %add3A_791 : vector<16xi32>
          %gather3A_793 = tpu.vector_load_idx %arg8[%gather3A_769, %add3A_792] : memref<95x128xf32, #tpu.memory_space<vmem>>[vector<16xi32>, vector<16xi32>], vector<16xf32>,
          %mul3A_794 = arith.mulf %get3A_615, %gather3A_793 : vector<16xf32>
          %add3A_795 = arith.addf %add3A_789, %mul3A_794 : vector<16xf32>
          %add3A_796 = arith.constant 80 : i32
          %add3A_797 = vector.broadcast %add3A_796 : i32 to vector<16xi32>
          %add3A_798 = arith.addi %iota3A, %add3A_797 : vector<16xi32>
          %gather3A_799 = tpu.vector_load_idx %arg8[%gather3A_769, %add3A_798] : memref<95x128xf32, #tpu.memory_space<vmem>>[vector<16xi32>, vector<16xi32>], vector<16xf32>,
          %mul3A_800 = arith.mulf %get3A_622, %gather3A_799 : vector<16xf32>
          %add3A_801 = arith.addf %add3A_795, %mul3A_800 : vector<16xf32>
          %add3A_802 = arith.constant 96 : i32
          %add3A_803 = vector.broadcast %add3A_802 : i32 to vector<16xi32>
          %add3A_804 = arith.addi %iota3A, %add3A_803 : vector<16xi32>
          %gather3A_805 = tpu.vector_load_idx %arg8[%gather3A_769, %add3A_804] : memref<95x128xf32, #tpu.memory_space<vmem>>[vector<16xi32>, vector<16xi32>], vector<16xf32>,
          %mul3A_806 = arith.mulf %get3A_629, %gather3A_805 : vector<16xf32>
          %add3A_807 = arith.addf %add3A_801, %mul3A_806 : vector<16xf32>
          %add3A_808 = arith.constant 112 : i32
          %add3A_809 = vector.broadcast %add3A_808 : i32 to vector<16xi32>
          %add3A_810 = arith.addi %iota3A, %add3A_809 : vector<16xi32>
          %gather3A_811 = tpu.vector_load_idx %arg8[%gather3A_769, %add3A_810] : memref<95x128xf32, #tpu.memory_space<vmem>>[vector<16xi32>, vector<16xi32>], vector<16xf32>,
          %mul3A_812 = arith.mulf %get3A_636, %gather3A_811 : vector<16xf32>
          %add3A_813 = arith.addf %add3A_807, %mul3A_812 : vector<16xf32>
          %lt3A_814 = arith.constant 0 : i32
          %lt3A_815 = vector.broadcast %lt3A_814 : i32 to vector<16xi32>
          %lt3A_816 = arith.cmpi slt, %xor3A_23, %lt3A_815 : vector<16xi32>
          %add3A_817 = arith.constant 16 : i32
          %add3A_818 = vector.broadcast %add3A_817 : i32 to vector<16xi32>
          %add3A_819 = arith.addi %xor3A_23, %add3A_818 : vector<16xi32>
          %select_n3A_820 = arith.select %lt3A_816, %add3A_819, %xor3A_23 : vector<16xi1>, vector<16xi32>
          %broadcast_in_dim3A_821 = vector.shape_cast %select_n3A_820 : vector<16xi32> to vector<16x1xi32>
          %gather3A_822 = vector.shape_cast %broadcast_in_dim3A_821 : vector<16x1xi32> to vector<16xi32>
          %gather3A_823 = tpu.dynamic_gather %add3A_813[%gather3A_822] in [0] : vector<16xf32>, vector<16xi32> -> vector<16xf32>
          %add3A_824 = arith.addf %add3A_813, %gather3A_823 : vector<16xf32>
          %lt3A_825 = arith.constant 0 : i32
          %lt3A_826 = vector.broadcast %lt3A_825 : i32 to vector<16xi32>
          %lt3A_827 = arith.cmpi slt, %xor3A_26, %lt3A_826 : vector<16xi32>
          %add3A_828 = arith.constant 16 : i32
          %add3A_829 = vector.broadcast %add3A_828 : i32 to vector<16xi32>
          %add3A_830 = arith.addi %xor3A_26, %add3A_829 : vector<16xi32>
          %select_n3A_831 = arith.select %lt3A_827, %add3A_830, %xor3A_26 : vector<16xi1>, vector<16xi32>
          %broadcast_in_dim3A_832 = vector.shape_cast %select_n3A_831 : vector<16xi32> to vector<16x1xi32>
          %gather3A_833 = vector.shape_cast %broadcast_in_dim3A_832 : vector<16x1xi32> to vector<16xi32>
          %gather3A_834 = tpu.dynamic_gather %add3A_824[%gather3A_833] in [0] : vector<16xf32>, vector<16xi32> -> vector<16xf32>
          %add3A_835 = arith.addf %add3A_824, %gather3A_834 : vector<16xf32>
          %lt3A_836 = arith.constant 0 : i32
          %lt3A_837 = vector.broadcast %lt3A_836 : i32 to vector<16xi32>
          %lt3A_838 = arith.cmpi slt, %xor3A_29, %lt3A_837 : vector<16xi32>
          %add3A_839 = arith.constant 16 : i32
          %add3A_840 = vector.broadcast %add3A_839 : i32 to vector<16xi32>
          %add3A_841 = arith.addi %xor3A_29, %add3A_840 : vector<16xi32>
          %select_n3A_842 = arith.select %lt3A_838, %add3A_841, %xor3A_29 : vector<16xi1>, vector<16xi32>
          %broadcast_in_dim3A_843 = vector.shape_cast %select_n3A_842 : vector<16xi32> to vector<16x1xi32>
          %gather3A_844 = vector.shape_cast %broadcast_in_dim3A_843 : vector<16x1xi32> to vector<16xi32>
          %gather3A_845 = tpu.dynamic_gather %add3A_835[%gather3A_844] in [0] : vector<16xf32>, vector<16xi32> -> vector<16xf32>
          %add3A_846 = arith.addf %add3A_835, %gather3A_845 : vector<16xf32>
          %lt3A_847 = arith.constant 0 : i32
          %lt3A_848 = vector.broadcast %lt3A_847 : i32 to vector<16xi32>
          %lt3A_849 = arith.cmpi slt, %xor3A_32, %lt3A_848 : vector<16xi32>
          %add3A_850 = arith.constant 16 : i32
          %add3A_851 = vector.broadcast %add3A_850 : i32 to vector<16xi32>
          %add3A_852 = arith.addi %xor3A_32, %add3A_851 : vector<16xi32>
          %select_n3A_853 = arith.select %lt3A_849, %add3A_852, %xor3A_32 : vector<16xi1>, vector<16xi32>
          %broadcast_in_dim3A_854 = vector.shape_cast %select_n3A_853 : vector<16xi32> to vector<16x1xi32>
          %gather3A_855 = vector.shape_cast %broadcast_in_dim3A_854 : vector<16x1xi32> to vector<16xi32>
          %gather3A_856 = tpu.dynamic_gather %add3A_846[%gather3A_855] in [0] : vector<16xf32>, vector<16xi32> -> vector<16xf32>
          %add3A_857 = arith.addf %add3A_846, %gather3A_856 : vector<16xf32>
          %exp3A_858 = math.exp %add3A_857 : vector<16xf32>
          %add3A_859 = arith.addf %while3A_551, %exp3A_858 : vector<16xf32>
          %mul3A_860 = arith.mulf %exp3A_858, %get3A_587 : vector<16xf32>
          %add3A_861 = arith.addf %while3A_534, %mul3A_860 : vector<16xf32>
          %mul3A_862 = arith.mulf %exp3A_858, %get3A_594 : vector<16xf32>
          %add3A_863 = arith.addf %while3A_535, %mul3A_862 : vector<16xf32>
          %mul3A_864 = arith.mulf %exp3A_858, %get3A_601 : vector<16xf32>
          %add3A_865 = arith.addf %while3A_536, %mul3A_864 : vector<16xf32>
          %mul3A_866 = arith.mulf %exp3A_858, %get3A_608 : vector<16xf32>
          %add3A_867 = arith.addf %while3A_537, %mul3A_866 : vector<16xf32>
          %mul3A_868 = arith.mulf %exp3A_858, %get3A_615 : vector<16xf32>
          %add3A_869 = arith.addf %while3A_538, %mul3A_868 : vector<16xf32>
          %mul3A_870 = arith.mulf %exp3A_858, %get3A_622 : vector<16xf32>
          %add3A_871 = arith.addf %while3A_539, %mul3A_870 : vector<16xf32>
          %mul3A_872 = arith.mulf %exp3A_858, %get3A_629 : vector<16xf32>
          %add3A_873 = arith.addf %while3A_540, %mul3A_872 : vector<16xf32>
          %mul3A_874 = arith.mulf %exp3A_858, %get3A_636 : vector<16xf32>
          %add3A_875 = arith.addf %while3A_541, %mul3A_874 : vector<16xf32>
          %get3A_876 = arith.constant 2 : i32
          %get3A_877 = arith.index_cast %get3A_876 : i32 to index
          %get3A_878 = arith.index_cast %multiple_of3A_578 : i32 to index
          %get3A_879 = tpu.vector_load %arg9[%get3A_877, %get3A_878] {strides = array<i32>} : memref<3x512xi32, #tpu.memory_space<vmem>>, vector<16xi32>,
          %lt3A_880 = arith.constant 0 : i32
          %lt3A_881 = vector.broadcast %lt3A_880 : i32 to vector<16xi32>
          %lt3A_882 = arith.cmpi slt, %broadcast_in_dim3A_580, %lt3A_881 : vector<16xi32>
          %add3A_883 = arith.constant 16 : i32
          %add3A_884 = vector.broadcast %add3A_883 : i32 to vector<16xi32>
          %add3A_885 = arith.addi %broadcast_in_dim3A_580, %add3A_884 : vector<16xi32>
          %select_n3A_886 = arith.select %lt3A_882, %add3A_885, %broadcast_in_dim3A_580 : vector<16xi1>, vector<16xi32>
          %broadcast_in_dim3A_887 = vector.shape_cast %select_n3A_886 : vector<16xi32> to vector<16x1xi32>
          %gather3A_888 = vector.shape_cast %broadcast_in_dim3A_887 : vector<16x1xi32> to vector<16xi32>
          %gather3A_889 = tpu.dynamic_gather %get3A_879[%gather3A_888] in [0] : vector<16xi32>, vector<16xi32> -> vector<16xi32>
          %gather3A_890 = tpu.vector_load_idx %arg8[%gather3A_889, %iota3A] : memref<95x128xf32, #tpu.memory_space<vmem>>[vector<16xi32>, vector<16xi32>], vector<16xf32>,
          %mul3A_891 = arith.mulf %get3A_587, %gather3A_890 : vector<16xf32>
          %add3A_892 = arith.constant 16 : i32
          %add3A_893 = vector.broadcast %add3A_892 : i32 to vector<16xi32>
          %add3A_894 = arith.addi %iota3A, %add3A_893 : vector<16xi32>
          %gather3A_895 = tpu.vector_load_idx %arg8[%gather3A_889, %add3A_894] : memref<95x128xf32, #tpu.memory_space<vmem>>[vector<16xi32>, vector<16xi32>], vector<16xf32>,
          %mul3A_896 = arith.mulf %get3A_594, %gather3A_895 : vector<16xf32>
          %add3A_897 = arith.addf %mul3A_891, %mul3A_896 : vector<16xf32>
          %add3A_898 = arith.constant 32 : i32
          %add3A_899 = vector.broadcast %add3A_898 : i32 to vector<16xi32>
          %add3A_900 = arith.addi %iota3A, %add3A_899 : vector<16xi32>
          %gather3A_901 = tpu.vector_load_idx %arg8[%gather3A_889, %add3A_900] : memref<95x128xf32, #tpu.memory_space<vmem>>[vector<16xi32>, vector<16xi32>], vector<16xf32>,
          %mul3A_902 = arith.mulf %get3A_601, %gather3A_901 : vector<16xf32>
          %add3A_903 = arith.addf %add3A_897, %mul3A_902 : vector<16xf32>
          %add3A_904 = arith.constant 48 : i32
          %add3A_905 = vector.broadcast %add3A_904 : i32 to vector<16xi32>
          %add3A_906 = arith.addi %iota3A, %add3A_905 : vector<16xi32>
          %gather3A_907 = tpu.vector_load_idx %arg8[%gather3A_889, %add3A_906] : memref<95x128xf32, #tpu.memory_space<vmem>>[vector<16xi32>, vector<16xi32>], vector<16xf32>,
          %mul3A_908 = arith.mulf %get3A_608, %gather3A_907 : vector<16xf32>
          %add3A_909 = arith.addf %add3A_903, %mul3A_908 : vector<16xf32>
          %add3A_910 = arith.constant 64 : i32
          %add3A_911 = vector.broadcast %add3A_910 : i32 to vector<16xi32>
          %add3A_912 = arith.addi %iota3A, %add3A_911 : vector<16xi32>
          %gather3A_913 = tpu.vector_load_idx %arg8[%gather3A_889, %add3A_912] : memref<95x128xf32, #tpu.memory_space<vmem>>[vector<16xi32>, vector<16xi32>], vector<16xf32>,
          %mul3A_914 = arith.mulf %get3A_615, %gather3A_913 : vector<16xf32>
          %add3A_915 = arith.addf %add3A_909, %mul3A_914 : vector<16xf32>
          %add3A_916 = arith.constant 80 : i32
          %add3A_917 = vector.broadcast %add3A_916 : i32 to vector<16xi32>
          %add3A_918 = arith.addi %iota3A, %add3A_917 : vector<16xi32>
          %gather3A_919 = tpu.vector_load_idx %arg8[%gather3A_889, %add3A_918] : memref<95x128xf32, #tpu.memory_space<vmem>>[vector<16xi32>, vector<16xi32>], vector<16xf32>,
          %mul3A_920 = arith.mulf %get3A_622, %gather3A_919 : vector<16xf32>
          %add3A_921 = arith.addf %add3A_915, %mul3A_920 : vector<16xf32>
          %add3A_922 = arith.constant 96 : i32
          %add3A_923 = vector.broadcast %add3A_922 : i32 to vector<16xi32>
          %add3A_924 = arith.addi %iota3A, %add3A_923 : vector<16xi32>
          %gather3A_925 = tpu.vector_load_idx %arg8[%gather3A_889, %add3A_924] : memref<95x128xf32, #tpu.memory_space<vmem>>[vector<16xi32>, vector<16xi32>], vector<16xf32>,
          %mul3A_926 = arith.mulf %get3A_629, %gather3A_925 : vector<16xf32>
          %add3A_927 = arith.addf %add3A_921, %mul3A_926 : vector<16xf32>
          %add3A_928 = arith.constant 112 : i32
          %add3A_929 = vector.broadcast %add3A_928 : i32 to vector<16xi32>
          %add3A_930 = arith.addi %iota3A, %add3A_929 : vector<16xi32>
          %gather3A_931 = tpu.vector_load_idx %arg8[%gather3A_889, %add3A_930] : memref<95x128xf32, #tpu.memory_space<vmem>>[vector<16xi32>, vector<16xi32>], vector<16xf32>,
          %mul3A_932 = arith.mulf %get3A_636, %gather3A_931 : vector<16xf32>
          %add3A_933 = arith.addf %add3A_927, %mul3A_932 : vector<16xf32>
          %lt3A_934 = arith.constant 0 : i32
          %lt3A_935 = vector.broadcast %lt3A_934 : i32 to vector<16xi32>
          %lt3A_936 = arith.cmpi slt, %xor3A_23, %lt3A_935 : vector<16xi32>
          %add3A_937 = arith.constant 16 : i32
          %add3A_938 = vector.broadcast %add3A_937 : i32 to vector<16xi32>
          %add3A_939 = arith.addi %xor3A_23, %add3A_938 : vector<16xi32>
          %select_n3A_940 = arith.select %lt3A_936, %add3A_939, %xor3A_23 : vector<16xi1>, vector<16xi32>
          %broadcast_in_dim3A_941 = vector.shape_cast %select_n3A_940 : vector<16xi32> to vector<16x1xi32>
          %gather3A_942 = vector.shape_cast %broadcast_in_dim3A_941 : vector<16x1xi32> to vector<16xi32>
          %gather3A_943 = tpu.dynamic_gather %add3A_933[%gather3A_942] in [0] : vector<16xf32>, vector<16xi32> -> vector<16xf32>
          %add3A_944 = arith.addf %add3A_933, %gather3A_943 : vector<16xf32>
          %lt3A_945 = arith.constant 0 : i32
          %lt3A_946 = vector.broadcast %lt3A_945 : i32 to vector<16xi32>
          %lt3A_947 = arith.cmpi slt, %xor3A_26, %lt3A_946 : vector<16xi32>
          %add3A_948 = arith.constant 16 : i32
          %add3A_949 = vector.broadcast %add3A_948 : i32 to vector<16xi32>
          %add3A_950 = arith.addi %xor3A_26, %add3A_949 : vector<16xi32>
          %select_n3A_951 = arith.select %lt3A_947, %add3A_950, %xor3A_26 : vector<16xi1>, vector<16xi32>
          %broadcast_in_dim3A_952 = vector.shape_cast %select_n3A_951 : vector<16xi32> to vector<16x1xi32>
          %gather3A_953 = vector.shape_cast %broadcast_in_dim3A_952 : vector<16x1xi32> to vector<16xi32>
          %gather3A_954 = tpu.dynamic_gather %add3A_944[%gather3A_953] in [0] : vector<16xf32>, vector<16xi32> -> vector<16xf32>
          %add3A_955 = arith.addf %add3A_944, %gather3A_954 : vector<16xf32>
          %lt3A_956 = arith.constant 0 : i32
          %lt3A_957 = vector.broadcast %lt3A_956 : i32 to vector<16xi32>
          %lt3A_958 = arith.cmpi slt, %xor3A_29, %lt3A_957 : vector<16xi32>
          %add3A_959 = arith.constant 16 : i32
          %add3A_960 = vector.broadcast %add3A_959 : i32 to vector<16xi32>
          %add3A_961 = arith.addi %xor3A_29, %add3A_960 : vector<16xi32>
          %select_n3A_962 = arith.select %lt3A_958, %add3A_961, %xor3A_29 : vector<16xi1>, vector<16xi32>
          %broadcast_in_dim3A_963 = vector.shape_cast %select_n3A_962 : vector<16xi32> to vector<16x1xi32>
          %gather3A_964 = vector.shape_cast %broadcast_in_dim3A_963 : vector<16x1xi32> to vector<16xi32>
          %gather3A_965 = tpu.dynamic_gather %add3A_955[%gather3A_964] in [0] : vector<16xf32>, vector<16xi32> -> vector<16xf32>
          %add3A_966 = arith.addf %add3A_955, %gather3A_965 : vector<16xf32>
          %lt3A_967 = arith.constant 0 : i32
          %lt3A_968 = vector.broadcast %lt3A_967 : i32 to vector<16xi32>
          %lt3A_969 = arith.cmpi slt, %xor3A_32, %lt3A_968 : vector<16xi32>
          %add3A_970 = arith.constant 16 : i32
          %add3A_971 = vector.broadcast %add3A_970 : i32 to vector<16xi32>
          %add3A_972 = arith.addi %xor3A_32, %add3A_971 : vector<16xi32>
          %select_n3A_973 = arith.select %lt3A_969, %add3A_972, %xor3A_32 : vector<16xi1>, vector<16xi32>
          %broadcast_in_dim3A_974 = vector.shape_cast %select_n3A_973 : vector<16xi32> to vector<16x1xi32>
          %gather3A_975 = vector.shape_cast %broadcast_in_dim3A_974 : vector<16x1xi32> to vector<16xi32>
          %gather3A_976 = tpu.dynamic_gather %add3A_966[%gather3A_975] in [0] : vector<16xf32>, vector<16xi32> -> vector<16xf32>
          %add3A_977 = arith.addf %add3A_966, %gather3A_976 : vector<16xf32>
          %exp3A_978 = math.exp %add3A_977 : vector<16xf32>
          %add3A_979 = arith.addf %while3A_552, %exp3A_978 : vector<16xf32>
          %mul3A_980 = arith.mulf %exp3A_978, %get3A_587 : vector<16xf32>
          %add3A_981 = arith.addf %while3A_542, %mul3A_980 : vector<16xf32>
          %mul3A_982 = arith.mulf %exp3A_978, %get3A_594 : vector<16xf32>
          %add3A_983 = arith.addf %while3A_543, %mul3A_982 : vector<16xf32>
          %mul3A_984 = arith.mulf %exp3A_978, %get3A_601 : vector<16xf32>
          %add3A_985 = arith.addf %while3A_544, %mul3A_984 : vector<16xf32>
          %mul3A_986 = arith.mulf %exp3A_978, %get3A_608 : vector<16xf32>
          %add3A_987 = arith.addf %while3A_545, %mul3A_986 : vector<16xf32>
          %mul3A_988 = arith.mulf %exp3A_978, %get3A_615 : vector<16xf32>
          %add3A_989 = arith.addf %while3A_546, %mul3A_988 : vector<16xf32>
          %mul3A_990 = arith.mulf %exp3A_978, %get3A_622 : vector<16xf32>
          %add3A_991 = arith.addf %while3A_547, %mul3A_990 : vector<16xf32>
          %mul3A_992 = arith.mulf %exp3A_978, %get3A_629 : vector<16xf32>
          %add3A_993 = arith.addf %while3A_548, %mul3A_992 : vector<16xf32>
          %mul3A_994 = arith.mulf %exp3A_978, %get3A_636 : vector<16xf32>
          %add3A_995 = arith.addf %while3A_549, %mul3A_994 : vector<16xf32>
          scf.yield %add3A_741, %add3A_743, %add3A_745, %add3A_747, %add3A_749, %add3A_751, %add3A_753, %add3A_755, %add3A_861, %add3A_863, %add3A_865, %add3A_867, %add3A_869, %add3A_871, %add3A_873, %add3A_875, %add3A_981, %add3A_983, %add3A_985, %add3A_987, %add3A_989, %add3A_991, %add3A_993, %add3A_995, %add3A_739, %add3A_859, %add3A_979 : vector<16xf32>, vector<16xf32>, vector<16xf32>, vector<16xf32>, vector<16xf32>, vector<16xf32>, vector<16xf32>, vector<16xf32>, vector<16xf32>, vector<16xf32>, vector<16xf32>, vector<16xf32>, vector<16xf32>, vector<16xf32>, vector<16xf32>, vector<16xf32>, vector<16xf32>, vector<16xf32>, vector<16xf32>, vector<16xf32>, vector<16xf32>, vector<16xf32>, vector<16xf32>, vector<16xf32>, vector<16xf32>, vector<16xf32>, vector<16xf32>
        }
        %while3A_207 = arith.constant 1 : i32
        %while3A_208:27 = scf.for %while3A_525 = %while3A_204 to %while3A_200 step %while3A_207 iter_args(%while3A_526 = %while3A_206#0, %while3A_527 = %while3A_206#1, %while3A_528 = %while3A_206#2, %while3A_529 = %while3A_206#3, %while3A_530 = %while3A_206#4, %while3A_531 = %while3A_206#5, %while3A_532 = %while3A_206#6, %while3A_533 = %while3A_206#7, %while3A_534 = %while3A_206#8, %while3A_535 = %while3A_206#9, %while3A_536 = %while3A_206#10, %while3A_537 = %while3A_206#11, %while3A_538 = %while3A_206#12, %while3A_539 = %while3A_206#13, %while3A_540 = %while3A_206#14, %while3A_541 = %while3A_206#15, %while3A_542 = %while3A_206#16, %while3A_543 = %while3A_206#17, %while3A_544 = %while3A_206#18, %while3A_545 = %while3A_206#19, %while3A_546 = %while3A_206#20, %while3A_547 = %while3A_206#21, %while3A_548 = %while3A_206#22, %while3A_549 = %while3A_206#23, %while3A_550 = %while3A_206#24, %while3A_551 = %while3A_206#25, %while3A_552 = %while3A_206#26) -> (vector<16xf32>, vector<16xf32>, vector<16xf32>, vector<16xf32>, vector<16xf32>, vector<16xf32>, vector<16xf32>, vector<16xf32>, vector<16xf32>, vector<16xf32>, vector<16xf32>, vector<16xf32>, vector<16xf32>, vector<16xf32>, vector<16xf32>, vector<16xf32>, vector<16xf32>, vector<16xf32>, vector<16xf32>, vector<16xf32>, vector<16xf32>, vector<16xf32>, vector<16xf32>, vector<16xf32>, vector<16xf32>, vector<16xf32>, vector<16xf32>)  : i32 {
          %sub3A = arith.subi %while3A_525, %add3A_108 : i32
          %sub3A_553 = arith.subi %while3A_525, %mul3A_2 : i32
          %jit3A_554 = arith.constant 16 : i32
          %div3A = arith.divsi %sub3A_553, %jit3A_554 : i32
          %sign3A = arith.constant 0 : i32
          %sign3A_555 = arith.cmpi sgt, %sub3A_553, %sign3A : i32
          %sign3A_556 = arith.extui %sign3A_555 : i1 to i32
          %sign3A_557 = arith.constant 0 : i32
          %sign3A_558 = arith.cmpi slt, %sub3A_553, %sign3A_557 : i32
          %sign3A_559 = arith.extui %sign3A_558 : i1 to i32
          %sign3A_560 = arith.subi %sign3A_556, %sign3A_559 : i32
          %sign3A_561 = arith.constant 0 : i32
          %sign3A_562 = arith.cmpi sgt, %jit3A_554, %sign3A_561 : i32
          %sign3A_563 = arith.extui %sign3A_562 : i1 to i32
          %sign3A_564 = arith.constant 0 : i32
          %sign3A_565 = arith.cmpi slt, %jit3A_554, %sign3A_564 : i32
          %sign3A_566 = arith.extui %sign3A_565 : i1 to i32
          %sign3A_567 = arith.subi %sign3A_563, %sign3A_566 : i32
          %ne3A_568 = arith.cmpi ne, %sign3A_560, %sign3A_567 : i32
          %rem3A_569 = arith.remsi %sub3A_553, %jit3A_554 : i32
          %ne3A_570 = arith.constant 0 : i32
          %ne3A_571 = arith.cmpi ne, %rem3A_569, %ne3A_570 : i32
          %and3A_572 = arith.andi %ne3A_568, %ne3A_571 : i1
          %sub3A_573 = arith.constant 1 : i32
          %sub3A_574 = arith.subi %div3A, %sub3A_573 : i32
          %select_n3A_575 = arith.select %and3A_572, %sub3A_574, %div3A : i32
          %mul3A_576 = arith.constant 16 : i32
          %mul3A_577 = arith.muli %select_n3A_575, %mul3A_576 : i32
          %multiple_of3A_578 = tpu.assume_multiple %mul3A_577, 16 : i32
          %sub3A_579 = arith.subi %sub3A_553, %multiple_of3A_578 : i32
          %broadcast_in_dim3A_580 = vector.broadcast %sub3A_579 : i32 to vector<16xi32>
          %get3A_581 = arith.constant 0 : i32
          %get3A_582 = arith.constant 0 : i32
          %get3A_583 = tpu.memref_slice %arg11[%scan3A_116, %get3A_581, %get3A_582] : memref<2x256x128xf32, #tpu.memory_space<vmem>> -> memref<1x256x128xf32, #tpu.memory_space<vmem>>
          %get3A_584 = tpu.memref_squeeze %get3A_583 : memref<1x256x128xf32, #tpu.memory_space<vmem>> -> memref<256x128xf32, #tpu.memory_space<vmem>>
          %get3A_585 = arith.index_cast %sub3A : i32 to index
          %get3A_586 = arith.constant 0 : index
          %get3A_587 = tpu.vector_load %get3A_584[%get3A_585, %get3A_586] {strides = array<i32>} : memref<256x128xf32, #tpu.memory_space<vmem>>, vector<16xf32>,
          %get3A_588 = arith.constant 0 : i32
          %get3A_589 = arith.constant 0 : i32
          %get3A_590 = tpu.memref_slice %arg11[%scan3A_116, %get3A_588, %get3A_589] : memref<2x256x128xf32, #tpu.memory_space<vmem>> -> memref<1x256x128xf32, #tpu.memory_space<vmem>>
          %get3A_591 = tpu.memref_squeeze %get3A_590 : memref<1x256x128xf32, #tpu.memory_space<vmem>> -> memref<256x128xf32, #tpu.memory_space<vmem>>
          %get3A_592 = arith.index_cast %sub3A : i32 to index
          %get3A_593 = arith.constant 16 : index
          %get3A_594 = tpu.vector_load %get3A_591[%get3A_592, %get3A_593] {strides = array<i32>} : memref<256x128xf32, #tpu.memory_space<vmem>>, vector<16xf32>,
          %get3A_595 = arith.constant 0 : i32
          %get3A_596 = arith.constant 0 : i32
          %get3A_597 = tpu.memref_slice %arg11[%scan3A_116, %get3A_595, %get3A_596] : memref<2x256x128xf32, #tpu.memory_space<vmem>> -> memref<1x256x128xf32, #tpu.memory_space<vmem>>
          %get3A_598 = tpu.memref_squeeze %get3A_597 : memref<1x256x128xf32, #tpu.memory_space<vmem>> -> memref<256x128xf32, #tpu.memory_space<vmem>>
          %get3A_599 = arith.index_cast %sub3A : i32 to index
          %get3A_600 = arith.constant 32 : index
          %get3A_601 = tpu.vector_load %get3A_598[%get3A_599, %get3A_600] {strides = array<i32>} : memref<256x128xf32, #tpu.memory_space<vmem>>, vector<16xf32>,
          %get3A_602 = arith.constant 0 : i32
          %get3A_603 = arith.constant 0 : i32
          %get3A_604 = tpu.memref_slice %arg11[%scan3A_116, %get3A_602, %get3A_603] : memref<2x256x128xf32, #tpu.memory_space<vmem>> -> memref<1x256x128xf32, #tpu.memory_space<vmem>>
          %get3A_605 = tpu.memref_squeeze %get3A_604 : memref<1x256x128xf32, #tpu.memory_space<vmem>> -> memref<256x128xf32, #tpu.memory_space<vmem>>
          %get3A_606 = arith.index_cast %sub3A : i32 to index
          %get3A_607 = arith.constant 48 : index
          %get3A_608 = tpu.vector_load %get3A_605[%get3A_606, %get3A_607] {strides = array<i32>} : memref<256x128xf32, #tpu.memory_space<vmem>>, vector<16xf32>,
          %get3A_609 = arith.constant 0 : i32
          %get3A_610 = arith.constant 0 : i32
          %get3A_611 = tpu.memref_slice %arg11[%scan3A_116, %get3A_609, %get3A_610] : memref<2x256x128xf32, #tpu.memory_space<vmem>> -> memref<1x256x128xf32, #tpu.memory_space<vmem>>
          %get3A_612 = tpu.memref_squeeze %get3A_611 : memref<1x256x128xf32, #tpu.memory_space<vmem>> -> memref<256x128xf32, #tpu.memory_space<vmem>>
          %get3A_613 = arith.index_cast %sub3A : i32 to index
          %get3A_614 = arith.constant 64 : index
          %get3A_615 = tpu.vector_load %get3A_612[%get3A_613, %get3A_614] {strides = array<i32>} : memref<256x128xf32, #tpu.memory_space<vmem>>, vector<16xf32>,
          %get3A_616 = arith.constant 0 : i32
          %get3A_617 = arith.constant 0 : i32
          %get3A_618 = tpu.memref_slice %arg11[%scan3A_116, %get3A_616, %get3A_617] : memref<2x256x128xf32, #tpu.memory_space<vmem>> -> memref<1x256x128xf32, #tpu.memory_space<vmem>>
          %get3A_619 = tpu.memref_squeeze %get3A_618 : memref<1x256x128xf32, #tpu.memory_space<vmem>> -> memref<256x128xf32, #tpu.memory_space<vmem>>
          %get3A_620 = arith.index_cast %sub3A : i32 to index
          %get3A_621 = arith.constant 80 : index
          %get3A_622 = tpu.vector_load %get3A_619[%get3A_620, %get3A_621] {strides = array<i32>} : memref<256x128xf32, #tpu.memory_space<vmem>>, vector<16xf32>,
          %get3A_623 = arith.constant 0 : i32
          %get3A_624 = arith.constant 0 : i32
          %get3A_625 = tpu.memref_slice %arg11[%scan3A_116, %get3A_623, %get3A_624] : memref<2x256x128xf32, #tpu.memory_space<vmem>> -> memref<1x256x128xf32, #tpu.memory_space<vmem>>
          %get3A_626 = tpu.memref_squeeze %get3A_625 : memref<1x256x128xf32, #tpu.memory_space<vmem>> -> memref<256x128xf32, #tpu.memory_space<vmem>>
          %get3A_627 = arith.index_cast %sub3A : i32 to index
          %get3A_628 = arith.constant 96 : index
          %get3A_629 = tpu.vector_load %get3A_626[%get3A_627, %get3A_628] {strides = array<i32>} : memref<256x128xf32, #tpu.memory_space<vmem>>, vector<16xf32>,
          %get3A_630 = arith.constant 0 : i32
          %get3A_631 = arith.constant 0 : i32
          %get3A_632 = tpu.memref_slice %arg11[%scan3A_116, %get3A_630, %get3A_631] : memref<2x256x128xf32, #tpu.memory_space<vmem>> -> memref<1x256x128xf32, #tpu.memory_space<vmem>>
          %get3A_633 = tpu.memref_squeeze %get3A_632 : memref<1x256x128xf32, #tpu.memory_space<vmem>> -> memref<256x128xf32, #tpu.memory_space<vmem>>
          %get3A_634 = arith.index_cast %sub3A : i32 to index
          %get3A_635 = arith.constant 112 : index
          %get3A_636 = tpu.vector_load %get3A_633[%get3A_634, %get3A_635] {strides = array<i32>} : memref<256x128xf32, #tpu.memory_space<vmem>>, vector<16xf32>,
          %get3A_637 = arith.constant 0 : i32
          %get3A_638 = arith.index_cast %get3A_637 : i32 to index
          %get3A_639 = arith.index_cast %multiple_of3A_578 : i32 to index
          %get3A_640 = tpu.vector_load %arg9[%get3A_638, %get3A_639] {strides = array<i32>} : memref<3x512xi32, #tpu.memory_space<vmem>>, vector<16xi32>,
          %lt3A_641 = arith.constant 0 : i32
          %lt3A_642 = vector.broadcast %lt3A_641 : i32 to vector<16xi32>
          %lt3A_643 = arith.cmpi slt, %broadcast_in_dim3A_580, %lt3A_642 : vector<16xi32>
          %add3A_644 = arith.constant 16 : i32
          %add3A_645 = vector.broadcast %add3A_644 : i32 to vector<16xi32>
          %add3A_646 = arith.addi %broadcast_in_dim3A_580, %add3A_645 : vector<16xi32>
          %select_n3A_647 = arith.select %lt3A_643, %add3A_646, %broadcast_in_dim3A_580 : vector<16xi1>, vector<16xi32>
          %broadcast_in_dim3A_648 = vector.shape_cast %select_n3A_647 : vector<16xi32> to vector<16x1xi32>
          %gather3A_649 = vector.shape_cast %broadcast_in_dim3A_648 : vector<16x1xi32> to vector<16xi32>
          %gather3A_650 = tpu.dynamic_gather %get3A_640[%gather3A_649] in [0] : vector<16xi32>, vector<16xi32> -> vector<16xi32>
          %gather3A_651 = tpu.vector_load_idx %arg8[%gather3A_650, %iota3A] : memref<95x128xf32, #tpu.memory_space<vmem>>[vector<16xi32>, vector<16xi32>], vector<16xf32>,
          %mul3A_652 = arith.mulf %get3A_587, %gather3A_651 : vector<16xf32>
          %add3A_653 = arith.constant 16 : i32
          %add3A_654 = vector.broadcast %add3A_653 : i32 to vector<16xi32>
          %add3A_655 = arith.addi %iota3A, %add3A_654 : vector<16xi32>
          %gather3A_656 = tpu.vector_load_idx %arg8[%gather3A_650, %add3A_655] : memref<95x128xf32, #tpu.memory_space<vmem>>[vector<16xi32>, vector<16xi32>], vector<16xf32>,
          %mul3A_657 = arith.mulf %get3A_594, %gather3A_656 : vector<16xf32>
          %add3A_658 = arith.addf %mul3A_652, %mul3A_657 : vector<16xf32>
          %add3A_659 = arith.constant 32 : i32
          %add3A_660 = vector.broadcast %add3A_659 : i32 to vector<16xi32>
          %add3A_661 = arith.addi %iota3A, %add3A_660 : vector<16xi32>
          %gather3A_662 = tpu.vector_load_idx %arg8[%gather3A_650, %add3A_661] : memref<95x128xf32, #tpu.memory_space<vmem>>[vector<16xi32>, vector<16xi32>], vector<16xf32>,
          %mul3A_663 = arith.mulf %get3A_601, %gather3A_662 : vector<16xf32>
          %add3A_664 = arith.addf %add3A_658, %mul3A_663 : vector<16xf32>
          %add3A_665 = arith.constant 48 : i32
          %add3A_666 = vector.broadcast %add3A_665 : i32 to vector<16xi32>
          %add3A_667 = arith.addi %iota3A, %add3A_666 : vector<16xi32>
          %gather3A_668 = tpu.vector_load_idx %arg8[%gather3A_650, %add3A_667] : memref<95x128xf32, #tpu.memory_space<vmem>>[vector<16xi32>, vector<16xi32>], vector<16xf32>,
          %mul3A_669 = arith.mulf %get3A_608, %gather3A_668 : vector<16xf32>
          %add3A_670 = arith.addf %add3A_664, %mul3A_669 : vector<16xf32>
          %add3A_671 = arith.constant 64 : i32
          %add3A_672 = vector.broadcast %add3A_671 : i32 to vector<16xi32>
          %add3A_673 = arith.addi %iota3A, %add3A_672 : vector<16xi32>
          %gather3A_674 = tpu.vector_load_idx %arg8[%gather3A_650, %add3A_673] : memref<95x128xf32, #tpu.memory_space<vmem>>[vector<16xi32>, vector<16xi32>], vector<16xf32>,
          %mul3A_675 = arith.mulf %get3A_615, %gather3A_674 : vector<16xf32>
          %add3A_676 = arith.addf %add3A_670, %mul3A_675 : vector<16xf32>
          %add3A_677 = arith.constant 80 : i32
          %add3A_678 = vector.broadcast %add3A_677 : i32 to vector<16xi32>
          %add3A_679 = arith.addi %iota3A, %add3A_678 : vector<16xi32>
          %gather3A_680 = tpu.vector_load_idx %arg8[%gather3A_650, %add3A_679] : memref<95x128xf32, #tpu.memory_space<vmem>>[vector<16xi32>, vector<16xi32>], vector<16xf32>,
          %mul3A_681 = arith.mulf %get3A_622, %gather3A_680 : vector<16xf32>
          %add3A_682 = arith.addf %add3A_676, %mul3A_681 : vector<16xf32>
          %add3A_683 = arith.constant 96 : i32
          %add3A_684 = vector.broadcast %add3A_683 : i32 to vector<16xi32>
          %add3A_685 = arith.addi %iota3A, %add3A_684 : vector<16xi32>
          %gather3A_686 = tpu.vector_load_idx %arg8[%gather3A_650, %add3A_685] : memref<95x128xf32, #tpu.memory_space<vmem>>[vector<16xi32>, vector<16xi32>], vector<16xf32>,
          %mul3A_687 = arith.mulf %get3A_629, %gather3A_686 : vector<16xf32>
          %add3A_688 = arith.addf %add3A_682, %mul3A_687 : vector<16xf32>
          %add3A_689 = arith.constant 112 : i32
          %add3A_690 = vector.broadcast %add3A_689 : i32 to vector<16xi32>
          %add3A_691 = arith.addi %iota3A, %add3A_690 : vector<16xi32>
          %gather3A_692 = tpu.vector_load_idx %arg8[%gather3A_650, %add3A_691] : memref<95x128xf32, #tpu.memory_space<vmem>>[vector<16xi32>, vector<16xi32>], vector<16xf32>,
          %mul3A_693 = arith.mulf %get3A_636, %gather3A_692 : vector<16xf32>
          %add3A_694 = arith.addf %add3A_688, %mul3A_693 : vector<16xf32>
          %lt3A_695 = arith.constant 0 : i32
          %lt3A_696 = vector.broadcast %lt3A_695 : i32 to vector<16xi32>
          %lt3A_697 = arith.cmpi slt, %xor3A_23, %lt3A_696 : vector<16xi32>
          %add3A_698 = arith.constant 16 : i32
          %add3A_699 = vector.broadcast %add3A_698 : i32 to vector<16xi32>
          %add3A_700 = arith.addi %xor3A_23, %add3A_699 : vector<16xi32>
          %select_n3A_701 = arith.select %lt3A_697, %add3A_700, %xor3A_23 : vector<16xi1>, vector<16xi32>
          %broadcast_in_dim3A_702 = vector.shape_cast %select_n3A_701 : vector<16xi32> to vector<16x1xi32>
          %gather3A_703 = vector.shape_cast %broadcast_in_dim3A_702 : vector<16x1xi32> to vector<16xi32>
          %gather3A_704 = tpu.dynamic_gather %add3A_694[%gather3A_703] in [0] : vector<16xf32>, vector<16xi32> -> vector<16xf32>
          %add3A_705 = arith.addf %add3A_694, %gather3A_704 : vector<16xf32>
          %lt3A_706 = arith.constant 0 : i32
          %lt3A_707 = vector.broadcast %lt3A_706 : i32 to vector<16xi32>
          %lt3A_708 = arith.cmpi slt, %xor3A_26, %lt3A_707 : vector<16xi32>
          %add3A_709 = arith.constant 16 : i32
          %add3A_710 = vector.broadcast %add3A_709 : i32 to vector<16xi32>
          %add3A_711 = arith.addi %xor3A_26, %add3A_710 : vector<16xi32>
          %select_n3A_712 = arith.select %lt3A_708, %add3A_711, %xor3A_26 : vector<16xi1>, vector<16xi32>
          %broadcast_in_dim3A_713 = vector.shape_cast %select_n3A_712 : vector<16xi32> to vector<16x1xi32>
          %gather3A_714 = vector.shape_cast %broadcast_in_dim3A_713 : vector<16x1xi32> to vector<16xi32>
          %gather3A_715 = tpu.dynamic_gather %add3A_705[%gather3A_714] in [0] : vector<16xf32>, vector<16xi32> -> vector<16xf32>
          %add3A_716 = arith.addf %add3A_705, %gather3A_715 : vector<16xf32>
          %lt3A_717 = arith.constant 0 : i32
          %lt3A_718 = vector.broadcast %lt3A_717 : i32 to vector<16xi32>
          %lt3A_719 = arith.cmpi slt, %xor3A_29, %lt3A_718 : vector<16xi32>
          %add3A_720 = arith.constant 16 : i32
          %add3A_721 = vector.broadcast %add3A_720 : i32 to vector<16xi32>
          %add3A_722 = arith.addi %xor3A_29, %add3A_721 : vector<16xi32>
          %select_n3A_723 = arith.select %lt3A_719, %add3A_722, %xor3A_29 : vector<16xi1>, vector<16xi32>
          %broadcast_in_dim3A_724 = vector.shape_cast %select_n3A_723 : vector<16xi32> to vector<16x1xi32>
          %gather3A_725 = vector.shape_cast %broadcast_in_dim3A_724 : vector<16x1xi32> to vector<16xi32>
          %gather3A_726 = tpu.dynamic_gather %add3A_716[%gather3A_725] in [0] : vector<16xf32>, vector<16xi32> -> vector<16xf32>
          %add3A_727 = arith.addf %add3A_716, %gather3A_726 : vector<16xf32>
          %lt3A_728 = arith.constant 0 : i32
          %lt3A_729 = vector.broadcast %lt3A_728 : i32 to vector<16xi32>
          %lt3A_730 = arith.cmpi slt, %xor3A_32, %lt3A_729 : vector<16xi32>
          %add3A_731 = arith.constant 16 : i32
          %add3A_732 = vector.broadcast %add3A_731 : i32 to vector<16xi32>
          %add3A_733 = arith.addi %xor3A_32, %add3A_732 : vector<16xi32>
          %select_n3A_734 = arith.select %lt3A_730, %add3A_733, %xor3A_32 : vector<16xi1>, vector<16xi32>
          %broadcast_in_dim3A_735 = vector.shape_cast %select_n3A_734 : vector<16xi32> to vector<16x1xi32>
          %gather3A_736 = vector.shape_cast %broadcast_in_dim3A_735 : vector<16x1xi32> to vector<16xi32>
          %gather3A_737 = tpu.dynamic_gather %add3A_727[%gather3A_736] in [0] : vector<16xf32>, vector<16xi32> -> vector<16xf32>
          %add3A_738 = arith.addf %add3A_727, %gather3A_737 : vector<16xf32>
          %exp3A = math.exp %add3A_738 : vector<16xf32>
          %add3A_739 = arith.addf %while3A_550, %exp3A : vector<16xf32>
          %mul3A_740 = arith.mulf %exp3A, %get3A_587 : vector<16xf32>
          %add3A_741 = arith.addf %while3A_526, %mul3A_740 : vector<16xf32>
          %mul3A_742 = arith.mulf %exp3A, %get3A_594 : vector<16xf32>
          %add3A_743 = arith.addf %while3A_527, %mul3A_742 : vector<16xf32>
          %mul3A_744 = arith.mulf %exp3A, %get3A_601 : vector<16xf32>
          %add3A_745 = arith.addf %while3A_528, %mul3A_744 : vector<16xf32>
          %mul3A_746 = arith.mulf %exp3A, %get3A_608 : vector<16xf32>
          %add3A_747 = arith.addf %while3A_529, %mul3A_746 : vector<16xf32>
          %mul3A_748 = arith.mulf %exp3A, %get3A_615 : vector<16xf32>
          %add3A_749 = arith.addf %while3A_530, %mul3A_748 : vector<16xf32>
          %mul3A_750 = arith.mulf %exp3A, %get3A_622 : vector<16xf32>
          %add3A_751 = arith.addf %while3A_531, %mul3A_750 : vector<16xf32>
          %mul3A_752 = arith.mulf %exp3A, %get3A_629 : vector<16xf32>
          %add3A_753 = arith.addf %while3A_532, %mul3A_752 : vector<16xf32>
          %mul3A_754 = arith.mulf %exp3A, %get3A_636 : vector<16xf32>
          %add3A_755 = arith.addf %while3A_533, %mul3A_754 : vector<16xf32>
          %get3A_756 = arith.constant 1 : i32
          %get3A_757 = arith.index_cast %get3A_756 : i32 to index
          %get3A_758 = arith.index_cast %multiple_of3A_578 : i32 to index
          %get3A_759 = tpu.vector_load %arg9[%get3A_757, %get3A_758] {strides = array<i32>} : memref<3x512xi32, #tpu.memory_space<vmem>>, vector<16xi32>,
          %lt3A_760 = arith.constant 0 : i32
          %lt3A_761 = vector.broadcast %lt3A_760 : i32 to vector<16xi32>
          %lt3A_762 = arith.cmpi slt, %broadcast_in_dim3A_580, %lt3A_761 : vector<16xi32>
          %add3A_763 = arith.constant 16 : i32
          %add3A_764 = vector.broadcast %add3A_763 : i32 to vector<16xi32>
          %add3A_765 = arith.addi %broadcast_in_dim3A_580, %add3A_764 : vector<16xi32>
          %select_n3A_766 = arith.select %lt3A_762, %add3A_765, %broadcast_in_dim3A_580 : vector<16xi1>, vector<16xi32>
          %broadcast_in_dim3A_767 = vector.shape_cast %select_n3A_766 : vector<16xi32> to vector<16x1xi32>
          %gather3A_768 = vector.shape_cast %broadcast_in_dim3A_767 : vector<16x1xi32> to vector<16xi32>
          %gather3A_769 = tpu.dynamic_gather %get3A_759[%gather3A_768] in [0] : vector<16xi32>, vector<16xi32> -> vector<16xi32>
          %gather3A_770 = tpu.vector_load_idx %arg8[%gather3A_769, %iota3A] : memref<95x128xf32, #tpu.memory_space<vmem>>[vector<16xi32>, vector<16xi32>], vector<16xf32>,
          %mul3A_771 = arith.mulf %get3A_587, %gather3A_770 : vector<16xf32>
          %add3A_772 = arith.constant 16 : i32
          %add3A_773 = vector.broadcast %add3A_772 : i32 to vector<16xi32>
          %add3A_774 = arith.addi %iota3A, %add3A_773 : vector<16xi32>
          %gather3A_775 = tpu.vector_load_idx %arg8[%gather3A_769, %add3A_774] : memref<95x128xf32, #tpu.memory_space<vmem>>[vector<16xi32>, vector<16xi32>], vector<16xf32>,
          %mul3A_776 = arith.mulf %get3A_594, %gather3A_775 : vector<16xf32>
          %add3A_777 = arith.addf %mul3A_771, %mul3A_776 : vector<16xf32>
          %add3A_778 = arith.constant 32 : i32
          %add3A_779 = vector.broadcast %add3A_778 : i32 to vector<16xi32>
          %add3A_780 = arith.addi %iota3A, %add3A_779 : vector<16xi32>
          %gather3A_781 = tpu.vector_load_idx %arg8[%gather3A_769, %add3A_780] : memref<95x128xf32, #tpu.memory_space<vmem>>[vector<16xi32>, vector<16xi32>], vector<16xf32>,
          %mul3A_782 = arith.mulf %get3A_601, %gather3A_781 : vector<16xf32>
          %add3A_783 = arith.addf %add3A_777, %mul3A_782 : vector<16xf32>
          %add3A_784 = arith.constant 48 : i32
          %add3A_785 = vector.broadcast %add3A_784 : i32 to vector<16xi32>
          %add3A_786 = arith.addi %iota3A, %add3A_785 : vector<16xi32>
          %gather3A_787 = tpu.vector_load_idx %arg8[%gather3A_769, %add3A_786] : memref<95x128xf32, #tpu.memory_space<vmem>>[vector<16xi32>, vector<16xi32>], vector<16xf32>,
          %mul3A_788 = arith.mulf %get3A_608, %gather3A_787 : vector<16xf32>
          %add3A_789 = arith.addf %add3A_783, %mul3A_788 : vector<16xf32>
          %add3A_790 = arith.constant 64 : i32
          %add3A_791 = vector.broadcast %add3A_790 : i32 to vector<16xi32>
          %add3A_792 = arith.addi %iota3A, %add3A_791 : vector<16xi32>
          %gather3A_793 = tpu.vector_load_idx %arg8[%gather3A_769, %add3A_792] : memref<95x128xf32, #tpu.memory_space<vmem>>[vector<16xi32>, vector<16xi32>], vector<16xf32>,
          %mul3A_794 = arith.mulf %get3A_615, %gather3A_793 : vector<16xf32>
          %add3A_795 = arith.addf %add3A_789, %mul3A_794 : vector<16xf32>
          %add3A_796 = arith.constant 80 : i32
          %add3A_797 = vector.broadcast %add3A_796 : i32 to vector<16xi32>
          %add3A_798 = arith.addi %iota3A, %add3A_797 : vector<16xi32>
          %gather3A_799 = tpu.vector_load_idx %arg8[%gather3A_769, %add3A_798] : memref<95x128xf32, #tpu.memory_space<vmem>>[vector<16xi32>, vector<16xi32>], vector<16xf32>,
          %mul3A_800 = arith.mulf %get3A_622, %gather3A_799 : vector<16xf32>
          %add3A_801 = arith.addf %add3A_795, %mul3A_800 : vector<16xf32>
          %add3A_802 = arith.constant 96 : i32
          %add3A_803 = vector.broadcast %add3A_802 : i32 to vector<16xi32>
          %add3A_804 = arith.addi %iota3A, %add3A_803 : vector<16xi32>
          %gather3A_805 = tpu.vector_load_idx %arg8[%gather3A_769, %add3A_804] : memref<95x128xf32, #tpu.memory_space<vmem>>[vector<16xi32>, vector<16xi32>], vector<16xf32>,
          %mul3A_806 = arith.mulf %get3A_629, %gather3A_805 : vector<16xf32>
          %add3A_807 = arith.addf %add3A_801, %mul3A_806 : vector<16xf32>
          %add3A_808 = arith.constant 112 : i32
          %add3A_809 = vector.broadcast %add3A_808 : i32 to vector<16xi32>
          %add3A_810 = arith.addi %iota3A, %add3A_809 : vector<16xi32>
          %gather3A_811 = tpu.vector_load_idx %arg8[%gather3A_769, %add3A_810] : memref<95x128xf32, #tpu.memory_space<vmem>>[vector<16xi32>, vector<16xi32>], vector<16xf32>,
          %mul3A_812 = arith.mulf %get3A_636, %gather3A_811 : vector<16xf32>
          %add3A_813 = arith.addf %add3A_807, %mul3A_812 : vector<16xf32>
          %lt3A_814 = arith.constant 0 : i32
          %lt3A_815 = vector.broadcast %lt3A_814 : i32 to vector<16xi32>
          %lt3A_816 = arith.cmpi slt, %xor3A_23, %lt3A_815 : vector<16xi32>
          %add3A_817 = arith.constant 16 : i32
          %add3A_818 = vector.broadcast %add3A_817 : i32 to vector<16xi32>
          %add3A_819 = arith.addi %xor3A_23, %add3A_818 : vector<16xi32>
          %select_n3A_820 = arith.select %lt3A_816, %add3A_819, %xor3A_23 : vector<16xi1>, vector<16xi32>
          %broadcast_in_dim3A_821 = vector.shape_cast %select_n3A_820 : vector<16xi32> to vector<16x1xi32>
          %gather3A_822 = vector.shape_cast %broadcast_in_dim3A_821 : vector<16x1xi32> to vector<16xi32>
          %gather3A_823 = tpu.dynamic_gather %add3A_813[%gather3A_822] in [0] : vector<16xf32>, vector<16xi32> -> vector<16xf32>
          %add3A_824 = arith.addf %add3A_813, %gather3A_823 : vector<16xf32>
          %lt3A_825 = arith.constant 0 : i32
          %lt3A_826 = vector.broadcast %lt3A_825 : i32 to vector<16xi32>
          %lt3A_827 = arith.cmpi slt, %xor3A_26, %lt3A_826 : vector<16xi32>
          %add3A_828 = arith.constant 16 : i32
          %add3A_829 = vector.broadcast %add3A_828 : i32 to vector<16xi32>
          %add3A_830 = arith.addi %xor3A_26, %add3A_829 : vector<16xi32>
          %select_n3A_831 = arith.select %lt3A_827, %add3A_830, %xor3A_26 : vector<16xi1>, vector<16xi32>
          %broadcast_in_dim3A_832 = vector.shape_cast %select_n3A_831 : vector<16xi32> to vector<16x1xi32>
          %gather3A_833 = vector.shape_cast %broadcast_in_dim3A_832 : vector<16x1xi32> to vector<16xi32>
          %gather3A_834 = tpu.dynamic_gather %add3A_824[%gather3A_833] in [0] : vector<16xf32>, vector<16xi32> -> vector<16xf32>
          %add3A_835 = arith.addf %add3A_824, %gather3A_834 : vector<16xf32>
          %lt3A_836 = arith.constant 0 : i32
          %lt3A_837 = vector.broadcast %lt3A_836 : i32 to vector<16xi32>
          %lt3A_838 = arith.cmpi slt, %xor3A_29, %lt3A_837 : vector<16xi32>
          %add3A_839 = arith.constant 16 : i32
          %add3A_840 = vector.broadcast %add3A_839 : i32 to vector<16xi32>
          %add3A_841 = arith.addi %xor3A_29, %add3A_840 : vector<16xi32>
          %select_n3A_842 = arith.select %lt3A_838, %add3A_841, %xor3A_29 : vector<16xi1>, vector<16xi32>
          %broadcast_in_dim3A_843 = vector.shape_cast %select_n3A_842 : vector<16xi32> to vector<16x1xi32>
          %gather3A_844 = vector.shape_cast %broadcast_in_dim3A_843 : vector<16x1xi32> to vector<16xi32>
          %gather3A_845 = tpu.dynamic_gather %add3A_835[%gather3A_844] in [0] : vector<16xf32>, vector<16xi32> -> vector<16xf32>
          %add3A_846 = arith.addf %add3A_835, %gather3A_845 : vector<16xf32>
          %lt3A_847 = arith.constant 0 : i32
          %lt3A_848 = vector.broadcast %lt3A_847 : i32 to vector<16xi32>
          %lt3A_849 = arith.cmpi slt, %xor3A_32, %lt3A_848 : vector<16xi32>
          %add3A_850 = arith.constant 16 : i32
          %add3A_851 = vector.broadcast %add3A_850 : i32 to vector<16xi32>
          %add3A_852 = arith.addi %xor3A_32, %add3A_851 : vector<16xi32>
          %select_n3A_853 = arith.select %lt3A_849, %add3A_852, %xor3A_32 : vector<16xi1>, vector<16xi32>
          %broadcast_in_dim3A_854 = vector.shape_cast %select_n3A_853 : vector<16xi32> to vector<16x1xi32>
          %gather3A_855 = vector.shape_cast %broadcast_in_dim3A_854 : vector<16x1xi32> to vector<16xi32>
          %gather3A_856 = tpu.dynamic_gather %add3A_846[%gather3A_855] in [0] : vector<16xf32>, vector<16xi32> -> vector<16xf32>
          %add3A_857 = arith.addf %add3A_846, %gather3A_856 : vector<16xf32>
          %exp3A_858 = math.exp %add3A_857 : vector<16xf32>
          %add3A_859 = arith.addf %while3A_551, %exp3A_858 : vector<16xf32>
          %mul3A_860 = arith.mulf %exp3A_858, %get3A_587 : vector<16xf32>
          %add3A_861 = arith.addf %while3A_534, %mul3A_860 : vector<16xf32>
          %mul3A_862 = arith.mulf %exp3A_858, %get3A_594 : vector<16xf32>
          %add3A_863 = arith.addf %while3A_535, %mul3A_862 : vector<16xf32>
          %mul3A_864 = arith.mulf %exp3A_858, %get3A_601 : vector<16xf32>
          %add3A_865 = arith.addf %while3A_536, %mul3A_864 : vector<16xf32>
          %mul3A_866 = arith.mulf %exp3A_858, %get3A_608 : vector<16xf32>
          %add3A_867 = arith.addf %while3A_537, %mul3A_866 : vector<16xf32>
          %mul3A_868 = arith.mulf %exp3A_858, %get3A_615 : vector<16xf32>
          %add3A_869 = arith.addf %while3A_538, %mul3A_868 : vector<16xf32>
          %mul3A_870 = arith.mulf %exp3A_858, %get3A_622 : vector<16xf32>
          %add3A_871 = arith.addf %while3A_539, %mul3A_870 : vector<16xf32>
          %mul3A_872 = arith.mulf %exp3A_858, %get3A_629 : vector<16xf32>
          %add3A_873 = arith.addf %while3A_540, %mul3A_872 : vector<16xf32>
          %mul3A_874 = arith.mulf %exp3A_858, %get3A_636 : vector<16xf32>
          %add3A_875 = arith.addf %while3A_541, %mul3A_874 : vector<16xf32>
          %get3A_876 = arith.constant 2 : i32
          %get3A_877 = arith.index_cast %get3A_876 : i32 to index
          %get3A_878 = arith.index_cast %multiple_of3A_578 : i32 to index
          %get3A_879 = tpu.vector_load %arg9[%get3A_877, %get3A_878] {strides = array<i32>} : memref<3x512xi32, #tpu.memory_space<vmem>>, vector<16xi32>,
          %lt3A_880 = arith.constant 0 : i32
          %lt3A_881 = vector.broadcast %lt3A_880 : i32 to vector<16xi32>
          %lt3A_882 = arith.cmpi slt, %broadcast_in_dim3A_580, %lt3A_881 : vector<16xi32>
          %add3A_883 = arith.constant 16 : i32
          %add3A_884 = vector.broadcast %add3A_883 : i32 to vector<16xi32>
          %add3A_885 = arith.addi %broadcast_in_dim3A_580, %add3A_884 : vector<16xi32>
          %select_n3A_886 = arith.select %lt3A_882, %add3A_885, %broadcast_in_dim3A_580 : vector<16xi1>, vector<16xi32>
          %broadcast_in_dim3A_887 = vector.shape_cast %select_n3A_886 : vector<16xi32> to vector<16x1xi32>
          %gather3A_888 = vector.shape_cast %broadcast_in_dim3A_887 : vector<16x1xi32> to vector<16xi32>
          %gather3A_889 = tpu.dynamic_gather %get3A_879[%gather3A_888] in [0] : vector<16xi32>, vector<16xi32> -> vector<16xi32>
          %gather3A_890 = tpu.vector_load_idx %arg8[%gather3A_889, %iota3A] : memref<95x128xf32, #tpu.memory_space<vmem>>[vector<16xi32>, vector<16xi32>], vector<16xf32>,
          %mul3A_891 = arith.mulf %get3A_587, %gather3A_890 : vector<16xf32>
          %add3A_892 = arith.constant 16 : i32
          %add3A_893 = vector.broadcast %add3A_892 : i32 to vector<16xi32>
          %add3A_894 = arith.addi %iota3A, %add3A_893 : vector<16xi32>
          %gather3A_895 = tpu.vector_load_idx %arg8[%gather3A_889, %add3A_894] : memref<95x128xf32, #tpu.memory_space<vmem>>[vector<16xi32>, vector<16xi32>], vector<16xf32>,
          %mul3A_896 = arith.mulf %get3A_594, %gather3A_895 : vector<16xf32>
          %add3A_897 = arith.addf %mul3A_891, %mul3A_896 : vector<16xf32>
          %add3A_898 = arith.constant 32 : i32
          %add3A_899 = vector.broadcast %add3A_898 : i32 to vector<16xi32>
          %add3A_900 = arith.addi %iota3A, %add3A_899 : vector<16xi32>
          %gather3A_901 = tpu.vector_load_idx %arg8[%gather3A_889, %add3A_900] : memref<95x128xf32, #tpu.memory_space<vmem>>[vector<16xi32>, vector<16xi32>], vector<16xf32>,
          %mul3A_902 = arith.mulf %get3A_601, %gather3A_901 : vector<16xf32>
          %add3A_903 = arith.addf %add3A_897, %mul3A_902 : vector<16xf32>
          %add3A_904 = arith.constant 48 : i32
          %add3A_905 = vector.broadcast %add3A_904 : i32 to vector<16xi32>
          %add3A_906 = arith.addi %iota3A, %add3A_905 : vector<16xi32>
          %gather3A_907 = tpu.vector_load_idx %arg8[%gather3A_889, %add3A_906] : memref<95x128xf32, #tpu.memory_space<vmem>>[vector<16xi32>, vector<16xi32>], vector<16xf32>,
          %mul3A_908 = arith.mulf %get3A_608, %gather3A_907 : vector<16xf32>
          %add3A_909 = arith.addf %add3A_903, %mul3A_908 : vector<16xf32>
          %add3A_910 = arith.constant 64 : i32
          %add3A_911 = vector.broadcast %add3A_910 : i32 to vector<16xi32>
          %add3A_912 = arith.addi %iota3A, %add3A_911 : vector<16xi32>
          %gather3A_913 = tpu.vector_load_idx %arg8[%gather3A_889, %add3A_912] : memref<95x128xf32, #tpu.memory_space<vmem>>[vector<16xi32>, vector<16xi32>], vector<16xf32>,
          %mul3A_914 = arith.mulf %get3A_615, %gather3A_913 : vector<16xf32>
          %add3A_915 = arith.addf %add3A_909, %mul3A_914 : vector<16xf32>
          %add3A_916 = arith.constant 80 : i32
          %add3A_917 = vector.broadcast %add3A_916 : i32 to vector<16xi32>
          %add3A_918 = arith.addi %iota3A, %add3A_917 : vector<16xi32>
          %gather3A_919 = tpu.vector_load_idx %arg8[%gather3A_889, %add3A_918] : memref<95x128xf32, #tpu.memory_space<vmem>>[vector<16xi32>, vector<16xi32>], vector<16xf32>,
          %mul3A_920 = arith.mulf %get3A_622, %gather3A_919 : vector<16xf32>
          %add3A_921 = arith.addf %add3A_915, %mul3A_920 : vector<16xf32>
          %add3A_922 = arith.constant 96 : i32
          %add3A_923 = vector.broadcast %add3A_922 : i32 to vector<16xi32>
          %add3A_924 = arith.addi %iota3A, %add3A_923 : vector<16xi32>
          %gather3A_925 = tpu.vector_load_idx %arg8[%gather3A_889, %add3A_924] : memref<95x128xf32, #tpu.memory_space<vmem>>[vector<16xi32>, vector<16xi32>], vector<16xf32>,
          %mul3A_926 = arith.mulf %get3A_629, %gather3A_925 : vector<16xf32>
          %add3A_927 = arith.addf %add3A_921, %mul3A_926 : vector<16xf32>
          %add3A_928 = arith.constant 112 : i32
          %add3A_929 = vector.broadcast %add3A_928 : i32 to vector<16xi32>
          %add3A_930 = arith.addi %iota3A, %add3A_929 : vector<16xi32>
          %gather3A_931 = tpu.vector_load_idx %arg8[%gather3A_889, %add3A_930] : memref<95x128xf32, #tpu.memory_space<vmem>>[vector<16xi32>, vector<16xi32>], vector<16xf32>,
          %mul3A_932 = arith.mulf %get3A_636, %gather3A_931 : vector<16xf32>
          %add3A_933 = arith.addf %add3A_927, %mul3A_932 : vector<16xf32>
          %lt3A_934 = arith.constant 0 : i32
          %lt3A_935 = vector.broadcast %lt3A_934 : i32 to vector<16xi32>
          %lt3A_936 = arith.cmpi slt, %xor3A_23, %lt3A_935 : vector<16xi32>
          %add3A_937 = arith.constant 16 : i32
          %add3A_938 = vector.broadcast %add3A_937 : i32 to vector<16xi32>
          %add3A_939 = arith.addi %xor3A_23, %add3A_938 : vector<16xi32>
          %select_n3A_940 = arith.select %lt3A_936, %add3A_939, %xor3A_23 : vector<16xi1>, vector<16xi32>
          %broadcast_in_dim3A_941 = vector.shape_cast %select_n3A_940 : vector<16xi32> to vector<16x1xi32>
          %gather3A_942 = vector.shape_cast %broadcast_in_dim3A_941 : vector<16x1xi32> to vector<16xi32>
          %gather3A_943 = tpu.dynamic_gather %add3A_933[%gather3A_942] in [0] : vector<16xf32>, vector<16xi32> -> vector<16xf32>
          %add3A_944 = arith.addf %add3A_933, %gather3A_943 : vector<16xf32>
          %lt3A_945 = arith.constant 0 : i32
          %lt3A_946 = vector.broadcast %lt3A_945 : i32 to vector<16xi32>
          %lt3A_947 = arith.cmpi slt, %xor3A_26, %lt3A_946 : vector<16xi32>
          %add3A_948 = arith.constant 16 : i32
          %add3A_949 = vector.broadcast %add3A_948 : i32 to vector<16xi32>
          %add3A_950 = arith.addi %xor3A_26, %add3A_949 : vector<16xi32>
          %select_n3A_951 = arith.select %lt3A_947, %add3A_950, %xor3A_26 : vector<16xi1>, vector<16xi32>
          %broadcast_in_dim3A_952 = vector.shape_cast %select_n3A_951 : vector<16xi32> to vector<16x1xi32>
          %gather3A_953 = vector.shape_cast %broadcast_in_dim3A_952 : vector<16x1xi32> to vector<16xi32>
          %gather3A_954 = tpu.dynamic_gather %add3A_944[%gather3A_953] in [0] : vector<16xf32>, vector<16xi32> -> vector<16xf32>
          %add3A_955 = arith.addf %add3A_944, %gather3A_954 : vector<16xf32>
          %lt3A_956 = arith.constant 0 : i32
          %lt3A_957 = vector.broadcast %lt3A_956 : i32 to vector<16xi32>
          %lt3A_958 = arith.cmpi slt, %xor3A_29, %lt3A_957 : vector<16xi32>
          %add3A_959 = arith.constant 16 : i32
          %add3A_960 = vector.broadcast %add3A_959 : i32 to vector<16xi32>
          %add3A_961 = arith.addi %xor3A_29, %add3A_960 : vector<16xi32>
          %select_n3A_962 = arith.select %lt3A_958, %add3A_961, %xor3A_29 : vector<16xi1>, vector<16xi32>
          %broadcast_in_dim3A_963 = vector.shape_cast %select_n3A_962 : vector<16xi32> to vector<16x1xi32>
          %gather3A_964 = vector.shape_cast %broadcast_in_dim3A_963 : vector<16x1xi32> to vector<16xi32>
          %gather3A_965 = tpu.dynamic_gather %add3A_955[%gather3A_964] in [0] : vector<16xf32>, vector<16xi32> -> vector<16xf32>
          %add3A_966 = arith.addf %add3A_955, %gather3A_965 : vector<16xf32>
          %lt3A_967 = arith.constant 0 : i32
          %lt3A_968 = vector.broadcast %lt3A_967 : i32 to vector<16xi32>
          %lt3A_969 = arith.cmpi slt, %xor3A_32, %lt3A_968 : vector<16xi32>
          %add3A_970 = arith.constant 16 : i32
          %add3A_971 = vector.broadcast %add3A_970 : i32 to vector<16xi32>
          %add3A_972 = arith.addi %xor3A_32, %add3A_971 : vector<16xi32>
          %select_n3A_973 = arith.select %lt3A_969, %add3A_972, %xor3A_32 : vector<16xi1>, vector<16xi32>
          %broadcast_in_dim3A_974 = vector.shape_cast %select_n3A_973 : vector<16xi32> to vector<16x1xi32>
          %gather3A_975 = vector.shape_cast %broadcast_in_dim3A_974 : vector<16x1xi32> to vector<16xi32>
          %gather3A_976 = tpu.dynamic_gather %add3A_966[%gather3A_975] in [0] : vector<16xf32>, vector<16xi32> -> vector<16xf32>
          %add3A_977 = arith.addf %add3A_966, %gather3A_976 : vector<16xf32>
          %exp3A_978 = math.exp %add3A_977 : vector<16xf32>
          %add3A_979 = arith.addf %while3A_552, %exp3A_978 : vector<16xf32>
          %mul3A_980 = arith.mulf %exp3A_978, %get3A_587 : vector<16xf32>
          %add3A_981 = arith.addf %while3A_542, %mul3A_980 : vector<16xf32>
          %mul3A_982 = arith.mulf %exp3A_978, %get3A_594 : vector<16xf32>
          %add3A_983 = arith.addf %while3A_543, %mul3A_982 : vector<16xf32>
          %mul3A_984 = arith.mulf %exp3A_978, %get3A_601 : vector<16xf32>
          %add3A_985 = arith.addf %while3A_544, %mul3A_984 : vector<16xf32>
          %mul3A_986 = arith.mulf %exp3A_978, %get3A_608 : vector<16xf32>
          %add3A_987 = arith.addf %while3A_545, %mul3A_986 : vector<16xf32>
          %mul3A_988 = arith.mulf %exp3A_978, %get3A_615 : vector<16xf32>
          %add3A_989 = arith.addf %while3A_546, %mul3A_988 : vector<16xf32>
          %mul3A_990 = arith.mulf %exp3A_978, %get3A_622 : vector<16xf32>
          %add3A_991 = arith.addf %while3A_547, %mul3A_990 : vector<16xf32>
          %mul3A_992 = arith.mulf %exp3A_978, %get3A_629 : vector<16xf32>
          %add3A_993 = arith.addf %while3A_548, %mul3A_992 : vector<16xf32>
          %mul3A_994 = arith.mulf %exp3A_978, %get3A_636 : vector<16xf32>
          %add3A_995 = arith.addf %while3A_549, %mul3A_994 : vector<16xf32>
          scf.yield %add3A_741, %add3A_743, %add3A_745, %add3A_747, %add3A_749, %add3A_751, %add3A_753, %add3A_755, %add3A_861, %add3A_863, %add3A_865, %add3A_867, %add3A_869, %add3A_871, %add3A_873, %add3A_875, %add3A_981, %add3A_983, %add3A_985, %add3A_987, %add3A_989, %add3A_991, %add3A_993, %add3A_995, %add3A_739, %add3A_859, %add3A_979 : vector<16xf32>, vector<16xf32>, vector<16xf32>, vector<16xf32>, vector<16xf32>, vector<16xf32>, vector<16xf32>, vector<16xf32>, vector<16xf32>, vector<16xf32>, vector<16xf32>, vector<16xf32>, vector<16xf32>, vector<16xf32>, vector<16xf32>, vector<16xf32>, vector<16xf32>, vector<16xf32>, vector<16xf32>, vector<16xf32>, vector<16xf32>, vector<16xf32>, vector<16xf32>, vector<16xf32>, vector<16xf32>, vector<16xf32>, vector<16xf32>
        }
        %add3A_209 = arith.constant 0 : i32
        %add3A_210 = arith.addi %add3A_209, %scan3A_171 : i32
        %mul3A_211 = arith.constant 128 : i32
        %mul3A_212 = arith.muli %add3A_210, %mul3A_211 : i32
        %add3A_213 = arith.constant 0 : i32
        %add3A_214 = arith.addi %mul3A_212, %add3A_213 : i32
        %multiple_of3A = tpu.assume_multiple %add3A_214, 16 : i32
        %get3A_215 = arith.index_cast %multiple_of3A : i32 to index
        %get3A_216 = tpu.vector_load %arg12[%get3A_215] {strides = array<i32>} : memref<6144xf32, #tpu.memory_space<vmem>>, vector<16xf32>,
        %add3A_217 = arith.addf %get3A_216, %while3A_208#0 : vector<16xf32>
        %swap3A = arith.index_cast %multiple_of3A : i32 to index
        %swap3A_218 = tpu.vector_load %arg12[%swap3A] {strides = array<i32>} : memref<6144xf32, #tpu.memory_space<vmem>>, vector<16xf32>,
        tpu.vector_store %arg12[%swap3A], %add3A_217 {strides = array<i32>} : memref<6144xf32, #tpu.memory_space<vmem>>, vector<16xf32>,
        %add3A_219 = arith.constant 0 : i32
        %add3A_220 = arith.addi %add3A_219, %scan3A_171 : i32
        %mul3A_221 = arith.constant 128 : i32
        %mul3A_222 = arith.muli %add3A_220, %mul3A_221 : i32
        %add3A_223 = arith.constant 16 : i32
        %add3A_224 = arith.addi %mul3A_222, %add3A_223 : i32
        %multiple_of3A_225 = tpu.assume_multiple %add3A_224, 16 : i32
        %get3A_226 = arith.index_cast %multiple_of3A_225 : i32 to index
        %get3A_227 = tpu.vector_load %arg12[%get3A_226] {strides = array<i32>} : memref<6144xf32, #tpu.memory_space<vmem>>, vector<16xf32>,
        %add3A_228 = arith.addf %get3A_227, %while3A_208#1 : vector<16xf32>
        %swap3A_229 = arith.index_cast %multiple_of3A_225 : i32 to index
        %swap3A_230 = tpu.vector_load %arg12[%swap3A_229] {strides = array<i32>} : memref<6144xf32, #tpu.memory_space<vmem>>, vector<16xf32>,
        tpu.vector_store %arg12[%swap3A_229], %add3A_228 {strides = array<i32>} : memref<6144xf32, #tpu.memory_space<vmem>>, vector<16xf32>,
        %add3A_231 = arith.constant 0 : i32
        %add3A_232 = arith.addi %add3A_231, %scan3A_171 : i32
        %mul3A_233 = arith.constant 128 : i32
        %mul3A_234 = arith.muli %add3A_232, %mul3A_233 : i32
        %add3A_235 = arith.constant 32 : i32
        %add3A_236 = arith.addi %mul3A_234, %add3A_235 : i32
        %multiple_of3A_237 = tpu.assume_multiple %add3A_236, 16 : i32
        %get3A_238 = arith.index_cast %multiple_of3A_237 : i32 to index
        %get3A_239 = tpu.vector_load %arg12[%get3A_238] {strides = array<i32>} : memref<6144xf32, #tpu.memory_space<vmem>>, vector<16xf32>,
        %add3A_240 = arith.addf %get3A_239, %while3A_208#2 : vector<16xf32>
        %swap3A_241 = arith.index_cast %multiple_of3A_237 : i32 to index
        %swap3A_242 = tpu.vector_load %arg12[%swap3A_241] {strides = array<i32>} : memref<6144xf32, #tpu.memory_space<vmem>>, vector<16xf32>,
        tpu.vector_store %arg12[%swap3A_241], %add3A_240 {strides = array<i32>} : memref<6144xf32, #tpu.memory_space<vmem>>, vector<16xf32>,
        %add3A_243 = arith.constant 0 : i32
        %add3A_244 = arith.addi %add3A_243, %scan3A_171 : i32
        %mul3A_245 = arith.constant 128 : i32
        %mul3A_246 = arith.muli %add3A_244, %mul3A_245 : i32
        %add3A_247 = arith.constant 48 : i32
        %add3A_248 = arith.addi %mul3A_246, %add3A_247 : i32
        %multiple_of3A_249 = tpu.assume_multiple %add3A_248, 16 : i32
        %get3A_250 = arith.index_cast %multiple_of3A_249 : i32 to index
        %get3A_251 = tpu.vector_load %arg12[%get3A_250] {strides = array<i32>} : memref<6144xf32, #tpu.memory_space<vmem>>, vector<16xf32>,
        %add3A_252 = arith.addf %get3A_251, %while3A_208#3 : vector<16xf32>
        %swap3A_253 = arith.index_cast %multiple_of3A_249 : i32 to index
        %swap3A_254 = tpu.vector_load %arg12[%swap3A_253] {strides = array<i32>} : memref<6144xf32, #tpu.memory_space<vmem>>, vector<16xf32>,
        tpu.vector_store %arg12[%swap3A_253], %add3A_252 {strides = array<i32>} : memref<6144xf32, #tpu.memory_space<vmem>>, vector<16xf32>,
        %add3A_255 = arith.constant 0 : i32
        %add3A_256 = arith.addi %add3A_255, %scan3A_171 : i32
        %mul3A_257 = arith.constant 128 : i32
        %mul3A_258 = arith.muli %add3A_256, %mul3A_257 : i32
        %add3A_259 = arith.constant 64 : i32
        %add3A_260 = arith.addi %mul3A_258, %add3A_259 : i32
        %multiple_of3A_261 = tpu.assume_multiple %add3A_260, 16 : i32
        %get3A_262 = arith.index_cast %multiple_of3A_261 : i32 to index
        %get3A_263 = tpu.vector_load %arg12[%get3A_262] {strides = array<i32>} : memref<6144xf32, #tpu.memory_space<vmem>>, vector<16xf32>,
        %add3A_264 = arith.addf %get3A_263, %while3A_208#4 : vector<16xf32>
        %swap3A_265 = arith.index_cast %multiple_of3A_261 : i32 to index
        %swap3A_266 = tpu.vector_load %arg12[%swap3A_265] {strides = array<i32>} : memref<6144xf32, #tpu.memory_space<vmem>>, vector<16xf32>,
        tpu.vector_store %arg12[%swap3A_265], %add3A_264 {strides = array<i32>} : memref<6144xf32, #tpu.memory_space<vmem>>, vector<16xf32>,
        %add3A_267 = arith.constant 0 : i32
        %add3A_268 = arith.addi %add3A_267, %scan3A_171 : i32
        %mul3A_269 = arith.constant 128 : i32
        %mul3A_270 = arith.muli %add3A_268, %mul3A_269 : i32
        %add3A_271 = arith.constant 80 : i32
        %add3A_272 = arith.addi %mul3A_270, %add3A_271 : i32
        %multiple_of3A_273 = tpu.assume_multiple %add3A_272, 16 : i32
        %get3A_274 = arith.index_cast %multiple_of3A_273 : i32 to index
        %get3A_275 = tpu.vector_load %arg12[%get3A_274] {strides = array<i32>} : memref<6144xf32, #tpu.memory_space<vmem>>, vector<16xf32>,
        %add3A_276 = arith.addf %get3A_275, %while3A_208#5 : vector<16xf32>
        %swap3A_277 = arith.index_cast %multiple_of3A_273 : i32 to index
        %swap3A_278 = tpu.vector_load %arg12[%swap3A_277] {strides = array<i32>} : memref<6144xf32, #tpu.memory_space<vmem>>, vector<16xf32>,
        tpu.vector_store %arg12[%swap3A_277], %add3A_276 {strides = array<i32>} : memref<6144xf32, #tpu.memory_space<vmem>>, vector<16xf32>,
        %add3A_279 = arith.constant 0 : i32
        %add3A_280 = arith.addi %add3A_279, %scan3A_171 : i32
        %mul3A_281 = arith.constant 128 : i32
        %mul3A_282 = arith.muli %add3A_280, %mul3A_281 : i32
        %add3A_283 = arith.constant 96 : i32
        %add3A_284 = arith.addi %mul3A_282, %add3A_283 : i32
        %multiple_of3A_285 = tpu.assume_multiple %add3A_284, 16 : i32
        %get3A_286 = arith.index_cast %multiple_of3A_285 : i32 to index
        %get3A_287 = tpu.vector_load %arg12[%get3A_286] {strides = array<i32>} : memref<6144xf32, #tpu.memory_space<vmem>>, vector<16xf32>,
        %add3A_288 = arith.addf %get3A_287, %while3A_208#6 : vector<16xf32>
        %swap3A_289 = arith.index_cast %multiple_of3A_285 : i32 to index
        %swap3A_290 = tpu.vector_load %arg12[%swap3A_289] {strides = array<i32>} : memref<6144xf32, #tpu.memory_space<vmem>>, vector<16xf32>,
        tpu.vector_store %arg12[%swap3A_289], %add3A_288 {strides = array<i32>} : memref<6144xf32, #tpu.memory_space<vmem>>, vector<16xf32>,
        %add3A_291 = arith.constant 0 : i32
        %add3A_292 = arith.addi %add3A_291, %scan3A_171 : i32
        %mul3A_293 = arith.constant 128 : i32
        %mul3A_294 = arith.muli %add3A_292, %mul3A_293 : i32
        %add3A_295 = arith.constant 112 : i32
        %add3A_296 = arith.addi %mul3A_294, %add3A_295 : i32
        %multiple_of3A_297 = tpu.assume_multiple %add3A_296, 16 : i32
        %get3A_298 = arith.index_cast %multiple_of3A_297 : i32 to index
        %get3A_299 = tpu.vector_load %arg12[%get3A_298] {strides = array<i32>} : memref<6144xf32, #tpu.memory_space<vmem>>, vector<16xf32>,
        %add3A_300 = arith.addf %get3A_299, %while3A_208#7 : vector<16xf32>
        %swap3A_301 = arith.index_cast %multiple_of3A_297 : i32 to index
        %swap3A_302 = tpu.vector_load %arg12[%swap3A_301] {strides = array<i32>} : memref<6144xf32, #tpu.memory_space<vmem>>, vector<16xf32>,
        tpu.vector_store %arg12[%swap3A_301], %add3A_300 {strides = array<i32>} : memref<6144xf32, #tpu.memory_space<vmem>>, vector<16xf32>,
        %add3A_303 = arith.constant 0 : i32
        %add3A_304 = arith.addi %add3A_303, %scan3A_171 : i32
        %mul3A_305 = arith.constant 16 : i32
        %mul3A_306 = arith.muli %add3A_304, %mul3A_305 : i32
        %multiple_of3A_307 = tpu.assume_multiple %mul3A_306, 16 : i32
        %get3A_308 = arith.index_cast %multiple_of3A_307 : i32 to index
        %get3A_309 = tpu.vector_load %arg13[%get3A_308] {strides = array<i32>} : memref<768xf32, #tpu.memory_space<vmem>>, vector<16xf32>,
        %add3A_310 = arith.addf %get3A_309, %while3A_208#24 : vector<16xf32>
        %swap3A_311 = arith.index_cast %multiple_of3A_307 : i32 to index
        %swap3A_312 = tpu.vector_load %arg13[%swap3A_311] {strides = array<i32>} : memref<768xf32, #tpu.memory_space<vmem>>, vector<16xf32>,
        tpu.vector_store %arg13[%swap3A_311], %add3A_310 {strides = array<i32>} : memref<768xf32, #tpu.memory_space<vmem>>, vector<16xf32>,
        %add3A_313 = arith.constant 16 : i32
        %add3A_314 = arith.addi %add3A_313, %scan3A_171 : i32
        %mul3A_315 = arith.constant 128 : i32
        %mul3A_316 = arith.muli %add3A_314, %mul3A_315 : i32
        %add3A_317 = arith.constant 0 : i32
        %add3A_318 = arith.addi %mul3A_316, %add3A_317 : i32
        %multiple_of3A_319 = tpu.assume_multiple %add3A_318, 16 : i32
        %get3A_320 = arith.index_cast %multiple_of3A_319 : i32 to index
        %get3A_321 = tpu.vector_load %arg12[%get3A_320] {strides = array<i32>} : memref<6144xf32, #tpu.memory_space<vmem>>, vector<16xf32>,
        %add3A_322 = arith.addf %get3A_321, %while3A_208#8 : vector<16xf32>
        %swap3A_323 = arith.index_cast %multiple_of3A_319 : i32 to index
        %swap3A_324 = tpu.vector_load %arg12[%swap3A_323] {strides = array<i32>} : memref<6144xf32, #tpu.memory_space<vmem>>, vector<16xf32>,
        tpu.vector_store %arg12[%swap3A_323], %add3A_322 {strides = array<i32>} : memref<6144xf32, #tpu.memory_space<vmem>>, vector<16xf32>,
        %add3A_325 = arith.constant 16 : i32
        %add3A_326 = arith.addi %add3A_325, %scan3A_171 : i32
        %mul3A_327 = arith.constant 128 : i32
        %mul3A_328 = arith.muli %add3A_326, %mul3A_327 : i32
        %add3A_329 = arith.constant 16 : i32
        %add3A_330 = arith.addi %mul3A_328, %add3A_329 : i32
        %multiple_of3A_331 = tpu.assume_multiple %add3A_330, 16 : i32
        %get3A_332 = arith.index_cast %multiple_of3A_331 : i32 to index
        %get3A_333 = tpu.vector_load %arg12[%get3A_332] {strides = array<i32>} : memref<6144xf32, #tpu.memory_space<vmem>>, vector<16xf32>,
        %add3A_334 = arith.addf %get3A_333, %while3A_208#9 : vector<16xf32>
        %swap3A_335 = arith.index_cast %multiple_of3A_331 : i32 to index
        %swap3A_336 = tpu.vector_load %arg12[%swap3A_335] {strides = array<i32>} : memref<6144xf32, #tpu.memory_space<vmem>>, vector<16xf32>,
        tpu.vector_store %arg12[%swap3A_335], %add3A_334 {strides = array<i32>} : memref<6144xf32, #tpu.memory_space<vmem>>, vector<16xf32>,
        %add3A_337 = arith.constant 16 : i32
        %add3A_338 = arith.addi %add3A_337, %scan3A_171 : i32
        %mul3A_339 = arith.constant 128 : i32
        %mul3A_340 = arith.muli %add3A_338, %mul3A_339 : i32
        %add3A_341 = arith.constant 32 : i32
        %add3A_342 = arith.addi %mul3A_340, %add3A_341 : i32
        %multiple_of3A_343 = tpu.assume_multiple %add3A_342, 16 : i32
        %get3A_344 = arith.index_cast %multiple_of3A_343 : i32 to index
        %get3A_345 = tpu.vector_load %arg12[%get3A_344] {strides = array<i32>} : memref<6144xf32, #tpu.memory_space<vmem>>, vector<16xf32>,
        %add3A_346 = arith.addf %get3A_345, %while3A_208#10 : vector<16xf32>
        %swap3A_347 = arith.index_cast %multiple_of3A_343 : i32 to index
        %swap3A_348 = tpu.vector_load %arg12[%swap3A_347] {strides = array<i32>} : memref<6144xf32, #tpu.memory_space<vmem>>, vector<16xf32>,
        tpu.vector_store %arg12[%swap3A_347], %add3A_346 {strides = array<i32>} : memref<6144xf32, #tpu.memory_space<vmem>>, vector<16xf32>,
        %add3A_349 = arith.constant 16 : i32
        %add3A_350 = arith.addi %add3A_349, %scan3A_171 : i32
        %mul3A_351 = arith.constant 128 : i32
        %mul3A_352 = arith.muli %add3A_350, %mul3A_351 : i32
        %add3A_353 = arith.constant 48 : i32
        %add3A_354 = arith.addi %mul3A_352, %add3A_353 : i32
        %multiple_of3A_355 = tpu.assume_multiple %add3A_354, 16 : i32
        %get3A_356 = arith.index_cast %multiple_of3A_355 : i32 to index
        %get3A_357 = tpu.vector_load %arg12[%get3A_356] {strides = array<i32>} : memref<6144xf32, #tpu.memory_space<vmem>>, vector<16xf32>,
        %add3A_358 = arith.addf %get3A_357, %while3A_208#11 : vector<16xf32>
        %swap3A_359 = arith.index_cast %multiple_of3A_355 : i32 to index
        %swap3A_360 = tpu.vector_load %arg12[%swap3A_359] {strides = array<i32>} : memref<6144xf32, #tpu.memory_space<vmem>>, vector<16xf32>,
        tpu.vector_store %arg12[%swap3A_359], %add3A_358 {strides = array<i32>} : memref<6144xf32, #tpu.memory_space<vmem>>, vector<16xf32>,
        %add3A_361 = arith.constant 16 : i32
        %add3A_362 = arith.addi %add3A_361, %scan3A_171 : i32
        %mul3A_363 = arith.constant 128 : i32
        %mul3A_364 = arith.muli %add3A_362, %mul3A_363 : i32
        %add3A_365 = arith.constant 64 : i32
        %add3A_366 = arith.addi %mul3A_364, %add3A_365 : i32
        %multiple_of3A_367 = tpu.assume_multiple %add3A_366, 16 : i32
        %get3A_368 = arith.index_cast %multiple_of3A_367 : i32 to index
        %get3A_369 = tpu.vector_load %arg12[%get3A_368] {strides = array<i32>} : memref<6144xf32, #tpu.memory_space<vmem>>, vector<16xf32>,
        %add3A_370 = arith.addf %get3A_369, %while3A_208#12 : vector<16xf32>
        %swap3A_371 = arith.index_cast %multiple_of3A_367 : i32 to index
        %swap3A_372 = tpu.vector_load %arg12[%swap3A_371] {strides = array<i32>} : memref<6144xf32, #tpu.memory_space<vmem>>, vector<16xf32>,
        tpu.vector_store %arg12[%swap3A_371], %add3A_370 {strides = array<i32>} : memref<6144xf32, #tpu.memory_space<vmem>>, vector<16xf32>,
        %add3A_373 = arith.constant 16 : i32
        %add3A_374 = arith.addi %add3A_373, %scan3A_171 : i32
        %mul3A_375 = arith.constant 128 : i32
        %mul3A_376 = arith.muli %add3A_374, %mul3A_375 : i32
        %add3A_377 = arith.constant 80 : i32
        %add3A_378 = arith.addi %mul3A_376, %add3A_377 : i32
        %multiple_of3A_379 = tpu.assume_multiple %add3A_378, 16 : i32
        %get3A_380 = arith.index_cast %multiple_of3A_379 : i32 to index
        %get3A_381 = tpu.vector_load %arg12[%get3A_380] {strides = array<i32>} : memref<6144xf32, #tpu.memory_space<vmem>>, vector<16xf32>,
        %add3A_382 = arith.addf %get3A_381, %while3A_208#13 : vector<16xf32>
        %swap3A_383 = arith.index_cast %multiple_of3A_379 : i32 to index
        %swap3A_384 = tpu.vector_load %arg12[%swap3A_383] {strides = array<i32>} : memref<6144xf32, #tpu.memory_space<vmem>>, vector<16xf32>,
        tpu.vector_store %arg12[%swap3A_383], %add3A_382 {strides = array<i32>} : memref<6144xf32, #tpu.memory_space<vmem>>, vector<16xf32>,
        %add3A_385 = arith.constant 16 : i32
        %add3A_386 = arith.addi %add3A_385, %scan3A_171 : i32
        %mul3A_387 = arith.constant 128 : i32
        %mul3A_388 = arith.muli %add3A_386, %mul3A_387 : i32
        %add3A_389 = arith.constant 96 : i32
        %add3A_390 = arith.addi %mul3A_388, %add3A_389 : i32
        %multiple_of3A_391 = tpu.assume_multiple %add3A_390, 16 : i32
        %get3A_392 = arith.index_cast %multiple_of3A_391 : i32 to index
        %get3A_393 = tpu.vector_load %arg12[%get3A_392] {strides = array<i32>} : memref<6144xf32, #tpu.memory_space<vmem>>, vector<16xf32>,
        %add3A_394 = arith.addf %get3A_393, %while3A_208#14 : vector<16xf32>
        %swap3A_395 = arith.index_cast %multiple_of3A_391 : i32 to index
        %swap3A_396 = tpu.vector_load %arg12[%swap3A_395] {strides = array<i32>} : memref<6144xf32, #tpu.memory_space<vmem>>, vector<16xf32>,
        tpu.vector_store %arg12[%swap3A_395], %add3A_394 {strides = array<i32>} : memref<6144xf32, #tpu.memory_space<vmem>>, vector<16xf32>,
        %add3A_397 = arith.constant 16 : i32
        %add3A_398 = arith.addi %add3A_397, %scan3A_171 : i32
        %mul3A_399 = arith.constant 128 : i32
        %mul3A_400 = arith.muli %add3A_398, %mul3A_399 : i32
        %add3A_401 = arith.constant 112 : i32
        %add3A_402 = arith.addi %mul3A_400, %add3A_401 : i32
        %multiple_of3A_403 = tpu.assume_multiple %add3A_402, 16 : i32
        %get3A_404 = arith.index_cast %multiple_of3A_403 : i32 to index
        %get3A_405 = tpu.vector_load %arg12[%get3A_404] {strides = array<i32>} : memref<6144xf32, #tpu.memory_space<vmem>>, vector<16xf32>,
        %add3A_406 = arith.addf %get3A_405, %while3A_208#15 : vector<16xf32>
        %swap3A_407 = arith.index_cast %multiple_of3A_403 : i32 to index
        %swap3A_408 = tpu.vector_load %arg12[%swap3A_407] {strides = array<i32>} : memref<6144xf32, #tpu.memory_space<vmem>>, vector<16xf32>,
        tpu.vector_store %arg12[%swap3A_407], %add3A_406 {strides = array<i32>} : memref<6144xf32, #tpu.memory_space<vmem>>, vector<16xf32>,
        %add3A_409 = arith.constant 16 : i32
        %add3A_410 = arith.addi %add3A_409, %scan3A_171 : i32
        %mul3A_411 = arith.constant 16 : i32
        %mul3A_412 = arith.muli %add3A_410, %mul3A_411 : i32
        %multiple_of3A_413 = tpu.assume_multiple %mul3A_412, 16 : i32
        %get3A_414 = arith.index_cast %multiple_of3A_413 : i32 to index
        %get3A_415 = tpu.vector_load %arg13[%get3A_414] {strides = array<i32>} : memref<768xf32, #tpu.memory_space<vmem>>, vector<16xf32>,
        %add3A_416 = arith.addf %get3A_415, %while3A_208#25 : vector<16xf32>
        %swap3A_417 = arith.index_cast %multiple_of3A_413 : i32 to index
        %swap3A_418 = tpu.vector_load %arg13[%swap3A_417] {strides = array<i32>} : memref<768xf32, #tpu.memory_space<vmem>>, vector<16xf32>,
        tpu.vector_store %arg13[%swap3A_417], %add3A_416 {strides = array<i32>} : memref<768xf32, #tpu.memory_space<vmem>>, vector<16xf32>,
        %add3A_419 = arith.constant 32 : i32
        %add3A_420 = arith.addi %add3A_419, %scan3A_171 : i32
        %mul3A_421 = arith.constant 128 : i32
        %mul3A_422 = arith.muli %add3A_420, %mul3A_421 : i32
        %add3A_423 = arith.constant 0 : i32
        %add3A_424 = arith.addi %mul3A_422, %add3A_423 : i32
        %multiple_of3A_425 = tpu.assume_multiple %add3A_424, 16 : i32
        %get3A_426 = arith.index_cast %multiple_of3A_425 : i32 to index
        %get3A_427 = tpu.vector_load %arg12[%get3A_426] {strides = array<i32>} : memref<6144xf32, #tpu.memory_space<vmem>>, vector<16xf32>,
        %add3A_428 = arith.addf %get3A_427, %while3A_208#16 : vector<16xf32>
        %swap3A_429 = arith.index_cast %multiple_of3A_425 : i32 to index
        %swap3A_430 = tpu.vector_load %arg12[%swap3A_429] {strides = array<i32>} : memref<6144xf32, #tpu.memory_space<vmem>>, vector<16xf32>,
        tpu.vector_store %arg12[%swap3A_429], %add3A_428 {strides = array<i32>} : memref<6144xf32, #tpu.memory_space<vmem>>, vector<16xf32>,
        %add3A_431 = arith.constant 32 : i32
        %add3A_432 = arith.addi %add3A_431, %scan3A_171 : i32
        %mul3A_433 = arith.constant 128 : i32
        %mul3A_434 = arith.muli %add3A_432, %mul3A_433 : i32
        %add3A_435 = arith.constant 16 : i32
        %add3A_436 = arith.addi %mul3A_434, %add3A_435 : i32
        %multiple_of3A_437 = tpu.assume_multiple %add3A_436, 16 : i32
        %get3A_438 = arith.index_cast %multiple_of3A_437 : i32 to index
        %get3A_439 = tpu.vector_load %arg12[%get3A_438] {strides = array<i32>} : memref<6144xf32, #tpu.memory_space<vmem>>, vector<16xf32>,
        %add3A_440 = arith.addf %get3A_439, %while3A_208#17 : vector<16xf32>
        %swap3A_441 = arith.index_cast %multiple_of3A_437 : i32 to index
        %swap3A_442 = tpu.vector_load %arg12[%swap3A_441] {strides = array<i32>} : memref<6144xf32, #tpu.memory_space<vmem>>, vector<16xf32>,
        tpu.vector_store %arg12[%swap3A_441], %add3A_440 {strides = array<i32>} : memref<6144xf32, #tpu.memory_space<vmem>>, vector<16xf32>,
        %add3A_443 = arith.constant 32 : i32
        %add3A_444 = arith.addi %add3A_443, %scan3A_171 : i32
        %mul3A_445 = arith.constant 128 : i32
        %mul3A_446 = arith.muli %add3A_444, %mul3A_445 : i32
        %add3A_447 = arith.constant 32 : i32
        %add3A_448 = arith.addi %mul3A_446, %add3A_447 : i32
        %multiple_of3A_449 = tpu.assume_multiple %add3A_448, 16 : i32
        %get3A_450 = arith.index_cast %multiple_of3A_449 : i32 to index
        %get3A_451 = tpu.vector_load %arg12[%get3A_450] {strides = array<i32>} : memref<6144xf32, #tpu.memory_space<vmem>>, vector<16xf32>,
        %add3A_452 = arith.addf %get3A_451, %while3A_208#18 : vector<16xf32>
        %swap3A_453 = arith.index_cast %multiple_of3A_449 : i32 to index
        %swap3A_454 = tpu.vector_load %arg12[%swap3A_453] {strides = array<i32>} : memref<6144xf32, #tpu.memory_space<vmem>>, vector<16xf32>,
        tpu.vector_store %arg12[%swap3A_453], %add3A_452 {strides = array<i32>} : memref<6144xf32, #tpu.memory_space<vmem>>, vector<16xf32>,
        %add3A_455 = arith.constant 32 : i32
        %add3A_456 = arith.addi %add3A_455, %scan3A_171 : i32
        %mul3A_457 = arith.constant 128 : i32
        %mul3A_458 = arith.muli %add3A_456, %mul3A_457 : i32
        %add3A_459 = arith.constant 48 : i32
        %add3A_460 = arith.addi %mul3A_458, %add3A_459 : i32
        %multiple_of3A_461 = tpu.assume_multiple %add3A_460, 16 : i32
        %get3A_462 = arith.index_cast %multiple_of3A_461 : i32 to index
        %get3A_463 = tpu.vector_load %arg12[%get3A_462] {strides = array<i32>} : memref<6144xf32, #tpu.memory_space<vmem>>, vector<16xf32>,
        %add3A_464 = arith.addf %get3A_463, %while3A_208#19 : vector<16xf32>
        %swap3A_465 = arith.index_cast %multiple_of3A_461 : i32 to index
        %swap3A_466 = tpu.vector_load %arg12[%swap3A_465] {strides = array<i32>} : memref<6144xf32, #tpu.memory_space<vmem>>, vector<16xf32>,
        tpu.vector_store %arg12[%swap3A_465], %add3A_464 {strides = array<i32>} : memref<6144xf32, #tpu.memory_space<vmem>>, vector<16xf32>,
        %add3A_467 = arith.constant 32 : i32
        %add3A_468 = arith.addi %add3A_467, %scan3A_171 : i32
        %mul3A_469 = arith.constant 128 : i32
        %mul3A_470 = arith.muli %add3A_468, %mul3A_469 : i32
        %add3A_471 = arith.constant 64 : i32
        %add3A_472 = arith.addi %mul3A_470, %add3A_471 : i32
        %multiple_of3A_473 = tpu.assume_multiple %add3A_472, 16 : i32
        %get3A_474 = arith.index_cast %multiple_of3A_473 : i32 to index
        %get3A_475 = tpu.vector_load %arg12[%get3A_474] {strides = array<i32>} : memref<6144xf32, #tpu.memory_space<vmem>>, vector<16xf32>,
        %add3A_476 = arith.addf %get3A_475, %while3A_208#20 : vector<16xf32>
        %swap3A_477 = arith.index_cast %multiple_of3A_473 : i32 to index
        %swap3A_478 = tpu.vector_load %arg12[%swap3A_477] {strides = array<i32>} : memref<6144xf32, #tpu.memory_space<vmem>>, vector<16xf32>,
        tpu.vector_store %arg12[%swap3A_477], %add3A_476 {strides = array<i32>} : memref<6144xf32, #tpu.memory_space<vmem>>, vector<16xf32>,
        %add3A_479 = arith.constant 32 : i32
        %add3A_480 = arith.addi %add3A_479, %scan3A_171 : i32
        %mul3A_481 = arith.constant 128 : i32
        %mul3A_482 = arith.muli %add3A_480, %mul3A_481 : i32
        %add3A_483 = arith.constant 80 : i32
        %add3A_484 = arith.addi %mul3A_482, %add3A_483 : i32
        %multiple_of3A_485 = tpu.assume_multiple %add3A_484, 16 : i32
        %get3A_486 = arith.index_cast %multiple_of3A_485 : i32 to index
        %get3A_487 = tpu.vector_load %arg12[%get3A_486] {strides = array<i32>} : memref<6144xf32, #tpu.memory_space<vmem>>, vector<16xf32>,
        %add3A_488 = arith.addf %get3A_487, %while3A_208#21 : vector<16xf32>
        %swap3A_489 = arith.index_cast %multiple_of3A_485 : i32 to index
        %swap3A_490 = tpu.vector_load %arg12[%swap3A_489] {strides = array<i32>} : memref<6144xf32, #tpu.memory_space<vmem>>, vector<16xf32>,
        tpu.vector_store %arg12[%swap3A_489], %add3A_488 {strides = array<i32>} : memref<6144xf32, #tpu.memory_space<vmem>>, vector<16xf32>,
        %add3A_491 = arith.constant 32 : i32
        %add3A_492 = arith.addi %add3A_491, %scan3A_171 : i32
        %mul3A_493 = arith.constant 128 : i32
        %mul3A_494 = arith.muli %add3A_492, %mul3A_493 : i32
        %add3A_495 = arith.constant 96 : i32
        %add3A_496 = arith.addi %mul3A_494, %add3A_495 : i32
        %multiple_of3A_497 = tpu.assume_multiple %add3A_496, 16 : i32
        %get3A_498 = arith.index_cast %multiple_of3A_497 : i32 to index
        %get3A_499 = tpu.vector_load %arg12[%get3A_498] {strides = array<i32>} : memref<6144xf32, #tpu.memory_space<vmem>>, vector<16xf32>,
        %add3A_500 = arith.addf %get3A_499, %while3A_208#22 : vector<16xf32>
        %swap3A_501 = arith.index_cast %multiple_of3A_497 : i32 to index
        %swap3A_502 = tpu.vector_load %arg12[%swap3A_501] {strides = array<i32>} : memref<6144xf32, #tpu.memory_space<vmem>>, vector<16xf32>,
        tpu.vector_store %arg12[%swap3A_501], %add3A_500 {strides = array<i32>} : memref<6144xf32, #tpu.memory_space<vmem>>, vector<16xf32>,
        %add3A_503 = arith.constant 32 : i32
        %add3A_504 = arith.addi %add3A_503, %scan3A_171 : i32
        %mul3A_505 = arith.constant 128 : i32
        %mul3A_506 = arith.muli %add3A_504, %mul3A_505 : i32
        %add3A_507 = arith.constant 112 : i32
        %add3A_508 = arith.addi %mul3A_506, %add3A_507 : i32
        %multiple_of3A_509 = tpu.assume_multiple %add3A_508, 16 : i32
        %get3A_510 = arith.index_cast %multiple_of3A_509 : i32 to index
        %get3A_511 = tpu.vector_load %arg12[%get3A_510] {strides = array<i32>} : memref<6144xf32, #tpu.memory_space<vmem>>, vector<16xf32>,
        %add3A_512 = arith.addf %get3A_511, %while3A_208#23 : vector<16xf32>
        %swap3A_513 = arith.index_cast %multiple_of3A_509 : i32 to index
        %swap3A_514 = tpu.vector_load %arg12[%swap3A_513] {strides = array<i32>} : memref<6144xf32, #tpu.memory_space<vmem>>, vector<16xf32>,
        tpu.vector_store %arg12[%swap3A_513], %add3A_512 {strides = array<i32>} : memref<6144xf32, #tpu.memory_space<vmem>>, vector<16xf32>,
        %add3A_515 = arith.constant 32 : i32
        %add3A_516 = arith.addi %add3A_515, %scan3A_171 : i32
        %mul3A_517 = arith.constant 16 : i32
        %mul3A_518 = arith.muli %add3A_516, %mul3A_517 : i32
        %multiple_of3A_519 = tpu.assume_multiple %mul3A_518, 16 : i32
        %get3A_520 = arith.index_cast %multiple_of3A_519 : i32 to index
        %get3A_521 = tpu.vector_load %arg13[%get3A_520] {strides = array<i32>} : memref<768xf32, #tpu.memory_space<vmem>>, vector<16xf32>,
        %add3A_522 = arith.addf %get3A_521, %while3A_208#26 : vector<16xf32>
        %swap3A_523 = arith.index_cast %multiple_of3A_519 : i32 to index
        %swap3A_524 = tpu.vector_load %arg13[%swap3A_523] {strides = array<i32>} : memref<768xf32, #tpu.memory_space<vmem>>, vector<16xf32>,
        tpu.vector_store %arg13[%swap3A_523], %add3A_522 {strides = array<i32>} : memref<768xf32, #tpu.memory_space<vmem>>, vector<16xf32>,
      } else {
      }
      %lt3A_181 = arith.constant 0 : i32
      %lt3A_182 = vector.broadcast %lt3A_181 : i32 to vector<16xi32>
      %lt3A_183 = arith.cmpi slt, %select_n3A_21, %lt3A_182 : vector<16xi32>
      %add3A_184 = arith.constant 16 : i32
      %add3A_185 = vector.broadcast %add3A_184 : i32 to vector<16xi32>
      %add3A_186 = arith.addi %select_n3A_21, %add3A_185 : vector<16xi32>
      %select_n3A_187 = arith.select %lt3A_183, %add3A_186, %select_n3A_21 : vector<16xi1>, vector<16xi32>
      %broadcast_in_dim3A_188 = vector.shape_cast %select_n3A_187 : vector<16xi32> to vector<16x1xi32>
      %gather3A = vector.shape_cast %broadcast_in_dim3A_188 : vector<16x1xi32> to vector<16xi32>
      %gather3A_189 = tpu.dynamic_gather %scan3A_172[%gather3A] in [0] : vector<16xi32>, vector<16xi32> -> vector<16xi32>
      %lt3A_190 = arith.constant 0 : i32
      %lt3A_191 = vector.broadcast %lt3A_190 : i32 to vector<16xi32>
      %lt3A_192 = arith.cmpi slt, %select_n3A_21, %lt3A_191 : vector<16xi32>
      %add3A_193 = arith.constant 16 : i32
      %add3A_194 = vector.broadcast %add3A_193 : i32 to vector<16xi32>
      %add3A_195 = arith.addi %select_n3A_21, %add3A_194 : vector<16xi32>
      %select_n3A_196 = arith.select %lt3A_192, %add3A_195, %select_n3A_21 : vector<16xi1>, vector<16xi32>
      %broadcast_in_dim3A_197 = vector.shape_cast %select_n3A_196 : vector<16xi32> to vector<16x1xi32>
      %gather3A_198 = vector.shape_cast %broadcast_in_dim3A_197 : vector<16x1xi32> to vector<16xi32>
      %gather3A_199 = tpu.dynamic_gather %scan3A_173[%gather3A_198] in [0] : vector<16xi32>, vector<16xi32> -> vector<16xi32>
      scf.yield %gather3A_189, %gather3A_199 : vector<16xi32>, vector<16xi32>
    }
    %scan3A_122 = arith.constant 16 : i32
    %add3A_123 = arith.constant 1 : i32
    %add3A_124 = arith.addi %mul3A_66, %add3A_123 : i32
    %mul3A_125 = arith.constant 256 : i32
    %mul3A_126 = arith.muli %add3A_124, %mul3A_125 : i32
    %add3A_127 = arith.addi %mul3A_2, %mul3A_126 : i32
    %dma_wait3A_128 = arith.constant 1 : i32
    %dma_wait3A_129 = arith.constant 1 : i32
    %dma_wait3A_130 = arith.constant 0 : i32
    %dma_wait3A_131 = arith.constant 0 : i32
    %dma_wait3A_132 = tpu.memref_slice %arg11[%dma_wait3A_128, %dma_wait3A_130, %dma_wait3A_131] : memref<2x256x128xf32, #tpu.memory_space<vmem>> -> memref<1x256x128xf32, #tpu.memory_space<vmem>>
    %dma_wait3A_133 = tpu.memref_squeeze %dma_wait3A_132 : memref<1x256x128xf32, #tpu.memory_space<vmem>> -> memref<256x128xf32, #tpu.memory_space<vmem>>
    %dma_wait3A_134 = arith.constant 0 : i32
    %dma_wait3A_135 = tpu.memref_slice %arg2[%add3A_127, %dma_wait3A_134] : memref<32768x128xf32, #tpu.memory_space<hbm>> -> memref<256x128xf32, #tpu.memory_space<hbm>>
    %dma_wait3A_136 = tpu.memref_slice %arg14[%dma_wait3A_129] : memref<2x!tpu.dma_semaphore, #tpu.memory_space<semaphore_mem>> -> memref<1x!tpu.dma_semaphore, #tpu.memory_space<semaphore_mem>>
    %dma_wait3A_137 = tpu.memref_squeeze %dma_wait3A_136 : memref<1x!tpu.dma_semaphore, #tpu.memory_space<semaphore_mem>> -> memref<!tpu.dma_semaphore, #tpu.memory_space<semaphore_mem>>
    %dma_wait3A_138 = arith.constant 0 : i32
    %dma_wait3A_139 = arith.constant 0 : i32
    %dma_wait3A_140 = tpu.memref_slice %arg11[%dma_wait3A_128, %dma_wait3A_138, %dma_wait3A_139] : memref<2x256x128xf32, #tpu.memory_space<vmem>> -> memref<1x256x128xf32, #tpu.memory_space<vmem>>
    %dma_wait3A_141 = tpu.memref_squeeze %dma_wait3A_140 : memref<1x256x128xf32, #tpu.memory_space<vmem>> -> memref<256x128xf32, #tpu.memory_space<vmem>>
    %dma_wait3A_142 = arith.constant 0 : i32
    %dma_wait3A_143 = tpu.memref_slice %arg2[%add3A_127, %dma_wait3A_142] : memref<32768x128xf32, #tpu.memory_space<hbm>> -> memref<256x128xf32, #tpu.memory_space<hbm>>
    tpu.wait_dma2 semaphore(%dma_wait3A_137 : memref<!tpu.dma_semaphore, #tpu.memory_space<semaphore_mem>>) src(%dma_wait3A_143 : memref<256x128xf32, #tpu.memory_space<hbm>>) dst(%dma_wait3A_141 : memref<256x128xf32, #tpu.memory_space<vmem>>)
    %add3A_144 = arith.constant 2 : i32
    %add3A_145 = arith.addi %mul3A_66, %add3A_144 : i32
    %lt3A_146 = arith.constant 2 : i32
    %lt3A_147 = arith.cmpi slt, %add3A_145, %lt3A_146 : i32
    %convert_element_type3A = arith.extui %lt3A_147 : i1 to i32
    %cond3A = arith.constant 0 : i32
    %cond3A_148 = arith.cmpi ne, %convert_element_type3A, %cond3A : i32
    scf.if %cond3A_148 {
      %add3A_171 = arith.constant 2 : i32
      %add3A_172 = arith.addi %mul3A_66, %add3A_171 : i32
      %mul3A_173 = arith.constant 256 : i32
      %mul3A_174 = arith.muli %add3A_172, %mul3A_173 : i32
      %add3A_175 = arith.addi %mul3A_2, %mul3A_174 : i32
      %dma_start3A_176 = arith.constant 0 : i32
      %dma_start3A_177 = arith.constant 0 : i32
      %dma_start3A_178 = arith.constant 0 : i32
      %dma_start3A_179 = arith.constant 0 : i32
      %dma_start3A_180 = tpu.memref_slice %arg11[%dma_start3A_176, %dma_start3A_178, %dma_start3A_179] : memref<2x256x128xf32, #tpu.memory_space<vmem>> -> memref<1x256x128xf32, #tpu.memory_space<vmem>>
      %dma_start3A_181 = tpu.memref_squeeze %dma_start3A_180 : memref<1x256x128xf32, #tpu.memory_space<vmem>> -> memref<256x128xf32, #tpu.memory_space<vmem>>
      %dma_start3A_182 = arith.constant 0 : i32
      %dma_start3A_183 = tpu.memref_slice %arg2[%add3A_175, %dma_start3A_182] : memref<32768x128xf32, #tpu.memory_space<hbm>> -> memref<256x128xf32, #tpu.memory_space<hbm>>
      %dma_start3A_184 = tpu.memref_slice %arg14[%dma_start3A_177] : memref<2x!tpu.dma_semaphore, #tpu.memory_space<semaphore_mem>> -> memref<1x!tpu.dma_semaphore, #tpu.memory_space<semaphore_mem>>
      %dma_start3A_185 = tpu.memref_squeeze %dma_start3A_184 : memref<1x!tpu.dma_semaphore, #tpu.memory_space<semaphore_mem>> -> memref<!tpu.dma_semaphore, #tpu.memory_space<semaphore_mem>>
      %dma_start3A_186 = arith.constant 0 : i32
      %dma_start3A_187 = arith.constant 0 : i32
      %dma_start3A_188 = tpu.memref_slice %arg11[%dma_start3A_176, %dma_start3A_186, %dma_start3A_187] : memref<2x256x128xf32, #tpu.memory_space<vmem>> -> memref<1x256x128xf32, #tpu.memory_space<vmem>>
      %dma_start3A_189 = tpu.memref_squeeze %dma_start3A_188 : memref<1x256x128xf32, #tpu.memory_space<vmem>> -> memref<256x128xf32, #tpu.memory_space<vmem>>
      %dma_start3A_190 = arith.constant 0 : i32
      %dma_start3A_191 = tpu.memref_slice %arg2[%add3A_175, %dma_start3A_190] : memref<32768x128xf32, #tpu.memory_space<hbm>> -> memref<256x128xf32, #tpu.memory_space<hbm>>
      tpu.enqueue_dma source(%dma_start3A_191 : memref<256x128xf32, #tpu.memory_space<hbm>>) target(%dma_start3A_189 : memref<256x128xf32, #tpu.memory_space<vmem>>) target_semaphore(%dma_start3A_185 : memref<!tpu.dma_semaphore, #tpu.memory_space<semaphore_mem>>)
    } else {
    }
    %add3A_149 = arith.constant 1 : i32
    %add3A_150 = arith.addi %mul3A_66, %add3A_149 : i32
    %mul3A_151 = arith.constant 256 : i32
    %mul3A_152 = arith.muli %add3A_150, %mul3A_151 : i32
    %add3A_153 = arith.addi %mul3A_2, %mul3A_152 : i32
    %get3A_154 = arith.constant 0 : i32
    %get3A_155 = arith.index_cast %get3A_154 : i32 to index
    %get3A_156 = arith.constant 0 : index
    %get3A_157 = tpu.vector_load %arg10[%get3A_155, %get3A_156] {strides = array<i32>} : memref<2x16xi32, #tpu.memory_space<vmem>>, vector<16xi32>,
    %get3A_158 = arith.constant 1 : i32
    %get3A_159 = arith.index_cast %get3A_158 : i32 to index
    %get3A_160 = arith.constant 0 : index
    %get3A_161 = tpu.vector_load %arg10[%get3A_159, %get3A_160] {strides = array<i32>} : memref<2x16xi32, #tpu.memory_space<vmem>>, vector<16xi32>,
    %scan3A_162 = arith.constant 1 : i32
    %scan3A_163 = arith.constant 0 : i32
    %scan3A_164 = arith.constant 16 : i32
    %scan3A_165 = arith.addi %scan3A_163, %scan3A_164 : i32
    %scan3A_166 = arith.constant 1 : i32
    %scan3A_167:2 = scf.for %scan3A_171 = %scan3A_163 to %scan3A_165 step %scan3A_166 iter_args(%scan3A_172 = %get3A_157, %scan3A_173 = %get3A_161) -> (vector<16xi32>, vector<16xi32>)  : i32 {
      %slice3A = vector.extract_strided_slice %scan3A_172 {offsets = [0], sizes = [1], strides = [1]} : vector<16xi32> to vector<1xi32>
      %squeeze3A = vector.extract %slice3A[0] : i32 from vector<1xi32>
      %max3A = arith.maxsi %squeeze3A, %add3A_153 : i32
      %slice3A_174 = vector.extract_strided_slice %scan3A_173 {offsets = [0], sizes = [1], strides = [1]} : vector<16xi32> to vector<1xi32>
      %squeeze3A_175 = vector.extract %slice3A_174[0] : i32 from vector<1xi32>
      %add3A_176 = arith.constant 256 : i32
      %add3A_177 = arith.addi %add3A_153, %add3A_176 : i32
      %min3A = arith.minsi %squeeze3A_175, %add3A_177 : i32
      %gt3A = arith.cmpi sgt, %min3A, %max3A : i32
      %convert_element_type3A_178 = arith.extui %gt3A : i1 to i32
      %cond3A_179 = arith.constant 0 : i32
      %cond3A_180 = arith.cmpi ne, %convert_element_type3A_178, %cond3A_179 : i32
      scf.if %cond3A_180 {
        %while3A = arith.subi %min3A, %max3A : i32
        %while3A_200 = arith.addi %max3A, %while3A : i32
        %while3A_201 = arith.constant 1 : i32
        %while3A_202 = arith.divsi %while3A, %while3A_201 : i32
        %while3A_203 = arith.muli %while3A_202, %while3A_201 : i32
        %while3A_204 = arith.addi %max3A, %while3A_203 : i32
        %while3A_205 = arith.constant 1 : i32
        %while3A_206:27 = scf.for %while3A_525 = %max3A to %while3A_204 step %while3A_205 iter_args(%while3A_526 = %broadcast_in_dim3A_3, %while3A_527 = %broadcast_in_dim3A_3, %while3A_528 = %broadcast_in_dim3A_3, %while3A_529 = %broadcast_in_dim3A_3, %while3A_530 = %broadcast_in_dim3A_3, %while3A_531 = %broadcast_in_dim3A_3, %while3A_532 = %broadcast_in_dim3A_3, %while3A_533 = %broadcast_in_dim3A_3, %while3A_534 = %broadcast_in_dim3A_3, %while3A_535 = %broadcast_in_dim3A_3, %while3A_536 = %broadcast_in_dim3A_3, %while3A_537 = %broadcast_in_dim3A_3, %while3A_538 = %broadcast_in_dim3A_3, %while3A_539 = %broadcast_in_dim3A_3, %while3A_540 = %broadcast_in_dim3A_3, %while3A_541 = %broadcast_in_dim3A_3, %while3A_542 = %broadcast_in_dim3A_3, %while3A_543 = %broadcast_in_dim3A_3, %while3A_544 = %broadcast_in_dim3A_3, %while3A_545 = %broadcast_in_dim3A_3, %while3A_546 = %broadcast_in_dim3A_3, %while3A_547 = %broadcast_in_dim3A_3, %while3A_548 = %broadcast_in_dim3A_3, %while3A_549 = %broadcast_in_dim3A_3, %while3A_550 = %broadcast_in_dim3A_3, %while3A_551 = %broadcast_in_dim3A_3, %while3A_552 = %broadcast_in_dim3A_3) -> (vector<16xf32>, vector<16xf32>, vector<16xf32>, vector<16xf32>, vector<16xf32>, vector<16xf32>, vector<16xf32>, vector<16xf32>, vector<16xf32>, vector<16xf32>, vector<16xf32>, vector<16xf32>, vector<16xf32>, vector<16xf32>, vector<16xf32>, vector<16xf32>, vector<16xf32>, vector<16xf32>, vector<16xf32>, vector<16xf32>, vector<16xf32>, vector<16xf32>, vector<16xf32>, vector<16xf32>, vector<16xf32>, vector<16xf32>, vector<16xf32>)  : i32 {
          %sub3A = arith.subi %while3A_525, %add3A_153 : i32
          %sub3A_553 = arith.subi %while3A_525, %mul3A_2 : i32
          %jit3A_554 = arith.constant 16 : i32
          %div3A = arith.divsi %sub3A_553, %jit3A_554 : i32
          %sign3A = arith.constant 0 : i32
          %sign3A_555 = arith.cmpi sgt, %sub3A_553, %sign3A : i32
          %sign3A_556 = arith.extui %sign3A_555 : i1 to i32
          %sign3A_557 = arith.constant 0 : i32
          %sign3A_558 = arith.cmpi slt, %sub3A_553, %sign3A_557 : i32
          %sign3A_559 = arith.extui %sign3A_558 : i1 to i32
          %sign3A_560 = arith.subi %sign3A_556, %sign3A_559 : i32
          %sign3A_561 = arith.constant 0 : i32
          %sign3A_562 = arith.cmpi sgt, %jit3A_554, %sign3A_561 : i32
          %sign3A_563 = arith.extui %sign3A_562 : i1 to i32
          %sign3A_564 = arith.constant 0 : i32
          %sign3A_565 = arith.cmpi slt, %jit3A_554, %sign3A_564 : i32
          %sign3A_566 = arith.extui %sign3A_565 : i1 to i32
          %sign3A_567 = arith.subi %sign3A_563, %sign3A_566 : i32
          %ne3A_568 = arith.cmpi ne, %sign3A_560, %sign3A_567 : i32
          %rem3A_569 = arith.remsi %sub3A_553, %jit3A_554 : i32
          %ne3A_570 = arith.constant 0 : i32
          %ne3A_571 = arith.cmpi ne, %rem3A_569, %ne3A_570 : i32
          %and3A_572 = arith.andi %ne3A_568, %ne3A_571 : i1
          %sub3A_573 = arith.constant 1 : i32
          %sub3A_574 = arith.subi %div3A, %sub3A_573 : i32
          %select_n3A_575 = arith.select %and3A_572, %sub3A_574, %div3A : i32
          %mul3A_576 = arith.constant 16 : i32
          %mul3A_577 = arith.muli %select_n3A_575, %mul3A_576 : i32
          %multiple_of3A_578 = tpu.assume_multiple %mul3A_577, 16 : i32
          %sub3A_579 = arith.subi %sub3A_553, %multiple_of3A_578 : i32
          %broadcast_in_dim3A_580 = vector.broadcast %sub3A_579 : i32 to vector<16xi32>
          %get3A_581 = arith.constant 0 : i32
          %get3A_582 = arith.constant 0 : i32
          %get3A_583 = tpu.memref_slice %arg11[%scan3A_162, %get3A_581, %get3A_582] : memref<2x256x128xf32, #tpu.memory_space<vmem>> -> memref<1x256x128xf32, #tpu.memory_space<vmem>>
          %get3A_584 = tpu.memref_squeeze %get3A_583 : memref<1x256x128xf32, #tpu.memory_space<vmem>> -> memref<256x128xf32, #tpu.memory_space<vmem>>
          %get3A_585 = arith.index_cast %sub3A : i32 to index
          %get3A_586 = arith.constant 0 : index
          %get3A_587 = tpu.vector_load %get3A_584[%get3A_585, %get3A_586] {strides = array<i32>} : memref<256x128xf32, #tpu.memory_space<vmem>>, vector<16xf32>,
          %get3A_588 = arith.constant 0 : i32
          %get3A_589 = arith.constant 0 : i32
          %get3A_590 = tpu.memref_slice %arg11[%scan3A_162, %get3A_588, %get3A_589] : memref<2x256x128xf32, #tpu.memory_space<vmem>> -> memref<1x256x128xf32, #tpu.memory_space<vmem>>
          %get3A_591 = tpu.memref_squeeze %get3A_590 : memref<1x256x128xf32, #tpu.memory_space<vmem>> -> memref<256x128xf32, #tpu.memory_space<vmem>>
          %get3A_592 = arith.index_cast %sub3A : i32 to index
          %get3A_593 = arith.constant 16 : index
          %get3A_594 = tpu.vector_load %get3A_591[%get3A_592, %get3A_593] {strides = array<i32>} : memref<256x128xf32, #tpu.memory_space<vmem>>, vector<16xf32>,
          %get3A_595 = arith.constant 0 : i32
          %get3A_596 = arith.constant 0 : i32
          %get3A_597 = tpu.memref_slice %arg11[%scan3A_162, %get3A_595, %get3A_596] : memref<2x256x128xf32, #tpu.memory_space<vmem>> -> memref<1x256x128xf32, #tpu.memory_space<vmem>>
          %get3A_598 = tpu.memref_squeeze %get3A_597 : memref<1x256x128xf32, #tpu.memory_space<vmem>> -> memref<256x128xf32, #tpu.memory_space<vmem>>
          %get3A_599 = arith.index_cast %sub3A : i32 to index
          %get3A_600 = arith.constant 32 : index
          %get3A_601 = tpu.vector_load %get3A_598[%get3A_599, %get3A_600] {strides = array<i32>} : memref<256x128xf32, #tpu.memory_space<vmem>>, vector<16xf32>,
          %get3A_602 = arith.constant 0 : i32
          %get3A_603 = arith.constant 0 : i32
          %get3A_604 = tpu.memref_slice %arg11[%scan3A_162, %get3A_602, %get3A_603] : memref<2x256x128xf32, #tpu.memory_space<vmem>> -> memref<1x256x128xf32, #tpu.memory_space<vmem>>
          %get3A_605 = tpu.memref_squeeze %get3A_604 : memref<1x256x128xf32, #tpu.memory_space<vmem>> -> memref<256x128xf32, #tpu.memory_space<vmem>>
          %get3A_606 = arith.index_cast %sub3A : i32 to index
          %get3A_607 = arith.constant 48 : index
          %get3A_608 = tpu.vector_load %get3A_605[%get3A_606, %get3A_607] {strides = array<i32>} : memref<256x128xf32, #tpu.memory_space<vmem>>, vector<16xf32>,
          %get3A_609 = arith.constant 0 : i32
          %get3A_610 = arith.constant 0 : i32
          %get3A_611 = tpu.memref_slice %arg11[%scan3A_162, %get3A_609, %get3A_610] : memref<2x256x128xf32, #tpu.memory_space<vmem>> -> memref<1x256x128xf32, #tpu.memory_space<vmem>>
          %get3A_612 = tpu.memref_squeeze %get3A_611 : memref<1x256x128xf32, #tpu.memory_space<vmem>> -> memref<256x128xf32, #tpu.memory_space<vmem>>
          %get3A_613 = arith.index_cast %sub3A : i32 to index
          %get3A_614 = arith.constant 64 : index
          %get3A_615 = tpu.vector_load %get3A_612[%get3A_613, %get3A_614] {strides = array<i32>} : memref<256x128xf32, #tpu.memory_space<vmem>>, vector<16xf32>,
          %get3A_616 = arith.constant 0 : i32
          %get3A_617 = arith.constant 0 : i32
          %get3A_618 = tpu.memref_slice %arg11[%scan3A_162, %get3A_616, %get3A_617] : memref<2x256x128xf32, #tpu.memory_space<vmem>> -> memref<1x256x128xf32, #tpu.memory_space<vmem>>
          %get3A_619 = tpu.memref_squeeze %get3A_618 : memref<1x256x128xf32, #tpu.memory_space<vmem>> -> memref<256x128xf32, #tpu.memory_space<vmem>>
          %get3A_620 = arith.index_cast %sub3A : i32 to index
          %get3A_621 = arith.constant 80 : index
          %get3A_622 = tpu.vector_load %get3A_619[%get3A_620, %get3A_621] {strides = array<i32>} : memref<256x128xf32, #tpu.memory_space<vmem>>, vector<16xf32>,
          %get3A_623 = arith.constant 0 : i32
          %get3A_624 = arith.constant 0 : i32
          %get3A_625 = tpu.memref_slice %arg11[%scan3A_162, %get3A_623, %get3A_624] : memref<2x256x128xf32, #tpu.memory_space<vmem>> -> memref<1x256x128xf32, #tpu.memory_space<vmem>>
          %get3A_626 = tpu.memref_squeeze %get3A_625 : memref<1x256x128xf32, #tpu.memory_space<vmem>> -> memref<256x128xf32, #tpu.memory_space<vmem>>
          %get3A_627 = arith.index_cast %sub3A : i32 to index
          %get3A_628 = arith.constant 96 : index
          %get3A_629 = tpu.vector_load %get3A_626[%get3A_627, %get3A_628] {strides = array<i32>} : memref<256x128xf32, #tpu.memory_space<vmem>>, vector<16xf32>,
          %get3A_630 = arith.constant 0 : i32
          %get3A_631 = arith.constant 0 : i32
          %get3A_632 = tpu.memref_slice %arg11[%scan3A_162, %get3A_630, %get3A_631] : memref<2x256x128xf32, #tpu.memory_space<vmem>> -> memref<1x256x128xf32, #tpu.memory_space<vmem>>
          %get3A_633 = tpu.memref_squeeze %get3A_632 : memref<1x256x128xf32, #tpu.memory_space<vmem>> -> memref<256x128xf32, #tpu.memory_space<vmem>>
          %get3A_634 = arith.index_cast %sub3A : i32 to index
          %get3A_635 = arith.constant 112 : index
          %get3A_636 = tpu.vector_load %get3A_633[%get3A_634, %get3A_635] {strides = array<i32>} : memref<256x128xf32, #tpu.memory_space<vmem>>, vector<16xf32>,
          %get3A_637 = arith.constant 0 : i32
          %get3A_638 = arith.index_cast %get3A_637 : i32 to index
          %get3A_639 = arith.index_cast %multiple_of3A_578 : i32 to index
          %get3A_640 = tpu.vector_load %arg9[%get3A_638, %get3A_639] {strides = array<i32>} : memref<3x512xi32, #tpu.memory_space<vmem>>, vector<16xi32>,
          %lt3A_641 = arith.constant 0 : i32
          %lt3A_642 = vector.broadcast %lt3A_641 : i32 to vector<16xi32>
          %lt3A_643 = arith.cmpi slt, %broadcast_in_dim3A_580, %lt3A_642 : vector<16xi32>
          %add3A_644 = arith.constant 16 : i32
          %add3A_645 = vector.broadcast %add3A_644 : i32 to vector<16xi32>
          %add3A_646 = arith.addi %broadcast_in_dim3A_580, %add3A_645 : vector<16xi32>
          %select_n3A_647 = arith.select %lt3A_643, %add3A_646, %broadcast_in_dim3A_580 : vector<16xi1>, vector<16xi32>
          %broadcast_in_dim3A_648 = vector.shape_cast %select_n3A_647 : vector<16xi32> to vector<16x1xi32>
          %gather3A_649 = vector.shape_cast %broadcast_in_dim3A_648 : vector<16x1xi32> to vector<16xi32>
          %gather3A_650 = tpu.dynamic_gather %get3A_640[%gather3A_649] in [0] : vector<16xi32>, vector<16xi32> -> vector<16xi32>
          %gather3A_651 = tpu.vector_load_idx %arg8[%gather3A_650, %iota3A] : memref<95x128xf32, #tpu.memory_space<vmem>>[vector<16xi32>, vector<16xi32>], vector<16xf32>,
          %mul3A_652 = arith.mulf %get3A_587, %gather3A_651 : vector<16xf32>
          %add3A_653 = arith.constant 16 : i32
          %add3A_654 = vector.broadcast %add3A_653 : i32 to vector<16xi32>
          %add3A_655 = arith.addi %iota3A, %add3A_654 : vector<16xi32>
          %gather3A_656 = tpu.vector_load_idx %arg8[%gather3A_650, %add3A_655] : memref<95x128xf32, #tpu.memory_space<vmem>>[vector<16xi32>, vector<16xi32>], vector<16xf32>,
          %mul3A_657 = arith.mulf %get3A_594, %gather3A_656 : vector<16xf32>
          %add3A_658 = arith.addf %mul3A_652, %mul3A_657 : vector<16xf32>
          %add3A_659 = arith.constant 32 : i32
          %add3A_660 = vector.broadcast %add3A_659 : i32 to vector<16xi32>
          %add3A_661 = arith.addi %iota3A, %add3A_660 : vector<16xi32>
          %gather3A_662 = tpu.vector_load_idx %arg8[%gather3A_650, %add3A_661] : memref<95x128xf32, #tpu.memory_space<vmem>>[vector<16xi32>, vector<16xi32>], vector<16xf32>,
          %mul3A_663 = arith.mulf %get3A_601, %gather3A_662 : vector<16xf32>
          %add3A_664 = arith.addf %add3A_658, %mul3A_663 : vector<16xf32>
          %add3A_665 = arith.constant 48 : i32
          %add3A_666 = vector.broadcast %add3A_665 : i32 to vector<16xi32>
          %add3A_667 = arith.addi %iota3A, %add3A_666 : vector<16xi32>
          %gather3A_668 = tpu.vector_load_idx %arg8[%gather3A_650, %add3A_667] : memref<95x128xf32, #tpu.memory_space<vmem>>[vector<16xi32>, vector<16xi32>], vector<16xf32>,
          %mul3A_669 = arith.mulf %get3A_608, %gather3A_668 : vector<16xf32>
          %add3A_670 = arith.addf %add3A_664, %mul3A_669 : vector<16xf32>
          %add3A_671 = arith.constant 64 : i32
          %add3A_672 = vector.broadcast %add3A_671 : i32 to vector<16xi32>
          %add3A_673 = arith.addi %iota3A, %add3A_672 : vector<16xi32>
          %gather3A_674 = tpu.vector_load_idx %arg8[%gather3A_650, %add3A_673] : memref<95x128xf32, #tpu.memory_space<vmem>>[vector<16xi32>, vector<16xi32>], vector<16xf32>,
          %mul3A_675 = arith.mulf %get3A_615, %gather3A_674 : vector<16xf32>
          %add3A_676 = arith.addf %add3A_670, %mul3A_675 : vector<16xf32>
          %add3A_677 = arith.constant 80 : i32
          %add3A_678 = vector.broadcast %add3A_677 : i32 to vector<16xi32>
          %add3A_679 = arith.addi %iota3A, %add3A_678 : vector<16xi32>
          %gather3A_680 = tpu.vector_load_idx %arg8[%gather3A_650, %add3A_679] : memref<95x128xf32, #tpu.memory_space<vmem>>[vector<16xi32>, vector<16xi32>], vector<16xf32>,
          %mul3A_681 = arith.mulf %get3A_622, %gather3A_680 : vector<16xf32>
          %add3A_682 = arith.addf %add3A_676, %mul3A_681 : vector<16xf32>
          %add3A_683 = arith.constant 96 : i32
          %add3A_684 = vector.broadcast %add3A_683 : i32 to vector<16xi32>
          %add3A_685 = arith.addi %iota3A, %add3A_684 : vector<16xi32>
          %gather3A_686 = tpu.vector_load_idx %arg8[%gather3A_650, %add3A_685] : memref<95x128xf32, #tpu.memory_space<vmem>>[vector<16xi32>, vector<16xi32>], vector<16xf32>,
          %mul3A_687 = arith.mulf %get3A_629, %gather3A_686 : vector<16xf32>
          %add3A_688 = arith.addf %add3A_682, %mul3A_687 : vector<16xf32>
          %add3A_689 = arith.constant 112 : i32
          %add3A_690 = vector.broadcast %add3A_689 : i32 to vector<16xi32>
          %add3A_691 = arith.addi %iota3A, %add3A_690 : vector<16xi32>
          %gather3A_692 = tpu.vector_load_idx %arg8[%gather3A_650, %add3A_691] : memref<95x128xf32, #tpu.memory_space<vmem>>[vector<16xi32>, vector<16xi32>], vector<16xf32>,
          %mul3A_693 = arith.mulf %get3A_636, %gather3A_692 : vector<16xf32>
          %add3A_694 = arith.addf %add3A_688, %mul3A_693 : vector<16xf32>
          %lt3A_695 = arith.constant 0 : i32
          %lt3A_696 = vector.broadcast %lt3A_695 : i32 to vector<16xi32>
          %lt3A_697 = arith.cmpi slt, %xor3A_23, %lt3A_696 : vector<16xi32>
          %add3A_698 = arith.constant 16 : i32
          %add3A_699 = vector.broadcast %add3A_698 : i32 to vector<16xi32>
          %add3A_700 = arith.addi %xor3A_23, %add3A_699 : vector<16xi32>
          %select_n3A_701 = arith.select %lt3A_697, %add3A_700, %xor3A_23 : vector<16xi1>, vector<16xi32>
          %broadcast_in_dim3A_702 = vector.shape_cast %select_n3A_701 : vector<16xi32> to vector<16x1xi32>
          %gather3A_703 = vector.shape_cast %broadcast_in_dim3A_702 : vector<16x1xi32> to vector<16xi32>
          %gather3A_704 = tpu.dynamic_gather %add3A_694[%gather3A_703] in [0] : vector<16xf32>, vector<16xi32> -> vector<16xf32>
          %add3A_705 = arith.addf %add3A_694, %gather3A_704 : vector<16xf32>
          %lt3A_706 = arith.constant 0 : i32
          %lt3A_707 = vector.broadcast %lt3A_706 : i32 to vector<16xi32>
          %lt3A_708 = arith.cmpi slt, %xor3A_26, %lt3A_707 : vector<16xi32>
          %add3A_709 = arith.constant 16 : i32
          %add3A_710 = vector.broadcast %add3A_709 : i32 to vector<16xi32>
          %add3A_711 = arith.addi %xor3A_26, %add3A_710 : vector<16xi32>
          %select_n3A_712 = arith.select %lt3A_708, %add3A_711, %xor3A_26 : vector<16xi1>, vector<16xi32>
          %broadcast_in_dim3A_713 = vector.shape_cast %select_n3A_712 : vector<16xi32> to vector<16x1xi32>
          %gather3A_714 = vector.shape_cast %broadcast_in_dim3A_713 : vector<16x1xi32> to vector<16xi32>
          %gather3A_715 = tpu.dynamic_gather %add3A_705[%gather3A_714] in [0] : vector<16xf32>, vector<16xi32> -> vector<16xf32>
          %add3A_716 = arith.addf %add3A_705, %gather3A_715 : vector<16xf32>
          %lt3A_717 = arith.constant 0 : i32
          %lt3A_718 = vector.broadcast %lt3A_717 : i32 to vector<16xi32>
          %lt3A_719 = arith.cmpi slt, %xor3A_29, %lt3A_718 : vector<16xi32>
          %add3A_720 = arith.constant 16 : i32
          %add3A_721 = vector.broadcast %add3A_720 : i32 to vector<16xi32>
          %add3A_722 = arith.addi %xor3A_29, %add3A_721 : vector<16xi32>
          %select_n3A_723 = arith.select %lt3A_719, %add3A_722, %xor3A_29 : vector<16xi1>, vector<16xi32>
          %broadcast_in_dim3A_724 = vector.shape_cast %select_n3A_723 : vector<16xi32> to vector<16x1xi32>
          %gather3A_725 = vector.shape_cast %broadcast_in_dim3A_724 : vector<16x1xi32> to vector<16xi32>
          %gather3A_726 = tpu.dynamic_gather %add3A_716[%gather3A_725] in [0] : vector<16xf32>, vector<16xi32> -> vector<16xf32>
          %add3A_727 = arith.addf %add3A_716, %gather3A_726 : vector<16xf32>
          %lt3A_728 = arith.constant 0 : i32
          %lt3A_729 = vector.broadcast %lt3A_728 : i32 to vector<16xi32>
          %lt3A_730 = arith.cmpi slt, %xor3A_32, %lt3A_729 : vector<16xi32>
          %add3A_731 = arith.constant 16 : i32
          %add3A_732 = vector.broadcast %add3A_731 : i32 to vector<16xi32>
          %add3A_733 = arith.addi %xor3A_32, %add3A_732 : vector<16xi32>
          %select_n3A_734 = arith.select %lt3A_730, %add3A_733, %xor3A_32 : vector<16xi1>, vector<16xi32>
          %broadcast_in_dim3A_735 = vector.shape_cast %select_n3A_734 : vector<16xi32> to vector<16x1xi32>
          %gather3A_736 = vector.shape_cast %broadcast_in_dim3A_735 : vector<16x1xi32> to vector<16xi32>
          %gather3A_737 = tpu.dynamic_gather %add3A_727[%gather3A_736] in [0] : vector<16xf32>, vector<16xi32> -> vector<16xf32>
          %add3A_738 = arith.addf %add3A_727, %gather3A_737 : vector<16xf32>
          %exp3A = math.exp %add3A_738 : vector<16xf32>
          %add3A_739 = arith.addf %while3A_550, %exp3A : vector<16xf32>
          %mul3A_740 = arith.mulf %exp3A, %get3A_587 : vector<16xf32>
          %add3A_741 = arith.addf %while3A_526, %mul3A_740 : vector<16xf32>
          %mul3A_742 = arith.mulf %exp3A, %get3A_594 : vector<16xf32>
          %add3A_743 = arith.addf %while3A_527, %mul3A_742 : vector<16xf32>
          %mul3A_744 = arith.mulf %exp3A, %get3A_601 : vector<16xf32>
          %add3A_745 = arith.addf %while3A_528, %mul3A_744 : vector<16xf32>
          %mul3A_746 = arith.mulf %exp3A, %get3A_608 : vector<16xf32>
          %add3A_747 = arith.addf %while3A_529, %mul3A_746 : vector<16xf32>
          %mul3A_748 = arith.mulf %exp3A, %get3A_615 : vector<16xf32>
          %add3A_749 = arith.addf %while3A_530, %mul3A_748 : vector<16xf32>
          %mul3A_750 = arith.mulf %exp3A, %get3A_622 : vector<16xf32>
          %add3A_751 = arith.addf %while3A_531, %mul3A_750 : vector<16xf32>
          %mul3A_752 = arith.mulf %exp3A, %get3A_629 : vector<16xf32>
          %add3A_753 = arith.addf %while3A_532, %mul3A_752 : vector<16xf32>
          %mul3A_754 = arith.mulf %exp3A, %get3A_636 : vector<16xf32>
          %add3A_755 = arith.addf %while3A_533, %mul3A_754 : vector<16xf32>
          %get3A_756 = arith.constant 1 : i32
          %get3A_757 = arith.index_cast %get3A_756 : i32 to index
          %get3A_758 = arith.index_cast %multiple_of3A_578 : i32 to index
          %get3A_759 = tpu.vector_load %arg9[%get3A_757, %get3A_758] {strides = array<i32>} : memref<3x512xi32, #tpu.memory_space<vmem>>, vector<16xi32>,
          %lt3A_760 = arith.constant 0 : i32
          %lt3A_761 = vector.broadcast %lt3A_760 : i32 to vector<16xi32>
          %lt3A_762 = arith.cmpi slt, %broadcast_in_dim3A_580, %lt3A_761 : vector<16xi32>
          %add3A_763 = arith.constant 16 : i32
          %add3A_764 = vector.broadcast %add3A_763 : i32 to vector<16xi32>
          %add3A_765 = arith.addi %broadcast_in_dim3A_580, %add3A_764 : vector<16xi32>
          %select_n3A_766 = arith.select %lt3A_762, %add3A_765, %broadcast_in_dim3A_580 : vector<16xi1>, vector<16xi32>
          %broadcast_in_dim3A_767 = vector.shape_cast %select_n3A_766 : vector<16xi32> to vector<16x1xi32>
          %gather3A_768 = vector.shape_cast %broadcast_in_dim3A_767 : vector<16x1xi32> to vector<16xi32>
          %gather3A_769 = tpu.dynamic_gather %get3A_759[%gather3A_768] in [0] : vector<16xi32>, vector<16xi32> -> vector<16xi32>
          %gather3A_770 = tpu.vector_load_idx %arg8[%gather3A_769, %iota3A] : memref<95x128xf32, #tpu.memory_space<vmem>>[vector<16xi32>, vector<16xi32>], vector<16xf32>,
          %mul3A_771 = arith.mulf %get3A_587, %gather3A_770 : vector<16xf32>
          %add3A_772 = arith.constant 16 : i32
          %add3A_773 = vector.broadcast %add3A_772 : i32 to vector<16xi32>
          %add3A_774 = arith.addi %iota3A, %add3A_773 : vector<16xi32>
          %gather3A_775 = tpu.vector_load_idx %arg8[%gather3A_769, %add3A_774] : memref<95x128xf32, #tpu.memory_space<vmem>>[vector<16xi32>, vector<16xi32>], vector<16xf32>,
          %mul3A_776 = arith.mulf %get3A_594, %gather3A_775 : vector<16xf32>
          %add3A_777 = arith.addf %mul3A_771, %mul3A_776 : vector<16xf32>
          %add3A_778 = arith.constant 32 : i32
          %add3A_779 = vector.broadcast %add3A_778 : i32 to vector<16xi32>
          %add3A_780 = arith.addi %iota3A, %add3A_779 : vector<16xi32>
          %gather3A_781 = tpu.vector_load_idx %arg8[%gather3A_769, %add3A_780] : memref<95x128xf32, #tpu.memory_space<vmem>>[vector<16xi32>, vector<16xi32>], vector<16xf32>,
          %mul3A_782 = arith.mulf %get3A_601, %gather3A_781 : vector<16xf32>
          %add3A_783 = arith.addf %add3A_777, %mul3A_782 : vector<16xf32>
          %add3A_784 = arith.constant 48 : i32
          %add3A_785 = vector.broadcast %add3A_784 : i32 to vector<16xi32>
          %add3A_786 = arith.addi %iota3A, %add3A_785 : vector<16xi32>
          %gather3A_787 = tpu.vector_load_idx %arg8[%gather3A_769, %add3A_786] : memref<95x128xf32, #tpu.memory_space<vmem>>[vector<16xi32>, vector<16xi32>], vector<16xf32>,
          %mul3A_788 = arith.mulf %get3A_608, %gather3A_787 : vector<16xf32>
          %add3A_789 = arith.addf %add3A_783, %mul3A_788 : vector<16xf32>
          %add3A_790 = arith.constant 64 : i32
          %add3A_791 = vector.broadcast %add3A_790 : i32 to vector<16xi32>
          %add3A_792 = arith.addi %iota3A, %add3A_791 : vector<16xi32>
          %gather3A_793 = tpu.vector_load_idx %arg8[%gather3A_769, %add3A_792] : memref<95x128xf32, #tpu.memory_space<vmem>>[vector<16xi32>, vector<16xi32>], vector<16xf32>,
          %mul3A_794 = arith.mulf %get3A_615, %gather3A_793 : vector<16xf32>
          %add3A_795 = arith.addf %add3A_789, %mul3A_794 : vector<16xf32>
          %add3A_796 = arith.constant 80 : i32
          %add3A_797 = vector.broadcast %add3A_796 : i32 to vector<16xi32>
          %add3A_798 = arith.addi %iota3A, %add3A_797 : vector<16xi32>
          %gather3A_799 = tpu.vector_load_idx %arg8[%gather3A_769, %add3A_798] : memref<95x128xf32, #tpu.memory_space<vmem>>[vector<16xi32>, vector<16xi32>], vector<16xf32>,
          %mul3A_800 = arith.mulf %get3A_622, %gather3A_799 : vector<16xf32>
          %add3A_801 = arith.addf %add3A_795, %mul3A_800 : vector<16xf32>
          %add3A_802 = arith.constant 96 : i32
          %add3A_803 = vector.broadcast %add3A_802 : i32 to vector<16xi32>
          %add3A_804 = arith.addi %iota3A, %add3A_803 : vector<16xi32>
          %gather3A_805 = tpu.vector_load_idx %arg8[%gather3A_769, %add3A_804] : memref<95x128xf32, #tpu.memory_space<vmem>>[vector<16xi32>, vector<16xi32>], vector<16xf32>,
          %mul3A_806 = arith.mulf %get3A_629, %gather3A_805 : vector<16xf32>
          %add3A_807 = arith.addf %add3A_801, %mul3A_806 : vector<16xf32>
          %add3A_808 = arith.constant 112 : i32
          %add3A_809 = vector.broadcast %add3A_808 : i32 to vector<16xi32>
          %add3A_810 = arith.addi %iota3A, %add3A_809 : vector<16xi32>
          %gather3A_811 = tpu.vector_load_idx %arg8[%gather3A_769, %add3A_810] : memref<95x128xf32, #tpu.memory_space<vmem>>[vector<16xi32>, vector<16xi32>], vector<16xf32>,
          %mul3A_812 = arith.mulf %get3A_636, %gather3A_811 : vector<16xf32>
          %add3A_813 = arith.addf %add3A_807, %mul3A_812 : vector<16xf32>
          %lt3A_814 = arith.constant 0 : i32
          %lt3A_815 = vector.broadcast %lt3A_814 : i32 to vector<16xi32>
          %lt3A_816 = arith.cmpi slt, %xor3A_23, %lt3A_815 : vector<16xi32>
          %add3A_817 = arith.constant 16 : i32
          %add3A_818 = vector.broadcast %add3A_817 : i32 to vector<16xi32>
          %add3A_819 = arith.addi %xor3A_23, %add3A_818 : vector<16xi32>
          %select_n3A_820 = arith.select %lt3A_816, %add3A_819, %xor3A_23 : vector<16xi1>, vector<16xi32>
          %broadcast_in_dim3A_821 = vector.shape_cast %select_n3A_820 : vector<16xi32> to vector<16x1xi32>
          %gather3A_822 = vector.shape_cast %broadcast_in_dim3A_821 : vector<16x1xi32> to vector<16xi32>
          %gather3A_823 = tpu.dynamic_gather %add3A_813[%gather3A_822] in [0] : vector<16xf32>, vector<16xi32> -> vector<16xf32>
          %add3A_824 = arith.addf %add3A_813, %gather3A_823 : vector<16xf32>
          %lt3A_825 = arith.constant 0 : i32
          %lt3A_826 = vector.broadcast %lt3A_825 : i32 to vector<16xi32>
          %lt3A_827 = arith.cmpi slt, %xor3A_26, %lt3A_826 : vector<16xi32>
          %add3A_828 = arith.constant 16 : i32
          %add3A_829 = vector.broadcast %add3A_828 : i32 to vector<16xi32>
          %add3A_830 = arith.addi %xor3A_26, %add3A_829 : vector<16xi32>
          %select_n3A_831 = arith.select %lt3A_827, %add3A_830, %xor3A_26 : vector<16xi1>, vector<16xi32>
          %broadcast_in_dim3A_832 = vector.shape_cast %select_n3A_831 : vector<16xi32> to vector<16x1xi32>
          %gather3A_833 = vector.shape_cast %broadcast_in_dim3A_832 : vector<16x1xi32> to vector<16xi32>
          %gather3A_834 = tpu.dynamic_gather %add3A_824[%gather3A_833] in [0] : vector<16xf32>, vector<16xi32> -> vector<16xf32>
          %add3A_835 = arith.addf %add3A_824, %gather3A_834 : vector<16xf32>
          %lt3A_836 = arith.constant 0 : i32
          %lt3A_837 = vector.broadcast %lt3A_836 : i32 to vector<16xi32>
          %lt3A_838 = arith.cmpi slt, %xor3A_29, %lt3A_837 : vector<16xi32>
          %add3A_839 = arith.constant 16 : i32
          %add3A_840 = vector.broadcast %add3A_839 : i32 to vector<16xi32>
          %add3A_841 = arith.addi %xor3A_29, %add3A_840 : vector<16xi32>
          %select_n3A_842 = arith.select %lt3A_838, %add3A_841, %xor3A_29 : vector<16xi1>, vector<16xi32>
          %broadcast_in_dim3A_843 = vector.shape_cast %select_n3A_842 : vector<16xi32> to vector<16x1xi32>
          %gather3A_844 = vector.shape_cast %broadcast_in_dim3A_843 : vector<16x1xi32> to vector<16xi32>
          %gather3A_845 = tpu.dynamic_gather %add3A_835[%gather3A_844] in [0] : vector<16xf32>, vector<16xi32> -> vector<16xf32>
          %add3A_846 = arith.addf %add3A_835, %gather3A_845 : vector<16xf32>
          %lt3A_847 = arith.constant 0 : i32
          %lt3A_848 = vector.broadcast %lt3A_847 : i32 to vector<16xi32>
          %lt3A_849 = arith.cmpi slt, %xor3A_32, %lt3A_848 : vector<16xi32>
          %add3A_850 = arith.constant 16 : i32
          %add3A_851 = vector.broadcast %add3A_850 : i32 to vector<16xi32>
          %add3A_852 = arith.addi %xor3A_32, %add3A_851 : vector<16xi32>
          %select_n3A_853 = arith.select %lt3A_849, %add3A_852, %xor3A_32 : vector<16xi1>, vector<16xi32>
          %broadcast_in_dim3A_854 = vector.shape_cast %select_n3A_853 : vector<16xi32> to vector<16x1xi32>
          %gather3A_855 = vector.shape_cast %broadcast_in_dim3A_854 : vector<16x1xi32> to vector<16xi32>
          %gather3A_856 = tpu.dynamic_gather %add3A_846[%gather3A_855] in [0] : vector<16xf32>, vector<16xi32> -> vector<16xf32>
          %add3A_857 = arith.addf %add3A_846, %gather3A_856 : vector<16xf32>
          %exp3A_858 = math.exp %add3A_857 : vector<16xf32>
          %add3A_859 = arith.addf %while3A_551, %exp3A_858 : vector<16xf32>
          %mul3A_860 = arith.mulf %exp3A_858, %get3A_587 : vector<16xf32>
          %add3A_861 = arith.addf %while3A_534, %mul3A_860 : vector<16xf32>
          %mul3A_862 = arith.mulf %exp3A_858, %get3A_594 : vector<16xf32>
          %add3A_863 = arith.addf %while3A_535, %mul3A_862 : vector<16xf32>
          %mul3A_864 = arith.mulf %exp3A_858, %get3A_601 : vector<16xf32>
          %add3A_865 = arith.addf %while3A_536, %mul3A_864 : vector<16xf32>
          %mul3A_866 = arith.mulf %exp3A_858, %get3A_608 : vector<16xf32>
          %add3A_867 = arith.addf %while3A_537, %mul3A_866 : vector<16xf32>
          %mul3A_868 = arith.mulf %exp3A_858, %get3A_615 : vector<16xf32>
          %add3A_869 = arith.addf %while3A_538, %mul3A_868 : vector<16xf32>
          %mul3A_870 = arith.mulf %exp3A_858, %get3A_622 : vector<16xf32>
          %add3A_871 = arith.addf %while3A_539, %mul3A_870 : vector<16xf32>
          %mul3A_872 = arith.mulf %exp3A_858, %get3A_629 : vector<16xf32>
          %add3A_873 = arith.addf %while3A_540, %mul3A_872 : vector<16xf32>
          %mul3A_874 = arith.mulf %exp3A_858, %get3A_636 : vector<16xf32>
          %add3A_875 = arith.addf %while3A_541, %mul3A_874 : vector<16xf32>
          %get3A_876 = arith.constant 2 : i32
          %get3A_877 = arith.index_cast %get3A_876 : i32 to index
          %get3A_878 = arith.index_cast %multiple_of3A_578 : i32 to index
          %get3A_879 = tpu.vector_load %arg9[%get3A_877, %get3A_878] {strides = array<i32>} : memref<3x512xi32, #tpu.memory_space<vmem>>, vector<16xi32>,
          %lt3A_880 = arith.constant 0 : i32
          %lt3A_881 = vector.broadcast %lt3A_880 : i32 to vector<16xi32>
          %lt3A_882 = arith.cmpi slt, %broadcast_in_dim3A_580, %lt3A_881 : vector<16xi32>
          %add3A_883 = arith.constant 16 : i32
          %add3A_884 = vector.broadcast %add3A_883 : i32 to vector<16xi32>
          %add3A_885 = arith.addi %broadcast_in_dim3A_580, %add3A_884 : vector<16xi32>
          %select_n3A_886 = arith.select %lt3A_882, %add3A_885, %broadcast_in_dim3A_580 : vector<16xi1>, vector<16xi32>
          %broadcast_in_dim3A_887 = vector.shape_cast %select_n3A_886 : vector<16xi32> to vector<16x1xi32>
          %gather3A_888 = vector.shape_cast %broadcast_in_dim3A_887 : vector<16x1xi32> to vector<16xi32>
          %gather3A_889 = tpu.dynamic_gather %get3A_879[%gather3A_888] in [0] : vector<16xi32>, vector<16xi32> -> vector<16xi32>
          %gather3A_890 = tpu.vector_load_idx %arg8[%gather3A_889, %iota3A] : memref<95x128xf32, #tpu.memory_space<vmem>>[vector<16xi32>, vector<16xi32>], vector<16xf32>,
          %mul3A_891 = arith.mulf %get3A_587, %gather3A_890 : vector<16xf32>
          %add3A_892 = arith.constant 16 : i32
          %add3A_893 = vector.broadcast %add3A_892 : i32 to vector<16xi32>
          %add3A_894 = arith.addi %iota3A, %add3A_893 : vector<16xi32>
          %gather3A_895 = tpu.vector_load_idx %arg8[%gather3A_889, %add3A_894] : memref<95x128xf32, #tpu.memory_space<vmem>>[vector<16xi32>, vector<16xi32>], vector<16xf32>,
          %mul3A_896 = arith.mulf %get3A_594, %gather3A_895 : vector<16xf32>
          %add3A_897 = arith.addf %mul3A_891, %mul3A_896 : vector<16xf32>
          %add3A_898 = arith.constant 32 : i32
          %add3A_899 = vector.broadcast %add3A_898 : i32 to vector<16xi32>
          %add3A_900 = arith.addi %iota3A, %add3A_899 : vector<16xi32>
          %gather3A_901 = tpu.vector_load_idx %arg8[%gather3A_889, %add3A_900] : memref<95x128xf32, #tpu.memory_space<vmem>>[vector<16xi32>, vector<16xi32>], vector<16xf32>,
          %mul3A_902 = arith.mulf %get3A_601, %gather3A_901 : vector<16xf32>
          %add3A_903 = arith.addf %add3A_897, %mul3A_902 : vector<16xf32>
          %add3A_904 = arith.constant 48 : i32
          %add3A_905 = vector.broadcast %add3A_904 : i32 to vector<16xi32>
          %add3A_906 = arith.addi %iota3A, %add3A_905 : vector<16xi32>
          %gather3A_907 = tpu.vector_load_idx %arg8[%gather3A_889, %add3A_906] : memref<95x128xf32, #tpu.memory_space<vmem>>[vector<16xi32>, vector<16xi32>], vector<16xf32>,
          %mul3A_908 = arith.mulf %get3A_608, %gather3A_907 : vector<16xf32>
          %add3A_909 = arith.addf %add3A_903, %mul3A_908 : vector<16xf32>
          %add3A_910 = arith.constant 64 : i32
          %add3A_911 = vector.broadcast %add3A_910 : i32 to vector<16xi32>
          %add3A_912 = arith.addi %iota3A, %add3A_911 : vector<16xi32>
          %gather3A_913 = tpu.vector_load_idx %arg8[%gather3A_889, %add3A_912] : memref<95x128xf32, #tpu.memory_space<vmem>>[vector<16xi32>, vector<16xi32>], vector<16xf32>,
          %mul3A_914 = arith.mulf %get3A_615, %gather3A_913 : vector<16xf32>
          %add3A_915 = arith.addf %add3A_909, %mul3A_914 : vector<16xf32>
          %add3A_916 = arith.constant 80 : i32
          %add3A_917 = vector.broadcast %add3A_916 : i32 to vector<16xi32>
          %add3A_918 = arith.addi %iota3A, %add3A_917 : vector<16xi32>
          %gather3A_919 = tpu.vector_load_idx %arg8[%gather3A_889, %add3A_918] : memref<95x128xf32, #tpu.memory_space<vmem>>[vector<16xi32>, vector<16xi32>], vector<16xf32>,
          %mul3A_920 = arith.mulf %get3A_622, %gather3A_919 : vector<16xf32>
          %add3A_921 = arith.addf %add3A_915, %mul3A_920 : vector<16xf32>
          %add3A_922 = arith.constant 96 : i32
          %add3A_923 = vector.broadcast %add3A_922 : i32 to vector<16xi32>
          %add3A_924 = arith.addi %iota3A, %add3A_923 : vector<16xi32>
          %gather3A_925 = tpu.vector_load_idx %arg8[%gather3A_889, %add3A_924] : memref<95x128xf32, #tpu.memory_space<vmem>>[vector<16xi32>, vector<16xi32>], vector<16xf32>,
          %mul3A_926 = arith.mulf %get3A_629, %gather3A_925 : vector<16xf32>
          %add3A_927 = arith.addf %add3A_921, %mul3A_926 : vector<16xf32>
          %add3A_928 = arith.constant 112 : i32
          %add3A_929 = vector.broadcast %add3A_928 : i32 to vector<16xi32>
          %add3A_930 = arith.addi %iota3A, %add3A_929 : vector<16xi32>
          %gather3A_931 = tpu.vector_load_idx %arg8[%gather3A_889, %add3A_930] : memref<95x128xf32, #tpu.memory_space<vmem>>[vector<16xi32>, vector<16xi32>], vector<16xf32>,
          %mul3A_932 = arith.mulf %get3A_636, %gather3A_931 : vector<16xf32>
          %add3A_933 = arith.addf %add3A_927, %mul3A_932 : vector<16xf32>
          %lt3A_934 = arith.constant 0 : i32
          %lt3A_935 = vector.broadcast %lt3A_934 : i32 to vector<16xi32>
          %lt3A_936 = arith.cmpi slt, %xor3A_23, %lt3A_935 : vector<16xi32>
          %add3A_937 = arith.constant 16 : i32
          %add3A_938 = vector.broadcast %add3A_937 : i32 to vector<16xi32>
          %add3A_939 = arith.addi %xor3A_23, %add3A_938 : vector<16xi32>
          %select_n3A_940 = arith.select %lt3A_936, %add3A_939, %xor3A_23 : vector<16xi1>, vector<16xi32>
          %broadcast_in_dim3A_941 = vector.shape_cast %select_n3A_940 : vector<16xi32> to vector<16x1xi32>
          %gather3A_942 = vector.shape_cast %broadcast_in_dim3A_941 : vector<16x1xi32> to vector<16xi32>
          %gather3A_943 = tpu.dynamic_gather %add3A_933[%gather3A_942] in [0] : vector<16xf32>, vector<16xi32> -> vector<16xf32>
          %add3A_944 = arith.addf %add3A_933, %gather3A_943 : vector<16xf32>
          %lt3A_945 = arith.constant 0 : i32
          %lt3A_946 = vector.broadcast %lt3A_945 : i32 to vector<16xi32>
          %lt3A_947 = arith.cmpi slt, %xor3A_26, %lt3A_946 : vector<16xi32>
          %add3A_948 = arith.constant 16 : i32
          %add3A_949 = vector.broadcast %add3A_948 : i32 to vector<16xi32>
          %add3A_950 = arith.addi %xor3A_26, %add3A_949 : vector<16xi32>
          %select_n3A_951 = arith.select %lt3A_947, %add3A_950, %xor3A_26 : vector<16xi1>, vector<16xi32>
          %broadcast_in_dim3A_952 = vector.shape_cast %select_n3A_951 : vector<16xi32> to vector<16x1xi32>
          %gather3A_953 = vector.shape_cast %broadcast_in_dim3A_952 : vector<16x1xi32> to vector<16xi32>
          %gather3A_954 = tpu.dynamic_gather %add3A_944[%gather3A_953] in [0] : vector<16xf32>, vector<16xi32> -> vector<16xf32>
          %add3A_955 = arith.addf %add3A_944, %gather3A_954 : vector<16xf32>
          %lt3A_956 = arith.constant 0 : i32
          %lt3A_957 = vector.broadcast %lt3A_956 : i32 to vector<16xi32>
          %lt3A_958 = arith.cmpi slt, %xor3A_29, %lt3A_957 : vector<16xi32>
          %add3A_959 = arith.constant 16 : i32
          %add3A_960 = vector.broadcast %add3A_959 : i32 to vector<16xi32>
          %add3A_961 = arith.addi %xor3A_29, %add3A_960 : vector<16xi32>
          %select_n3A_962 = arith.select %lt3A_958, %add3A_961, %xor3A_29 : vector<16xi1>, vector<16xi32>
          %broadcast_in_dim3A_963 = vector.shape_cast %select_n3A_962 : vector<16xi32> to vector<16x1xi32>
          %gather3A_964 = vector.shape_cast %broadcast_in_dim3A_963 : vector<16x1xi32> to vector<16xi32>
          %gather3A_965 = tpu.dynamic_gather %add3A_955[%gather3A_964] in [0] : vector<16xf32>, vector<16xi32> -> vector<16xf32>
          %add3A_966 = arith.addf %add3A_955, %gather3A_965 : vector<16xf32>
          %lt3A_967 = arith.constant 0 : i32
          %lt3A_968 = vector.broadcast %lt3A_967 : i32 to vector<16xi32>
          %lt3A_969 = arith.cmpi slt, %xor3A_32, %lt3A_968 : vector<16xi32>
          %add3A_970 = arith.constant 16 : i32
          %add3A_971 = vector.broadcast %add3A_970 : i32 to vector<16xi32>
          %add3A_972 = arith.addi %xor3A_32, %add3A_971 : vector<16xi32>
          %select_n3A_973 = arith.select %lt3A_969, %add3A_972, %xor3A_32 : vector<16xi1>, vector<16xi32>
          %broadcast_in_dim3A_974 = vector.shape_cast %select_n3A_973 : vector<16xi32> to vector<16x1xi32>
          %gather3A_975 = vector.shape_cast %broadcast_in_dim3A_974 : vector<16x1xi32> to vector<16xi32>
          %gather3A_976 = tpu.dynamic_gather %add3A_966[%gather3A_975] in [0] : vector<16xf32>, vector<16xi32> -> vector<16xf32>
          %add3A_977 = arith.addf %add3A_966, %gather3A_976 : vector<16xf32>
          %exp3A_978 = math.exp %add3A_977 : vector<16xf32>
          %add3A_979 = arith.addf %while3A_552, %exp3A_978 : vector<16xf32>
          %mul3A_980 = arith.mulf %exp3A_978, %get3A_587 : vector<16xf32>
          %add3A_981 = arith.addf %while3A_542, %mul3A_980 : vector<16xf32>
          %mul3A_982 = arith.mulf %exp3A_978, %get3A_594 : vector<16xf32>
          %add3A_983 = arith.addf %while3A_543, %mul3A_982 : vector<16xf32>
          %mul3A_984 = arith.mulf %exp3A_978, %get3A_601 : vector<16xf32>
          %add3A_985 = arith.addf %while3A_544, %mul3A_984 : vector<16xf32>
          %mul3A_986 = arith.mulf %exp3A_978, %get3A_608 : vector<16xf32>
          %add3A_987 = arith.addf %while3A_545, %mul3A_986 : vector<16xf32>
          %mul3A_988 = arith.mulf %exp3A_978, %get3A_615 : vector<16xf32>
          %add3A_989 = arith.addf %while3A_546, %mul3A_988 : vector<16xf32>
          %mul3A_990 = arith.mulf %exp3A_978, %get3A_622 : vector<16xf32>
          %add3A_991 = arith.addf %while3A_547, %mul3A_990 : vector<16xf32>
          %mul3A_992 = arith.mulf %exp3A_978, %get3A_629 : vector<16xf32>
          %add3A_993 = arith.addf %while3A_548, %mul3A_992 : vector<16xf32>
          %mul3A_994 = arith.mulf %exp3A_978, %get3A_636 : vector<16xf32>
          %add3A_995 = arith.addf %while3A_549, %mul3A_994 : vector<16xf32>
          scf.yield %add3A_741, %add3A_743, %add3A_745, %add3A_747, %add3A_749, %add3A_751, %add3A_753, %add3A_755, %add3A_861, %add3A_863, %add3A_865, %add3A_867, %add3A_869, %add3A_871, %add3A_873, %add3A_875, %add3A_981, %add3A_983, %add3A_985, %add3A_987, %add3A_989, %add3A_991, %add3A_993, %add3A_995, %add3A_739, %add3A_859, %add3A_979 : vector<16xf32>, vector<16xf32>, vector<16xf32>, vector<16xf32>, vector<16xf32>, vector<16xf32>, vector<16xf32>, vector<16xf32>, vector<16xf32>, vector<16xf32>, vector<16xf32>, vector<16xf32>, vector<16xf32>, vector<16xf32>, vector<16xf32>, vector<16xf32>, vector<16xf32>, vector<16xf32>, vector<16xf32>, vector<16xf32>, vector<16xf32>, vector<16xf32>, vector<16xf32>, vector<16xf32>, vector<16xf32>, vector<16xf32>, vector<16xf32>
        }
        %while3A_207 = arith.constant 1 : i32
        %while3A_208:27 = scf.for %while3A_525 = %while3A_204 to %while3A_200 step %while3A_207 iter_args(%while3A_526 = %while3A_206#0, %while3A_527 = %while3A_206#1, %while3A_528 = %while3A_206#2, %while3A_529 = %while3A_206#3, %while3A_530 = %while3A_206#4, %while3A_531 = %while3A_206#5, %while3A_532 = %while3A_206#6, %while3A_533 = %while3A_206#7, %while3A_534 = %while3A_206#8, %while3A_535 = %while3A_206#9, %while3A_536 = %while3A_206#10, %while3A_537 = %while3A_206#11, %while3A_538 = %while3A_206#12, %while3A_539 = %while3A_206#13, %while3A_540 = %while3A_206#14, %while3A_541 = %while3A_206#15, %while3A_542 = %while3A_206#16, %while3A_543 = %while3A_206#17, %while3A_544 = %while3A_206#18, %while3A_545 = %while3A_206#19, %while3A_546 = %while3A_206#20, %while3A_547 = %while3A_206#21, %while3A_548 = %while3A_206#22, %while3A_549 = %while3A_206#23, %while3A_550 = %while3A_206#24, %while3A_551 = %while3A_206#25, %while3A_552 = %while3A_206#26) -> (vector<16xf32>, vector<16xf32>, vector<16xf32>, vector<16xf32>, vector<16xf32>, vector<16xf32>, vector<16xf32>, vector<16xf32>, vector<16xf32>, vector<16xf32>, vector<16xf32>, vector<16xf32>, vector<16xf32>, vector<16xf32>, vector<16xf32>, vector<16xf32>, vector<16xf32>, vector<16xf32>, vector<16xf32>, vector<16xf32>, vector<16xf32>, vector<16xf32>, vector<16xf32>, vector<16xf32>, vector<16xf32>, vector<16xf32>, vector<16xf32>)  : i32 {
          %sub3A = arith.subi %while3A_525, %add3A_153 : i32
          %sub3A_553 = arith.subi %while3A_525, %mul3A_2 : i32
          %jit3A_554 = arith.constant 16 : i32
          %div3A = arith.divsi %sub3A_553, %jit3A_554 : i32
          %sign3A = arith.constant 0 : i32
          %sign3A_555 = arith.cmpi sgt, %sub3A_553, %sign3A : i32
          %sign3A_556 = arith.extui %sign3A_555 : i1 to i32
          %sign3A_557 = arith.constant 0 : i32
          %sign3A_558 = arith.cmpi slt, %sub3A_553, %sign3A_557 : i32
          %sign3A_559 = arith.extui %sign3A_558 : i1 to i32
          %sign3A_560 = arith.subi %sign3A_556, %sign3A_559 : i32
          %sign3A_561 = arith.constant 0 : i32
          %sign3A_562 = arith.cmpi sgt, %jit3A_554, %sign3A_561 : i32
          %sign3A_563 = arith.extui %sign3A_562 : i1 to i32
          %sign3A_564 = arith.constant 0 : i32
          %sign3A_565 = arith.cmpi slt, %jit3A_554, %sign3A_564 : i32
          %sign3A_566 = arith.extui %sign3A_565 : i1 to i32
          %sign3A_567 = arith.subi %sign3A_563, %sign3A_566 : i32
          %ne3A_568 = arith.cmpi ne, %sign3A_560, %sign3A_567 : i32
          %rem3A_569 = arith.remsi %sub3A_553, %jit3A_554 : i32
          %ne3A_570 = arith.constant 0 : i32
          %ne3A_571 = arith.cmpi ne, %rem3A_569, %ne3A_570 : i32
          %and3A_572 = arith.andi %ne3A_568, %ne3A_571 : i1
          %sub3A_573 = arith.constant 1 : i32
          %sub3A_574 = arith.subi %div3A, %sub3A_573 : i32
          %select_n3A_575 = arith.select %and3A_572, %sub3A_574, %div3A : i32
          %mul3A_576 = arith.constant 16 : i32
          %mul3A_577 = arith.muli %select_n3A_575, %mul3A_576 : i32
          %multiple_of3A_578 = tpu.assume_multiple %mul3A_577, 16 : i32
          %sub3A_579 = arith.subi %sub3A_553, %multiple_of3A_578 : i32
          %broadcast_in_dim3A_580 = vector.broadcast %sub3A_579 : i32 to vector<16xi32>
          %get3A_581 = arith.constant 0 : i32
          %get3A_582 = arith.constant 0 : i32
          %get3A_583 = tpu.memref_slice %arg11[%scan3A_162, %get3A_581, %get3A_582] : memref<2x256x128xf32, #tpu.memory_space<vmem>> -> memref<1x256x128xf32, #tpu.memory_space<vmem>>
          %get3A_584 = tpu.memref_squeeze %get3A_583 : memref<1x256x128xf32, #tpu.memory_space<vmem>> -> memref<256x128xf32, #tpu.memory_space<vmem>>
          %get3A_585 = arith.index_cast %sub3A : i32 to index
          %get3A_586 = arith.constant 0 : index
          %get3A_587 = tpu.vector_load %get3A_584[%get3A_585, %get3A_586] {strides = array<i32>} : memref<256x128xf32, #tpu.memory_space<vmem>>, vector<16xf32>,
          %get3A_588 = arith.constant 0 : i32
          %get3A_589 = arith.constant 0 : i32
          %get3A_590 = tpu.memref_slice %arg11[%scan3A_162, %get3A_588, %get3A_589] : memref<2x256x128xf32, #tpu.memory_space<vmem>> -> memref<1x256x128xf32, #tpu.memory_space<vmem>>
          %get3A_591 = tpu.memref_squeeze %get3A_590 : memref<1x256x128xf32, #tpu.memory_space<vmem>> -> memref<256x128xf32, #tpu.memory_space<vmem>>
          %get3A_592 = arith.index_cast %sub3A : i32 to index
          %get3A_593 = arith.constant 16 : index
          %get3A_594 = tpu.vector_load %get3A_591[%get3A_592, %get3A_593] {strides = array<i32>} : memref<256x128xf32, #tpu.memory_space<vmem>>, vector<16xf32>,
          %get3A_595 = arith.constant 0 : i32
          %get3A_596 = arith.constant 0 : i32
          %get3A_597 = tpu.memref_slice %arg11[%scan3A_162, %get3A_595, %get3A_596] : memref<2x256x128xf32, #tpu.memory_space<vmem>> -> memref<1x256x128xf32, #tpu.memory_space<vmem>>
          %get3A_598 = tpu.memref_squeeze %get3A_597 : memref<1x256x128xf32, #tpu.memory_space<vmem>> -> memref<256x128xf32, #tpu.memory_space<vmem>>
          %get3A_599 = arith.index_cast %sub3A : i32 to index
          %get3A_600 = arith.constant 32 : index
          %get3A_601 = tpu.vector_load %get3A_598[%get3A_599, %get3A_600] {strides = array<i32>} : memref<256x128xf32, #tpu.memory_space<vmem>>, vector<16xf32>,
          %get3A_602 = arith.constant 0 : i32
          %get3A_603 = arith.constant 0 : i32
          %get3A_604 = tpu.memref_slice %arg11[%scan3A_162, %get3A_602, %get3A_603] : memref<2x256x128xf32, #tpu.memory_space<vmem>> -> memref<1x256x128xf32, #tpu.memory_space<vmem>>
          %get3A_605 = tpu.memref_squeeze %get3A_604 : memref<1x256x128xf32, #tpu.memory_space<vmem>> -> memref<256x128xf32, #tpu.memory_space<vmem>>
          %get3A_606 = arith.index_cast %sub3A : i32 to index
          %get3A_607 = arith.constant 48 : index
          %get3A_608 = tpu.vector_load %get3A_605[%get3A_606, %get3A_607] {strides = array<i32>} : memref<256x128xf32, #tpu.memory_space<vmem>>, vector<16xf32>,
          %get3A_609 = arith.constant 0 : i32
          %get3A_610 = arith.constant 0 : i32
          %get3A_611 = tpu.memref_slice %arg11[%scan3A_162, %get3A_609, %get3A_610] : memref<2x256x128xf32, #tpu.memory_space<vmem>> -> memref<1x256x128xf32, #tpu.memory_space<vmem>>
          %get3A_612 = tpu.memref_squeeze %get3A_611 : memref<1x256x128xf32, #tpu.memory_space<vmem>> -> memref<256x128xf32, #tpu.memory_space<vmem>>
          %get3A_613 = arith.index_cast %sub3A : i32 to index
          %get3A_614 = arith.constant 64 : index
          %get3A_615 = tpu.vector_load %get3A_612[%get3A_613, %get3A_614] {strides = array<i32>} : memref<256x128xf32, #tpu.memory_space<vmem>>, vector<16xf32>,
          %get3A_616 = arith.constant 0 : i32
          %get3A_617 = arith.constant 0 : i32
          %get3A_618 = tpu.memref_slice %arg11[%scan3A_162, %get3A_616, %get3A_617] : memref<2x256x128xf32, #tpu.memory_space<vmem>> -> memref<1x256x128xf32, #tpu.memory_space<vmem>>
          %get3A_619 = tpu.memref_squeeze %get3A_618 : memref<1x256x128xf32, #tpu.memory_space<vmem>> -> memref<256x128xf32, #tpu.memory_space<vmem>>
          %get3A_620 = arith.index_cast %sub3A : i32 to index
          %get3A_621 = arith.constant 80 : index
          %get3A_622 = tpu.vector_load %get3A_619[%get3A_620, %get3A_621] {strides = array<i32>} : memref<256x128xf32, #tpu.memory_space<vmem>>, vector<16xf32>,
          %get3A_623 = arith.constant 0 : i32
          %get3A_624 = arith.constant 0 : i32
          %get3A_625 = tpu.memref_slice %arg11[%scan3A_162, %get3A_623, %get3A_624] : memref<2x256x128xf32, #tpu.memory_space<vmem>> -> memref<1x256x128xf32, #tpu.memory_space<vmem>>
          %get3A_626 = tpu.memref_squeeze %get3A_625 : memref<1x256x128xf32, #tpu.memory_space<vmem>> -> memref<256x128xf32, #tpu.memory_space<vmem>>
          %get3A_627 = arith.index_cast %sub3A : i32 to index
          %get3A_628 = arith.constant 96 : index
          %get3A_629 = tpu.vector_load %get3A_626[%get3A_627, %get3A_628] {strides = array<i32>} : memref<256x128xf32, #tpu.memory_space<vmem>>, vector<16xf32>,
          %get3A_630 = arith.constant 0 : i32
          %get3A_631 = arith.constant 0 : i32
          %get3A_632 = tpu.memref_slice %arg11[%scan3A_162, %get3A_630, %get3A_631] : memref<2x256x128xf32, #tpu.memory_space<vmem>> -> memref<1x256x128xf32, #tpu.memory_space<vmem>>
          %get3A_633 = tpu.memref_squeeze %get3A_632 : memref<1x256x128xf32, #tpu.memory_space<vmem>> -> memref<256x128xf32, #tpu.memory_space<vmem>>
          %get3A_634 = arith.index_cast %sub3A : i32 to index
          %get3A_635 = arith.constant 112 : index
          %get3A_636 = tpu.vector_load %get3A_633[%get3A_634, %get3A_635] {strides = array<i32>} : memref<256x128xf32, #tpu.memory_space<vmem>>, vector<16xf32>,
          %get3A_637 = arith.constant 0 : i32
          %get3A_638 = arith.index_cast %get3A_637 : i32 to index
          %get3A_639 = arith.index_cast %multiple_of3A_578 : i32 to index
          %get3A_640 = tpu.vector_load %arg9[%get3A_638, %get3A_639] {strides = array<i32>} : memref<3x512xi32, #tpu.memory_space<vmem>>, vector<16xi32>,
          %lt3A_641 = arith.constant 0 : i32
          %lt3A_642 = vector.broadcast %lt3A_641 : i32 to vector<16xi32>
          %lt3A_643 = arith.cmpi slt, %broadcast_in_dim3A_580, %lt3A_642 : vector<16xi32>
          %add3A_644 = arith.constant 16 : i32
          %add3A_645 = vector.broadcast %add3A_644 : i32 to vector<16xi32>
          %add3A_646 = arith.addi %broadcast_in_dim3A_580, %add3A_645 : vector<16xi32>
          %select_n3A_647 = arith.select %lt3A_643, %add3A_646, %broadcast_in_dim3A_580 : vector<16xi1>, vector<16xi32>
          %broadcast_in_dim3A_648 = vector.shape_cast %select_n3A_647 : vector<16xi32> to vector<16x1xi32>
          %gather3A_649 = vector.shape_cast %broadcast_in_dim3A_648 : vector<16x1xi32> to vector<16xi32>
          %gather3A_650 = tpu.dynamic_gather %get3A_640[%gather3A_649] in [0] : vector<16xi32>, vector<16xi32> -> vector<16xi32>
          %gather3A_651 = tpu.vector_load_idx %arg8[%gather3A_650, %iota3A] : memref<95x128xf32, #tpu.memory_space<vmem>>[vector<16xi32>, vector<16xi32>], vector<16xf32>,
          %mul3A_652 = arith.mulf %get3A_587, %gather3A_651 : vector<16xf32>
          %add3A_653 = arith.constant 16 : i32
          %add3A_654 = vector.broadcast %add3A_653 : i32 to vector<16xi32>
          %add3A_655 = arith.addi %iota3A, %add3A_654 : vector<16xi32>
          %gather3A_656 = tpu.vector_load_idx %arg8[%gather3A_650, %add3A_655] : memref<95x128xf32, #tpu.memory_space<vmem>>[vector<16xi32>, vector<16xi32>], vector<16xf32>,
          %mul3A_657 = arith.mulf %get3A_594, %gather3A_656 : vector<16xf32>
          %add3A_658 = arith.addf %mul3A_652, %mul3A_657 : vector<16xf32>
          %add3A_659 = arith.constant 32 : i32
          %add3A_660 = vector.broadcast %add3A_659 : i32 to vector<16xi32>
          %add3A_661 = arith.addi %iota3A, %add3A_660 : vector<16xi32>
          %gather3A_662 = tpu.vector_load_idx %arg8[%gather3A_650, %add3A_661] : memref<95x128xf32, #tpu.memory_space<vmem>>[vector<16xi32>, vector<16xi32>], vector<16xf32>,
          %mul3A_663 = arith.mulf %get3A_601, %gather3A_662 : vector<16xf32>
          %add3A_664 = arith.addf %add3A_658, %mul3A_663 : vector<16xf32>
          %add3A_665 = arith.constant 48 : i32
          %add3A_666 = vector.broadcast %add3A_665 : i32 to vector<16xi32>
          %add3A_667 = arith.addi %iota3A, %add3A_666 : vector<16xi32>
          %gather3A_668 = tpu.vector_load_idx %arg8[%gather3A_650, %add3A_667] : memref<95x128xf32, #tpu.memory_space<vmem>>[vector<16xi32>, vector<16xi32>], vector<16xf32>,
          %mul3A_669 = arith.mulf %get3A_608, %gather3A_668 : vector<16xf32>
          %add3A_670 = arith.addf %add3A_664, %mul3A_669 : vector<16xf32>
          %add3A_671 = arith.constant 64 : i32
          %add3A_672 = vector.broadcast %add3A_671 : i32 to vector<16xi32>
          %add3A_673 = arith.addi %iota3A, %add3A_672 : vector<16xi32>
          %gather3A_674 = tpu.vector_load_idx %arg8[%gather3A_650, %add3A_673] : memref<95x128xf32, #tpu.memory_space<vmem>>[vector<16xi32>, vector<16xi32>], vector<16xf32>,
          %mul3A_675 = arith.mulf %get3A_615, %gather3A_674 : vector<16xf32>
          %add3A_676 = arith.addf %add3A_670, %mul3A_675 : vector<16xf32>
          %add3A_677 = arith.constant 80 : i32
          %add3A_678 = vector.broadcast %add3A_677 : i32 to vector<16xi32>
          %add3A_679 = arith.addi %iota3A, %add3A_678 : vector<16xi32>
          %gather3A_680 = tpu.vector_load_idx %arg8[%gather3A_650, %add3A_679] : memref<95x128xf32, #tpu.memory_space<vmem>>[vector<16xi32>, vector<16xi32>], vector<16xf32>,
          %mul3A_681 = arith.mulf %get3A_622, %gather3A_680 : vector<16xf32>
          %add3A_682 = arith.addf %add3A_676, %mul3A_681 : vector<16xf32>
          %add3A_683 = arith.constant 96 : i32
          %add3A_684 = vector.broadcast %add3A_683 : i32 to vector<16xi32>
          %add3A_685 = arith.addi %iota3A, %add3A_684 : vector<16xi32>
          %gather3A_686 = tpu.vector_load_idx %arg8[%gather3A_650, %add3A_685] : memref<95x128xf32, #tpu.memory_space<vmem>>[vector<16xi32>, vector<16xi32>], vector<16xf32>,
          %mul3A_687 = arith.mulf %get3A_629, %gather3A_686 : vector<16xf32>
          %add3A_688 = arith.addf %add3A_682, %mul3A_687 : vector<16xf32>
          %add3A_689 = arith.constant 112 : i32
          %add3A_690 = vector.broadcast %add3A_689 : i32 to vector<16xi32>
          %add3A_691 = arith.addi %iota3A, %add3A_690 : vector<16xi32>
          %gather3A_692 = tpu.vector_load_idx %arg8[%gather3A_650, %add3A_691] : memref<95x128xf32, #tpu.memory_space<vmem>>[vector<16xi32>, vector<16xi32>], vector<16xf32>,
          %mul3A_693 = arith.mulf %get3A_636, %gather3A_692 : vector<16xf32>
          %add3A_694 = arith.addf %add3A_688, %mul3A_693 : vector<16xf32>
          %lt3A_695 = arith.constant 0 : i32
          %lt3A_696 = vector.broadcast %lt3A_695 : i32 to vector<16xi32>
          %lt3A_697 = arith.cmpi slt, %xor3A_23, %lt3A_696 : vector<16xi32>
          %add3A_698 = arith.constant 16 : i32
          %add3A_699 = vector.broadcast %add3A_698 : i32 to vector<16xi32>
          %add3A_700 = arith.addi %xor3A_23, %add3A_699 : vector<16xi32>
          %select_n3A_701 = arith.select %lt3A_697, %add3A_700, %xor3A_23 : vector<16xi1>, vector<16xi32>
          %broadcast_in_dim3A_702 = vector.shape_cast %select_n3A_701 : vector<16xi32> to vector<16x1xi32>
          %gather3A_703 = vector.shape_cast %broadcast_in_dim3A_702 : vector<16x1xi32> to vector<16xi32>
          %gather3A_704 = tpu.dynamic_gather %add3A_694[%gather3A_703] in [0] : vector<16xf32>, vector<16xi32> -> vector<16xf32>
          %add3A_705 = arith.addf %add3A_694, %gather3A_704 : vector<16xf32>
          %lt3A_706 = arith.constant 0 : i32
          %lt3A_707 = vector.broadcast %lt3A_706 : i32 to vector<16xi32>
          %lt3A_708 = arith.cmpi slt, %xor3A_26, %lt3A_707 : vector<16xi32>
          %add3A_709 = arith.constant 16 : i32
          %add3A_710 = vector.broadcast %add3A_709 : i32 to vector<16xi32>
          %add3A_711 = arith.addi %xor3A_26, %add3A_710 : vector<16xi32>
          %select_n3A_712 = arith.select %lt3A_708, %add3A_711, %xor3A_26 : vector<16xi1>, vector<16xi32>
          %broadcast_in_dim3A_713 = vector.shape_cast %select_n3A_712 : vector<16xi32> to vector<16x1xi32>
          %gather3A_714 = vector.shape_cast %broadcast_in_dim3A_713 : vector<16x1xi32> to vector<16xi32>
          %gather3A_715 = tpu.dynamic_gather %add3A_705[%gather3A_714] in [0] : vector<16xf32>, vector<16xi32> -> vector<16xf32>
          %add3A_716 = arith.addf %add3A_705, %gather3A_715 : vector<16xf32>
          %lt3A_717 = arith.constant 0 : i32
          %lt3A_718 = vector.broadcast %lt3A_717 : i32 to vector<16xi32>
          %lt3A_719 = arith.cmpi slt, %xor3A_29, %lt3A_718 : vector<16xi32>
          %add3A_720 = arith.constant 16 : i32
          %add3A_721 = vector.broadcast %add3A_720 : i32 to vector<16xi32>
          %add3A_722 = arith.addi %xor3A_29, %add3A_721 : vector<16xi32>
          %select_n3A_723 = arith.select %lt3A_719, %add3A_722, %xor3A_29 : vector<16xi1>, vector<16xi32>
          %broadcast_in_dim3A_724 = vector.shape_cast %select_n3A_723 : vector<16xi32> to vector<16x1xi32>
          %gather3A_725 = vector.shape_cast %broadcast_in_dim3A_724 : vector<16x1xi32> to vector<16xi32>
          %gather3A_726 = tpu.dynamic_gather %add3A_716[%gather3A_725] in [0] : vector<16xf32>, vector<16xi32> -> vector<16xf32>
          %add3A_727 = arith.addf %add3A_716, %gather3A_726 : vector<16xf32>
          %lt3A_728 = arith.constant 0 : i32
          %lt3A_729 = vector.broadcast %lt3A_728 : i32 to vector<16xi32>
          %lt3A_730 = arith.cmpi slt, %xor3A_32, %lt3A_729 : vector<16xi32>
          %add3A_731 = arith.constant 16 : i32
          %add3A_732 = vector.broadcast %add3A_731 : i32 to vector<16xi32>
          %add3A_733 = arith.addi %xor3A_32, %add3A_732 : vector<16xi32>
          %select_n3A_734 = arith.select %lt3A_730, %add3A_733, %xor3A_32 : vector<16xi1>, vector<16xi32>
          %broadcast_in_dim3A_735 = vector.shape_cast %select_n3A_734 : vector<16xi32> to vector<16x1xi32>
          %gather3A_736 = vector.shape_cast %broadcast_in_dim3A_735 : vector<16x1xi32> to vector<16xi32>
          %gather3A_737 = tpu.dynamic_gather %add3A_727[%gather3A_736] in [0] : vector<16xf32>, vector<16xi32> -> vector<16xf32>
          %add3A_738 = arith.addf %add3A_727, %gather3A_737 : vector<16xf32>
          %exp3A = math.exp %add3A_738 : vector<16xf32>
          %add3A_739 = arith.addf %while3A_550, %exp3A : vector<16xf32>
          %mul3A_740 = arith.mulf %exp3A, %get3A_587 : vector<16xf32>
          %add3A_741 = arith.addf %while3A_526, %mul3A_740 : vector<16xf32>
          %mul3A_742 = arith.mulf %exp3A, %get3A_594 : vector<16xf32>
          %add3A_743 = arith.addf %while3A_527, %mul3A_742 : vector<16xf32>
          %mul3A_744 = arith.mulf %exp3A, %get3A_601 : vector<16xf32>
          %add3A_745 = arith.addf %while3A_528, %mul3A_744 : vector<16xf32>
          %mul3A_746 = arith.mulf %exp3A, %get3A_608 : vector<16xf32>
          %add3A_747 = arith.addf %while3A_529, %mul3A_746 : vector<16xf32>
          %mul3A_748 = arith.mulf %exp3A, %get3A_615 : vector<16xf32>
          %add3A_749 = arith.addf %while3A_530, %mul3A_748 : vector<16xf32>
          %mul3A_750 = arith.mulf %exp3A, %get3A_622 : vector<16xf32>
          %add3A_751 = arith.addf %while3A_531, %mul3A_750 : vector<16xf32>
          %mul3A_752 = arith.mulf %exp3A, %get3A_629 : vector<16xf32>
          %add3A_753 = arith.addf %while3A_532, %mul3A_752 : vector<16xf32>
          %mul3A_754 = arith.mulf %exp3A, %get3A_636 : vector<16xf32>
          %add3A_755 = arith.addf %while3A_533, %mul3A_754 : vector<16xf32>
          %get3A_756 = arith.constant 1 : i32
          %get3A_757 = arith.index_cast %get3A_756 : i32 to index
          %get3A_758 = arith.index_cast %multiple_of3A_578 : i32 to index
          %get3A_759 = tpu.vector_load %arg9[%get3A_757, %get3A_758] {strides = array<i32>} : memref<3x512xi32, #tpu.memory_space<vmem>>, vector<16xi32>,
          %lt3A_760 = arith.constant 0 : i32
          %lt3A_761 = vector.broadcast %lt3A_760 : i32 to vector<16xi32>
          %lt3A_762 = arith.cmpi slt, %broadcast_in_dim3A_580, %lt3A_761 : vector<16xi32>
          %add3A_763 = arith.constant 16 : i32
          %add3A_764 = vector.broadcast %add3A_763 : i32 to vector<16xi32>
          %add3A_765 = arith.addi %broadcast_in_dim3A_580, %add3A_764 : vector<16xi32>
          %select_n3A_766 = arith.select %lt3A_762, %add3A_765, %broadcast_in_dim3A_580 : vector<16xi1>, vector<16xi32>
          %broadcast_in_dim3A_767 = vector.shape_cast %select_n3A_766 : vector<16xi32> to vector<16x1xi32>
          %gather3A_768 = vector.shape_cast %broadcast_in_dim3A_767 : vector<16x1xi32> to vector<16xi32>
          %gather3A_769 = tpu.dynamic_gather %get3A_759[%gather3A_768] in [0] : vector<16xi32>, vector<16xi32> -> vector<16xi32>
          %gather3A_770 = tpu.vector_load_idx %arg8[%gather3A_769, %iota3A] : memref<95x128xf32, #tpu.memory_space<vmem>>[vector<16xi32>, vector<16xi32>], vector<16xf32>,
          %mul3A_771 = arith.mulf %get3A_587, %gather3A_770 : vector<16xf32>
          %add3A_772 = arith.constant 16 : i32
          %add3A_773 = vector.broadcast %add3A_772 : i32 to vector<16xi32>
          %add3A_774 = arith.addi %iota3A, %add3A_773 : vector<16xi32>
          %gather3A_775 = tpu.vector_load_idx %arg8[%gather3A_769, %add3A_774] : memref<95x128xf32, #tpu.memory_space<vmem>>[vector<16xi32>, vector<16xi32>], vector<16xf32>,
          %mul3A_776 = arith.mulf %get3A_594, %gather3A_775 : vector<16xf32>
          %add3A_777 = arith.addf %mul3A_771, %mul3A_776 : vector<16xf32>
          %add3A_778 = arith.constant 32 : i32
          %add3A_779 = vector.broadcast %add3A_778 : i32 to vector<16xi32>
          %add3A_780 = arith.addi %iota3A, %add3A_779 : vector<16xi32>
          %gather3A_781 = tpu.vector_load_idx %arg8[%gather3A_769, %add3A_780] : memref<95x128xf32, #tpu.memory_space<vmem>>[vector<16xi32>, vector<16xi32>], vector<16xf32>,
          %mul3A_782 = arith.mulf %get3A_601, %gather3A_781 : vector<16xf32>
          %add3A_783 = arith.addf %add3A_777, %mul3A_782 : vector<16xf32>
          %add3A_784 = arith.constant 48 : i32
          %add3A_785 = vector.broadcast %add3A_784 : i32 to vector<16xi32>
          %add3A_786 = arith.addi %iota3A, %add3A_785 : vector<16xi32>
          %gather3A_787 = tpu.vector_load_idx %arg8[%gather3A_769, %add3A_786] : memref<95x128xf32, #tpu.memory_space<vmem>>[vector<16xi32>, vector<16xi32>], vector<16xf32>,
          %mul3A_788 = arith.mulf %get3A_608, %gather3A_787 : vector<16xf32>
          %add3A_789 = arith.addf %add3A_783, %mul3A_788 : vector<16xf32>
          %add3A_790 = arith.constant 64 : i32
          %add3A_791 = vector.broadcast %add3A_790 : i32 to vector<16xi32>
          %add3A_792 = arith.addi %iota3A, %add3A_791 : vector<16xi32>
          %gather3A_793 = tpu.vector_load_idx %arg8[%gather3A_769, %add3A_792] : memref<95x128xf32, #tpu.memory_space<vmem>>[vector<16xi32>, vector<16xi32>], vector<16xf32>,
          %mul3A_794 = arith.mulf %get3A_615, %gather3A_793 : vector<16xf32>
          %add3A_795 = arith.addf %add3A_789, %mul3A_794 : vector<16xf32>
          %add3A_796 = arith.constant 80 : i32
          %add3A_797 = vector.broadcast %add3A_796 : i32 to vector<16xi32>
          %add3A_798 = arith.addi %iota3A, %add3A_797 : vector<16xi32>
          %gather3A_799 = tpu.vector_load_idx %arg8[%gather3A_769, %add3A_798] : memref<95x128xf32, #tpu.memory_space<vmem>>[vector<16xi32>, vector<16xi32>], vector<16xf32>,
          %mul3A_800 = arith.mulf %get3A_622, %gather3A_799 : vector<16xf32>
          %add3A_801 = arith.addf %add3A_795, %mul3A_800 : vector<16xf32>
          %add3A_802 = arith.constant 96 : i32
          %add3A_803 = vector.broadcast %add3A_802 : i32 to vector<16xi32>
          %add3A_804 = arith.addi %iota3A, %add3A_803 : vector<16xi32>
          %gather3A_805 = tpu.vector_load_idx %arg8[%gather3A_769, %add3A_804] : memref<95x128xf32, #tpu.memory_space<vmem>>[vector<16xi32>, vector<16xi32>], vector<16xf32>,
          %mul3A_806 = arith.mulf %get3A_629, %gather3A_805 : vector<16xf32>
          %add3A_807 = arith.addf %add3A_801, %mul3A_806 : vector<16xf32>
          %add3A_808 = arith.constant 112 : i32
          %add3A_809 = vector.broadcast %add3A_808 : i32 to vector<16xi32>
          %add3A_810 = arith.addi %iota3A, %add3A_809 : vector<16xi32>
          %gather3A_811 = tpu.vector_load_idx %arg8[%gather3A_769, %add3A_810] : memref<95x128xf32, #tpu.memory_space<vmem>>[vector<16xi32>, vector<16xi32>], vector<16xf32>,
          %mul3A_812 = arith.mulf %get3A_636, %gather3A_811 : vector<16xf32>
          %add3A_813 = arith.addf %add3A_807, %mul3A_812 : vector<16xf32>
          %lt3A_814 = arith.constant 0 : i32
          %lt3A_815 = vector.broadcast %lt3A_814 : i32 to vector<16xi32>
          %lt3A_816 = arith.cmpi slt, %xor3A_23, %lt3A_815 : vector<16xi32>
          %add3A_817 = arith.constant 16 : i32
          %add3A_818 = vector.broadcast %add3A_817 : i32 to vector<16xi32>
          %add3A_819 = arith.addi %xor3A_23, %add3A_818 : vector<16xi32>
          %select_n3A_820 = arith.select %lt3A_816, %add3A_819, %xor3A_23 : vector<16xi1>, vector<16xi32>
          %broadcast_in_dim3A_821 = vector.shape_cast %select_n3A_820 : vector<16xi32> to vector<16x1xi32>
          %gather3A_822 = vector.shape_cast %broadcast_in_dim3A_821 : vector<16x1xi32> to vector<16xi32>
          %gather3A_823 = tpu.dynamic_gather %add3A_813[%gather3A_822] in [0] : vector<16xf32>, vector<16xi32> -> vector<16xf32>
          %add3A_824 = arith.addf %add3A_813, %gather3A_823 : vector<16xf32>
          %lt3A_825 = arith.constant 0 : i32
          %lt3A_826 = vector.broadcast %lt3A_825 : i32 to vector<16xi32>
          %lt3A_827 = arith.cmpi slt, %xor3A_26, %lt3A_826 : vector<16xi32>
          %add3A_828 = arith.constant 16 : i32
          %add3A_829 = vector.broadcast %add3A_828 : i32 to vector<16xi32>
          %add3A_830 = arith.addi %xor3A_26, %add3A_829 : vector<16xi32>
          %select_n3A_831 = arith.select %lt3A_827, %add3A_830, %xor3A_26 : vector<16xi1>, vector<16xi32>
          %broadcast_in_dim3A_832 = vector.shape_cast %select_n3A_831 : vector<16xi32> to vector<16x1xi32>
          %gather3A_833 = vector.shape_cast %broadcast_in_dim3A_832 : vector<16x1xi32> to vector<16xi32>
          %gather3A_834 = tpu.dynamic_gather %add3A_824[%gather3A_833] in [0] : vector<16xf32>, vector<16xi32> -> vector<16xf32>
          %add3A_835 = arith.addf %add3A_824, %gather3A_834 : vector<16xf32>
          %lt3A_836 = arith.constant 0 : i32
          %lt3A_837 = vector.broadcast %lt3A_836 : i32 to vector<16xi32>
          %lt3A_838 = arith.cmpi slt, %xor3A_29, %lt3A_837 : vector<16xi32>
          %add3A_839 = arith.constant 16 : i32
          %add3A_840 = vector.broadcast %add3A_839 : i32 to vector<16xi32>
          %add3A_841 = arith.addi %xor3A_29, %add3A_840 : vector<16xi32>
          %select_n3A_842 = arith.select %lt3A_838, %add3A_841, %xor3A_29 : vector<16xi1>, vector<16xi32>
          %broadcast_in_dim3A_843 = vector.shape_cast %select_n3A_842 : vector<16xi32> to vector<16x1xi32>
          %gather3A_844 = vector.shape_cast %broadcast_in_dim3A_843 : vector<16x1xi32> to vector<16xi32>
          %gather3A_845 = tpu.dynamic_gather %add3A_835[%gather3A_844] in [0] : vector<16xf32>, vector<16xi32> -> vector<16xf32>
          %add3A_846 = arith.addf %add3A_835, %gather3A_845 : vector<16xf32>
          %lt3A_847 = arith.constant 0 : i32
          %lt3A_848 = vector.broadcast %lt3A_847 : i32 to vector<16xi32>
          %lt3A_849 = arith.cmpi slt, %xor3A_32, %lt3A_848 : vector<16xi32>
          %add3A_850 = arith.constant 16 : i32
          %add3A_851 = vector.broadcast %add3A_850 : i32 to vector<16xi32>
          %add3A_852 = arith.addi %xor3A_32, %add3A_851 : vector<16xi32>
          %select_n3A_853 = arith.select %lt3A_849, %add3A_852, %xor3A_32 : vector<16xi1>, vector<16xi32>
          %broadcast_in_dim3A_854 = vector.shape_cast %select_n3A_853 : vector<16xi32> to vector<16x1xi32>
          %gather3A_855 = vector.shape_cast %broadcast_in_dim3A_854 : vector<16x1xi32> to vector<16xi32>
          %gather3A_856 = tpu.dynamic_gather %add3A_846[%gather3A_855] in [0] : vector<16xf32>, vector<16xi32> -> vector<16xf32>
          %add3A_857 = arith.addf %add3A_846, %gather3A_856 : vector<16xf32>
          %exp3A_858 = math.exp %add3A_857 : vector<16xf32>
          %add3A_859 = arith.addf %while3A_551, %exp3A_858 : vector<16xf32>
          %mul3A_860 = arith.mulf %exp3A_858, %get3A_587 : vector<16xf32>
          %add3A_861 = arith.addf %while3A_534, %mul3A_860 : vector<16xf32>
          %mul3A_862 = arith.mulf %exp3A_858, %get3A_594 : vector<16xf32>
          %add3A_863 = arith.addf %while3A_535, %mul3A_862 : vector<16xf32>
          %mul3A_864 = arith.mulf %exp3A_858, %get3A_601 : vector<16xf32>
          %add3A_865 = arith.addf %while3A_536, %mul3A_864 : vector<16xf32>
          %mul3A_866 = arith.mulf %exp3A_858, %get3A_608 : vector<16xf32>
          %add3A_867 = arith.addf %while3A_537, %mul3A_866 : vector<16xf32>
          %mul3A_868 = arith.mulf %exp3A_858, %get3A_615 : vector<16xf32>
          %add3A_869 = arith.addf %while3A_538, %mul3A_868 : vector<16xf32>
          %mul3A_870 = arith.mulf %exp3A_858, %get3A_622 : vector<16xf32>
          %add3A_871 = arith.addf %while3A_539, %mul3A_870 : vector<16xf32>
          %mul3A_872 = arith.mulf %exp3A_858, %get3A_629 : vector<16xf32>
          %add3A_873 = arith.addf %while3A_540, %mul3A_872 : vector<16xf32>
          %mul3A_874 = arith.mulf %exp3A_858, %get3A_636 : vector<16xf32>
          %add3A_875 = arith.addf %while3A_541, %mul3A_874 : vector<16xf32>
          %get3A_876 = arith.constant 2 : i32
          %get3A_877 = arith.index_cast %get3A_876 : i32 to index
          %get3A_878 = arith.index_cast %multiple_of3A_578 : i32 to index
          %get3A_879 = tpu.vector_load %arg9[%get3A_877, %get3A_878] {strides = array<i32>} : memref<3x512xi32, #tpu.memory_space<vmem>>, vector<16xi32>,
          %lt3A_880 = arith.constant 0 : i32
          %lt3A_881 = vector.broadcast %lt3A_880 : i32 to vector<16xi32>
          %lt3A_882 = arith.cmpi slt, %broadcast_in_dim3A_580, %lt3A_881 : vector<16xi32>
          %add3A_883 = arith.constant 16 : i32
          %add3A_884 = vector.broadcast %add3A_883 : i32 to vector<16xi32>
          %add3A_885 = arith.addi %broadcast_in_dim3A_580, %add3A_884 : vector<16xi32>
          %select_n3A_886 = arith.select %lt3A_882, %add3A_885, %broadcast_in_dim3A_580 : vector<16xi1>, vector<16xi32>
          %broadcast_in_dim3A_887 = vector.shape_cast %select_n3A_886 : vector<16xi32> to vector<16x1xi32>
          %gather3A_888 = vector.shape_cast %broadcast_in_dim3A_887 : vector<16x1xi32> to vector<16xi32>
          %gather3A_889 = tpu.dynamic_gather %get3A_879[%gather3A_888] in [0] : vector<16xi32>, vector<16xi32> -> vector<16xi32>
          %gather3A_890 = tpu.vector_load_idx %arg8[%gather3A_889, %iota3A] : memref<95x128xf32, #tpu.memory_space<vmem>>[vector<16xi32>, vector<16xi32>], vector<16xf32>,
          %mul3A_891 = arith.mulf %get3A_587, %gather3A_890 : vector<16xf32>
          %add3A_892 = arith.constant 16 : i32
          %add3A_893 = vector.broadcast %add3A_892 : i32 to vector<16xi32>
          %add3A_894 = arith.addi %iota3A, %add3A_893 : vector<16xi32>
          %gather3A_895 = tpu.vector_load_idx %arg8[%gather3A_889, %add3A_894] : memref<95x128xf32, #tpu.memory_space<vmem>>[vector<16xi32>, vector<16xi32>], vector<16xf32>,
          %mul3A_896 = arith.mulf %get3A_594, %gather3A_895 : vector<16xf32>
          %add3A_897 = arith.addf %mul3A_891, %mul3A_896 : vector<16xf32>
          %add3A_898 = arith.constant 32 : i32
          %add3A_899 = vector.broadcast %add3A_898 : i32 to vector<16xi32>
          %add3A_900 = arith.addi %iota3A, %add3A_899 : vector<16xi32>
          %gather3A_901 = tpu.vector_load_idx %arg8[%gather3A_889, %add3A_900] : memref<95x128xf32, #tpu.memory_space<vmem>>[vector<16xi32>, vector<16xi32>], vector<16xf32>,
          %mul3A_902 = arith.mulf %get3A_601, %gather3A_901 : vector<16xf32>
          %add3A_903 = arith.addf %add3A_897, %mul3A_902 : vector<16xf32>
          %add3A_904 = arith.constant 48 : i32
          %add3A_905 = vector.broadcast %add3A_904 : i32 to vector<16xi32>
          %add3A_906 = arith.addi %iota3A, %add3A_905 : vector<16xi32>
          %gather3A_907 = tpu.vector_load_idx %arg8[%gather3A_889, %add3A_906] : memref<95x128xf32, #tpu.memory_space<vmem>>[vector<16xi32>, vector<16xi32>], vector<16xf32>,
          %mul3A_908 = arith.mulf %get3A_608, %gather3A_907 : vector<16xf32>
          %add3A_909 = arith.addf %add3A_903, %mul3A_908 : vector<16xf32>
          %add3A_910 = arith.constant 64 : i32
          %add3A_911 = vector.broadcast %add3A_910 : i32 to vector<16xi32>
          %add3A_912 = arith.addi %iota3A, %add3A_911 : vector<16xi32>
          %gather3A_913 = tpu.vector_load_idx %arg8[%gather3A_889, %add3A_912] : memref<95x128xf32, #tpu.memory_space<vmem>>[vector<16xi32>, vector<16xi32>], vector<16xf32>,
          %mul3A_914 = arith.mulf %get3A_615, %gather3A_913 : vector<16xf32>
          %add3A_915 = arith.addf %add3A_909, %mul3A_914 : vector<16xf32>
          %add3A_916 = arith.constant 80 : i32
          %add3A_917 = vector.broadcast %add3A_916 : i32 to vector<16xi32>
          %add3A_918 = arith.addi %iota3A, %add3A_917 : vector<16xi32>
          %gather3A_919 = tpu.vector_load_idx %arg8[%gather3A_889, %add3A_918] : memref<95x128xf32, #tpu.memory_space<vmem>>[vector<16xi32>, vector<16xi32>], vector<16xf32>,
          %mul3A_920 = arith.mulf %get3A_622, %gather3A_919 : vector<16xf32>
          %add3A_921 = arith.addf %add3A_915, %mul3A_920 : vector<16xf32>
          %add3A_922 = arith.constant 96 : i32
          %add3A_923 = vector.broadcast %add3A_922 : i32 to vector<16xi32>
          %add3A_924 = arith.addi %iota3A, %add3A_923 : vector<16xi32>
          %gather3A_925 = tpu.vector_load_idx %arg8[%gather3A_889, %add3A_924] : memref<95x128xf32, #tpu.memory_space<vmem>>[vector<16xi32>, vector<16xi32>], vector<16xf32>,
          %mul3A_926 = arith.mulf %get3A_629, %gather3A_925 : vector<16xf32>
          %add3A_927 = arith.addf %add3A_921, %mul3A_926 : vector<16xf32>
          %add3A_928 = arith.constant 112 : i32
          %add3A_929 = vector.broadcast %add3A_928 : i32 to vector<16xi32>
          %add3A_930 = arith.addi %iota3A, %add3A_929 : vector<16xi32>
          %gather3A_931 = tpu.vector_load_idx %arg8[%gather3A_889, %add3A_930] : memref<95x128xf32, #tpu.memory_space<vmem>>[vector<16xi32>, vector<16xi32>], vector<16xf32>,
          %mul3A_932 = arith.mulf %get3A_636, %gather3A_931 : vector<16xf32>
          %add3A_933 = arith.addf %add3A_927, %mul3A_932 : vector<16xf32>
          %lt3A_934 = arith.constant 0 : i32
          %lt3A_935 = vector.broadcast %lt3A_934 : i32 to vector<16xi32>
          %lt3A_936 = arith.cmpi slt, %xor3A_23, %lt3A_935 : vector<16xi32>
          %add3A_937 = arith.constant 16 : i32
          %add3A_938 = vector.broadcast %add3A_937 : i32 to vector<16xi32>
          %add3A_939 = arith.addi %xor3A_23, %add3A_938 : vector<16xi32>
          %select_n3A_940 = arith.select %lt3A_936, %add3A_939, %xor3A_23 : vector<16xi1>, vector<16xi32>
          %broadcast_in_dim3A_941 = vector.shape_cast %select_n3A_940 : vector<16xi32> to vector<16x1xi32>
          %gather3A_942 = vector.shape_cast %broadcast_in_dim3A_941 : vector<16x1xi32> to vector<16xi32>
          %gather3A_943 = tpu.dynamic_gather %add3A_933[%gather3A_942] in [0] : vector<16xf32>, vector<16xi32> -> vector<16xf32>
          %add3A_944 = arith.addf %add3A_933, %gather3A_943 : vector<16xf32>
          %lt3A_945 = arith.constant 0 : i32
          %lt3A_946 = vector.broadcast %lt3A_945 : i32 to vector<16xi32>
          %lt3A_947 = arith.cmpi slt, %xor3A_26, %lt3A_946 : vector<16xi32>
          %add3A_948 = arith.constant 16 : i32
          %add3A_949 = vector.broadcast %add3A_948 : i32 to vector<16xi32>
          %add3A_950 = arith.addi %xor3A_26, %add3A_949 : vector<16xi32>
          %select_n3A_951 = arith.select %lt3A_947, %add3A_950, %xor3A_26 : vector<16xi1>, vector<16xi32>
          %broadcast_in_dim3A_952 = vector.shape_cast %select_n3A_951 : vector<16xi32> to vector<16x1xi32>
          %gather3A_953 = vector.shape_cast %broadcast_in_dim3A_952 : vector<16x1xi32> to vector<16xi32>
          %gather3A_954 = tpu.dynamic_gather %add3A_944[%gather3A_953] in [0] : vector<16xf32>, vector<16xi32> -> vector<16xf32>
          %add3A_955 = arith.addf %add3A_944, %gather3A_954 : vector<16xf32>
          %lt3A_956 = arith.constant 0 : i32
          %lt3A_957 = vector.broadcast %lt3A_956 : i32 to vector<16xi32>
          %lt3A_958 = arith.cmpi slt, %xor3A_29, %lt3A_957 : vector<16xi32>
          %add3A_959 = arith.constant 16 : i32
          %add3A_960 = vector.broadcast %add3A_959 : i32 to vector<16xi32>
          %add3A_961 = arith.addi %xor3A_29, %add3A_960 : vector<16xi32>
          %select_n3A_962 = arith.select %lt3A_958, %add3A_961, %xor3A_29 : vector<16xi1>, vector<16xi32>
          %broadcast_in_dim3A_963 = vector.shape_cast %select_n3A_962 : vector<16xi32> to vector<16x1xi32>
          %gather3A_964 = vector.shape_cast %broadcast_in_dim3A_963 : vector<16x1xi32> to vector<16xi32>
          %gather3A_965 = tpu.dynamic_gather %add3A_955[%gather3A_964] in [0] : vector<16xf32>, vector<16xi32> -> vector<16xf32>
          %add3A_966 = arith.addf %add3A_955, %gather3A_965 : vector<16xf32>
          %lt3A_967 = arith.constant 0 : i32
          %lt3A_968 = vector.broadcast %lt3A_967 : i32 to vector<16xi32>
          %lt3A_969 = arith.cmpi slt, %xor3A_32, %lt3A_968 : vector<16xi32>
          %add3A_970 = arith.constant 16 : i32
          %add3A_971 = vector.broadcast %add3A_970 : i32 to vector<16xi32>
          %add3A_972 = arith.addi %xor3A_32, %add3A_971 : vector<16xi32>
          %select_n3A_973 = arith.select %lt3A_969, %add3A_972, %xor3A_32 : vector<16xi1>, vector<16xi32>
          %broadcast_in_dim3A_974 = vector.shape_cast %select_n3A_973 : vector<16xi32> to vector<16x1xi32>
          %gather3A_975 = vector.shape_cast %broadcast_in_dim3A_974 : vector<16x1xi32> to vector<16xi32>
          %gather3A_976 = tpu.dynamic_gather %add3A_966[%gather3A_975] in [0] : vector<16xf32>, vector<16xi32> -> vector<16xf32>
          %add3A_977 = arith.addf %add3A_966, %gather3A_976 : vector<16xf32>
          %exp3A_978 = math.exp %add3A_977 : vector<16xf32>
          %add3A_979 = arith.addf %while3A_552, %exp3A_978 : vector<16xf32>
          %mul3A_980 = arith.mulf %exp3A_978, %get3A_587 : vector<16xf32>
          %add3A_981 = arith.addf %while3A_542, %mul3A_980 : vector<16xf32>
          %mul3A_982 = arith.mulf %exp3A_978, %get3A_594 : vector<16xf32>
          %add3A_983 = arith.addf %while3A_543, %mul3A_982 : vector<16xf32>
          %mul3A_984 = arith.mulf %exp3A_978, %get3A_601 : vector<16xf32>
          %add3A_985 = arith.addf %while3A_544, %mul3A_984 : vector<16xf32>
          %mul3A_986 = arith.mulf %exp3A_978, %get3A_608 : vector<16xf32>
          %add3A_987 = arith.addf %while3A_545, %mul3A_986 : vector<16xf32>
          %mul3A_988 = arith.mulf %exp3A_978, %get3A_615 : vector<16xf32>
          %add3A_989 = arith.addf %while3A_546, %mul3A_988 : vector<16xf32>
          %mul3A_990 = arith.mulf %exp3A_978, %get3A_622 : vector<16xf32>
          %add3A_991 = arith.addf %while3A_547, %mul3A_990 : vector<16xf32>
          %mul3A_992 = arith.mulf %exp3A_978, %get3A_629 : vector<16xf32>
          %add3A_993 = arith.addf %while3A_548, %mul3A_992 : vector<16xf32>
          %mul3A_994 = arith.mulf %exp3A_978, %get3A_636 : vector<16xf32>
          %add3A_995 = arith.addf %while3A_549, %mul3A_994 : vector<16xf32>
          scf.yield %add3A_741, %add3A_743, %add3A_745, %add3A_747, %add3A_749, %add3A_751, %add3A_753, %add3A_755, %add3A_861, %add3A_863, %add3A_865, %add3A_867, %add3A_869, %add3A_871, %add3A_873, %add3A_875, %add3A_981, %add3A_983, %add3A_985, %add3A_987, %add3A_989, %add3A_991, %add3A_993, %add3A_995, %add3A_739, %add3A_859, %add3A_979 : vector<16xf32>, vector<16xf32>, vector<16xf32>, vector<16xf32>, vector<16xf32>, vector<16xf32>, vector<16xf32>, vector<16xf32>, vector<16xf32>, vector<16xf32>, vector<16xf32>, vector<16xf32>, vector<16xf32>, vector<16xf32>, vector<16xf32>, vector<16xf32>, vector<16xf32>, vector<16xf32>, vector<16xf32>, vector<16xf32>, vector<16xf32>, vector<16xf32>, vector<16xf32>, vector<16xf32>, vector<16xf32>, vector<16xf32>, vector<16xf32>
        }
        %add3A_209 = arith.constant 0 : i32
        %add3A_210 = arith.addi %add3A_209, %scan3A_171 : i32
        %mul3A_211 = arith.constant 128 : i32
        %mul3A_212 = arith.muli %add3A_210, %mul3A_211 : i32
        %add3A_213 = arith.constant 0 : i32
        %add3A_214 = arith.addi %mul3A_212, %add3A_213 : i32
        %multiple_of3A = tpu.assume_multiple %add3A_214, 16 : i32
        %get3A_215 = arith.index_cast %multiple_of3A : i32 to index
        %get3A_216 = tpu.vector_load %arg12[%get3A_215] {strides = array<i32>} : memref<6144xf32, #tpu.memory_space<vmem>>, vector<16xf32>,
        %add3A_217 = arith.addf %get3A_216, %while3A_208#0 : vector<16xf32>
        %swap3A = arith.index_cast %multiple_of3A : i32 to index
        %swap3A_218 = tpu.vector_load %arg12[%swap3A] {strides = array<i32>} : memref<6144xf32, #tpu.memory_space<vmem>>, vector<16xf32>,
        tpu.vector_store %arg12[%swap3A], %add3A_217 {strides = array<i32>} : memref<6144xf32, #tpu.memory_space<vmem>>, vector<16xf32>,
        %add3A_219 = arith.constant 0 : i32
        %add3A_220 = arith.addi %add3A_219, %scan3A_171 : i32
        %mul3A_221 = arith.constant 128 : i32
        %mul3A_222 = arith.muli %add3A_220, %mul3A_221 : i32
        %add3A_223 = arith.constant 16 : i32
        %add3A_224 = arith.addi %mul3A_222, %add3A_223 : i32
        %multiple_of3A_225 = tpu.assume_multiple %add3A_224, 16 : i32
        %get3A_226 = arith.index_cast %multiple_of3A_225 : i32 to index
        %get3A_227 = tpu.vector_load %arg12[%get3A_226] {strides = array<i32>} : memref<6144xf32, #tpu.memory_space<vmem>>, vector<16xf32>,
        %add3A_228 = arith.addf %get3A_227, %while3A_208#1 : vector<16xf32>
        %swap3A_229 = arith.index_cast %multiple_of3A_225 : i32 to index
        %swap3A_230 = tpu.vector_load %arg12[%swap3A_229] {strides = array<i32>} : memref<6144xf32, #tpu.memory_space<vmem>>, vector<16xf32>,
        tpu.vector_store %arg12[%swap3A_229], %add3A_228 {strides = array<i32>} : memref<6144xf32, #tpu.memory_space<vmem>>, vector<16xf32>,
        %add3A_231 = arith.constant 0 : i32
        %add3A_232 = arith.addi %add3A_231, %scan3A_171 : i32
        %mul3A_233 = arith.constant 128 : i32
        %mul3A_234 = arith.muli %add3A_232, %mul3A_233 : i32
        %add3A_235 = arith.constant 32 : i32
        %add3A_236 = arith.addi %mul3A_234, %add3A_235 : i32
        %multiple_of3A_237 = tpu.assume_multiple %add3A_236, 16 : i32
        %get3A_238 = arith.index_cast %multiple_of3A_237 : i32 to index
        %get3A_239 = tpu.vector_load %arg12[%get3A_238] {strides = array<i32>} : memref<6144xf32, #tpu.memory_space<vmem>>, vector<16xf32>,
        %add3A_240 = arith.addf %get3A_239, %while3A_208#2 : vector<16xf32>
        %swap3A_241 = arith.index_cast %multiple_of3A_237 : i32 to index
        %swap3A_242 = tpu.vector_load %arg12[%swap3A_241] {strides = array<i32>} : memref<6144xf32, #tpu.memory_space<vmem>>, vector<16xf32>,
        tpu.vector_store %arg12[%swap3A_241], %add3A_240 {strides = array<i32>} : memref<6144xf32, #tpu.memory_space<vmem>>, vector<16xf32>,
        %add3A_243 = arith.constant 0 : i32
        %add3A_244 = arith.addi %add3A_243, %scan3A_171 : i32
        %mul3A_245 = arith.constant 128 : i32
        %mul3A_246 = arith.muli %add3A_244, %mul3A_245 : i32
        %add3A_247 = arith.constant 48 : i32
        %add3A_248 = arith.addi %mul3A_246, %add3A_247 : i32
        %multiple_of3A_249 = tpu.assume_multiple %add3A_248, 16 : i32
        %get3A_250 = arith.index_cast %multiple_of3A_249 : i32 to index
        %get3A_251 = tpu.vector_load %arg12[%get3A_250] {strides = array<i32>} : memref<6144xf32, #tpu.memory_space<vmem>>, vector<16xf32>,
        %add3A_252 = arith.addf %get3A_251, %while3A_208#3 : vector<16xf32>
        %swap3A_253 = arith.index_cast %multiple_of3A_249 : i32 to index
        %swap3A_254 = tpu.vector_load %arg12[%swap3A_253] {strides = array<i32>} : memref<6144xf32, #tpu.memory_space<vmem>>, vector<16xf32>,
        tpu.vector_store %arg12[%swap3A_253], %add3A_252 {strides = array<i32>} : memref<6144xf32, #tpu.memory_space<vmem>>, vector<16xf32>,
        %add3A_255 = arith.constant 0 : i32
        %add3A_256 = arith.addi %add3A_255, %scan3A_171 : i32
        %mul3A_257 = arith.constant 128 : i32
        %mul3A_258 = arith.muli %add3A_256, %mul3A_257 : i32
        %add3A_259 = arith.constant 64 : i32
        %add3A_260 = arith.addi %mul3A_258, %add3A_259 : i32
        %multiple_of3A_261 = tpu.assume_multiple %add3A_260, 16 : i32
        %get3A_262 = arith.index_cast %multiple_of3A_261 : i32 to index
        %get3A_263 = tpu.vector_load %arg12[%get3A_262] {strides = array<i32>} : memref<6144xf32, #tpu.memory_space<vmem>>, vector<16xf32>,
        %add3A_264 = arith.addf %get3A_263, %while3A_208#4 : vector<16xf32>
        %swap3A_265 = arith.index_cast %multiple_of3A_261 : i32 to index
        %swap3A_266 = tpu.vector_load %arg12[%swap3A_265] {strides = array<i32>} : memref<6144xf32, #tpu.memory_space<vmem>>, vector<16xf32>,
        tpu.vector_store %arg12[%swap3A_265], %add3A_264 {strides = array<i32>} : memref<6144xf32, #tpu.memory_space<vmem>>, vector<16xf32>,
        %add3A_267 = arith.constant 0 : i32
        %add3A_268 = arith.addi %add3A_267, %scan3A_171 : i32
        %mul3A_269 = arith.constant 128 : i32
        %mul3A_270 = arith.muli %add3A_268, %mul3A_269 : i32
        %add3A_271 = arith.constant 80 : i32
        %add3A_272 = arith.addi %mul3A_270, %add3A_271 : i32
        %multiple_of3A_273 = tpu.assume_multiple %add3A_272, 16 : i32
        %get3A_274 = arith.index_cast %multiple_of3A_273 : i32 to index
        %get3A_275 = tpu.vector_load %arg12[%get3A_274] {strides = array<i32>} : memref<6144xf32, #tpu.memory_space<vmem>>, vector<16xf32>,
        %add3A_276 = arith.addf %get3A_275, %while3A_208#5 : vector<16xf32>
        %swap3A_277 = arith.index_cast %multiple_of3A_273 : i32 to index
        %swap3A_278 = tpu.vector_load %arg12[%swap3A_277] {strides = array<i32>} : memref<6144xf32, #tpu.memory_space<vmem>>, vector<16xf32>,
        tpu.vector_store %arg12[%swap3A_277], %add3A_276 {strides = array<i32>} : memref<6144xf32, #tpu.memory_space<vmem>>, vector<16xf32>,
        %add3A_279 = arith.constant 0 : i32
        %add3A_280 = arith.addi %add3A_279, %scan3A_171 : i32
        %mul3A_281 = arith.constant 128 : i32
        %mul3A_282 = arith.muli %add3A_280, %mul3A_281 : i32
        %add3A_283 = arith.constant 96 : i32
        %add3A_284 = arith.addi %mul3A_282, %add3A_283 : i32
        %multiple_of3A_285 = tpu.assume_multiple %add3A_284, 16 : i32
        %get3A_286 = arith.index_cast %multiple_of3A_285 : i32 to index
        %get3A_287 = tpu.vector_load %arg12[%get3A_286] {strides = array<i32>} : memref<6144xf32, #tpu.memory_space<vmem>>, vector<16xf32>,
        %add3A_288 = arith.addf %get3A_287, %while3A_208#6 : vector<16xf32>
        %swap3A_289 = arith.index_cast %multiple_of3A_285 : i32 to index
        %swap3A_290 = tpu.vector_load %arg12[%swap3A_289] {strides = array<i32>} : memref<6144xf32, #tpu.memory_space<vmem>>, vector<16xf32>,
        tpu.vector_store %arg12[%swap3A_289], %add3A_288 {strides = array<i32>} : memref<6144xf32, #tpu.memory_space<vmem>>, vector<16xf32>,
        %add3A_291 = arith.constant 0 : i32
        %add3A_292 = arith.addi %add3A_291, %scan3A_171 : i32
        %mul3A_293 = arith.constant 128 : i32
        %mul3A_294 = arith.muli %add3A_292, %mul3A_293 : i32
        %add3A_295 = arith.constant 112 : i32
        %add3A_296 = arith.addi %mul3A_294, %add3A_295 : i32
        %multiple_of3A_297 = tpu.assume_multiple %add3A_296, 16 : i32
        %get3A_298 = arith.index_cast %multiple_of3A_297 : i32 to index
        %get3A_299 = tpu.vector_load %arg12[%get3A_298] {strides = array<i32>} : memref<6144xf32, #tpu.memory_space<vmem>>, vector<16xf32>,
        %add3A_300 = arith.addf %get3A_299, %while3A_208#7 : vector<16xf32>
        %swap3A_301 = arith.index_cast %multiple_of3A_297 : i32 to index
        %swap3A_302 = tpu.vector_load %arg12[%swap3A_301] {strides = array<i32>} : memref<6144xf32, #tpu.memory_space<vmem>>, vector<16xf32>,
        tpu.vector_store %arg12[%swap3A_301], %add3A_300 {strides = array<i32>} : memref<6144xf32, #tpu.memory_space<vmem>>, vector<16xf32>,
        %add3A_303 = arith.constant 0 : i32
        %add3A_304 = arith.addi %add3A_303, %scan3A_171 : i32
        %mul3A_305 = arith.constant 16 : i32
        %mul3A_306 = arith.muli %add3A_304, %mul3A_305 : i32
        %multiple_of3A_307 = tpu.assume_multiple %mul3A_306, 16 : i32
        %get3A_308 = arith.index_cast %multiple_of3A_307 : i32 to index
        %get3A_309 = tpu.vector_load %arg13[%get3A_308] {strides = array<i32>} : memref<768xf32, #tpu.memory_space<vmem>>, vector<16xf32>,
        %add3A_310 = arith.addf %get3A_309, %while3A_208#24 : vector<16xf32>
        %swap3A_311 = arith.index_cast %multiple_of3A_307 : i32 to index
        %swap3A_312 = tpu.vector_load %arg13[%swap3A_311] {strides = array<i32>} : memref<768xf32, #tpu.memory_space<vmem>>, vector<16xf32>,
        tpu.vector_store %arg13[%swap3A_311], %add3A_310 {strides = array<i32>} : memref<768xf32, #tpu.memory_space<vmem>>, vector<16xf32>,
        %add3A_313 = arith.constant 16 : i32
        %add3A_314 = arith.addi %add3A_313, %scan3A_171 : i32
        %mul3A_315 = arith.constant 128 : i32
        %mul3A_316 = arith.muli %add3A_314, %mul3A_315 : i32
        %add3A_317 = arith.constant 0 : i32
        %add3A_318 = arith.addi %mul3A_316, %add3A_317 : i32
        %multiple_of3A_319 = tpu.assume_multiple %add3A_318, 16 : i32
        %get3A_320 = arith.index_cast %multiple_of3A_319 : i32 to index
        %get3A_321 = tpu.vector_load %arg12[%get3A_320] {strides = array<i32>} : memref<6144xf32, #tpu.memory_space<vmem>>, vector<16xf32>,
        %add3A_322 = arith.addf %get3A_321, %while3A_208#8 : vector<16xf32>
        %swap3A_323 = arith.index_cast %multiple_of3A_319 : i32 to index
        %swap3A_324 = tpu.vector_load %arg12[%swap3A_323] {strides = array<i32>} : memref<6144xf32, #tpu.memory_space<vmem>>, vector<16xf32>,
        tpu.vector_store %arg12[%swap3A_323], %add3A_322 {strides = array<i32>} : memref<6144xf32, #tpu.memory_space<vmem>>, vector<16xf32>,
        %add3A_325 = arith.constant 16 : i32
        %add3A_326 = arith.addi %add3A_325, %scan3A_171 : i32
        %mul3A_327 = arith.constant 128 : i32
        %mul3A_328 = arith.muli %add3A_326, %mul3A_327 : i32
        %add3A_329 = arith.constant 16 : i32
        %add3A_330 = arith.addi %mul3A_328, %add3A_329 : i32
        %multiple_of3A_331 = tpu.assume_multiple %add3A_330, 16 : i32
        %get3A_332 = arith.index_cast %multiple_of3A_331 : i32 to index
        %get3A_333 = tpu.vector_load %arg12[%get3A_332] {strides = array<i32>} : memref<6144xf32, #tpu.memory_space<vmem>>, vector<16xf32>,
        %add3A_334 = arith.addf %get3A_333, %while3A_208#9 : vector<16xf32>
        %swap3A_335 = arith.index_cast %multiple_of3A_331 : i32 to index
        %swap3A_336 = tpu.vector_load %arg12[%swap3A_335] {strides = array<i32>} : memref<6144xf32, #tpu.memory_space<vmem>>, vector<16xf32>,
        tpu.vector_store %arg12[%swap3A_335], %add3A_334 {strides = array<i32>} : memref<6144xf32, #tpu.memory_space<vmem>>, vector<16xf32>,
        %add3A_337 = arith.constant 16 : i32
        %add3A_338 = arith.addi %add3A_337, %scan3A_171 : i32
        %mul3A_339 = arith.constant 128 : i32
        %mul3A_340 = arith.muli %add3A_338, %mul3A_339 : i32
        %add3A_341 = arith.constant 32 : i32
        %add3A_342 = arith.addi %mul3A_340, %add3A_341 : i32
        %multiple_of3A_343 = tpu.assume_multiple %add3A_342, 16 : i32
        %get3A_344 = arith.index_cast %multiple_of3A_343 : i32 to index
        %get3A_345 = tpu.vector_load %arg12[%get3A_344] {strides = array<i32>} : memref<6144xf32, #tpu.memory_space<vmem>>, vector<16xf32>,
        %add3A_346 = arith.addf %get3A_345, %while3A_208#10 : vector<16xf32>
        %swap3A_347 = arith.index_cast %multiple_of3A_343 : i32 to index
        %swap3A_348 = tpu.vector_load %arg12[%swap3A_347] {strides = array<i32>} : memref<6144xf32, #tpu.memory_space<vmem>>, vector<16xf32>,
        tpu.vector_store %arg12[%swap3A_347], %add3A_346 {strides = array<i32>} : memref<6144xf32, #tpu.memory_space<vmem>>, vector<16xf32>,
        %add3A_349 = arith.constant 16 : i32
        %add3A_350 = arith.addi %add3A_349, %scan3A_171 : i32
        %mul3A_351 = arith.constant 128 : i32
        %mul3A_352 = arith.muli %add3A_350, %mul3A_351 : i32
        %add3A_353 = arith.constant 48 : i32
        %add3A_354 = arith.addi %mul3A_352, %add3A_353 : i32
        %multiple_of3A_355 = tpu.assume_multiple %add3A_354, 16 : i32
        %get3A_356 = arith.index_cast %multiple_of3A_355 : i32 to index
        %get3A_357 = tpu.vector_load %arg12[%get3A_356] {strides = array<i32>} : memref<6144xf32, #tpu.memory_space<vmem>>, vector<16xf32>,
        %add3A_358 = arith.addf %get3A_357, %while3A_208#11 : vector<16xf32>
        %swap3A_359 = arith.index_cast %multiple_of3A_355 : i32 to index
        %swap3A_360 = tpu.vector_load %arg12[%swap3A_359] {strides = array<i32>} : memref<6144xf32, #tpu.memory_space<vmem>>, vector<16xf32>,
        tpu.vector_store %arg12[%swap3A_359], %add3A_358 {strides = array<i32>} : memref<6144xf32, #tpu.memory_space<vmem>>, vector<16xf32>,
        %add3A_361 = arith.constant 16 : i32
        %add3A_362 = arith.addi %add3A_361, %scan3A_171 : i32
        %mul3A_363 = arith.constant 128 : i32
        %mul3A_364 = arith.muli %add3A_362, %mul3A_363 : i32
        %add3A_365 = arith.constant 64 : i32
        %add3A_366 = arith.addi %mul3A_364, %add3A_365 : i32
        %multiple_of3A_367 = tpu.assume_multiple %add3A_366, 16 : i32
        %get3A_368 = arith.index_cast %multiple_of3A_367 : i32 to index
        %get3A_369 = tpu.vector_load %arg12[%get3A_368] {strides = array<i32>} : memref<6144xf32, #tpu.memory_space<vmem>>, vector<16xf32>,
        %add3A_370 = arith.addf %get3A_369, %while3A_208#12 : vector<16xf32>
        %swap3A_371 = arith.index_cast %multiple_of3A_367 : i32 to index
        %swap3A_372 = tpu.vector_load %arg12[%swap3A_371] {strides = array<i32>} : memref<6144xf32, #tpu.memory_space<vmem>>, vector<16xf32>,
        tpu.vector_store %arg12[%swap3A_371], %add3A_370 {strides = array<i32>} : memref<6144xf32, #tpu.memory_space<vmem>>, vector<16xf32>,
        %add3A_373 = arith.constant 16 : i32
        %add3A_374 = arith.addi %add3A_373, %scan3A_171 : i32
        %mul3A_375 = arith.constant 128 : i32
        %mul3A_376 = arith.muli %add3A_374, %mul3A_375 : i32
        %add3A_377 = arith.constant 80 : i32
        %add3A_378 = arith.addi %mul3A_376, %add3A_377 : i32
        %multiple_of3A_379 = tpu.assume_multiple %add3A_378, 16 : i32
        %get3A_380 = arith.index_cast %multiple_of3A_379 : i32 to index
        %get3A_381 = tpu.vector_load %arg12[%get3A_380] {strides = array<i32>} : memref<6144xf32, #tpu.memory_space<vmem>>, vector<16xf32>,
        %add3A_382 = arith.addf %get3A_381, %while3A_208#13 : vector<16xf32>
        %swap3A_383 = arith.index_cast %multiple_of3A_379 : i32 to index
        %swap3A_384 = tpu.vector_load %arg12[%swap3A_383] {strides = array<i32>} : memref<6144xf32, #tpu.memory_space<vmem>>, vector<16xf32>,
        tpu.vector_store %arg12[%swap3A_383], %add3A_382 {strides = array<i32>} : memref<6144xf32, #tpu.memory_space<vmem>>, vector<16xf32>,
        %add3A_385 = arith.constant 16 : i32
        %add3A_386 = arith.addi %add3A_385, %scan3A_171 : i32
        %mul3A_387 = arith.constant 128 : i32
        %mul3A_388 = arith.muli %add3A_386, %mul3A_387 : i32
        %add3A_389 = arith.constant 96 : i32
        %add3A_390 = arith.addi %mul3A_388, %add3A_389 : i32
        %multiple_of3A_391 = tpu.assume_multiple %add3A_390, 16 : i32
        %get3A_392 = arith.index_cast %multiple_of3A_391 : i32 to index
        %get3A_393 = tpu.vector_load %arg12[%get3A_392] {strides = array<i32>} : memref<6144xf32, #tpu.memory_space<vmem>>, vector<16xf32>,
        %add3A_394 = arith.addf %get3A_393, %while3A_208#14 : vector<16xf32>
        %swap3A_395 = arith.index_cast %multiple_of3A_391 : i32 to index
        %swap3A_396 = tpu.vector_load %arg12[%swap3A_395] {strides = array<i32>} : memref<6144xf32, #tpu.memory_space<vmem>>, vector<16xf32>,
        tpu.vector_store %arg12[%swap3A_395], %add3A_394 {strides = array<i32>} : memref<6144xf32, #tpu.memory_space<vmem>>, vector<16xf32>,
        %add3A_397 = arith.constant 16 : i32
        %add3A_398 = arith.addi %add3A_397, %scan3A_171 : i32
        %mul3A_399 = arith.constant 128 : i32
        %mul3A_400 = arith.muli %add3A_398, %mul3A_399 : i32
        %add3A_401 = arith.constant 112 : i32
        %add3A_402 = arith.addi %mul3A_400, %add3A_401 : i32
        %multiple_of3A_403 = tpu.assume_multiple %add3A_402, 16 : i32
        %get3A_404 = arith.index_cast %multiple_of3A_403 : i32 to index
        %get3A_405 = tpu.vector_load %arg12[%get3A_404] {strides = array<i32>} : memref<6144xf32, #tpu.memory_space<vmem>>, vector<16xf32>,
        %add3A_406 = arith.addf %get3A_405, %while3A_208#15 : vector<16xf32>
        %swap3A_407 = arith.index_cast %multiple_of3A_403 : i32 to index
        %swap3A_408 = tpu.vector_load %arg12[%swap3A_407] {strides = array<i32>} : memref<6144xf32, #tpu.memory_space<vmem>>, vector<16xf32>,
        tpu.vector_store %arg12[%swap3A_407], %add3A_406 {strides = array<i32>} : memref<6144xf32, #tpu.memory_space<vmem>>, vector<16xf32>,
        %add3A_409 = arith.constant 16 : i32
        %add3A_410 = arith.addi %add3A_409, %scan3A_171 : i32
        %mul3A_411 = arith.constant 16 : i32
        %mul3A_412 = arith.muli %add3A_410, %mul3A_411 : i32
        %multiple_of3A_413 = tpu.assume_multiple %mul3A_412, 16 : i32
        %get3A_414 = arith.index_cast %multiple_of3A_413 : i32 to index
        %get3A_415 = tpu.vector_load %arg13[%get3A_414] {strides = array<i32>} : memref<768xf32, #tpu.memory_space<vmem>>, vector<16xf32>,
        %add3A_416 = arith.addf %get3A_415, %while3A_208#25 : vector<16xf32>
        %swap3A_417 = arith.index_cast %multiple_of3A_413 : i32 to index
        %swap3A_418 = tpu.vector_load %arg13[%swap3A_417] {strides = array<i32>} : memref<768xf32, #tpu.memory_space<vmem>>, vector<16xf32>,
        tpu.vector_store %arg13[%swap3A_417], %add3A_416 {strides = array<i32>} : memref<768xf32, #tpu.memory_space<vmem>>, vector<16xf32>,
        %add3A_419 = arith.constant 32 : i32
        %add3A_420 = arith.addi %add3A_419, %scan3A_171 : i32
        %mul3A_421 = arith.constant 128 : i32
        %mul3A_422 = arith.muli %add3A_420, %mul3A_421 : i32
        %add3A_423 = arith.constant 0 : i32
        %add3A_424 = arith.addi %mul3A_422, %add3A_423 : i32
        %multiple_of3A_425 = tpu.assume_multiple %add3A_424, 16 : i32
        %get3A_426 = arith.index_cast %multiple_of3A_425 : i32 to index
        %get3A_427 = tpu.vector_load %arg12[%get3A_426] {strides = array<i32>} : memref<6144xf32, #tpu.memory_space<vmem>>, vector<16xf32>,
        %add3A_428 = arith.addf %get3A_427, %while3A_208#16 : vector<16xf32>
        %swap3A_429 = arith.index_cast %multiple_of3A_425 : i32 to index
        %swap3A_430 = tpu.vector_load %arg12[%swap3A_429] {strides = array<i32>} : memref<6144xf32, #tpu.memory_space<vmem>>, vector<16xf32>,
        tpu.vector_store %arg12[%swap3A_429], %add3A_428 {strides = array<i32>} : memref<6144xf32, #tpu.memory_space<vmem>>, vector<16xf32>,
        %add3A_431 = arith.constant 32 : i32
        %add3A_432 = arith.addi %add3A_431, %scan3A_171 : i32
        %mul3A_433 = arith.constant 128 : i32
        %mul3A_434 = arith.muli %add3A_432, %mul3A_433 : i32
        %add3A_435 = arith.constant 16 : i32
        %add3A_436 = arith.addi %mul3A_434, %add3A_435 : i32
        %multiple_of3A_437 = tpu.assume_multiple %add3A_436, 16 : i32
        %get3A_438 = arith.index_cast %multiple_of3A_437 : i32 to index
        %get3A_439 = tpu.vector_load %arg12[%get3A_438] {strides = array<i32>} : memref<6144xf32, #tpu.memory_space<vmem>>, vector<16xf32>,
        %add3A_440 = arith.addf %get3A_439, %while3A_208#17 : vector<16xf32>
        %swap3A_441 = arith.index_cast %multiple_of3A_437 : i32 to index
        %swap3A_442 = tpu.vector_load %arg12[%swap3A_441] {strides = array<i32>} : memref<6144xf32, #tpu.memory_space<vmem>>, vector<16xf32>,
        tpu.vector_store %arg12[%swap3A_441], %add3A_440 {strides = array<i32>} : memref<6144xf32, #tpu.memory_space<vmem>>, vector<16xf32>,
        %add3A_443 = arith.constant 32 : i32
        %add3A_444 = arith.addi %add3A_443, %scan3A_171 : i32
        %mul3A_445 = arith.constant 128 : i32
        %mul3A_446 = arith.muli %add3A_444, %mul3A_445 : i32
        %add3A_447 = arith.constant 32 : i32
        %add3A_448 = arith.addi %mul3A_446, %add3A_447 : i32
        %multiple_of3A_449 = tpu.assume_multiple %add3A_448, 16 : i32
        %get3A_450 = arith.index_cast %multiple_of3A_449 : i32 to index
        %get3A_451 = tpu.vector_load %arg12[%get3A_450] {strides = array<i32>} : memref<6144xf32, #tpu.memory_space<vmem>>, vector<16xf32>,
        %add3A_452 = arith.addf %get3A_451, %while3A_208#18 : vector<16xf32>
        %swap3A_453 = arith.index_cast %multiple_of3A_449 : i32 to index
        %swap3A_454 = tpu.vector_load %arg12[%swap3A_453] {strides = array<i32>} : memref<6144xf32, #tpu.memory_space<vmem>>, vector<16xf32>,
        tpu.vector_store %arg12[%swap3A_453], %add3A_452 {strides = array<i32>} : memref<6144xf32, #tpu.memory_space<vmem>>, vector<16xf32>,
        %add3A_455 = arith.constant 32 : i32
        %add3A_456 = arith.addi %add3A_455, %scan3A_171 : i32
        %mul3A_457 = arith.constant 128 : i32
        %mul3A_458 = arith.muli %add3A_456, %mul3A_457 : i32
        %add3A_459 = arith.constant 48 : i32
        %add3A_460 = arith.addi %mul3A_458, %add3A_459 : i32
        %multiple_of3A_461 = tpu.assume_multiple %add3A_460, 16 : i32
        %get3A_462 = arith.index_cast %multiple_of3A_461 : i32 to index
        %get3A_463 = tpu.vector_load %arg12[%get3A_462] {strides = array<i32>} : memref<6144xf32, #tpu.memory_space<vmem>>, vector<16xf32>,
        %add3A_464 = arith.addf %get3A_463, %while3A_208#19 : vector<16xf32>
        %swap3A_465 = arith.index_cast %multiple_of3A_461 : i32 to index
        %swap3A_466 = tpu.vector_load %arg12[%swap3A_465] {strides = array<i32>} : memref<6144xf32, #tpu.memory_space<vmem>>, vector<16xf32>,
        tpu.vector_store %arg12[%swap3A_465], %add3A_464 {strides = array<i32>} : memref<6144xf32, #tpu.memory_space<vmem>>, vector<16xf32>,
        %add3A_467 = arith.constant 32 : i32
        %add3A_468 = arith.addi %add3A_467, %scan3A_171 : i32
        %mul3A_469 = arith.constant 128 : i32
        %mul3A_470 = arith.muli %add3A_468, %mul3A_469 : i32
        %add3A_471 = arith.constant 64 : i32
        %add3A_472 = arith.addi %mul3A_470, %add3A_471 : i32
        %multiple_of3A_473 = tpu.assume_multiple %add3A_472, 16 : i32
        %get3A_474 = arith.index_cast %multiple_of3A_473 : i32 to index
        %get3A_475 = tpu.vector_load %arg12[%get3A_474] {strides = array<i32>} : memref<6144xf32, #tpu.memory_space<vmem>>, vector<16xf32>,
        %add3A_476 = arith.addf %get3A_475, %while3A_208#20 : vector<16xf32>
        %swap3A_477 = arith.index_cast %multiple_of3A_473 : i32 to index
        %swap3A_478 = tpu.vector_load %arg12[%swap3A_477] {strides = array<i32>} : memref<6144xf32, #tpu.memory_space<vmem>>, vector<16xf32>,
        tpu.vector_store %arg12[%swap3A_477], %add3A_476 {strides = array<i32>} : memref<6144xf32, #tpu.memory_space<vmem>>, vector<16xf32>,
        %add3A_479 = arith.constant 32 : i32
        %add3A_480 = arith.addi %add3A_479, %scan3A_171 : i32
        %mul3A_481 = arith.constant 128 : i32
        %mul3A_482 = arith.muli %add3A_480, %mul3A_481 : i32
        %add3A_483 = arith.constant 80 : i32
        %add3A_484 = arith.addi %mul3A_482, %add3A_483 : i32
        %multiple_of3A_485 = tpu.assume_multiple %add3A_484, 16 : i32
        %get3A_486 = arith.index_cast %multiple_of3A_485 : i32 to index
        %get3A_487 = tpu.vector_load %arg12[%get3A_486] {strides = array<i32>} : memref<6144xf32, #tpu.memory_space<vmem>>, vector<16xf32>,
        %add3A_488 = arith.addf %get3A_487, %while3A_208#21 : vector<16xf32>
        %swap3A_489 = arith.index_cast %multiple_of3A_485 : i32 to index
        %swap3A_490 = tpu.vector_load %arg12[%swap3A_489] {strides = array<i32>} : memref<6144xf32, #tpu.memory_space<vmem>>, vector<16xf32>,
        tpu.vector_store %arg12[%swap3A_489], %add3A_488 {strides = array<i32>} : memref<6144xf32, #tpu.memory_space<vmem>>, vector<16xf32>,
        %add3A_491 = arith.constant 32 : i32
        %add3A_492 = arith.addi %add3A_491, %scan3A_171 : i32
        %mul3A_493 = arith.constant 128 : i32
        %mul3A_494 = arith.muli %add3A_492, %mul3A_493 : i32
        %add3A_495 = arith.constant 96 : i32
        %add3A_496 = arith.addi %mul3A_494, %add3A_495 : i32
        %multiple_of3A_497 = tpu.assume_multiple %add3A_496, 16 : i32
        %get3A_498 = arith.index_cast %multiple_of3A_497 : i32 to index
        %get3A_499 = tpu.vector_load %arg12[%get3A_498] {strides = array<i32>} : memref<6144xf32, #tpu.memory_space<vmem>>, vector<16xf32>,
        %add3A_500 = arith.addf %get3A_499, %while3A_208#22 : vector<16xf32>
        %swap3A_501 = arith.index_cast %multiple_of3A_497 : i32 to index
        %swap3A_502 = tpu.vector_load %arg12[%swap3A_501] {strides = array<i32>} : memref<6144xf32, #tpu.memory_space<vmem>>, vector<16xf32>,
        tpu.vector_store %arg12[%swap3A_501], %add3A_500 {strides = array<i32>} : memref<6144xf32, #tpu.memory_space<vmem>>, vector<16xf32>,
        %add3A_503 = arith.constant 32 : i32
        %add3A_504 = arith.addi %add3A_503, %scan3A_171 : i32
        %mul3A_505 = arith.constant 128 : i32
        %mul3A_506 = arith.muli %add3A_504, %mul3A_505 : i32
        %add3A_507 = arith.constant 112 : i32
        %add3A_508 = arith.addi %mul3A_506, %add3A_507 : i32
        %multiple_of3A_509 = tpu.assume_multiple %add3A_508, 16 : i32
        %get3A_510 = arith.index_cast %multiple_of3A_509 : i32 to index
        %get3A_511 = tpu.vector_load %arg12[%get3A_510] {strides = array<i32>} : memref<6144xf32, #tpu.memory_space<vmem>>, vector<16xf32>,
        %add3A_512 = arith.addf %get3A_511, %while3A_208#23 : vector<16xf32>
        %swap3A_513 = arith.index_cast %multiple_of3A_509 : i32 to index
        %swap3A_514 = tpu.vector_load %arg12[%swap3A_513] {strides = array<i32>} : memref<6144xf32, #tpu.memory_space<vmem>>, vector<16xf32>,
        tpu.vector_store %arg12[%swap3A_513], %add3A_512 {strides = array<i32>} : memref<6144xf32, #tpu.memory_space<vmem>>, vector<16xf32>,
        %add3A_515 = arith.constant 32 : i32
        %add3A_516 = arith.addi %add3A_515, %scan3A_171 : i32
        %mul3A_517 = arith.constant 16 : i32
        %mul3A_518 = arith.muli %add3A_516, %mul3A_517 : i32
        %multiple_of3A_519 = tpu.assume_multiple %mul3A_518, 16 : i32
        %get3A_520 = arith.index_cast %multiple_of3A_519 : i32 to index
        %get3A_521 = tpu.vector_load %arg13[%get3A_520] {strides = array<i32>} : memref<768xf32, #tpu.memory_space<vmem>>, vector<16xf32>,
        %add3A_522 = arith.addf %get3A_521, %while3A_208#26 : vector<16xf32>
        %swap3A_523 = arith.index_cast %multiple_of3A_519 : i32 to index
        %swap3A_524 = tpu.vector_load %arg13[%swap3A_523] {strides = array<i32>} : memref<768xf32, #tpu.memory_space<vmem>>, vector<16xf32>,
        tpu.vector_store %arg13[%swap3A_523], %add3A_522 {strides = array<i32>} : memref<768xf32, #tpu.memory_space<vmem>>, vector<16xf32>,
      } else {
      }
      %lt3A_181 = arith.constant 0 : i32
      %lt3A_182 = vector.broadcast %lt3A_181 : i32 to vector<16xi32>
      %lt3A_183 = arith.cmpi slt, %select_n3A_21, %lt3A_182 : vector<16xi32>
      %add3A_184 = arith.constant 16 : i32
      %add3A_185 = vector.broadcast %add3A_184 : i32 to vector<16xi32>
      %add3A_186 = arith.addi %select_n3A_21, %add3A_185 : vector<16xi32>
      %select_n3A_187 = arith.select %lt3A_183, %add3A_186, %select_n3A_21 : vector<16xi1>, vector<16xi32>
      %broadcast_in_dim3A_188 = vector.shape_cast %select_n3A_187 : vector<16xi32> to vector<16x1xi32>
      %gather3A = vector.shape_cast %broadcast_in_dim3A_188 : vector<16x1xi32> to vector<16xi32>
      %gather3A_189 = tpu.dynamic_gather %scan3A_172[%gather3A] in [0] : vector<16xi32>, vector<16xi32> -> vector<16xi32>
      %lt3A_190 = arith.constant 0 : i32
      %lt3A_191 = vector.broadcast %lt3A_190 : i32 to vector<16xi32>
      %lt3A_192 = arith.cmpi slt, %select_n3A_21, %lt3A_191 : vector<16xi32>
      %add3A_193 = arith.constant 16 : i32
      %add3A_194 = vector.broadcast %add3A_193 : i32 to vector<16xi32>
      %add3A_195 = arith.addi %select_n3A_21, %add3A_194 : vector<16xi32>
      %select_n3A_196 = arith.select %lt3A_192, %add3A_195, %select_n3A_21 : vector<16xi1>, vector<16xi32>
      %broadcast_in_dim3A_197 = vector.shape_cast %select_n3A_196 : vector<16xi32> to vector<16x1xi32>
      %gather3A_198 = vector.shape_cast %broadcast_in_dim3A_197 : vector<16x1xi32> to vector<16xi32>
      %gather3A_199 = tpu.dynamic_gather %scan3A_173[%gather3A_198] in [0] : vector<16xi32>, vector<16xi32> -> vector<16xi32>
      scf.yield %gather3A_189, %gather3A_199 : vector<16xi32>, vector<16xi32>
    }
    %scan3A_168 = arith.constant 16 : i32
    %scan3A_169 = arith.constant 0 : i32
    %scan3A_170 = arith.constant 1 : i32
    "tpu.region"() ({
      %run_scoped3A = tpu.sem_alloc : memref<!tpu.dma_semaphore, #tpu.memory_space<semaphore_mem>>
      %dma_start3A_171 = arith.constant 0 : i32
      %dma_start3A_172 = tpu.memref_slice %arg6[%add3A, %dma_start3A_171] : memref<32x6144xf32, #tpu.memory_space<hbm>> -> memref<1x6144xf32, #tpu.memory_space<hbm>>
      %dma_start3A_173 = tpu.memref_squeeze %dma_start3A_172 : memref<1x6144xf32, #tpu.memory_space<hbm>> -> memref<6144xf32, #tpu.memory_space<hbm>>
      %dma_start3A_174 = arith.constant 0 : i32
      %dma_start3A_175 = tpu.memref_slice %arg6[%add3A, %dma_start3A_174] : memref<32x6144xf32, #tpu.memory_space<hbm>> -> memref<1x6144xf32, #tpu.memory_space<hbm>>
      %dma_start3A_176 = tpu.memref_squeeze %dma_start3A_175 : memref<1x6144xf32, #tpu.memory_space<hbm>> -> memref<6144xf32, #tpu.memory_space<hbm>>
      tpu.enqueue_dma source(%arg12 : memref<6144xf32, #tpu.memory_space<vmem>>) target(%dma_start3A_176 : memref<6144xf32, #tpu.memory_space<hbm>>) target_semaphore(%run_scoped3A : memref<!tpu.dma_semaphore, #tpu.memory_space<semaphore_mem>>)
      %dma_wait3A_177 = arith.constant 0 : i32
      %dma_wait3A_178 = tpu.memref_slice %arg6[%add3A, %dma_wait3A_177] : memref<32x6144xf32, #tpu.memory_space<hbm>> -> memref<1x6144xf32, #tpu.memory_space<hbm>>
      %dma_wait3A_179 = tpu.memref_squeeze %dma_wait3A_178 : memref<1x6144xf32, #tpu.memory_space<hbm>> -> memref<6144xf32, #tpu.memory_space<hbm>>
      %dma_wait3A_180 = arith.constant 0 : i32
      %dma_wait3A_181 = tpu.memref_slice %arg6[%add3A, %dma_wait3A_180] : memref<32x6144xf32, #tpu.memory_space<hbm>> -> memref<1x6144xf32, #tpu.memory_space<hbm>>
      %dma_wait3A_182 = tpu.memref_squeeze %dma_wait3A_181 : memref<1x6144xf32, #tpu.memory_space<hbm>> -> memref<6144xf32, #tpu.memory_space<hbm>>
      tpu.wait_dma2 semaphore(%run_scoped3A : memref<!tpu.dma_semaphore, #tpu.memory_space<semaphore_mem>>) src(%arg12 : memref<6144xf32, #tpu.memory_space<vmem>>) dst(%dma_wait3A_182 : memref<6144xf32, #tpu.memory_space<hbm>>)
      tpu.yield
    }) : () -> ()
    "tpu.region"() ({
      %run_scoped3A = tpu.sem_alloc : memref<!tpu.dma_semaphore, #tpu.memory_space<semaphore_mem>>
      %dma_start3A_171 = arith.constant 0 : i32
      %dma_start3A_172 = tpu.memref_slice %arg7[%add3A, %dma_start3A_171] : memref<32x768xf32, #tpu.memory_space<hbm>> -> memref<1x768xf32, #tpu.memory_space<hbm>>
      %dma_start3A_173 = tpu.memref_squeeze %dma_start3A_172 : memref<1x768xf32, #tpu.memory_space<hbm>> -> memref<768xf32, #tpu.memory_space<hbm>>
      %dma_start3A_174 = arith.constant 0 : i32
      %dma_start3A_175 = tpu.memref_slice %arg7[%add3A, %dma_start3A_174] : memref<32x768xf32, #tpu.memory_space<hbm>> -> memref<1x768xf32, #tpu.memory_space<hbm>>
      %dma_start3A_176 = tpu.memref_squeeze %dma_start3A_175 : memref<1x768xf32, #tpu.memory_space<hbm>> -> memref<768xf32, #tpu.memory_space<hbm>>
      tpu.enqueue_dma source(%arg13 : memref<768xf32, #tpu.memory_space<vmem>>) target(%dma_start3A_176 : memref<768xf32, #tpu.memory_space<hbm>>) target_semaphore(%run_scoped3A : memref<!tpu.dma_semaphore, #tpu.memory_space<semaphore_mem>>)
      %dma_wait3A_177 = arith.constant 0 : i32
      %dma_wait3A_178 = tpu.memref_slice %arg7[%add3A, %dma_wait3A_177] : memref<32x768xf32, #tpu.memory_space<hbm>> -> memref<1x768xf32, #tpu.memory_space<hbm>>
      %dma_wait3A_179 = tpu.memref_squeeze %dma_wait3A_178 : memref<1x768xf32, #tpu.memory_space<hbm>> -> memref<768xf32, #tpu.memory_space<hbm>>
      %dma_wait3A_180 = arith.constant 0 : i32
      %dma_wait3A_181 = tpu.memref_slice %arg7[%add3A, %dma_wait3A_180] : memref<32x768xf32, #tpu.memory_space<hbm>> -> memref<1x768xf32, #tpu.memory_space<hbm>>
      %dma_wait3A_182 = tpu.memref_squeeze %dma_wait3A_181 : memref<1x768xf32, #tpu.memory_space<hbm>> -> memref<768xf32, #tpu.memory_space<hbm>>
      tpu.wait_dma2 semaphore(%run_scoped3A : memref<!tpu.dma_semaphore, #tpu.memory_space<semaphore_mem>>) src(%arg13 : memref<768xf32, #tpu.memory_space<vmem>>) dst(%dma_wait3A_182 : memref<768xf32, #tpu.memory_space<hbm>>)
      tpu.yield
    }) : () -> ()
    return
  }
}

module attributes {stable_mosaic.version = 14 : i64} {
  func.func @_tcp_body(%arg0: i32, %arg1: memref<17xi32, #tpu.memory_space<smem>>, %arg2: memref<512x128xf32, #tpu.memory_space<vmem>>, %arg3: memref<512x3xi32, #tpu.memory_space<vmem>>, %arg4: memref<95x128xf32, #tpu.memory_space<vmem>>, %arg5: memref<48x128xf32, #tpu.memory_space<vmem>>, %arg6: memref<48x16xf32, #tpu.memory_space<vmem>>, %arg7: memref<48x128xf32, #tpu.memory_space<vmem>>, %arg8: memref<48x16xf32, #tpu.memory_space<vmem>>) attributes {dimension_semantics = [#tpu.dimension_semantics<arbitrary>], iteration_bounds = array<i64: 32>, scalar_prefetch = 1 : i64, scratch_operands = 2 : i64, tpu.core_type = #tpu.core_type<tc>, window_params = [{transform_indices = @transform_0, window_bounds = array<i64: 512, 128>}, {transform_indices = @transform_1, window_bounds = array<i64: 512, 3>}, {pipeline_mode = #tpu.pipeline_mode<synchronous>, transform_indices = @transform_2, window_bounds = array<i64: 95, 128>}, {pipeline_mode = #tpu.pipeline_mode<synchronous>, transform_indices = @transform_3, window_bounds = array<i64: 48, 128>}, {pipeline_mode = #tpu.pipeline_mode<synchronous>, transform_indices = @transform_4, window_bounds = array<i64: 48, 16>}]} {
    %eq3A = arith.constant 0 : i32
    %eq3A_0 = arith.cmpi eq, %arg0, %eq3A : i32
    %convert_element_type3A = arith.extui %eq3A_0 : i1 to i32
    %cond3A = arith.constant 0 : i32
    %cond3A_1 = arith.cmpi ne, %convert_element_type3A, %cond3A : i32
    scf.if %cond3A_1 {
      %broadcast_in_dim3A_254 = arith.constant 0.000000e+00 : f32
      %broadcast_in_dim3A_255 = vector.broadcast %broadcast_in_dim3A_254 : f32 to vector<48x128xf32>
      %swap3A_256 = arith.constant 0 : index
      %swap3A_257 = arith.constant 0 : index
      %swap3A_258 = vector.load %arg7[%swap3A_256, %swap3A_257] : memref<48x128xf32, #tpu.memory_space<vmem>>, vector<48x128xf32>
      tpu.vector_store %arg7[%swap3A_256, %swap3A_257], %broadcast_in_dim3A_255 {strides = array<i32>} : memref<48x128xf32, #tpu.memory_space<vmem>>, vector<48x128xf32>,
      %broadcast_in_dim3A_259 = arith.constant 0.000000e+00 : f32
      %broadcast_in_dim3A_260 = vector.broadcast %broadcast_in_dim3A_259 : f32 to vector<48x16xf32>
      %swap3A_261 = arith.constant 0 : index
      %swap3A_262 = arith.constant 0 : index
      %swap3A_263 = vector.load %arg8[%swap3A_261, %swap3A_262] : memref<48x16xf32, #tpu.memory_space<vmem>>, vector<48x16xf32>
      tpu.vector_store %arg8[%swap3A_261, %swap3A_262], %broadcast_in_dim3A_260 {strides = array<i32>} : memref<48x16xf32, #tpu.memory_space<vmem>>, vector<48x16xf32>,
    } else {
    }
    %get3A = arith.constant 0 : index
    %get3A_2 = arith.constant 0 : index
    %get3A_3 = vector.load %arg2[%get3A, %get3A_2] : memref<512x128xf32, #tpu.memory_space<vmem>>, vector<512x128xf32>
    %get3A_4 = arith.constant 0 : index
    %get3A_5 = arith.constant 0 : index
    %get3A_6 = vector.load %arg4[%get3A_4, %get3A_5] : memref<95x128xf32, #tpu.memory_space<vmem>>, vector<95x128xf32>
    %dot_general3A = arith.constant dense<0.000000e+00> : vector<512x95xf32>
    %dot_general3A_7 = tpu.matmul %get3A_3, %get3A_6, %dot_general3A {dimension_numbers = #tpu.dot_dimension_numbers<[1], [1], [0], [0], [0, 0, 1, 0], [], []>, transpose_lhs_hint = false} : vector<512x128xf32>, vector<95x128xf32>, vector<512x95xf32> -> vector<512x95xf32>
    %iota3A = tpu.iota {dimensions = array<i32: 1>} : vector<512x95xi32>
    %mul3A = arith.constant 512 : i32
    %mul3A_8 = arith.muli %arg0, %mul3A : i32
    %add3A = arith.constant 16384 : i32
    %add3A_9 = arith.addi %add3A, %mul3A_8 : i32
    %iota3A_10 = tpu.iota {dimensions = array<i32: 1>} : vector<1x512xi32>
    %add3A_11 = vector.broadcast %add3A_9 : i32 to vector<1x512xi32>
    %add3A_12 = arith.addi %add3A_11, %iota3A_10 : vector<1x512xi32>
    %get3A_13 = arith.constant 0 : index
    %get3A_14 = memref.load %arg1[%get3A_13] : memref<17xi32, #tpu.memory_space<smem>>
    %get3A_15 = arith.constant 1 : index
    %get3A_16 = memref.load %arg1[%get3A_15] : memref<17xi32, #tpu.memory_space<smem>>
    %get3A_17 = arith.constant 2 : index
    %get3A_18 = memref.load %arg1[%get3A_17] : memref<17xi32, #tpu.memory_space<smem>>
    %get3A_19 = arith.constant 3 : index
    %get3A_20 = memref.load %arg1[%get3A_19] : memref<17xi32, #tpu.memory_space<smem>>
    %get3A_21 = arith.constant 4 : index
    %get3A_22 = memref.load %arg1[%get3A_21] : memref<17xi32, #tpu.memory_space<smem>>
    %get3A_23 = arith.constant 5 : index
    %get3A_24 = memref.load %arg1[%get3A_23] : memref<17xi32, #tpu.memory_space<smem>>
    %get3A_25 = arith.constant 6 : index
    %get3A_26 = memref.load %arg1[%get3A_25] : memref<17xi32, #tpu.memory_space<smem>>
    %get3A_27 = arith.constant 7 : index
    %get3A_28 = memref.load %arg1[%get3A_27] : memref<17xi32, #tpu.memory_space<smem>>
    %get3A_29 = arith.constant 8 : index
    %get3A_30 = memref.load %arg1[%get3A_29] : memref<17xi32, #tpu.memory_space<smem>>
    %get3A_31 = arith.constant 9 : index
    %get3A_32 = memref.load %arg1[%get3A_31] : memref<17xi32, #tpu.memory_space<smem>>
    %get3A_33 = arith.constant 10 : index
    %get3A_34 = memref.load %arg1[%get3A_33] : memref<17xi32, #tpu.memory_space<smem>>
    %get3A_35 = arith.constant 11 : index
    %get3A_36 = memref.load %arg1[%get3A_35] : memref<17xi32, #tpu.memory_space<smem>>
    %get3A_37 = arith.constant 12 : index
    %get3A_38 = memref.load %arg1[%get3A_37] : memref<17xi32, #tpu.memory_space<smem>>
    %get3A_39 = arith.constant 13 : index
    %get3A_40 = memref.load %arg1[%get3A_39] : memref<17xi32, #tpu.memory_space<smem>>
    %get3A_41 = arith.constant 14 : index
    %get3A_42 = memref.load %arg1[%get3A_41] : memref<17xi32, #tpu.memory_space<smem>>
    %get3A_43 = arith.constant 15 : index
    %get3A_44 = memref.load %arg1[%get3A_43] : memref<17xi32, #tpu.memory_space<smem>>
    %get3A_45 = arith.constant 16 : index
    %get3A_46 = memref.load %arg1[%get3A_45] : memref<17xi32, #tpu.memory_space<smem>>
    %ge3A = vector.broadcast %get3A_14 : i32 to vector<1x512xi32>
    %ge3A_47 = arith.cmpi sge, %add3A_12, %ge3A : vector<1x512xi32>
    %lt3A = vector.broadcast %get3A_16 : i32 to vector<1x512xi32>
    %lt3A_48 = arith.cmpi slt, %add3A_12, %lt3A : vector<1x512xi32>
    %and3A = arith.andi %ge3A_47, %lt3A_48 : vector<1x512xi1>
    %convert_element_type3A_49 = arith.extui %and3A : vector<1x512xi1> to vector<1x512xi32>
    %convert_element_type3A_50 = arith.sitofp %convert_element_type3A_49 : vector<1x512xi32> to vector<1x512xf32>
    %ge3A_51 = vector.broadcast %get3A_16 : i32 to vector<1x512xi32>
    %ge3A_52 = arith.cmpi sge, %add3A_12, %ge3A_51 : vector<1x512xi32>
    %lt3A_53 = vector.broadcast %get3A_18 : i32 to vector<1x512xi32>
    %lt3A_54 = arith.cmpi slt, %add3A_12, %lt3A_53 : vector<1x512xi32>
    %and3A_55 = arith.andi %ge3A_52, %lt3A_54 : vector<1x512xi1>
    %convert_element_type3A_56 = arith.extui %and3A_55 : vector<1x512xi1> to vector<1x512xi32>
    %convert_element_type3A_57 = arith.sitofp %convert_element_type3A_56 : vector<1x512xi32> to vector<1x512xf32>
    %ge3A_58 = vector.broadcast %get3A_18 : i32 to vector<1x512xi32>
    %ge3A_59 = arith.cmpi sge, %add3A_12, %ge3A_58 : vector<1x512xi32>
    %lt3A_60 = vector.broadcast %get3A_20 : i32 to vector<1x512xi32>
    %lt3A_61 = arith.cmpi slt, %add3A_12, %lt3A_60 : vector<1x512xi32>
    %and3A_62 = arith.andi %ge3A_59, %lt3A_61 : vector<1x512xi1>
    %convert_element_type3A_63 = arith.extui %and3A_62 : vector<1x512xi1> to vector<1x512xi32>
    %convert_element_type3A_64 = arith.sitofp %convert_element_type3A_63 : vector<1x512xi32> to vector<1x512xf32>
    %ge3A_65 = vector.broadcast %get3A_20 : i32 to vector<1x512xi32>
    %ge3A_66 = arith.cmpi sge, %add3A_12, %ge3A_65 : vector<1x512xi32>
    %lt3A_67 = vector.broadcast %get3A_22 : i32 to vector<1x512xi32>
    %lt3A_68 = arith.cmpi slt, %add3A_12, %lt3A_67 : vector<1x512xi32>
    %and3A_69 = arith.andi %ge3A_66, %lt3A_68 : vector<1x512xi1>
    %convert_element_type3A_70 = arith.extui %and3A_69 : vector<1x512xi1> to vector<1x512xi32>
    %convert_element_type3A_71 = arith.sitofp %convert_element_type3A_70 : vector<1x512xi32> to vector<1x512xf32>
    %ge3A_72 = vector.broadcast %get3A_22 : i32 to vector<1x512xi32>
    %ge3A_73 = arith.cmpi sge, %add3A_12, %ge3A_72 : vector<1x512xi32>
    %lt3A_74 = vector.broadcast %get3A_24 : i32 to vector<1x512xi32>
    %lt3A_75 = arith.cmpi slt, %add3A_12, %lt3A_74 : vector<1x512xi32>
    %and3A_76 = arith.andi %ge3A_73, %lt3A_75 : vector<1x512xi1>
    %convert_element_type3A_77 = arith.extui %and3A_76 : vector<1x512xi1> to vector<1x512xi32>
    %convert_element_type3A_78 = arith.sitofp %convert_element_type3A_77 : vector<1x512xi32> to vector<1x512xf32>
    %ge3A_79 = vector.broadcast %get3A_24 : i32 to vector<1x512xi32>
    %ge3A_80 = arith.cmpi sge, %add3A_12, %ge3A_79 : vector<1x512xi32>
    %lt3A_81 = vector.broadcast %get3A_26 : i32 to vector<1x512xi32>
    %lt3A_82 = arith.cmpi slt, %add3A_12, %lt3A_81 : vector<1x512xi32>
    %and3A_83 = arith.andi %ge3A_80, %lt3A_82 : vector<1x512xi1>
    %convert_element_type3A_84 = arith.extui %and3A_83 : vector<1x512xi1> to vector<1x512xi32>
    %convert_element_type3A_85 = arith.sitofp %convert_element_type3A_84 : vector<1x512xi32> to vector<1x512xf32>
    %ge3A_86 = vector.broadcast %get3A_26 : i32 to vector<1x512xi32>
    %ge3A_87 = arith.cmpi sge, %add3A_12, %ge3A_86 : vector<1x512xi32>
    %lt3A_88 = vector.broadcast %get3A_28 : i32 to vector<1x512xi32>
    %lt3A_89 = arith.cmpi slt, %add3A_12, %lt3A_88 : vector<1x512xi32>
    %and3A_90 = arith.andi %ge3A_87, %lt3A_89 : vector<1x512xi1>
    %convert_element_type3A_91 = arith.extui %and3A_90 : vector<1x512xi1> to vector<1x512xi32>
    %convert_element_type3A_92 = arith.sitofp %convert_element_type3A_91 : vector<1x512xi32> to vector<1x512xf32>
    %ge3A_93 = vector.broadcast %get3A_28 : i32 to vector<1x512xi32>
    %ge3A_94 = arith.cmpi sge, %add3A_12, %ge3A_93 : vector<1x512xi32>
    %lt3A_95 = vector.broadcast %get3A_30 : i32 to vector<1x512xi32>
    %lt3A_96 = arith.cmpi slt, %add3A_12, %lt3A_95 : vector<1x512xi32>
    %and3A_97 = arith.andi %ge3A_94, %lt3A_96 : vector<1x512xi1>
    %convert_element_type3A_98 = arith.extui %and3A_97 : vector<1x512xi1> to vector<1x512xi32>
    %convert_element_type3A_99 = arith.sitofp %convert_element_type3A_98 : vector<1x512xi32> to vector<1x512xf32>
    %ge3A_100 = vector.broadcast %get3A_30 : i32 to vector<1x512xi32>
    %ge3A_101 = arith.cmpi sge, %add3A_12, %ge3A_100 : vector<1x512xi32>
    %lt3A_102 = vector.broadcast %get3A_32 : i32 to vector<1x512xi32>
    %lt3A_103 = arith.cmpi slt, %add3A_12, %lt3A_102 : vector<1x512xi32>
    %and3A_104 = arith.andi %ge3A_101, %lt3A_103 : vector<1x512xi1>
    %convert_element_type3A_105 = arith.extui %and3A_104 : vector<1x512xi1> to vector<1x512xi32>
    %convert_element_type3A_106 = arith.sitofp %convert_element_type3A_105 : vector<1x512xi32> to vector<1x512xf32>
    %ge3A_107 = vector.broadcast %get3A_32 : i32 to vector<1x512xi32>
    %ge3A_108 = arith.cmpi sge, %add3A_12, %ge3A_107 : vector<1x512xi32>
    %lt3A_109 = vector.broadcast %get3A_34 : i32 to vector<1x512xi32>
    %lt3A_110 = arith.cmpi slt, %add3A_12, %lt3A_109 : vector<1x512xi32>
    %and3A_111 = arith.andi %ge3A_108, %lt3A_110 : vector<1x512xi1>
    %convert_element_type3A_112 = arith.extui %and3A_111 : vector<1x512xi1> to vector<1x512xi32>
    %convert_element_type3A_113 = arith.sitofp %convert_element_type3A_112 : vector<1x512xi32> to vector<1x512xf32>
    %ge3A_114 = vector.broadcast %get3A_34 : i32 to vector<1x512xi32>
    %ge3A_115 = arith.cmpi sge, %add3A_12, %ge3A_114 : vector<1x512xi32>
    %lt3A_116 = vector.broadcast %get3A_36 : i32 to vector<1x512xi32>
    %lt3A_117 = arith.cmpi slt, %add3A_12, %lt3A_116 : vector<1x512xi32>
    %and3A_118 = arith.andi %ge3A_115, %lt3A_117 : vector<1x512xi1>
    %convert_element_type3A_119 = arith.extui %and3A_118 : vector<1x512xi1> to vector<1x512xi32>
    %convert_element_type3A_120 = arith.sitofp %convert_element_type3A_119 : vector<1x512xi32> to vector<1x512xf32>
    %ge3A_121 = vector.broadcast %get3A_36 : i32 to vector<1x512xi32>
    %ge3A_122 = arith.cmpi sge, %add3A_12, %ge3A_121 : vector<1x512xi32>
    %lt3A_123 = vector.broadcast %get3A_38 : i32 to vector<1x512xi32>
    %lt3A_124 = arith.cmpi slt, %add3A_12, %lt3A_123 : vector<1x512xi32>
    %and3A_125 = arith.andi %ge3A_122, %lt3A_124 : vector<1x512xi1>
    %convert_element_type3A_126 = arith.extui %and3A_125 : vector<1x512xi1> to vector<1x512xi32>
    %convert_element_type3A_127 = arith.sitofp %convert_element_type3A_126 : vector<1x512xi32> to vector<1x512xf32>
    %ge3A_128 = vector.broadcast %get3A_38 : i32 to vector<1x512xi32>
    %ge3A_129 = arith.cmpi sge, %add3A_12, %ge3A_128 : vector<1x512xi32>
    %lt3A_130 = vector.broadcast %get3A_40 : i32 to vector<1x512xi32>
    %lt3A_131 = arith.cmpi slt, %add3A_12, %lt3A_130 : vector<1x512xi32>
    %and3A_132 = arith.andi %ge3A_129, %lt3A_131 : vector<1x512xi1>
    %convert_element_type3A_133 = arith.extui %and3A_132 : vector<1x512xi1> to vector<1x512xi32>
    %convert_element_type3A_134 = arith.sitofp %convert_element_type3A_133 : vector<1x512xi32> to vector<1x512xf32>
    %ge3A_135 = vector.broadcast %get3A_40 : i32 to vector<1x512xi32>
    %ge3A_136 = arith.cmpi sge, %add3A_12, %ge3A_135 : vector<1x512xi32>
    %lt3A_137 = vector.broadcast %get3A_42 : i32 to vector<1x512xi32>
    %lt3A_138 = arith.cmpi slt, %add3A_12, %lt3A_137 : vector<1x512xi32>
    %and3A_139 = arith.andi %ge3A_136, %lt3A_138 : vector<1x512xi1>
    %convert_element_type3A_140 = arith.extui %and3A_139 : vector<1x512xi1> to vector<1x512xi32>
    %convert_element_type3A_141 = arith.sitofp %convert_element_type3A_140 : vector<1x512xi32> to vector<1x512xf32>
    %ge3A_142 = vector.broadcast %get3A_42 : i32 to vector<1x512xi32>
    %ge3A_143 = arith.cmpi sge, %add3A_12, %ge3A_142 : vector<1x512xi32>
    %lt3A_144 = vector.broadcast %get3A_44 : i32 to vector<1x512xi32>
    %lt3A_145 = arith.cmpi slt, %add3A_12, %lt3A_144 : vector<1x512xi32>
    %and3A_146 = arith.andi %ge3A_143, %lt3A_145 : vector<1x512xi1>
    %convert_element_type3A_147 = arith.extui %and3A_146 : vector<1x512xi1> to vector<1x512xi32>
    %convert_element_type3A_148 = arith.sitofp %convert_element_type3A_147 : vector<1x512xi32> to vector<1x512xf32>
    %ge3A_149 = vector.broadcast %get3A_44 : i32 to vector<1x512xi32>
    %ge3A_150 = arith.cmpi sge, %add3A_12, %ge3A_149 : vector<1x512xi32>
    %lt3A_151 = vector.broadcast %get3A_46 : i32 to vector<1x512xi32>
    %lt3A_152 = arith.cmpi slt, %add3A_12, %lt3A_151 : vector<1x512xi32>
    %and3A_153 = arith.andi %ge3A_150, %lt3A_152 : vector<1x512xi1>
    %convert_element_type3A_154 = arith.extui %and3A_153 : vector<1x512xi1> to vector<1x512xi32>
    %convert_element_type3A_155 = arith.sitofp %convert_element_type3A_154 : vector<1x512xi32> to vector<1x512xf32>
    %concatenate3A = tpu.concatenate %convert_element_type3A_50, %convert_element_type3A_57, %convert_element_type3A_64, %convert_element_type3A_71, %convert_element_type3A_78, %convert_element_type3A_85, %convert_element_type3A_92, %convert_element_type3A_99, %convert_element_type3A_106, %convert_element_type3A_113, %convert_element_type3A_120, %convert_element_type3A_127, %convert_element_type3A_134, %convert_element_type3A_141, %convert_element_type3A_148, %convert_element_type3A_155 in 0 : vector<1x512xf32>, vector<1x512xf32>, vector<1x512xf32>, vector<1x512xf32>, vector<1x512xf32>, vector<1x512xf32>, vector<1x512xf32>, vector<1x512xf32>, vector<1x512xf32>, vector<1x512xf32>, vector<1x512xf32>, vector<1x512xf32>, vector<1x512xf32>, vector<1x512xf32>, vector<1x512xf32>, vector<1x512xf32> -> vector<16x512xf32>
    %get3A_156 = arith.constant 0 : index
    %get3A_157 = arith.constant 0 : index
    %get3A_158 = vector.load %arg3[%get3A_156, %get3A_157] : memref<512x3xi32, #tpu.memory_space<vmem>>, vector<512x1xi32>
    %eq3A_159 = vector.broadcast %get3A_158 : vector<512x1xi32> to vector<512x95xi32>
    %eq3A_160 = arith.cmpi eq, %iota3A, %eq3A_159 : vector<512x95xi32>
    %jit3A = arith.constant 0.000000e+00 : f32
    %broadcast_in_dim3A = vector.broadcast %jit3A : f32 to vector<512x95xf32>
    %select_n3A = arith.select %eq3A_160, %dot_general3A_7, %broadcast_in_dim3A : vector<512x95xi1>, vector<512x95xf32>
    %reduce_sum3A = arith.constant dense<0.000000e+00> : vector<512xf32>
    %reduce_sum3A_161 = vector.multi_reduction <add>, %select_n3A, %reduce_sum3A [1] : vector<512x95xf32> to vector<512xf32>
    %broadcast_in_dim3A_162 = vector.shape_cast %reduce_sum3A_161 : vector<512xf32> to vector<512x1xf32>
    %exp3A = math.exp %broadcast_in_dim3A_162 : vector<512x1xf32>
    %mul3A_163 = vector.broadcast %exp3A : vector<512x1xf32> to vector<512x128xf32>
    %mul3A_164 = arith.mulf %mul3A_163, %get3A_3 : vector<512x128xf32>
    %get3A_165 = arith.constant 0 : index
    %get3A_166 = arith.constant 0 : index
    %get3A_167 = vector.load %arg7[%get3A_165, %get3A_166] : memref<48x128xf32, #tpu.memory_space<vmem>>, vector<16x128xf32>
    %dot_general3A_168 = arith.constant dense<0.000000e+00> : vector<16x128xf32>
    %dot_general3A_169 = tpu.matmul %concatenate3A, %mul3A_164, %dot_general3A_168 {dimension_numbers = #tpu.dot_dimension_numbers<[1], [0], [0], [1], [0, 0, 1, 1], [], []>, transpose_lhs_hint = false} : vector<16x512xf32>, vector<512x128xf32>, vector<16x128xf32> -> vector<16x128xf32>
    %add3A_170 = arith.addf %get3A_167, %dot_general3A_169 : vector<16x128xf32>
    %swap3A = arith.constant 0 : index
    %swap3A_171 = arith.constant 0 : index
    %swap3A_172 = vector.load %arg7[%swap3A, %swap3A_171] : memref<48x128xf32, #tpu.memory_space<vmem>>, vector<16x128xf32>
    tpu.vector_store %arg7[%swap3A, %swap3A_171], %add3A_170 {strides = array<i32>} : memref<48x128xf32, #tpu.memory_space<vmem>>, vector<16x128xf32>,
    %get3A_173 = arith.constant 0 : index
    %get3A_174 = arith.constant 0 : index
    %get3A_175 = vector.load %arg8[%get3A_173, %get3A_174] : memref<48x16xf32, #tpu.memory_space<vmem>>, vector<16x16xf32>
    %dot_general3A_176 = arith.constant dense<0.000000e+00> : vector<16x1xf32>
    %dot_general3A_177 = tpu.matmul %concatenate3A, %exp3A, %dot_general3A_176 {dimension_numbers = #tpu.dot_dimension_numbers<[1], [0], [0], [1], [0, 0, 1, 1], [], []>, transpose_lhs_hint = false} : vector<16x512xf32>, vector<512x1xf32>, vector<16x1xf32> -> vector<16x1xf32>
    %add3A_178 = vector.broadcast %dot_general3A_177 : vector<16x1xf32> to vector<16x16xf32>
    %add3A_179 = arith.addf %get3A_175, %add3A_178 : vector<16x16xf32>
    %swap3A_180 = arith.constant 0 : index
    %swap3A_181 = arith.constant 0 : index
    %swap3A_182 = vector.load %arg8[%swap3A_180, %swap3A_181] : memref<48x16xf32, #tpu.memory_space<vmem>>, vector<16x16xf32>
    tpu.vector_store %arg8[%swap3A_180, %swap3A_181], %add3A_179 {strides = array<i32>} : memref<48x16xf32, #tpu.memory_space<vmem>>, vector<16x16xf32>,
    %get3A_183 = arith.constant 0 : index
    %get3A_184 = arith.constant 1 : index
    %get3A_185 = vector.load %arg3[%get3A_183, %get3A_184] : memref<512x3xi32, #tpu.memory_space<vmem>>, vector<512x1xi32>
    %eq3A_186 = vector.broadcast %get3A_185 : vector<512x1xi32> to vector<512x95xi32>
    %eq3A_187 = arith.cmpi eq, %iota3A, %eq3A_186 : vector<512x95xi32>
    %jit3A_188 = arith.constant 0.000000e+00 : f32
    %broadcast_in_dim3A_189 = vector.broadcast %jit3A_188 : f32 to vector<512x95xf32>
    %select_n3A_190 = arith.select %eq3A_187, %dot_general3A_7, %broadcast_in_dim3A_189 : vector<512x95xi1>, vector<512x95xf32>
    %reduce_sum3A_191 = arith.constant dense<0.000000e+00> : vector<512xf32>
    %reduce_sum3A_192 = vector.multi_reduction <add>, %select_n3A_190, %reduce_sum3A_191 [1] : vector<512x95xf32> to vector<512xf32>
    %broadcast_in_dim3A_193 = vector.shape_cast %reduce_sum3A_192 : vector<512xf32> to vector<512x1xf32>
    %exp3A_194 = math.exp %broadcast_in_dim3A_193 : vector<512x1xf32>
    %mul3A_195 = vector.broadcast %exp3A_194 : vector<512x1xf32> to vector<512x128xf32>
    %mul3A_196 = arith.mulf %mul3A_195, %get3A_3 : vector<512x128xf32>
    %get3A_197 = arith.constant 16 : index
    %get3A_198 = arith.constant 0 : index
    %get3A_199 = vector.load %arg7[%get3A_197, %get3A_198] : memref<48x128xf32, #tpu.memory_space<vmem>>, vector<16x128xf32>
    %dot_general3A_200 = arith.constant dense<0.000000e+00> : vector<16x128xf32>
    %dot_general3A_201 = tpu.matmul %concatenate3A, %mul3A_196, %dot_general3A_200 {dimension_numbers = #tpu.dot_dimension_numbers<[1], [0], [0], [1], [0, 0, 1, 1], [], []>, transpose_lhs_hint = false} : vector<16x512xf32>, vector<512x128xf32>, vector<16x128xf32> -> vector<16x128xf32>
    %add3A_202 = arith.addf %get3A_199, %dot_general3A_201 : vector<16x128xf32>
    %swap3A_203 = arith.constant 16 : index
    %swap3A_204 = arith.constant 0 : index
    %swap3A_205 = vector.load %arg7[%swap3A_203, %swap3A_204] : memref<48x128xf32, #tpu.memory_space<vmem>>, vector<16x128xf32>
    tpu.vector_store %arg7[%swap3A_203, %swap3A_204], %add3A_202 {strides = array<i32>} : memref<48x128xf32, #tpu.memory_space<vmem>>, vector<16x128xf32>,
    %get3A_206 = arith.constant 16 : index
    %get3A_207 = arith.constant 0 : index
    %get3A_208 = vector.load %arg8[%get3A_206, %get3A_207] : memref<48x16xf32, #tpu.memory_space<vmem>>, vector<16x16xf32>
    %dot_general3A_209 = arith.constant dense<0.000000e+00> : vector<16x1xf32>
    %dot_general3A_210 = tpu.matmul %concatenate3A, %exp3A_194, %dot_general3A_209 {dimension_numbers = #tpu.dot_dimension_numbers<[1], [0], [0], [1], [0, 0, 1, 1], [], []>, transpose_lhs_hint = false} : vector<16x512xf32>, vector<512x1xf32>, vector<16x1xf32> -> vector<16x1xf32>
    %add3A_211 = vector.broadcast %dot_general3A_210 : vector<16x1xf32> to vector<16x16xf32>
    %add3A_212 = arith.addf %get3A_208, %add3A_211 : vector<16x16xf32>
    %swap3A_213 = arith.constant 16 : index
    %swap3A_214 = arith.constant 0 : index
    %swap3A_215 = vector.load %arg8[%swap3A_213, %swap3A_214] : memref<48x16xf32, #tpu.memory_space<vmem>>, vector<16x16xf32>
    tpu.vector_store %arg8[%swap3A_213, %swap3A_214], %add3A_212 {strides = array<i32>} : memref<48x16xf32, #tpu.memory_space<vmem>>, vector<16x16xf32>,
    %get3A_216 = arith.constant 0 : index
    %get3A_217 = arith.constant 2 : index
    %get3A_218 = vector.load %arg3[%get3A_216, %get3A_217] : memref<512x3xi32, #tpu.memory_space<vmem>>, vector<512x1xi32>
    %eq3A_219 = vector.broadcast %get3A_218 : vector<512x1xi32> to vector<512x95xi32>
    %eq3A_220 = arith.cmpi eq, %iota3A, %eq3A_219 : vector<512x95xi32>
    %jit3A_221 = arith.constant 0.000000e+00 : f32
    %broadcast_in_dim3A_222 = vector.broadcast %jit3A_221 : f32 to vector<512x95xf32>
    %select_n3A_223 = arith.select %eq3A_220, %dot_general3A_7, %broadcast_in_dim3A_222 : vector<512x95xi1>, vector<512x95xf32>
    %reduce_sum3A_224 = arith.constant dense<0.000000e+00> : vector<512xf32>
    %reduce_sum3A_225 = vector.multi_reduction <add>, %select_n3A_223, %reduce_sum3A_224 [1] : vector<512x95xf32> to vector<512xf32>
    %broadcast_in_dim3A_226 = vector.shape_cast %reduce_sum3A_225 : vector<512xf32> to vector<512x1xf32>
    %exp3A_227 = math.exp %broadcast_in_dim3A_226 : vector<512x1xf32>
    %mul3A_228 = vector.broadcast %exp3A_227 : vector<512x1xf32> to vector<512x128xf32>
    %mul3A_229 = arith.mulf %mul3A_228, %get3A_3 : vector<512x128xf32>
    %get3A_230 = arith.constant 32 : index
    %get3A_231 = arith.constant 0 : index
    %get3A_232 = vector.load %arg7[%get3A_230, %get3A_231] : memref<48x128xf32, #tpu.memory_space<vmem>>, vector<16x128xf32>
    %dot_general3A_233 = arith.constant dense<0.000000e+00> : vector<16x128xf32>
    %dot_general3A_234 = tpu.matmul %concatenate3A, %mul3A_229, %dot_general3A_233 {dimension_numbers = #tpu.dot_dimension_numbers<[1], [0], [0], [1], [0, 0, 1, 1], [], []>, transpose_lhs_hint = false} : vector<16x512xf32>, vector<512x128xf32>, vector<16x128xf32> -> vector<16x128xf32>
    %add3A_235 = arith.addf %get3A_232, %dot_general3A_234 : vector<16x128xf32>
    %swap3A_236 = arith.constant 32 : index
    %swap3A_237 = arith.constant 0 : index
    %swap3A_238 = vector.load %arg7[%swap3A_236, %swap3A_237] : memref<48x128xf32, #tpu.memory_space<vmem>>, vector<16x128xf32>
    tpu.vector_store %arg7[%swap3A_236, %swap3A_237], %add3A_235 {strides = array<i32>} : memref<48x128xf32, #tpu.memory_space<vmem>>, vector<16x128xf32>,
    %get3A_239 = arith.constant 32 : index
    %get3A_240 = arith.constant 0 : index
    %get3A_241 = vector.load %arg8[%get3A_239, %get3A_240] : memref<48x16xf32, #tpu.memory_space<vmem>>, vector<16x16xf32>
    %dot_general3A_242 = arith.constant dense<0.000000e+00> : vector<16x1xf32>
    %dot_general3A_243 = tpu.matmul %concatenate3A, %exp3A_227, %dot_general3A_242 {dimension_numbers = #tpu.dot_dimension_numbers<[1], [0], [0], [1], [0, 0, 1, 1], [], []>, transpose_lhs_hint = false} : vector<16x512xf32>, vector<512x1xf32>, vector<16x1xf32> -> vector<16x1xf32>
    %add3A_244 = vector.broadcast %dot_general3A_243 : vector<16x1xf32> to vector<16x16xf32>
    %add3A_245 = arith.addf %get3A_241, %add3A_244 : vector<16x16xf32>
    %swap3A_246 = arith.constant 32 : index
    %swap3A_247 = arith.constant 0 : index
    %swap3A_248 = vector.load %arg8[%swap3A_246, %swap3A_247] : memref<48x16xf32, #tpu.memory_space<vmem>>, vector<16x16xf32>
    tpu.vector_store %arg8[%swap3A_246, %swap3A_247], %add3A_245 {strides = array<i32>} : memref<48x16xf32, #tpu.memory_space<vmem>>, vector<16x16xf32>,
    %eq3A_249 = arith.constant 31 : i32
    %eq3A_250 = arith.cmpi eq, %arg0, %eq3A_249 : i32
    %convert_element_type3A_251 = arith.extui %eq3A_250 : i1 to i32
    %cond3A_252 = arith.constant 0 : i32
    %cond3A_253 = arith.cmpi ne, %convert_element_type3A_251, %cond3A_252 : i32
    scf.if %cond3A_253 {
      %get3A_254 = arith.constant 0 : index
      %get3A_255 = arith.constant 0 : index
      %get3A_256 = vector.load %arg7[%get3A_254, %get3A_255] : memref<48x128xf32, #tpu.memory_space<vmem>>, vector<48x128xf32>
      %swap3A_257 = arith.constant 0 : index
      %swap3A_258 = arith.constant 0 : index
      %swap3A_259 = vector.load %arg5[%swap3A_257, %swap3A_258] : memref<48x128xf32, #tpu.memory_space<vmem>>, vector<48x128xf32>
      tpu.vector_store %arg5[%swap3A_257, %swap3A_258], %get3A_256 {strides = array<i32>} : memref<48x128xf32, #tpu.memory_space<vmem>>, vector<48x128xf32>,
      %get3A_260 = arith.constant 0 : index
      %get3A_261 = arith.constant 0 : index
      %get3A_262 = vector.load %arg8[%get3A_260, %get3A_261] : memref<48x16xf32, #tpu.memory_space<vmem>>, vector<48x16xf32>
      %swap3A_263 = arith.constant 0 : index
      %swap3A_264 = arith.constant 0 : index
      %swap3A_265 = vector.load %arg6[%swap3A_263, %swap3A_264] : memref<48x16xf32, #tpu.memory_space<vmem>>, vector<48x16xf32>
      tpu.vector_store %arg6[%swap3A_263, %swap3A_264], %get3A_262 {strides = array<i32>} : memref<48x16xf32, #tpu.memory_space<vmem>>, vector<48x16xf32>,
    } else {
    }
    return
  }
  func.func @transform_0(%arg0: i32, %arg1: memref<17xi32, #tpu.memory_space<smem>>) -> (i32, i32) {
    %add3A = arith.constant 32 : i32
    %add3A_0 = arith.addi %arg0, %add3A : i32
    %c0_i32 = arith.constant 0 : i32
    %c0_i32_1 = arith.constant 0 : i32
    return %add3A_0, %c0_i32 : i32, i32
  }
  func.func @transform_1(%arg0: i32, %arg1: memref<17xi32, #tpu.memory_space<smem>>) -> (i32, i32) {
    %add3A = arith.constant 32 : i32
    %add3A_0 = arith.addi %arg0, %add3A : i32
    %c0_i32 = arith.constant 0 : i32
    %c0_i32_1 = arith.constant 0 : i32
    return %add3A_0, %c0_i32 : i32, i32
  }
  func.func @transform_2(%arg0: i32, %arg1: memref<17xi32, #tpu.memory_space<smem>>) -> (i32, i32) {
    %c0_i32 = arith.constant 0 : i32
    %c0_i32_0 = arith.constant 0 : i32
    %c0_i32_1 = arith.constant 0 : i32
    return %c0_i32, %c0_i32_0 : i32, i32
  }
  func.func @transform_3(%arg0: i32, %arg1: memref<17xi32, #tpu.memory_space<smem>>) -> (i32, i32) {
    %c0_i32 = arith.constant 0 : i32
    %c0_i32_0 = arith.constant 0 : i32
    %c0_i32_1 = arith.constant 0 : i32
    return %c0_i32, %c0_i32_0 : i32, i32
  }
  func.func @transform_4(%arg0: i32, %arg1: memref<17xi32, #tpu.memory_space<smem>>) -> (i32, i32) {
    %c0_i32 = arith.constant 0 : i32
    %c0_i32_0 = arith.constant 0 : i32
    %c0_i32_1 = arith.constant 0 : i32
    return %c0_i32, %c0_i32_0 : i32, i32
  }
}

module attributes {stable_mosaic.version = 14 : i64} {
  func.func @_fin_body(%arg0: memref<32x48x128xf32, #tpu.memory_space<vmem>>, %arg1: memref<32x48x16xf32, #tpu.memory_space<vmem>>, %arg2: memref<48x128xf32, #tpu.memory_space<vmem>>, %arg3: memref<48x16xf32, #tpu.memory_space<vmem>>, %arg4: memref<53x384xf32, #tpu.memory_space<vmem>>, %arg5: memref<1x53xf32, #tpu.memory_space<vmem>>, %arg6: memref<3x16x128xf32, #tpu.memory_space<vmem>>, %arg7: memref<16x384xf32, #tpu.memory_space<vmem>>, %arg8: memref<16x53xf32, #tpu.memory_space<vmem>>) attributes {dimension_semantics = [], scalar_prefetch = 0 : i64, scratch_operands = 0 : i64, tpu.core_type = #tpu.core_type<tc>} {
    %get3A = arith.constant 0 : index
    %get3A_0 = arith.constant 0 : index
    %get3A_1 = vector.load %arg2[%get3A, %get3A_0] : memref<48x128xf32, #tpu.memory_space<vmem>>, vector<48x128xf32>
    %get3A_2 = arith.constant 0 : index
    %get3A_3 = arith.constant 0 : index
    %get3A_4 = vector.load %arg3[%get3A_2, %get3A_3] : memref<48x16xf32, #tpu.memory_space<vmem>>, vector<48x16xf32>
    %get3A_5 = arith.constant 0 : index
    %get3A_6 = arith.constant 0 : index
    %get3A_7 = arith.constant 0 : index
    %get3A_8 = vector.load %arg0[%get3A_5, %get3A_6, %get3A_7] : memref<32x48x128xf32, #tpu.memory_space<vmem>>, vector<1x48x128xf32>
    %get3A_9 = vector.shape_cast %get3A_8 : vector<1x48x128xf32> to vector<48x128xf32>
    %add3A = arith.addf %get3A_1, %get3A_9 : vector<48x128xf32>
    %get3A_10 = arith.constant 0 : index
    %get3A_11 = arith.constant 0 : index
    %get3A_12 = arith.constant 0 : index
    %get3A_13 = vector.load %arg1[%get3A_10, %get3A_11, %get3A_12] : memref<32x48x16xf32, #tpu.memory_space<vmem>>, vector<1x48x16xf32>
    %get3A_14 = vector.shape_cast %get3A_13 : vector<1x48x16xf32> to vector<48x16xf32>
    %add3A_15 = arith.addf %get3A_4, %get3A_14 : vector<48x16xf32>
    %get3A_16 = arith.constant 1 : index
    %get3A_17 = arith.constant 0 : index
    %get3A_18 = arith.constant 0 : index
    %get3A_19 = vector.load %arg0[%get3A_16, %get3A_17, %get3A_18] : memref<32x48x128xf32, #tpu.memory_space<vmem>>, vector<1x48x128xf32>
    %get3A_20 = vector.shape_cast %get3A_19 : vector<1x48x128xf32> to vector<48x128xf32>
    %add3A_21 = arith.addf %add3A, %get3A_20 : vector<48x128xf32>
    %get3A_22 = arith.constant 1 : index
    %get3A_23 = arith.constant 0 : index
    %get3A_24 = arith.constant 0 : index
    %get3A_25 = vector.load %arg1[%get3A_22, %get3A_23, %get3A_24] : memref<32x48x16xf32, #tpu.memory_space<vmem>>, vector<1x48x16xf32>
    %get3A_26 = vector.shape_cast %get3A_25 : vector<1x48x16xf32> to vector<48x16xf32>
    %add3A_27 = arith.addf %add3A_15, %get3A_26 : vector<48x16xf32>
    %get3A_28 = arith.constant 2 : index
    %get3A_29 = arith.constant 0 : index
    %get3A_30 = arith.constant 0 : index
    %get3A_31 = vector.load %arg0[%get3A_28, %get3A_29, %get3A_30] : memref<32x48x128xf32, #tpu.memory_space<vmem>>, vector<1x48x128xf32>
    %get3A_32 = vector.shape_cast %get3A_31 : vector<1x48x128xf32> to vector<48x128xf32>
    %add3A_33 = arith.addf %add3A_21, %get3A_32 : vector<48x128xf32>
    %get3A_34 = arith.constant 2 : index
    %get3A_35 = arith.constant 0 : index
    %get3A_36 = arith.constant 0 : index
    %get3A_37 = vector.load %arg1[%get3A_34, %get3A_35, %get3A_36] : memref<32x48x16xf32, #tpu.memory_space<vmem>>, vector<1x48x16xf32>
    %get3A_38 = vector.shape_cast %get3A_37 : vector<1x48x16xf32> to vector<48x16xf32>
    %add3A_39 = arith.addf %add3A_27, %get3A_38 : vector<48x16xf32>
    %get3A_40 = arith.constant 3 : index
    %get3A_41 = arith.constant 0 : index
    %get3A_42 = arith.constant 0 : index
    %get3A_43 = vector.load %arg0[%get3A_40, %get3A_41, %get3A_42] : memref<32x48x128xf32, #tpu.memory_space<vmem>>, vector<1x48x128xf32>
    %get3A_44 = vector.shape_cast %get3A_43 : vector<1x48x128xf32> to vector<48x128xf32>
    %add3A_45 = arith.addf %add3A_33, %get3A_44 : vector<48x128xf32>
    %get3A_46 = arith.constant 3 : index
    %get3A_47 = arith.constant 0 : index
    %get3A_48 = arith.constant 0 : index
    %get3A_49 = vector.load %arg1[%get3A_46, %get3A_47, %get3A_48] : memref<32x48x16xf32, #tpu.memory_space<vmem>>, vector<1x48x16xf32>
    %get3A_50 = vector.shape_cast %get3A_49 : vector<1x48x16xf32> to vector<48x16xf32>
    %add3A_51 = arith.addf %add3A_39, %get3A_50 : vector<48x16xf32>
    %get3A_52 = arith.constant 4 : index
    %get3A_53 = arith.constant 0 : index
    %get3A_54 = arith.constant 0 : index
    %get3A_55 = vector.load %arg0[%get3A_52, %get3A_53, %get3A_54] : memref<32x48x128xf32, #tpu.memory_space<vmem>>, vector<1x48x128xf32>
    %get3A_56 = vector.shape_cast %get3A_55 : vector<1x48x128xf32> to vector<48x128xf32>
    %add3A_57 = arith.addf %add3A_45, %get3A_56 : vector<48x128xf32>
    %get3A_58 = arith.constant 4 : index
    %get3A_59 = arith.constant 0 : index
    %get3A_60 = arith.constant 0 : index
    %get3A_61 = vector.load %arg1[%get3A_58, %get3A_59, %get3A_60] : memref<32x48x16xf32, #tpu.memory_space<vmem>>, vector<1x48x16xf32>
    %get3A_62 = vector.shape_cast %get3A_61 : vector<1x48x16xf32> to vector<48x16xf32>
    %add3A_63 = arith.addf %add3A_51, %get3A_62 : vector<48x16xf32>
    %get3A_64 = arith.constant 5 : index
    %get3A_65 = arith.constant 0 : index
    %get3A_66 = arith.constant 0 : index
    %get3A_67 = vector.load %arg0[%get3A_64, %get3A_65, %get3A_66] : memref<32x48x128xf32, #tpu.memory_space<vmem>>, vector<1x48x128xf32>
    %get3A_68 = vector.shape_cast %get3A_67 : vector<1x48x128xf32> to vector<48x128xf32>
    %add3A_69 = arith.addf %add3A_57, %get3A_68 : vector<48x128xf32>
    %get3A_70 = arith.constant 5 : index
    %get3A_71 = arith.constant 0 : index
    %get3A_72 = arith.constant 0 : index
    %get3A_73 = vector.load %arg1[%get3A_70, %get3A_71, %get3A_72] : memref<32x48x16xf32, #tpu.memory_space<vmem>>, vector<1x48x16xf32>
    %get3A_74 = vector.shape_cast %get3A_73 : vector<1x48x16xf32> to vector<48x16xf32>
    %add3A_75 = arith.addf %add3A_63, %get3A_74 : vector<48x16xf32>
    %get3A_76 = arith.constant 6 : index
    %get3A_77 = arith.constant 0 : index
    %get3A_78 = arith.constant 0 : index
    %get3A_79 = vector.load %arg0[%get3A_76, %get3A_77, %get3A_78] : memref<32x48x128xf32, #tpu.memory_space<vmem>>, vector<1x48x128xf32>
    %get3A_80 = vector.shape_cast %get3A_79 : vector<1x48x128xf32> to vector<48x128xf32>
    %add3A_81 = arith.addf %add3A_69, %get3A_80 : vector<48x128xf32>
    %get3A_82 = arith.constant 6 : index
    %get3A_83 = arith.constant 0 : index
    %get3A_84 = arith.constant 0 : index
    %get3A_85 = vector.load %arg1[%get3A_82, %get3A_83, %get3A_84] : memref<32x48x16xf32, #tpu.memory_space<vmem>>, vector<1x48x16xf32>
    %get3A_86 = vector.shape_cast %get3A_85 : vector<1x48x16xf32> to vector<48x16xf32>
    %add3A_87 = arith.addf %add3A_75, %get3A_86 : vector<48x16xf32>
    %get3A_88 = arith.constant 7 : index
    %get3A_89 = arith.constant 0 : index
    %get3A_90 = arith.constant 0 : index
    %get3A_91 = vector.load %arg0[%get3A_88, %get3A_89, %get3A_90] : memref<32x48x128xf32, #tpu.memory_space<vmem>>, vector<1x48x128xf32>
    %get3A_92 = vector.shape_cast %get3A_91 : vector<1x48x128xf32> to vector<48x128xf32>
    %add3A_93 = arith.addf %add3A_81, %get3A_92 : vector<48x128xf32>
    %get3A_94 = arith.constant 7 : index
    %get3A_95 = arith.constant 0 : index
    %get3A_96 = arith.constant 0 : index
    %get3A_97 = vector.load %arg1[%get3A_94, %get3A_95, %get3A_96] : memref<32x48x16xf32, #tpu.memory_space<vmem>>, vector<1x48x16xf32>
    %get3A_98 = vector.shape_cast %get3A_97 : vector<1x48x16xf32> to vector<48x16xf32>
    %add3A_99 = arith.addf %add3A_87, %get3A_98 : vector<48x16xf32>
    %get3A_100 = arith.constant 8 : index
    %get3A_101 = arith.constant 0 : index
    %get3A_102 = arith.constant 0 : index
    %get3A_103 = vector.load %arg0[%get3A_100, %get3A_101, %get3A_102] : memref<32x48x128xf32, #tpu.memory_space<vmem>>, vector<1x48x128xf32>
    %get3A_104 = vector.shape_cast %get3A_103 : vector<1x48x128xf32> to vector<48x128xf32>
    %add3A_105 = arith.addf %add3A_93, %get3A_104 : vector<48x128xf32>
    %get3A_106 = arith.constant 8 : index
    %get3A_107 = arith.constant 0 : index
    %get3A_108 = arith.constant 0 : index
    %get3A_109 = vector.load %arg1[%get3A_106, %get3A_107, %get3A_108] : memref<32x48x16xf32, #tpu.memory_space<vmem>>, vector<1x48x16xf32>
    %get3A_110 = vector.shape_cast %get3A_109 : vector<1x48x16xf32> to vector<48x16xf32>
    %add3A_111 = arith.addf %add3A_99, %get3A_110 : vector<48x16xf32>
    %get3A_112 = arith.constant 9 : index
    %get3A_113 = arith.constant 0 : index
    %get3A_114 = arith.constant 0 : index
    %get3A_115 = vector.load %arg0[%get3A_112, %get3A_113, %get3A_114] : memref<32x48x128xf32, #tpu.memory_space<vmem>>, vector<1x48x128xf32>
    %get3A_116 = vector.shape_cast %get3A_115 : vector<1x48x128xf32> to vector<48x128xf32>
    %add3A_117 = arith.addf %add3A_105, %get3A_116 : vector<48x128xf32>
    %get3A_118 = arith.constant 9 : index
    %get3A_119 = arith.constant 0 : index
    %get3A_120 = arith.constant 0 : index
    %get3A_121 = vector.load %arg1[%get3A_118, %get3A_119, %get3A_120] : memref<32x48x16xf32, #tpu.memory_space<vmem>>, vector<1x48x16xf32>
    %get3A_122 = vector.shape_cast %get3A_121 : vector<1x48x16xf32> to vector<48x16xf32>
    %add3A_123 = arith.addf %add3A_111, %get3A_122 : vector<48x16xf32>
    %get3A_124 = arith.constant 10 : index
    %get3A_125 = arith.constant 0 : index
    %get3A_126 = arith.constant 0 : index
    %get3A_127 = vector.load %arg0[%get3A_124, %get3A_125, %get3A_126] : memref<32x48x128xf32, #tpu.memory_space<vmem>>, vector<1x48x128xf32>
    %get3A_128 = vector.shape_cast %get3A_127 : vector<1x48x128xf32> to vector<48x128xf32>
    %add3A_129 = arith.addf %add3A_117, %get3A_128 : vector<48x128xf32>
    %get3A_130 = arith.constant 10 : index
    %get3A_131 = arith.constant 0 : index
    %get3A_132 = arith.constant 0 : index
    %get3A_133 = vector.load %arg1[%get3A_130, %get3A_131, %get3A_132] : memref<32x48x16xf32, #tpu.memory_space<vmem>>, vector<1x48x16xf32>
    %get3A_134 = vector.shape_cast %get3A_133 : vector<1x48x16xf32> to vector<48x16xf32>
    %add3A_135 = arith.addf %add3A_123, %get3A_134 : vector<48x16xf32>
    %get3A_136 = arith.constant 11 : index
    %get3A_137 = arith.constant 0 : index
    %get3A_138 = arith.constant 0 : index
    %get3A_139 = vector.load %arg0[%get3A_136, %get3A_137, %get3A_138] : memref<32x48x128xf32, #tpu.memory_space<vmem>>, vector<1x48x128xf32>
    %get3A_140 = vector.shape_cast %get3A_139 : vector<1x48x128xf32> to vector<48x128xf32>
    %add3A_141 = arith.addf %add3A_129, %get3A_140 : vector<48x128xf32>
    %get3A_142 = arith.constant 11 : index
    %get3A_143 = arith.constant 0 : index
    %get3A_144 = arith.constant 0 : index
    %get3A_145 = vector.load %arg1[%get3A_142, %get3A_143, %get3A_144] : memref<32x48x16xf32, #tpu.memory_space<vmem>>, vector<1x48x16xf32>
    %get3A_146 = vector.shape_cast %get3A_145 : vector<1x48x16xf32> to vector<48x16xf32>
    %add3A_147 = arith.addf %add3A_135, %get3A_146 : vector<48x16xf32>
    %get3A_148 = arith.constant 12 : index
    %get3A_149 = arith.constant 0 : index
    %get3A_150 = arith.constant 0 : index
    %get3A_151 = vector.load %arg0[%get3A_148, %get3A_149, %get3A_150] : memref<32x48x128xf32, #tpu.memory_space<vmem>>, vector<1x48x128xf32>
    %get3A_152 = vector.shape_cast %get3A_151 : vector<1x48x128xf32> to vector<48x128xf32>
    %add3A_153 = arith.addf %add3A_141, %get3A_152 : vector<48x128xf32>
    %get3A_154 = arith.constant 12 : index
    %get3A_155 = arith.constant 0 : index
    %get3A_156 = arith.constant 0 : index
    %get3A_157 = vector.load %arg1[%get3A_154, %get3A_155, %get3A_156] : memref<32x48x16xf32, #tpu.memory_space<vmem>>, vector<1x48x16xf32>
    %get3A_158 = vector.shape_cast %get3A_157 : vector<1x48x16xf32> to vector<48x16xf32>
    %add3A_159 = arith.addf %add3A_147, %get3A_158 : vector<48x16xf32>
    %get3A_160 = arith.constant 13 : index
    %get3A_161 = arith.constant 0 : index
    %get3A_162 = arith.constant 0 : index
    %get3A_163 = vector.load %arg0[%get3A_160, %get3A_161, %get3A_162] : memref<32x48x128xf32, #tpu.memory_space<vmem>>, vector<1x48x128xf32>
    %get3A_164 = vector.shape_cast %get3A_163 : vector<1x48x128xf32> to vector<48x128xf32>
    %add3A_165 = arith.addf %add3A_153, %get3A_164 : vector<48x128xf32>
    %get3A_166 = arith.constant 13 : index
    %get3A_167 = arith.constant 0 : index
    %get3A_168 = arith.constant 0 : index
    %get3A_169 = vector.load %arg1[%get3A_166, %get3A_167, %get3A_168] : memref<32x48x16xf32, #tpu.memory_space<vmem>>, vector<1x48x16xf32>
    %get3A_170 = vector.shape_cast %get3A_169 : vector<1x48x16xf32> to vector<48x16xf32>
    %add3A_171 = arith.addf %add3A_159, %get3A_170 : vector<48x16xf32>
    %get3A_172 = arith.constant 14 : index
    %get3A_173 = arith.constant 0 : index
    %get3A_174 = arith.constant 0 : index
    %get3A_175 = vector.load %arg0[%get3A_172, %get3A_173, %get3A_174] : memref<32x48x128xf32, #tpu.memory_space<vmem>>, vector<1x48x128xf32>
    %get3A_176 = vector.shape_cast %get3A_175 : vector<1x48x128xf32> to vector<48x128xf32>
    %add3A_177 = arith.addf %add3A_165, %get3A_176 : vector<48x128xf32>
    %get3A_178 = arith.constant 14 : index
    %get3A_179 = arith.constant 0 : index
    %get3A_180 = arith.constant 0 : index
    %get3A_181 = vector.load %arg1[%get3A_178, %get3A_179, %get3A_180] : memref<32x48x16xf32, #tpu.memory_space<vmem>>, vector<1x48x16xf32>
    %get3A_182 = vector.shape_cast %get3A_181 : vector<1x48x16xf32> to vector<48x16xf32>
    %add3A_183 = arith.addf %add3A_171, %get3A_182 : vector<48x16xf32>
    %get3A_184 = arith.constant 15 : index
    %get3A_185 = arith.constant 0 : index
    %get3A_186 = arith.constant 0 : index
    %get3A_187 = vector.load %arg0[%get3A_184, %get3A_185, %get3A_186] : memref<32x48x128xf32, #tpu.memory_space<vmem>>, vector<1x48x128xf32>
    %get3A_188 = vector.shape_cast %get3A_187 : vector<1x48x128xf32> to vector<48x128xf32>
    %add3A_189 = arith.addf %add3A_177, %get3A_188 : vector<48x128xf32>
    %get3A_190 = arith.constant 15 : index
    %get3A_191 = arith.constant 0 : index
    %get3A_192 = arith.constant 0 : index
    %get3A_193 = vector.load %arg1[%get3A_190, %get3A_191, %get3A_192] : memref<32x48x16xf32, #tpu.memory_space<vmem>>, vector<1x48x16xf32>
    %get3A_194 = vector.shape_cast %get3A_193 : vector<1x48x16xf32> to vector<48x16xf32>
    %add3A_195 = arith.addf %add3A_183, %get3A_194 : vector<48x16xf32>
    %get3A_196 = arith.constant 16 : index
    %get3A_197 = arith.constant 0 : index
    %get3A_198 = arith.constant 0 : index
    %get3A_199 = vector.load %arg0[%get3A_196, %get3A_197, %get3A_198] : memref<32x48x128xf32, #tpu.memory_space<vmem>>, vector<1x48x128xf32>
    %get3A_200 = vector.shape_cast %get3A_199 : vector<1x48x128xf32> to vector<48x128xf32>
    %add3A_201 = arith.addf %add3A_189, %get3A_200 : vector<48x128xf32>
    %get3A_202 = arith.constant 16 : index
    %get3A_203 = arith.constant 0 : index
    %get3A_204 = arith.constant 0 : index
    %get3A_205 = vector.load %arg1[%get3A_202, %get3A_203, %get3A_204] : memref<32x48x16xf32, #tpu.memory_space<vmem>>, vector<1x48x16xf32>
    %get3A_206 = vector.shape_cast %get3A_205 : vector<1x48x16xf32> to vector<48x16xf32>
    %add3A_207 = arith.addf %add3A_195, %get3A_206 : vector<48x16xf32>
    %get3A_208 = arith.constant 17 : index
    %get3A_209 = arith.constant 0 : index
    %get3A_210 = arith.constant 0 : index
    %get3A_211 = vector.load %arg0[%get3A_208, %get3A_209, %get3A_210] : memref<32x48x128xf32, #tpu.memory_space<vmem>>, vector<1x48x128xf32>
    %get3A_212 = vector.shape_cast %get3A_211 : vector<1x48x128xf32> to vector<48x128xf32>
    %add3A_213 = arith.addf %add3A_201, %get3A_212 : vector<48x128xf32>
    %get3A_214 = arith.constant 17 : index
    %get3A_215 = arith.constant 0 : index
    %get3A_216 = arith.constant 0 : index
    %get3A_217 = vector.load %arg1[%get3A_214, %get3A_215, %get3A_216] : memref<32x48x16xf32, #tpu.memory_space<vmem>>, vector<1x48x16xf32>
    %get3A_218 = vector.shape_cast %get3A_217 : vector<1x48x16xf32> to vector<48x16xf32>
    %add3A_219 = arith.addf %add3A_207, %get3A_218 : vector<48x16xf32>
    %get3A_220 = arith.constant 18 : index
    %get3A_221 = arith.constant 0 : index
    %get3A_222 = arith.constant 0 : index
    %get3A_223 = vector.load %arg0[%get3A_220, %get3A_221, %get3A_222] : memref<32x48x128xf32, #tpu.memory_space<vmem>>, vector<1x48x128xf32>
    %get3A_224 = vector.shape_cast %get3A_223 : vector<1x48x128xf32> to vector<48x128xf32>
    %add3A_225 = arith.addf %add3A_213, %get3A_224 : vector<48x128xf32>
    %get3A_226 = arith.constant 18 : index
    %get3A_227 = arith.constant 0 : index
    %get3A_228 = arith.constant 0 : index
    %get3A_229 = vector.load %arg1[%get3A_226, %get3A_227, %get3A_228] : memref<32x48x16xf32, #tpu.memory_space<vmem>>, vector<1x48x16xf32>
    %get3A_230 = vector.shape_cast %get3A_229 : vector<1x48x16xf32> to vector<48x16xf32>
    %add3A_231 = arith.addf %add3A_219, %get3A_230 : vector<48x16xf32>
    %get3A_232 = arith.constant 19 : index
    %get3A_233 = arith.constant 0 : index
    %get3A_234 = arith.constant 0 : index
    %get3A_235 = vector.load %arg0[%get3A_232, %get3A_233, %get3A_234] : memref<32x48x128xf32, #tpu.memory_space<vmem>>, vector<1x48x128xf32>
    %get3A_236 = vector.shape_cast %get3A_235 : vector<1x48x128xf32> to vector<48x128xf32>
    %add3A_237 = arith.addf %add3A_225, %get3A_236 : vector<48x128xf32>
    %get3A_238 = arith.constant 19 : index
    %get3A_239 = arith.constant 0 : index
    %get3A_240 = arith.constant 0 : index
    %get3A_241 = vector.load %arg1[%get3A_238, %get3A_239, %get3A_240] : memref<32x48x16xf32, #tpu.memory_space<vmem>>, vector<1x48x16xf32>
    %get3A_242 = vector.shape_cast %get3A_241 : vector<1x48x16xf32> to vector<48x16xf32>
    %add3A_243 = arith.addf %add3A_231, %get3A_242 : vector<48x16xf32>
    %get3A_244 = arith.constant 20 : index
    %get3A_245 = arith.constant 0 : index
    %get3A_246 = arith.constant 0 : index
    %get3A_247 = vector.load %arg0[%get3A_244, %get3A_245, %get3A_246] : memref<32x48x128xf32, #tpu.memory_space<vmem>>, vector<1x48x128xf32>
    %get3A_248 = vector.shape_cast %get3A_247 : vector<1x48x128xf32> to vector<48x128xf32>
    %add3A_249 = arith.addf %add3A_237, %get3A_248 : vector<48x128xf32>
    %get3A_250 = arith.constant 20 : index
    %get3A_251 = arith.constant 0 : index
    %get3A_252 = arith.constant 0 : index
    %get3A_253 = vector.load %arg1[%get3A_250, %get3A_251, %get3A_252] : memref<32x48x16xf32, #tpu.memory_space<vmem>>, vector<1x48x16xf32>
    %get3A_254 = vector.shape_cast %get3A_253 : vector<1x48x16xf32> to vector<48x16xf32>
    %add3A_255 = arith.addf %add3A_243, %get3A_254 : vector<48x16xf32>
    %get3A_256 = arith.constant 21 : index
    %get3A_257 = arith.constant 0 : index
    %get3A_258 = arith.constant 0 : index
    %get3A_259 = vector.load %arg0[%get3A_256, %get3A_257, %get3A_258] : memref<32x48x128xf32, #tpu.memory_space<vmem>>, vector<1x48x128xf32>
    %get3A_260 = vector.shape_cast %get3A_259 : vector<1x48x128xf32> to vector<48x128xf32>
    %add3A_261 = arith.addf %add3A_249, %get3A_260 : vector<48x128xf32>
    %get3A_262 = arith.constant 21 : index
    %get3A_263 = arith.constant 0 : index
    %get3A_264 = arith.constant 0 : index
    %get3A_265 = vector.load %arg1[%get3A_262, %get3A_263, %get3A_264] : memref<32x48x16xf32, #tpu.memory_space<vmem>>, vector<1x48x16xf32>
    %get3A_266 = vector.shape_cast %get3A_265 : vector<1x48x16xf32> to vector<48x16xf32>
    %add3A_267 = arith.addf %add3A_255, %get3A_266 : vector<48x16xf32>
    %get3A_268 = arith.constant 22 : index
    %get3A_269 = arith.constant 0 : index
    %get3A_270 = arith.constant 0 : index
    %get3A_271 = vector.load %arg0[%get3A_268, %get3A_269, %get3A_270] : memref<32x48x128xf32, #tpu.memory_space<vmem>>, vector<1x48x128xf32>
    %get3A_272 = vector.shape_cast %get3A_271 : vector<1x48x128xf32> to vector<48x128xf32>
    %add3A_273 = arith.addf %add3A_261, %get3A_272 : vector<48x128xf32>
    %get3A_274 = arith.constant 22 : index
    %get3A_275 = arith.constant 0 : index
    %get3A_276 = arith.constant 0 : index
    %get3A_277 = vector.load %arg1[%get3A_274, %get3A_275, %get3A_276] : memref<32x48x16xf32, #tpu.memory_space<vmem>>, vector<1x48x16xf32>
    %get3A_278 = vector.shape_cast %get3A_277 : vector<1x48x16xf32> to vector<48x16xf32>
    %add3A_279 = arith.addf %add3A_267, %get3A_278 : vector<48x16xf32>
    %get3A_280 = arith.constant 23 : index
    %get3A_281 = arith.constant 0 : index
    %get3A_282 = arith.constant 0 : index
    %get3A_283 = vector.load %arg0[%get3A_280, %get3A_281, %get3A_282] : memref<32x48x128xf32, #tpu.memory_space<vmem>>, vector<1x48x128xf32>
    %get3A_284 = vector.shape_cast %get3A_283 : vector<1x48x128xf32> to vector<48x128xf32>
    %add3A_285 = arith.addf %add3A_273, %get3A_284 : vector<48x128xf32>
    %get3A_286 = arith.constant 23 : index
    %get3A_287 = arith.constant 0 : index
    %get3A_288 = arith.constant 0 : index
    %get3A_289 = vector.load %arg1[%get3A_286, %get3A_287, %get3A_288] : memref<32x48x16xf32, #tpu.memory_space<vmem>>, vector<1x48x16xf32>
    %get3A_290 = vector.shape_cast %get3A_289 : vector<1x48x16xf32> to vector<48x16xf32>
    %add3A_291 = arith.addf %add3A_279, %get3A_290 : vector<48x16xf32>
    %get3A_292 = arith.constant 24 : index
    %get3A_293 = arith.constant 0 : index
    %get3A_294 = arith.constant 0 : index
    %get3A_295 = vector.load %arg0[%get3A_292, %get3A_293, %get3A_294] : memref<32x48x128xf32, #tpu.memory_space<vmem>>, vector<1x48x128xf32>
    %get3A_296 = vector.shape_cast %get3A_295 : vector<1x48x128xf32> to vector<48x128xf32>
    %add3A_297 = arith.addf %add3A_285, %get3A_296 : vector<48x128xf32>
    %get3A_298 = arith.constant 24 : index
    %get3A_299 = arith.constant 0 : index
    %get3A_300 = arith.constant 0 : index
    %get3A_301 = vector.load %arg1[%get3A_298, %get3A_299, %get3A_300] : memref<32x48x16xf32, #tpu.memory_space<vmem>>, vector<1x48x16xf32>
    %get3A_302 = vector.shape_cast %get3A_301 : vector<1x48x16xf32> to vector<48x16xf32>
    %add3A_303 = arith.addf %add3A_291, %get3A_302 : vector<48x16xf32>
    %get3A_304 = arith.constant 25 : index
    %get3A_305 = arith.constant 0 : index
    %get3A_306 = arith.constant 0 : index
    %get3A_307 = vector.load %arg0[%get3A_304, %get3A_305, %get3A_306] : memref<32x48x128xf32, #tpu.memory_space<vmem>>, vector<1x48x128xf32>
    %get3A_308 = vector.shape_cast %get3A_307 : vector<1x48x128xf32> to vector<48x128xf32>
    %add3A_309 = arith.addf %add3A_297, %get3A_308 : vector<48x128xf32>
    %get3A_310 = arith.constant 25 : index
    %get3A_311 = arith.constant 0 : index
    %get3A_312 = arith.constant 0 : index
    %get3A_313 = vector.load %arg1[%get3A_310, %get3A_311, %get3A_312] : memref<32x48x16xf32, #tpu.memory_space<vmem>>, vector<1x48x16xf32>
    %get3A_314 = vector.shape_cast %get3A_313 : vector<1x48x16xf32> to vector<48x16xf32>
    %add3A_315 = arith.addf %add3A_303, %get3A_314 : vector<48x16xf32>
    %get3A_316 = arith.constant 26 : index
    %get3A_317 = arith.constant 0 : index
    %get3A_318 = arith.constant 0 : index
    %get3A_319 = vector.load %arg0[%get3A_316, %get3A_317, %get3A_318] : memref<32x48x128xf32, #tpu.memory_space<vmem>>, vector<1x48x128xf32>
    %get3A_320 = vector.shape_cast %get3A_319 : vector<1x48x128xf32> to vector<48x128xf32>
    %add3A_321 = arith.addf %add3A_309, %get3A_320 : vector<48x128xf32>
    %get3A_322 = arith.constant 26 : index
    %get3A_323 = arith.constant 0 : index
    %get3A_324 = arith.constant 0 : index
    %get3A_325 = vector.load %arg1[%get3A_322, %get3A_323, %get3A_324] : memref<32x48x16xf32, #tpu.memory_space<vmem>>, vector<1x48x16xf32>
    %get3A_326 = vector.shape_cast %get3A_325 : vector<1x48x16xf32> to vector<48x16xf32>
    %add3A_327 = arith.addf %add3A_315, %get3A_326 : vector<48x16xf32>
    %get3A_328 = arith.constant 27 : index
    %get3A_329 = arith.constant 0 : index
    %get3A_330 = arith.constant 0 : index
    %get3A_331 = vector.load %arg0[%get3A_328, %get3A_329, %get3A_330] : memref<32x48x128xf32, #tpu.memory_space<vmem>>, vector<1x48x128xf32>
    %get3A_332 = vector.shape_cast %get3A_331 : vector<1x48x128xf32> to vector<48x128xf32>
    %add3A_333 = arith.addf %add3A_321, %get3A_332 : vector<48x128xf32>
    %get3A_334 = arith.constant 27 : index
    %get3A_335 = arith.constant 0 : index
    %get3A_336 = arith.constant 0 : index
    %get3A_337 = vector.load %arg1[%get3A_334, %get3A_335, %get3A_336] : memref<32x48x16xf32, #tpu.memory_space<vmem>>, vector<1x48x16xf32>
    %get3A_338 = vector.shape_cast %get3A_337 : vector<1x48x16xf32> to vector<48x16xf32>
    %add3A_339 = arith.addf %add3A_327, %get3A_338 : vector<48x16xf32>
    %get3A_340 = arith.constant 28 : index
    %get3A_341 = arith.constant 0 : index
    %get3A_342 = arith.constant 0 : index
    %get3A_343 = vector.load %arg0[%get3A_340, %get3A_341, %get3A_342] : memref<32x48x128xf32, #tpu.memory_space<vmem>>, vector<1x48x128xf32>
    %get3A_344 = vector.shape_cast %get3A_343 : vector<1x48x128xf32> to vector<48x128xf32>
    %add3A_345 = arith.addf %add3A_333, %get3A_344 : vector<48x128xf32>
    %get3A_346 = arith.constant 28 : index
    %get3A_347 = arith.constant 0 : index
    %get3A_348 = arith.constant 0 : index
    %get3A_349 = vector.load %arg1[%get3A_346, %get3A_347, %get3A_348] : memref<32x48x16xf32, #tpu.memory_space<vmem>>, vector<1x48x16xf32>
    %get3A_350 = vector.shape_cast %get3A_349 : vector<1x48x16xf32> to vector<48x16xf32>
    %add3A_351 = arith.addf %add3A_339, %get3A_350 : vector<48x16xf32>
    %get3A_352 = arith.constant 29 : index
    %get3A_353 = arith.constant 0 : index
    %get3A_354 = arith.constant 0 : index
    %get3A_355 = vector.load %arg0[%get3A_352, %get3A_353, %get3A_354] : memref<32x48x128xf32, #tpu.memory_space<vmem>>, vector<1x48x128xf32>
    %get3A_356 = vector.shape_cast %get3A_355 : vector<1x48x128xf32> to vector<48x128xf32>
    %add3A_357 = arith.addf %add3A_345, %get3A_356 : vector<48x128xf32>
    %get3A_358 = arith.constant 29 : index
    %get3A_359 = arith.constant 0 : index
    %get3A_360 = arith.constant 0 : index
    %get3A_361 = vector.load %arg1[%get3A_358, %get3A_359, %get3A_360] : memref<32x48x16xf32, #tpu.memory_space<vmem>>, vector<1x48x16xf32>
    %get3A_362 = vector.shape_cast %get3A_361 : vector<1x48x16xf32> to vector<48x16xf32>
    %add3A_363 = arith.addf %add3A_351, %get3A_362 : vector<48x16xf32>
    %get3A_364 = arith.constant 30 : index
    %get3A_365 = arith.constant 0 : index
    %get3A_366 = arith.constant 0 : index
    %get3A_367 = vector.load %arg0[%get3A_364, %get3A_365, %get3A_366] : memref<32x48x128xf32, #tpu.memory_space<vmem>>, vector<1x48x128xf32>
    %get3A_368 = vector.shape_cast %get3A_367 : vector<1x48x128xf32> to vector<48x128xf32>
    %add3A_369 = arith.addf %add3A_357, %get3A_368 : vector<48x128xf32>
    %get3A_370 = arith.constant 30 : index
    %get3A_371 = arith.constant 0 : index
    %get3A_372 = arith.constant 0 : index
    %get3A_373 = vector.load %arg1[%get3A_370, %get3A_371, %get3A_372] : memref<32x48x16xf32, #tpu.memory_space<vmem>>, vector<1x48x16xf32>
    %get3A_374 = vector.shape_cast %get3A_373 : vector<1x48x16xf32> to vector<48x16xf32>
    %add3A_375 = arith.addf %add3A_363, %get3A_374 : vector<48x16xf32>
    %get3A_376 = arith.constant 31 : index
    %get3A_377 = arith.constant 0 : index
    %get3A_378 = arith.constant 0 : index
    %get3A_379 = vector.load %arg0[%get3A_376, %get3A_377, %get3A_378] : memref<32x48x128xf32, #tpu.memory_space<vmem>>, vector<1x48x128xf32>
    %get3A_380 = vector.shape_cast %get3A_379 : vector<1x48x128xf32> to vector<48x128xf32>
    %add3A_381 = arith.addf %add3A_369, %get3A_380 : vector<48x128xf32>
    %get3A_382 = arith.constant 31 : index
    %get3A_383 = arith.constant 0 : index
    %get3A_384 = arith.constant 0 : index
    %get3A_385 = vector.load %arg1[%get3A_382, %get3A_383, %get3A_384] : memref<32x48x16xf32, #tpu.memory_space<vmem>>, vector<1x48x16xf32>
    %get3A_386 = vector.shape_cast %get3A_385 : vector<1x48x16xf32> to vector<48x16xf32>
    %add3A_387 = arith.addf %add3A_375, %get3A_386 : vector<48x16xf32>
    %slice3A = vector.extract_strided_slice %add3A_387 {offsets = [0, 0], sizes = [48, 1], strides = [1, 1]} : vector<48x16xf32> to vector<48x1xf32>
    %div3A = vector.broadcast %slice3A : vector<48x1xf32> to vector<48x128xf32>
    %div3A_388 = arith.divf %add3A_381, %div3A : vector<48x128xf32>
    %reshape3A = vector.shape_cast %div3A_388 : vector<48x128xf32> to vector<3x16x128xf32>
    %swap3A = arith.constant 0 : index
    %swap3A_389 = arith.constant 0 : index
    %swap3A_390 = arith.constant 0 : index
    %swap3A_391 = vector.load %arg6[%swap3A, %swap3A_389, %swap3A_390] : memref<3x16x128xf32, #tpu.memory_space<vmem>>, vector<3x16x128xf32>
    tpu.vector_store %arg6[%swap3A, %swap3A_389, %swap3A_390], %reshape3A {strides = array<i32>} : memref<3x16x128xf32, #tpu.memory_space<vmem>>, vector<3x16x128xf32>,
    %slice3A_392 = vector.extract_strided_slice %div3A_388 {offsets = [0, 0], sizes = [16, 128], strides = [1, 1]} : vector<48x128xf32> to vector<16x128xf32>
    %slice3A_393 = vector.extract_strided_slice %div3A_388 {offsets = [16, 0], sizes = [16, 128], strides = [1, 1]} : vector<48x128xf32> to vector<16x128xf32>
    %slice3A_394 = vector.extract_strided_slice %div3A_388 {offsets = [32, 0], sizes = [16, 128], strides = [1, 1]} : vector<48x128xf32> to vector<16x128xf32>
    %concatenate3A = tpu.concatenate %slice3A_392, %slice3A_393, %slice3A_394 in 1 : vector<16x128xf32>, vector<16x128xf32>, vector<16x128xf32> -> vector<16x384xf32>
    %swap3A_395 = arith.constant 0 : index
    %swap3A_396 = arith.constant 0 : index
    %swap3A_397 = vector.load %arg7[%swap3A_395, %swap3A_396] : memref<16x384xf32, #tpu.memory_space<vmem>>, vector<16x384xf32>
    tpu.vector_store %arg7[%swap3A_395, %swap3A_396], %concatenate3A {strides = array<i32>} : memref<16x384xf32, #tpu.memory_space<vmem>>, vector<16x384xf32>,
    %get3A_398 = arith.constant 0 : index
    %get3A_399 = arith.constant 0 : index
    %get3A_400 = vector.load %arg4[%get3A_398, %get3A_399] : memref<53x384xf32, #tpu.memory_space<vmem>>, vector<53x384xf32>
    %dot_general3A = arith.constant dense<0.000000e+00> : vector<16x53xf32>
    %dot_general3A_401 = tpu.matmul %concatenate3A, %get3A_400, %dot_general3A {dimension_numbers = #tpu.dot_dimension_numbers<[1], [1], [0], [0], [0, 0, 1, 0], [], []>, transpose_lhs_hint = false} : vector<16x384xf32>, vector<53x384xf32>, vector<16x53xf32> -> vector<16x53xf32>
    %get3A_402 = arith.constant 0 : index
    %get3A_403 = arith.constant 0 : index
    %get3A_404 = vector.load %arg5[%get3A_402, %get3A_403] : memref<1x53xf32, #tpu.memory_space<vmem>>, vector<1x53xf32>
    %add3A_405 = vector.broadcast %get3A_404 : vector<1x53xf32> to vector<16x53xf32>
    %add3A_406 = arith.addf %dot_general3A_401, %add3A_405 : vector<16x53xf32>
    %swap3A_407 = arith.constant 0 : index
    %swap3A_408 = arith.constant 0 : index
    %swap3A_409 = vector.load %arg8[%swap3A_407, %swap3A_408] : memref<16x53xf32, #tpu.memory_space<vmem>>, vector<16x53xf32>
    tpu.vector_store %arg8[%swap3A_407, %swap3A_408], %add3A_406 {strides = array<i32>} : memref<16x53xf32, #tpu.memory_space<vmem>>, vector<16x53xf32>,
    return
  }
}

</mosaic_0001>

<sc_bundles>
// kernel: kernel.5.cloned.1.call-start
scs
__scs_entry_jumppad:
0x0: {  	(pc) =	sbr.rel $0x88, $3  }
0x1: {  	(tag) =	ssettag $0x0;
	lr =	simm.s32 $0x1  }
0x2: {  	[smem:$0x3F9B] =	sst lr;
	_ =	strace $0xD0000000  }
0x3: {  	_ = 	snop  }
0x4: {  	_ = 	snop  }
0x5: {  	_ = 	snop  }
0x6: {  	_ = 	snop  }
0x7: {  	_ = 	snop  }
__scs_overlays_trampoline_lowered:
0x8: {  	[smem:$0x3FAA] =	sst s0  }
0x9: {  	[smem:$0x3FAB] =	sst s1  }
0xa: {  	[smem:$0x3FAC] =	sst s2  }
0xb: {  	[smem:$0x3FAD] =	sst s3  }
0xc: {  	[smem:$0x3FAE] =	sst s4  }
0xd: {  	[smem:$0x3FAF] =	sst s5  }
0xe: {  	[smem:$0x3FB0] =	sst s6  }
0xf: {  	[smem:$0x3FB1] =	sst s7  }
0x10: {  	[smem:$0x3FB2] =	sst s8  }
0x11: {  	[smem:$0x3FB3] =	sst s9;
	s0 =	simm.s32 @!p0 $0x0  }
0x12: {  	s1 =	sld [smem:$0x3F99];
	s0 =	simm.s32 @p0 $0x1  }
0x13: {  	[smem:$0x3FB4] =	sst s0;
	s0 =	simm.s32 @!p1 $0x0  }
0x14: {  	s2 =	sld [smem:$0x3F98];
	s0 =	simm.s32 @p1 $0x1  }
0x15: {  	[smem:$0x3FB5] =	sst s0;
	s0 =	simm.s32 @!p2 $0x0  }
0x16: {  	s3 =	sld [smem:$0x3FDB];
	s0 =	simm.s32 @p2 $0x1  }
0x17: {  	s4 =	simm.s32 $0x1BF5;
	[smem:$0x3FB7] =	sst s0  }
0x18: {  	s0 =	sld [smem:$0x3F9A];
	_ =	swait.ge [sflag:s4], $0x0  }
0x19: {  	s7 =	sld [smem:$0x3F9B]  }
0x1a: {  	s8 =	sadd.s32 $0xFFFFE003, lr  }
0x1b: {  	s9 =	sadd.s32 $0xFFFFFEF7, lr;
	s5 =	simm.s32 $0xFFFFFFFF;
	p2 =	slt.u32 s8, $0xFFFFF086  }
0x1c: {  	p1 =	slt.u32 s9, $0xF7A;
	s5 =	simm.s32 @!p2 $0x0  }
0x1d: {  	s5 =	simm.s32 @p1 $0x1;
	p0 =	seq.s32 s7, s2  }
0x1e: {  	s7 =	smul.u32 @!p0 $0xF7A, s2;
	p2 =	seq.s32 @!p0 s5, $0x0  }
0x1f: {  	s9 =	smul.u32 $0xF7A, s1;
	s8 =	simm.s32 @!p0 $0x1BF5;
	p2 =	por !p2, p0  }
0x20: {  	[sflag:s8] =	ssyncset.s32 @!p0 $0xFFFFF086;
	s6 =	sadd.s32 @!p0 s3, s7;
	s7 =	simm.s32 @!p0 $0x108  }
0x21: {  	s3 =	sadd.s32 s3, s9;
	s6 =	sadd.s32 @!p0 $0x88, s6;
	s7 =	simm.s32 @p2 $0x1082  }
0x22: {  	[simem:s7], [sflag:s8] =	dma.local @!p0 [hbm:s6], $0xF7A  }
0x23: {  	s9 =	sor.u32 $0xD0000000, s2;
	s6 =	simm.s32 $0x108;
	_ =	swait.ge @!p0 [sflag:s8], $0x0  }
0x24: {  	s3 =	sadd.s32 $0x88, s3;
	s6 =	simm.s32 @!p1 $0x1082;
	[sflag:s4] =	ssyncset.s32 $0xFFFFF086  }
0x25: {  	[simem:s6], [sflag:s4] =	dma.local [hbm:s3], $0xF7A  }
0x26: {  	[smem:$0x3F9B] =	sst s1;
	(tag) =	ssettag s2;
	_ =	strace s9  }
0x27: {  	s1 =	sld [smem:$0x3FAB]  }
0x28: {  	s2 =	sld [smem:$0x3FAC]  }
0x29: {  	s4 =	sld [smem:$0x3FAE]  }
0x2a: {  	p0 =	seq.s32 s5, $0x0;
	s5 =	sld [smem:$0x3FAF]  }
0x2b: {  	s6 =	sld [smem:$0x3FB0]  }
0x2c: {  	s7 =	sld [smem:$0x3FB1]  }
0x2d: {  	s3 =	simm.s32 $0x108;
	s8 =	sld [smem:$0x3FB2]  }
0x2e: {  	s3 =	simm.s32 @!p0 $0x1082;
	s9 =	sld [smem:$0x3FB3]  }
0x2f: {  	lr =	sadd.s32 s0, s3;
	s0 =	sld [smem:$0x3FAA]  }
0x30: {  	s3 =	sld [smem:$0x3FAD]  }
0x31: {  	[smem:$0x3FB6] =	sst s10  }
0x32: {  	s10 =	sld [smem:$0x3FB4];
	_ =	sdelay $0x3  }
0x33: {  	p0 =	seq.s32 s10, $0x1;
	s10 =	sld [smem:$0x3FB6];
	_ =	sdelay $0x3  }
0x34: {  	[smem:$0x3FB6] =	sst s10  }
0x35: {  	s10 =	sld [smem:$0x3FB5];
	_ =	sdelay $0x3  }
0x36: {  	p1 =	seq.s32 s10, $0x1;
	s10 =	sld [smem:$0x3FB6];
	_ =	sdelay $0x3  }
0x37: {  	[smem:$0x3FB6] =	sst s10  }
0x38: {  	s10 =	sld [smem:$0x3FB7]  }
0x39: {  	_ = 	snop;
	(pc) =	sbr.ind lr, $3  }
0x3a: {  	_ = 	snop  }
0x3b: {  	_ = 	snop  }
0x3c: {  	p2 =	seq.s32 s10, $0x1;
	s10 =	sld [smem:$0x3FB6]  }
0x3d: {  	_ =	shalt  }
0x3e: {  	_ =	shalt  }
0x3f: {  	_ =	shalt  }
0x40: {  	_ =	shalt  }
0x41: {  	_ =	shalt  }
0x42: {  	_ =	shalt  }
0x43: {  	_ =	shalt  }
0x44: {  	_ =	shalt  }
0x45: {  	_ =	shalt  }
0x46: {  	_ =	shalt  }
0x47: {  	_ =	shalt  }
0x48: {  	_ =	shalt  }
0x49: {  	_ =	shalt  }
0x4a: {  	_ =	shalt  }
0x4b: {  	_ =	shalt  }
0x4c: {  	_ =	shalt  }
0x4d: {  	_ =	shalt  }
0x4e: {  	_ =	shalt  }
0x4f: {  	_ =	shalt  }
0x50: {  	_ =	shalt  }
0x51: {  	_ =	shalt  }
0x52: {  	_ =	shalt  }
0x53: {  	_ =	shalt  }
0x54: {  	_ =	shalt  }
0x55: {  	_ =	shalt  }
0x56: {  	_ =	shalt  }
0x57: {  	_ =	shalt  }
0x58: {  	_ =	shalt  }
0x59: {  	_ =	shalt  }
0x5a: {  	_ =	shalt  }
0x5b: {  	_ =	shalt  }
0x5c: {  	_ =	shalt  }
0x5d: {  	_ =	shalt  }
0x5e: {  	_ =	shalt  }
0x5f: {  	_ =	shalt  }
0x60: {  	_ =	shalt  }
0x61: {  	_ =	shalt  }
0x62: {  	_ =	shalt  }
0x63: {  	_ =	shalt  }
0x64: {  	_ =	shalt  }
0x65: {  	_ =	shalt  }
0x66: {  	_ =	shalt  }
0x67: {  	_ =	shalt  }
0x68: {  	_ =	shalt  }
0x69: {  	_ =	shalt  }
0x6a: {  	_ =	shalt  }
0x6b: {  	_ =	shalt  }
0x6c: {  	_ =	shalt  }
0x6d: {  	_ =	shalt  }
0x6e: {  	_ =	shalt  }
0x6f: {  	_ =	shalt  }
0x70: {  	_ =	shalt  }
0x71: {  	_ =	shalt  }
0x72: {  	_ =	shalt  }
0x73: {  	_ =	shalt  }
0x74: {  	_ =	shalt  }
0x75: {  	_ =	shalt  }
0x76: {  	_ =	shalt  }
0x77: {  	_ =	shalt  }
0x78: {  	_ =	shalt  }
0x79: {  	_ =	shalt  }
0x7a: {  	_ =	shalt  }
0x7b: {  	_ =	shalt  }
0x7c: {  	_ =	shalt  }
0x7d: {  	_ =	shalt  }
0x7e: {  	_ =	shalt  }
0x7f: {  	_ =	shalt  }
0x80: {  	_ =	shalt  }
0x81: {  	_ =	shalt  }
0x82: {  	_ =	shalt  }
0x83: {  	_ =	shalt  }
0x84: {  	_ =	shalt  }
0x85: {  	_ =	shalt  }
0x86: {  	_ =	shalt  }
0x87: {  	_ =	shalt  }
.Lfunc_end0:
.L_simem_size_0:
called_computation_lowered:
.L_overlay_start_0:
0x88: {  	s2 =	sld [smem:$0x3FD9]  }
0x89: {  	s3 =	sld [smem:$0x3FFE];
	_ =	sdelay $0x1  }
0x8a: {  	s1 =	srdreg.scid  }
0x8b: {  	s0 =	sand.u32 $0x1, s1  }
0x8c: {  	s14 =	sshll.u32 s0, $0xA;
	s2 =	sadd.s32 s3, s2  }
0x8d: {  	s2 =	sadd.s32 s2, s14  }
0x8e: {  	[smem:$0x3FC2] =	sst s2  }
0x8f: {  	_ = 	snop  }
0x90: {  	s2 =	sld [smem:$0x3FD0]  }
0x91: {  	s15 =	sld [smem:$0x3FC9]  }
0x92: {  	s4 =	sld [smem:$0x3FC7]  }
0x93: {  	s6 =	simm.s32 $0xA;
	s7 =	simm.s32 $0x10;
	s5 =	sld [smem:$0x3FC4]  }
0x94: {  	[smem:s7], [sflag:s6] =	dma.local [hbm:s2], $0x1  }
0x95: {  	_ =	swait.eq [sflag:s6], $0x1  }
0x96: {  	[sflag:s6] =	ssyncset.done $0x0  }
0x97: {  	[sflag:s6] =	ssyncadd.s32 $0xFFFFFFFF  }
0x98: {  	s16 =	sld [smem:$0x12];
	(tm) =	ssettm $0x1  }
0x99: {  	s17 =	sld [smem:$0x3FFB];
	_ =	sdelay $0x3  }
0x9a: {  	_ =	strace s17  }
0x9b: {  	s6 =	sld [smem:$0x3FFC];
	_ =	sdelay $0x3  }
0x9c: {  	_ =	strace s6  }
0x9d: {  	s6 =	sld [smem:$0x3FFD];
	_ =	sdelay $0x3  }
0x9e: {  	_ =	strace s6  }
0x9f: {  	_ =	strace $0x8FFFFFFF  }
0xa0: {  	s18 =	sld [smem:$0x3FDB];
	_ =	sdelay $0x1  }
0xa1: {  	s19 =	simm.s32 $_scs_section_size  }
0xa2: {  	s8 =	simm.s32 $_size__tile_overlayer_lowered;
	s9 =	simm.s32 $_tile_overlayer_lowered  }
0xa3: {  	s22 =	simm.s32 $0x1BFF;
	s21 =	sshll.u32 s9, $0x1;
	s6 =	sadd.s32 s19, s18  }
0xa4: {  	s10 =	simm.s32 $0x0;
	s20 =	sshll.u32 s8, $0x1;
	s8 =	sadd.s32 s21, s6  }
0xa5: {  	[timem:s10], [sflag:s22] =	dma.local [hbm:s8], s20  }
0xa6: {  	_ =	swait.ge [sflag:s22], s20  }
0xa7: {  	s7 =	ssub.s32 $0x0, s20;
	[sflag:s22] =	ssyncset.done $0x0  }
0xa8: {  	[sflag:s22] =	ssyncadd.s32 s7;
	_ =	sdelay $0x1  }
0xa9: {  	s23 =	simm.s32 $0x1B8B  }
0xaa: {  	_ =	swait.ge [sflag:s23], $0x1  }
0xab: {  	[sflag:s23] =	ssyncset.done $0x0  }
0xac: {  	s25 =	simm.s32 $0x1B8E;
	s24 =	sld [smem:$0x3FFE];
	[sflag:s23] =	ssyncadd.s32 $0xFFFFFFFF  }
0xad: {  	s26 =	simm.s32 $execute0_lowered;
	[smem:$0x3FD2] =	sst s25  }
0xae: {  	s8 =	sshll.u32 s26, $0x1;
	_ =	strace $0x80000046;
	[dreg:$0x1] =	wrdreg $0xFFFFFFFF  }
0xaf: {  	s28 =	simm.s32 $_size_execute0_lowered;
	s6 =	sadd.s32 s6, s8;
	[dreg:$0x0] =	wrdreg $0x0  }
0xb0: {  	s8 =	sshll.u32 s28, $0x1;
	[dreg:$0x2] =	wrdreg s6  }
0xb1: {  	[dreg:$0x3] =	wrdreg s8  }
0xb2: {  	[dreg:$0x4] =	wrdreg $0xC0  }
0xb3: {  	_ =	task [dreg:s10], $0x5FFFF  }
0xb4: {  	[dreg:$0x1] =	wrdreg $0xFFFFFFFF  }
0xb5: {  	[dreg:$0x0] =	wrdreg $0x60  }
0xb6: {  	[dreg:$0x2] =	wrdreg s15  }
0xb7: {  	[dreg:$0x3] =	wrdreg s4  }
0xb8: {  	[dreg:$0x4] =	wrdreg s16  }
0xb9: {  	[dreg:$0x5] =	wrdreg s5  }
0xba: {  	[dreg:$0x6] =	wrdreg s24  }
0xbb: {  	[dreg:$0x7] =	wrdreg $0x9  }
0xbc: {  	_ =	task.clear_ibuf [dreg:s10], $0x8FFFF;
	_ =	strace $0x90000046  }
0xbd: {  	s29 =	simm.s32 $0x9;
	_ =	strace $0x80000048  }
0xbe: {  	_ =	swait.ge [sflag:s29], $0x1  }
0xbf: {  	[sflag:s29] =	ssyncadd.s32 $0xFFFFFFFF  }
0xc0: {  	_ =	strace $0x90000048  }
0xc1: {  	_ =	sfence  }
0xc2: {  	s30 =	sld [smem:$0x0];
	_ =	sdelay $0x2  }
0xc3: {  	s31 =	sshll.u32 s1, $0xD;
	s1 =	sshrl.u32 s1, $0x2  }
0xc4: {  	s3 =	sand.u32 $0x4000, s31;
	s1 =	sadd.s32 s1, s30  }
0xc5: {  	s0 =	sor.u32 s3, s0;
	s1 =	sshll.u32 s1, $0x11  }
0xc6: {  	s0 =	sor.u32 s1, s0  }
0xc7: {  	s0 =	sadd.s32 $0x8F2B, s0  }
0xc8: {  	[sflag:s0] =	ssyncadd.remote.s32 $0x1  }
0xc9: {  	_ =	sfence.sel $0xFFFF  }
0xca: {  	[dreg:$0x0] =	wrdreg $0xFFFFFFFF;
	(pc) =	sbr.abs _section_cstart, $3  }
0xcb: {  	[dreg:$0x1] =	wrdreg $0xFFFFFFFF  }
0xcc: {  	_ =	task.clear_ibuf [dreg:s10], $0x2FFFF;
	_ =	strace $0x9FFFFFFF  }
0xcd: {  	(tm) =	ssettm $0x7FFFFFFF  }
tec
execute0_lowered:
.L_overlay_start_1:
0x0: {  	(tag) =	ssettag $0x1  }
0x1: {  	s0 =	rddreg [dreg:$0x0]  }
0x2: {  	s4 =	rddreg [dreg:$0x1];
	v0 =	vimm.s32 $0xBA98FEDC;
	v1 =	vimm.s32 $0x32107654  }
0x3: {  	s3 =	srdreg.scid;
	s1 =	stileid.u32;
	v54 =	vimm.s32 $0xDCFE98BA;
	v3 =	vimm.s32 $0x76543210;
	v4 =	vimm.s32 $0xFEDCBA98  }
0x4: {  	s5 =	rddreg [dreg:$0x4];
	v56 =	vimm.s32 $0x54761032;
	v5 =	vimm.s32 $0xEFCDAB89;
	s16 =	simm.s32 $0x3;
	s19 =	simm.s32 $0x3900  }
0x5: {  	v47 =	vlaneseq.u32;
	v6 =	vimm.s32 $0x67452301;
	v7 =	vimm.s32 $0xFEDCBA9;
	s20 =	simm.s32 $0x1;
	s21 =	simm.s32 $0xB900;
	s28 =	simm.s32 $0x0  }
0x6: {  	v8 =	vimm.s32 $0x87654321;
	s12 =	sand.u32 $0x1, s3;
	s6 =	sshll.u32 s1, $0x1;
	s3 =	simm.s32 $0x0;
	v41 =	vor.u32 $0x10, v47;
	v0 =	vunpack.c.l.s4.s8 v0  }
0x7: {  	s7 =	sshrl.u32 s1, $0x2;
	v1 =	vunpack.c.l.s4.s8 v1;
	v9 =	vor.u32 $0x20, v47;
	v2 =	vor.u32 $0x30, v47;
	s30 =	sshll.u32 s1, $0x13;
	s15 =	sshll.u32 s1, $0xA  }
0x8: {  	v49 =	vor.u32 $0x40, v47;
	v3 =	vunpack.c.l.s4.s8 v3;
	v4 =	vunpack.c.l.s4.s8 v4;
	s6 =	sor.u32 s12, s6;
	[smem:$0x7FF] =	sst s3;
	s8 =	smul.u32 $0xC000, s7  }
0x9: {  	v5 =	vunpack.c.l.s4.s8 v5;
	v6 =	vunpack.c.l.s4.s8 v6;
	v7 =	vunpack.c.l.s4.s8 v7;
	s7 =	smul.u32 $0x1800, s7;
	s22 =	ssub.s32 $0x2, s12;
	s29 =	sshll.u32 s12, $0x12  }
0xa: {  	v8 =	vunpack.c.l.s4.s8 v8;
	v44 =	vor.u32 $0x50, v47;
	v62 =	vor.u32 $0x60, v47;
	s31 =	sshll.u32 s12, $0x9;
	s9 =	sshll.u32 s6, $0x7;
	_ =	strace $0x80000047;
	[tilespmem:$0x1FF40] =	vst v2  }
0xb: {  	s23 =	sshrl.u32 s22, $0x1;
	v0 =	vunpack.c.0.s8.s32 v0;
	v1 =	vunpack.c.0.s8.s32 v1;
	v2 =	vunpack.c.l.s4.s8 v54;
	s24 =	sshll.u32 s6, $0x8;
	[tilespmem:$0x1FF80] =	vst v41;
	s9 =	sand.u32 $0x380, s9  }
0xc: {  	s25 =	sshll.u32 s6, $0xD;
	v4 =	vunpack.c.0.s8.s32 v4;
	v5 =	vunpack.c.0.s8.s32 v5;
	v6 =	vunpack.c.0.s8.s32 v6;
	[tilespmem:$0x1FF90] =	vst v9;
	s14 =	ssub.s32 s22, s23;
	s8 =	sor.u32 s8, s9  }
0xd: {  	[tilespmem:$0x1FFA0] =	vst v49;
	s22 =	simm.s32 $0x2;
	s7 =	sor.u32 s7, s9;
	v0 =	vcombine.low v1, v0;
	v55 =	vunpack.c.0.s8.s32 v2;
	v2 =	vunpack.c.l.s4.s8 v56;
	s8 =	sshrl.u32 s8, $0x3  }
0xe: {  	v58 =	vunpack.c.0.s8.s32 v7;
	v3 =	vunpack.c.0.s8.s32 v3;
	[tilespmem:$0x1FFB0] =	vst v62;
	s23 =	simm.s32 $0x80;
	v5 =	vcombine.low v6, v5;
	s7 =	sshrl.u32 s7, $0x3;
	s11 =	sadd.s32 s8, s5  }
0xf: {  	[tilespmem:$0x1FFE0] =	vst v44;
	v4 =	vand.u32 $0xF, v4;
	s13 =	sadd.s32 s7, s5;
	s5 =	sshll.u32 s6, $0x9;
	s7 =	sadd.s32 s4, s24;
	v2 =	vunpack.c.0.s8.s32 v2;
	v0 =	vand.u32 $0xF, v0  }
0x10: {  	v59 =	vunpack.c.0.s8.s32 v8;
	v54 =	vcombine.low v4, v3;
	s8 =	sadd.s32 s0, s25;
	s4 =	sor.u32 s15, s31;
	v63 =	vand.u32 $0xF, v5;
	s6 =	sor.u32 $0x100, s5;
	[tilespmem:$0x1FF50] =	vst v0  }
.Ltmp0:
0x11: {  	s24 =	simm.s32 $0x400;
	[tilespmem:$0x1FF70] =	vst v63;
	s26 =	sshll.u32 s6, $0x4;
	v1 =	vcombine.low v2, v55;
	(pc) =	sbr.rel .LBB2_1-.Ltmp0, $4  }
0x12: {  	s25 =	simm.s32 $0x13900;
	[tilespmem:$0x1FFF0] =	vst v54;
	v2 =	vcombine.low v59, v58;
	v59 =	vor.u32 $0x70, v47;
	s9 =	sadd.s32 s0, s26;
	s0 =	sor.u32 s30, s29  }
0x13: {  	s10 =	sadd.s32 $0x200, s5;
	s11 =	sadd.s32 $0x1800, s11;
	[tilespmem:$0x1FFC0] =	vst v59;
	s0 =	ssub.s32 $0x100, s0;
	v61 =	vand.u32 $0xF, v1  }
0x14: {  	s12 =	sadd.s32 $0x7800, s13;
	s13 =	smax.u32 s14, $0x1;
	v25 =	vand.u32 $0xF, v2;
	s0 =	sshra.s32 s0, $0x2;
	[tilespmem:$0x1FF60] =	vst v61  }
0x15: {  	v57 =	vimm.f32 $0.0e+00;
	s14 =	ssub.s32 $0x0, s4;
	s26 =	simm.s32 $0x15100;
	[tilespmem:$0x1FFD0] =	vst v25;
	s15 =	sor.u32 $0x3900, s0  }
.LBB2_27:
0x16: {  	[hbm4b:s11+s23] =	stream.strided.scatter [tilespmem:s25], [sflag:$0x3], $0x1800, s24, s23, $0x38;
	[tilespmem:$0x15400] =	vst v63  }
0x17: {  	s28 =	sadd.s32 $0x1, s28;
	_ =	swait.ge [sflag:s16], $0x1800  }
0x18: {  	p0 =	sne.s32 s28, s13;
	[sflag:s16] =	ssyncset.done $0x0  }
.Ltmp1:
0x19: {  	[sflag:s16] =	ssyncadd.s32 $0xFFFFE800;
	(pc) =	sbr.rel @!p0 .LBB2_28-.Ltmp1, $4  }
0x1a: {  	[hbm4b:s12+s23] =	stream.strided.scatter [tilespmem:s26], [sflag:$0x3], $0x300, s24, s23, $0x38;
	[tilespmem:$0x15400] =	vst v63  }
0x1b: {  	_ =	swait.ge [sflag:s16], $0x300  }
0x1c: {  	[sflag:s16] =	ssyncset.done $0x0  }
0x1d: {  	[sflag:s16] =	ssyncadd.s32 $0xFFFFFD00  }
.LBB2_1:
0x1e: {  	s0 =	rddreg [dreg:$0x3]  }
0x1f: {  	[tilespmem:s3], [sflag:$0x3] =	stream.linear.gather [hbm4b:s0+s3], $0x2F80, $0x38;
	[tilespmem:$0x15400] =	vst v63  }
0x20: {  	_ =	swait.ge [sflag:s16], $0x2F80  }
0x21: {  	[sflag:s16] =	ssyncset.done $0x0  }
0x22: {  	s30 =	simm.s32 $0x3000;
	[sflag:s16] =	ssyncadd.s32 $0xFFFFD080  }
0x23: {  	[tilespmem:s30], [sflag:$0x3] =	stream.linear.gather [hbm4b:s7+s3], $0x800, $0x38;
	[tilespmem:$0x15400] =	vst v63  }
0x24: {  	_ =	swait.ge [sflag:s16], $0x800  }
0x25: {  	[sflag:s16] =	ssyncset.done $0x0  }
0x26: {  	[sflag:s16] =	ssyncadd.s32 $0xFFFFF800  }
0x27: {  	s1 =	simm.s32 $0x3800;
	s31 =	rddreg [dreg:$0x2]  }
0x28: {  	[tilespmem:s1], [sflag:$0x3] =	stream.linear.gather [hbm4b:s31+s3], $0x100, $0x38;
	[tilespmem:$0x15400] =	vst v63  }
0x29: {  	_ =	swait.ge [sflag:s16], $0x100  }
0x2a: {  	[sflag:s16] =	ssyncset.done $0x0  }
0x2b: {  	s4 =	simm.s32 $0x0;
	s0 =	simm.s32 $0x40;
	[sflag:s16] =	ssyncadd.s32 $0xFFFFFF00  }
.LBB2_2:
0x2c: {  	p0 =	sne.s32 s0, $0x5FC0;
	[tilespmem:s4+$0x13900] =	vst v57;
	s4 =	smov.u32 s0;
	s0 =	sadd.s32 $0x40, s0  }
.Ltmp2:
0x2d: {  	(pc) =	sbr.rel @p0 .LBB2_2-.Ltmp2, $2  }
0x2e: {  	_ =	sdelay $0x2  }
0x2f: {  	s4 =	sshra.s32 s4, $0x2  }
0x30: {  	[tilespmem:s4+$0x13900] =	vst v57  }
0x31: {  	[tilespmem:$0x15100] =	vst v57  }
0x32: {  	[tilespmem:$0x15110] =	vst v57  }
0x33: {  	[tilespmem:$0x15120] =	vst v57  }
0x34: {  	[tilespmem:$0x15130] =	vst v57  }
0x35: {  	[tilespmem:$0x15140] =	vst v57  }
0x36: {  	[tilespmem:$0x15150] =	vst v57  }
0x37: {  	[tilespmem:$0x15160] =	vst v57  }
0x38: {  	[tilespmem:$0x15170] =	vst v57  }
0x39: {  	[tilespmem:$0x15180] =	vst v57  }
0x3a: {  	[tilespmem:$0x15190] =	vst v57  }
0x3b: {  	[tilespmem:$0x151A0] =	vst v57  }
0x3c: {  	[tilespmem:$0x151B0] =	vst v57  }
0x3d: {  	[tilespmem:$0x151C0] =	vst v57  }
0x3e: {  	[tilespmem:$0x151D0] =	vst v57  }
0x3f: {  	[tilespmem:$0x151E0] =	vst v57  }
0x40: {  	[tilespmem:$0x151F0] =	vst v57  }
0x41: {  	[tilespmem:$0x15200] =	vst v57  }
0x42: {  	[tilespmem:$0x15210] =	vst v57  }
0x43: {  	[tilespmem:$0x15220] =	vst v57  }
0x44: {  	[tilespmem:$0x15230] =	vst v57  }
0x45: {  	[tilespmem:$0x15240] =	vst v57  }
0x46: {  	[tilespmem:$0x15250] =	vst v57  }
0x47: {  	[tilespmem:$0x15260] =	vst v57  }
0x48: {  	[tilespmem:$0x15270] =	vst v57  }
0x49: {  	[tilespmem:$0x15280] =	vst v57  }
0x4a: {  	[tilespmem:$0x15290] =	vst v57  }
0x4b: {  	[tilespmem:$0x152A0] =	vst v57  }
0x4c: {  	[tilespmem:$0x152B0] =	vst v57  }
0x4d: {  	[tilespmem:$0x152C0] =	vst v57  }
0x4e: {  	[tilespmem:$0x152D0] =	vst v57  }
0x4f: {  	[tilespmem:$0x152E0] =	vst v57  }
0x50: {  	[tilespmem:$0x152F0] =	vst v57  }
0x51: {  	[tilespmem:$0x15300] =	vst v57  }
0x52: {  	[tilespmem:$0x15310] =	vst v57  }
0x53: {  	[tilespmem:$0x15320] =	vst v57  }
0x54: {  	[tilespmem:$0x15330] =	vst v57  }
0x55: {  	[tilespmem:$0x15340] =	vst v57  }
0x56: {  	[tilespmem:$0x15350] =	vst v57  }
0x57: {  	[tilespmem:$0x15360] =	vst v57  }
0x58: {  	[tilespmem:$0x15370] =	vst v57  }
0x59: {  	[tilespmem:$0x15380] =	vst v57  }
0x5a: {  	[tilespmem:$0x15390] =	vst v57  }
0x5b: {  	[tilespmem:$0x153A0] =	vst v57  }
0x5c: {  	[tilespmem:$0x153B0] =	vst v57  }
0x5d: {  	[tilespmem:$0x153C0] =	vst v57  }
0x5e: {  	[tilespmem:$0x153D0] =	vst v57  }
0x5f: {  	[tilespmem:$0x153E0] =	vst v57  }
0x60: {  	s29 =	simm.s32 $0x0;
	[tilespmem:$0x153F0] =	vst v57  }
0x61: {  	[tilespmem:s19], [sflag:$0x1] =	stream.linear.gather [hbm4b:s8+s29], $0x8000, $0x38;
	[tilespmem:$0x15400] =	vst v63  }
0x62: {  	_ =	swait.ge [sflag:s20], $0x8000  }
.Ltmp3:
0x63: {  	[sflag:s20] =	ssyncset.done $0x0;
	(pc) =	sbr.rel .LBB2_4-.Ltmp3, $4  }
0x64: {  	[sflag:s20] =	ssyncadd.s32 $0xFFFF8000  }
0x65: {  	[tilespmem:s21], [sflag:$0x2] =	stream.linear.gather [hbm4b:s9+s29], $0x8000, $0x38;
	[tilespmem:$0x15400] =	vst v63  }
0x66: {  	v0 =	vld [tilespmem:$0x3800]  }
0x67: {  	v1 =	vld [tilespmem:$0x3880]  }
.LBB2_6:
0x68: {  	[tilespmem:$0x1FE50] =	vst v24;
	v0 =	vimm.f32 $0.0e+00  }
0x69: {  	v6 =	vimm.f32 $0.0e+00;
	[tilespmem:$0x1FE60] =	vst v0  }
0x6a: {  	[tilespmem:$0x1FE70] =	vst v6;
	v6 =	vimm.f32 $0.0e+00  }
0x6b: {  	v0 =	vimm.f32 $0.0e+00;
	[tilespmem:$0x1FE80] =	vst v6  }
0x6c: {  	[tilespmem:$0x1FE90] =	vst v0;
	v0 =	vimm.f32 $0.0e+00  }
0x6d: {  	v38 =	vimm.f32 $0.0e+00;
	v47 =	vimm.f32 $0.0e+00;
	[tilespmem:$0x1FEC0] =	vst v0;
	v0 =	vimm.f32 $0.0e+00  }
0x6e: {  	v15 =	vimm.f32 $0.0e+00;
	v13 =	vimm.f32 $0.0e+00;
	[tilespmem:$0x1FED0] =	vst v0;
	v0 =	vimm.f32 $0.0e+00  }
0x6f: {  	v21 =	vimm.f32 $0.0e+00;
	v16 =	vimm.f32 $0.0e+00;
	v6 =	vimm.f32 $0.0e+00;
	[tilespmem:$0x1FEF0] =	vst v0  }
0x70: {  	v41 =	vmovc v63;
	v63 =	vimm.f32 $0.0e+00;
	v24 =	vimm.f32 $0.0e+00;
	[tilespmem:$0x1FEA0] =	vst v6;
	v6 =	vimm.f32 $0.0e+00  }
0x71: {  	v25 =	vimm.f32 $0.0e+00;
	v34 =	vimm.f32 $0.0e+00;
	[tilespmem:$0x1FEB0] =	vst v6;
	v6 =	vimm.f32 $0.0e+00  }
0x72: {  	v37 =	vimm.f32 $0.0e+00;
	v61 =	vmovc v54;
	v55 =	vimm.f32 $0.0e+00;
	v58 =	vmovc v35;
	[tilespmem:$0x1FEE0] =	vst v6;
	v0 =	vimm.f32 $0.0e+00  }
0x73: {  	v35 =	vmovc v33;
	v39 =	vmovc v29;
	v42 =	vmov v28;
	v44 =	vmov v52;
	[tilespmem:$0x1FF00] =	vst v0;
	v0 =	vimm.f32 $0.0e+00  }
0x74: {  	v32 =	vld [tilespmem:$0x1FF60];
	v52 =	vmovc v45;
	v36 =	vimm.f32 $0.0e+00;
	v60 =	vimm.f32 $0.0e+00;
	v30 =	vimm.f32 $0.0e+00;
	v62 =	vmovc v31;
	[tilespmem:$0x1FF10] =	vst v0  }
.LBB2_13:
0x75: {  	_ = 	snop  }
0x76: {  	v6 =	vmul.f32 v12, v39;
	_ =	sdelay $0x1  }
0x77: {  	v31 =	vmul.f32 v48, v35;
	v6 =	vadd.f32 v6, v43  }
0x78: {  	v10 =	vld.idx.msk [tilespmem:v10+s3+$0x0], $0xffff  }
0x79: {  	v54 =	vmov v42;
	v42 =	vmul.f32 v26, v42;
	v6 =	vadd.f32 v31, v6  }
0x7a: {  	v4 =	vld.idx.msk [tilespmem:v4+s3+$0x0], $0xffff  }
0x7b: {  	v5 =	vmul.f32 v5, v44;
	v6 =	vadd.f32 v42, v6  }
0x7c: {  	v8 =	vld.idx.msk [tilespmem:v8+s3+$0x0], $0xffff  }
0x7d: {  	v43 =	vmul.f32 v10, v52;
	v5 =	vadd.f32 v5, v6;
	_ =	sdelay $0x1  }
0x7e: {  	v7 =	vadd.f32 @p0 v7, v56;
	v4 =	vmul.f32 v4, v58;
	v5 =	vadd.f32 v43, v5  }
0x7f: {  	v3 =	vadd.f32 v3, v9  }
0x80: {  	v48 =	vmul.f32 v8, v41;
	v6 =	vadd.f32 @p0 v17, v7;
	v4 =	vadd.f32 v4, v5  }
0x81: {  	v31 =	vld [tilespmem:$0x1FF50]  }
0x82: {  	v2 =	vadd.f32 v2, v3;
	v3 =	vperm.xlane @p0 v6, v61;
	v4 =	vadd.f32 v48, v4;
	_ =	sdelay $0x1  }
0x83: {  	v3 =	vadd.f32 @p0 v6, v3;
	v9 =	vperm.xlane v4, v61;
	_ =	sdelay $0x1  }
0x84: {  	v5 =	vperm.xlane @p0 v3, v31;
	v4 =	vadd.f32 v4, v9;
	_ =	sdelay $0x1  }
0x85: {  	v56 =	vperm.xlane v2, v61;
	v42 =	vld [tilespmem:$0x1FE50];
	v3 =	vadd.f32 @p0 v3, v5;
	v12 =	vperm.xlane v4, v31  }
0x86: {  	v48 =	vld [tilespmem:$0x1FF70]  }
0x87: {  	v2 =	vadd.f32 v2, v56;
	v6 =	vperm.xlane @p0 v3, v32;
	v4 =	vadd.f32 v4, v12  }
0x88: {  	v0 =	vld [tilespmem:$0x1FD30]  }
0x89: {  	v10 =	vperm.xlane v2, v31;
	v12 =	vadd.f32 @p0 v3, v6;
	v3 =	vperm.xlane v4, v32;
	_ =	sdelay $0x1  }
0x8a: {  	v2 =	vadd.f32 v2, v10;
	v3 =	vadd.f32 v4, v3;
	v4 =	vperm.xlane @p0 v12, v48  }
0x8b: {  	v1 =	vadd.f32 v27, v1  }
0x8c: {  	v8 =	vmul.f32 @p1 v53, v0;
	v17 =	vperm.xlane v2, v32;
	v0 =	vadd.f32 @p0 v12, v4;
	v4 =	vld.idx.msk [tilespmem:v42+s3+$0x0], $0xffff;
	_ =	sdelay $0x1  }
0x8d: {  	(erf) = vpow2.f32 @p0 v46;
	v1 =	vadd.f32 v40, v1;
	v2 =	vadd.f32 v2, v17;
	_ =	sdelay $0x1  }
0x8e: {  	v1 =	vadd.f32 v22, v1;
	v7 =	vadd.f32 @p1 v20, v38;
	v38 =	vperm.xlane v2, v48  }
0x8f: {  	v10 =	vadd.f32 @p1 v49, v47;
	v6 =	vld [tilespmem:$0x1FD40];
	v43 =	vperm.xlane v3, v48;
	v49 =	vmul.f32 v4, v41  }
0x90: {  	v5 =	vmul.f32 @p1 v53, v14;
	v2 =	vadd.f32 v2, v38;
	v0 =	vmul.f32 @p0 $1.442695020e+00, v0  }
0x91: {  	v12 =	vmul.f32 @p1 v53, v18;
	v46 =	vadd.f32 v3, v43;
	v1 =	vadd.f32 v49, v1  }
0x92: {  	v14 =	vadd.f32 @p1 v5, v13;
	v47 =	vmul.f32 $1.442695020e+00, v2  }
0x93: {  	v12 =	vadd.f32 @p1 v12, v24;
	v5 =	vmul.f32 $1.442695020e+00, v46;
	v24 =	vperm.xlane v1, v61  }
0x94: {  	v6 =	vmul.f32 @p1 v53, v6;
	(erf) = vpow2.f32 @p0 v0;
	v0 =	vpop @p0 (erf)  }
0x95: {  	v17 =	vmov @p0 v50;
	v9 =	vadd.f32 @p1 v19, v15;
	v19 =	vpop @p0 (erf);
	v24 =	vadd.f32 v1, v24;
	v1 =	vld [tilespmem:$0x1FE80]  }
0x96: {  	v13 =	vadd.f32 @p1 v6, v63;
	(erf) = vpow2.f32 v47;
	v6 =	vmul.f32 @p0 v19, v17  }
0x97: {  	(erf) = vpow2.f32 v5;
	v5 =	vmov @p0 v23  }
0x98: {  	v23 =	vadd.f32 @p0 v6, v25;
	v25 =	vmul.f32 @p0 v19, v5;
	_ =	sdelay $0x1  }
0x99: {  	v25 =	vadd.f32 @p0 v25, v1;
	v1 =	vld [tilespmem:$0x1FEA0];
	_ =	sdelay $0x1  }
0x9a: {  	v15 =	vmov @p0 v29  }
0x9b: {  	v22 =	vmul.f32 @p0 v19, v15;
	_ =	sdelay $0x1  }
0x9c: {  	v4 =	vmov @p0 v33;
	v33 =	vld [tilespmem:$0x1FEB0];
	v22 =	vadd.f32 @p0 v22, v1;
	v1 =	vmul.f32 @p0 v19, v51  }
0x9d: {  	v11 =	vmul.f32 @p1 v53, v11;
	v2 =	vld [tilespmem:$0x1FE40]  }
0x9e: {  	v18 =	vadd.f32 @p1 v8, v21;
	v8 =	vmul.f32 @p0 v19, v4;
	v6 =	vmovc @p0 v45;
	v21 =	vadd.f32 @p0 v1, v30;
	v1 =	vld [tilespmem:$0x1FF00]  }
0x9f: {  	v27 =	vmul.f32 @p0 v19, v6  }
0xa0: {  	v11 =	vadd.f32 @p1 v11, v16;
	v3 =	vmovc @p0 v28;
	v26 =	vadd.f32 @p0 v8, v34;
	v53 =	vperm.xlane v24, v31  }
0xa1: {  	v46 =	vimm.f32 $0.0e+00;
	v20 =	vmul.f32 @p0 v19, v3;
	v27 =	vadd.f32 @p0 v27, v33;
	v33 =	vld [tilespmem:$0x1FEF0]  }
0xa2: {  	s0 =	sshll.u32 s29, $0x7;
	v7 =	vpsel p1, v7, v46;
	v28 =	vmul.f32 @p0 v19, v2;
	v8 =	vpop @p0 (erf);
	v24 =	vadd.f32 v24, v53  }
0xa3: {  	s0 =	sand.u32 $0x3FFFFF80, s0;
	v20 =	vadd.f32 @p0 v20, v37;
	v56 =	vpsel p0, v23, v46;
	v16 =	vadd.f32 @p0 v19, v1;
	v1 =	vpop (erf)  }
0xa4: {  	v23 =	vpsel p0, v26, v46;
	v31 =	vmov v41;
	v41 =	vld [tilespmem:s0+$0x13900];
	v34 =	vperm.xlane v24, v32;
	v26 =	vpop (erf)  }
0xa5: {  	v20 =	vpsel p0, v20, v46;
	v53 =	vld [tilespmem:s0+$0x13910];
	v27 =	vpsel p0, v27, v46;
	v63 =	vmul.f32 v26, v62  }
0xa6: {  	v25 =	vpsel p0, v25, v46;
	v24 =	vadd.f32 v24, v34;
	v34 =	vld [tilespmem:s0+$0x13930];
	v28 =	vadd.f32 @p0 v28, v33  }
0xa7: {  	v38 =	vmul.f32 v26, v39;
	v37 =	vmul.f32 v26, v35;
	v19 =	vadd.f32 v63, v56;
	v63 =	vld [tilespmem:s0+$0x13920]  }
0xa8: {  	v47 =	vperm.xlane v24, v48;
	v48 =	vld [tilespmem:s0+$0x13940];
	v22 =	vpsel p0, v22, v46;
	v49 =	vmul.f32 v26, v54  }
0xa9: {  	v56 =	vmul.f32 v26, v44;
	v23 =	vadd.f32 v37, v23;
	v22 =	vadd.f32 v38, v22  }
0xaa: {  	v28 =	vpsel p0, v28, v46;
	v20 =	vadd.f32 v49, v20;
	v49 =	vld [tilespmem:s0+$0x13950];
	v19 =	vadd.f32 v41, v19  }
0xab: {  	v32 =	vmul.f32 v26, v52;
	v25 =	vadd.f32 v56, v25;
	v22 =	vadd.f32 v53, v22;
	v53 =	vld [tilespmem:s0+$0x13960]  }
0xac: {  	v56 =	vmul.f32 v26, v58;
	v20 =	vadd.f32 v34, v20;
	[tilespmem:s0+$0x13900] =	vst v19;
	v23 =	vadd.f32 v63, v23;
	v63 =	vld [tilespmem:s0+$0x13970]  }
0xad: {  	v30 =	vmul.f32 v26, v31;
	v27 =	vadd.f32 v32, v27;
	[tilespmem:s0+$0x13910] =	vst v22;
	v32 =	vadd.f32 v48, v25  }
0xae: {  	v24 =	vadd.f32 v24, v47;
	v21 =	vpsel p0, v21, v46;
	v19 =	vadd.f32 v56, v28;
	[tilespmem:s0+$0x13930] =	vst v20  }
0xaf: {  	v10 =	vpsel p1, v10, v46;
	v21 =	vadd.f32 v30, v21;
	v34 =	vadd.f32 v49, v27;
	[tilespmem:s0+$0x13940] =	vst v32  }
0xb0: {  	v9 =	vpsel p1, v9, v46;
	v17 =	vmul.f32 @p0 v8, v17;
	[tilespmem:s0+$0x13920] =	vst v23;
	v19 =	vadd.f32 v53, v19  }
0xb1: {  	v14 =	vpsel p1, v14, v46;
	v24 =	vmul.f32 $1.442695020e+00, v24;
	[tilespmem:s0+$0x13950] =	vst v34;
	v37 =	vadd.f32 v63, v21  }
0xb2: {  	s1 =	sshll.u32 s29, $0x4;
	v18 =	vpsel p1, v18, v46;
	v11 =	vpsel p1, v11, v46;
	v17 =	vpsel p0, v17, v0;
	[tilespmem:s0+$0x13960] =	vst v19  }
0xb3: {  	s30 =	sand.u32 $0x3FFFFFF0, s1;
	v13 =	vpsel p1, v13, v46;
	v10 =	vadd.f32 @p0 v17, v10;
	(erf) = vpow2.f32 v24;
	[tilespmem:s0+$0x13970] =	vst v37  }
0xb4: {  	v12 =	vpsel p1, v12, v46;
	v15 =	vpsel p0, v15, v0;
	v22 =	vmul.f32 @p0 v8, v51;
	v38 =	vld [tilespmem:s30+$0x15100]  }
0xb5: {  	v10 =	vpsel p0, v10, v46;
	v16 =	vpsel p0, v16, v46;
	v20 =	vpsel p0, v8, v0  }
0xb6: {  	v16 =	vadd.f32 v26, v16;
	v15 =	vmul.f32 @p0 v20, v15;
	v22 =	vpsel p0, v22, v0  }
0xb7: {  	v7 =	vadd.f32 @p0 v22, v7;
	v22 =	vpsel p0, v6, v0;
	v19 =	vpsel p0, v3, v0  }
0xb8: {  	v13 =	vadd.f32 @p0 v15, v13;
	v21 =	vmul.f32 @p0 v8, v2;
	v19 =	vmul.f32 @p0 v20, v19  }
0xb9: {  	s31 =	sor.u32 $0x10, s29;
	v23 =	vpsel p0, v5, v0;
	v22 =	vmul.f32 @p0 v20, v22;
	v16 =	vadd.f32 v38, v16  }
0xba: {  	s2 =	sshll.u32 s31, $0x7;
	v17 =	vmul.f32 @p0 v20, v23;
	v13 =	vpsel p0, v13, v46;
	v21 =	vpsel p0, v21, v0  }
0xbb: {  	s2 =	sand.u32 $0x3FFFFF80, s2;
	v18 =	vadd.f32 @p0 v22, v18;
	v9 =	vadd.f32 @p0 v21, v9;
	v21 =	vpsel p0, v4, v0;
	[tilespmem:s30+$0x15100] =	vst v16  }
0xbc: {  	v12 =	vadd.f32 @p0 v17, v12;
	v14 =	vadd.f32 @p0 v19, v14;
	v21 =	vmul.f32 @p0 v20, v21;
	v19 =	vpop (erf);
	v16 =	vld [tilespmem:s2+$0x13900]  }
0xbd: {  	v7 =	vpsel p0, v7, v46;
	v41 =	vpsel p0, v18, v46;
	v40 =	vmul.f32 v19, v62;
	v42 =	vld [tilespmem:s2+$0x13910]  }
0xbe: {  	v12 =	vpsel p0, v12, v46;
	v45 =	vmul.f32 v19, v39;
	v11 =	vadd.f32 @p0 v21, v11;
	v47 =	vld [tilespmem:s2+$0x13920]  }
0xbf: {  	v14 =	vpsel p0, v14, v46;
	v48 =	vmul.f32 v19, v35;
	v10 =	vadd.f32 v40, v10;
	v32 =	vld [tilespmem:s2+$0x13970]  }
0xc0: {  	v37 =	vmul.f32 v19, v31;
	v13 =	vadd.f32 v45, v13;
	v11 =	vpsel p0, v11, v46;
	v49 =	vld [tilespmem:s2+$0x13930]  }
0xc1: {  	v43 =	vmul.f32 v19, v54;
	v11 =	vadd.f32 v48, v11;
	v56 =	vld [tilespmem:s2+$0x13940];
	v10 =	vadd.f32 v16, v10  }
0xc2: {  	v33 =	vmovc v29;
	v63 =	vmul.f32 v19, v44;
	v7 =	vadd.f32 v37, v7;
	v28 =	vld [tilespmem:s2+$0x13950];
	v13 =	vadd.f32 v42, v13  }
0xc3: {  	v53 =	vmul.f32 v19, v52;
	v14 =	vadd.f32 v43, v14;
	v29 =	vld [tilespmem:s2+$0x13960];
	v11 =	vadd.f32 v47, v11;
	[tilespmem:s2+$0x13900] =	vst v10  }
0xc4: {  	v30 =	vmul.f32 v19, v58;
	v12 =	vadd.f32 v63, v12;
	v7 =	vadd.f32 v32, v7;
	[tilespmem:s2+$0x13910] =	vst v13  }
0xc5: {  	v9 =	vpsel p0, v9, v46;
	v17 =	vadd.f32 v53, v41;
	v34 =	vadd.f32 v49, v14;
	[tilespmem:s2+$0x13920] =	vst v11  }
0xc6: {  	v9 =	vadd.f32 v30, v9;
	v38 =	vadd.f32 v56, v12;
	[tilespmem:s2+$0x13970] =	vst v7;
	v7 =	vld [tilespmem:$0x1FF10]  }
0xc7: {  	v40 =	vadd.f32 v28, v17;
	[tilespmem:s2+$0x13930] =	vst v34;
	v10 =	vld [tilespmem:$0x1FE70]  }
0xc8: {  	v9 =	vadd.f32 v29, v9;
	[tilespmem:s2+$0x13940] =	vst v38  }
0xc9: {  	s1 =	sshll.u32 s31, $0x4;
	[tilespmem:s2+$0x13950] =	vst v40  }
0xca: {  	s4 =	sand.u32 $0x3FFFFFF0, s1;
	[tilespmem:s2+$0x13960] =	vst v9;
	v9 =	vmul.f32 @p0 v0, v33  }
0xcb: {  	v41 =	vld [tilespmem:s4+$0x15100];
	v7 =	vadd.f32 @p0 v8, v7  }
0xcc: {  	v9 =	vadd.f32 @p0 v9, v10;
	v10 =	vld [tilespmem:$0x1FE90]  }
0xcd: {  	v7 =	vpsel p0, v7, v46  }
0xce: {  	v7 =	vadd.f32 v19, v7  }
0xcf: {  	v2 =	vmul.f32 @p0 v0, v2;
	v4 =	vmul.f32 @p0 v0, v4  }
0xd0: {  	s17 =	sor.u32 $0x20, s29;
	v8 =	vld [tilespmem:$0x1FED0];
	v7 =	vadd.f32 v41, v7  }
0xd1: {  	s18 =	sshll.u32 s17, $0x7;
	v6 =	vmul.f32 @p0 v0, v6;
	v4 =	vadd.f32 @p0 v4, v55;
	v2 =	vadd.f32 @p0 v2, v10;
	v10 =	vld [tilespmem:$0x1FEC0]  }
0xd2: {  	v5 =	vmul.f32 @p0 v0, v5;
	v45 =	vmul.f32 v1, v35;
	s30 =	sand.u32 $0x3FFFFF80, s18;
	[tilespmem:s4+$0x15100] =	vst v7;
	v7 =	vld [tilespmem:$0x1FEE0]  }
0xd3: {  	v3 =	vmul.f32 @p0 v0, v3;
	v6 =	vadd.f32 @p0 v6, v36;
	v4 =	vpsel p0, v4, v46;
	v13 =	vld [tilespmem:s30+$0x13910]  }
0xd4: {  	v43 =	vmul.f32 v1, v62;
	v53 =	vmul.f32 v1, v52;
	v4 =	vadd.f32 v45, v4;
	v48 =	vld [tilespmem:s30+$0x13920]  }
0xd5: {  	v42 =	vmul.f32 v1, v39;
	v56 =	vmul.f32 v1, v58;
	v9 =	vpsel p0, v9, v46;
	v55 =	vld [tilespmem:s30+$0x13960]  }
0xd6: {  	v2 =	vpsel p0, v2, v46;
	v3 =	vadd.f32 @p0 v3, v10;
	v10 =	vmul.f32 @p0 v0, v50  }
0xd7: {  	v47 =	vmul.f32 v1, v54;
	v9 =	vadd.f32 v42, v9;
	v11 =	vld [tilespmem:s30+$0x13900];
	v2 =	vadd.f32 v56, v2  }
0xd8: {  	v49 =	vld [tilespmem:s30+$0x13930];
	v8 =	vadd.f32 @p0 v10, v8;
	v5 =	vadd.f32 @p0 v5, v7;
	v3 =	vpsel p0, v3, v46  }
0xd9: {  	v10 =	vmul.f32 @p0 v0, v51;
	v51 =	vld [tilespmem:s30+$0x13940];
	v3 =	vadd.f32 v47, v3;
	v9 =	vadd.f32 v13, v9  }
0xda: {  	v54 =	vld [tilespmem:s30+$0x13950];
	v50 =	vmul.f32 v1, v44;
	v4 =	vadd.f32 v48, v4;
	v2 =	vadd.f32 v55, v2  }
0xdb: {  	v7 =	vadd.f32 @p0 v10, v60;
	v8 =	vpsel p0, v8, v46;
	v5 =	vpsel p0, v5, v46  }
0xdc: {  	v6 =	vpsel p0, v6, v46;
	v58 =	vld [tilespmem:s30+$0x13970];
	v8 =	vadd.f32 v43, v8;
	v5 =	vadd.f32 v50, v5;
	[tilespmem:s30+$0x13910] =	vst v9  }
0xdd: {  	v6 =	vadd.f32 v53, v6;
	v60 =	vmul.f32 v1, v31;
	v3 =	vadd.f32 v49, v3;
	[tilespmem:s30+$0x13920] =	vst v4  }
0xde: {  	[tilespmem:s30+$0x13960] =	vst v2;
	v63 =	vpsel p0, v7, v46;
	v8 =	vadd.f32 v11, v8;
	v62 =	vadd.f32 v51, v5  }
0xdf: {  	v2 =	vld [tilespmem:$0x1FE60];
	v5 =	vadd.f32 v60, v63;
	[tilespmem:s30+$0x13930] =	vst v3;
	v3 =	vadd.f32 v54, v6  }
0xe0: {  	[tilespmem:s30+$0x13900] =	vst v8  }
0xe1: {  	[tilespmem:s30+$0x13950] =	vst v3;
	v3 =	vadd.f32 v58, v5  }
0xe2: {  	s1 =	sshll.u32 s17, $0x4;
	[tilespmem:s30+$0x13940] =	vst v62  }
0xe3: {  	s31 =	sand.u32 $0x3FFFFFF0, s1;
	[tilespmem:s30+$0x13970] =	vst v3  }
0xe4: {  	v0 =	vadd.f32 @p0 v0, v2;
	v2 =	vld [tilespmem:s31+$0x15100]  }
0xe5: {  	v25 =	vld [tilespmem:$0x1FFD0]  }
0xe6: {  	v41 =	vld [tilespmem:$0x1FF80];
	v0 =	vpsel p0, v0, v46  }
0xe7: {  	v44 =	vld [tilespmem:$0x1FFE0];
	v0 =	vadd.f32 v1, v0  }
0xe8: {  	v49 =	vld [tilespmem:$0x1FFA0]  }
0xe9: {  	v62 =	vld [tilespmem:$0x1FFB0];
	v0 =	vadd.f32 v2, v0  }
0xea: {  	v1 =	vld [tilespmem:$0x1FF20]  }
0xeb: {  	v47 =	vlaneseq.u32;
	v54 =	vmov v61;
	[tilespmem:s31+$0x15100] =	vst v0;
	v0 =	vld [tilespmem:$0x1FF30]  }
.LBB2_14:
0xec: {  	s29 =	sadd.s32 $0x1, s29  }
0xed: {  	p0 =	sne.s32 s29, $0x10  }
.Ltmp4:
0xee: {  	_ = 	snop;
	(pc) =	sbr.rel @!p0 .LBB2_15-.Ltmp4, $2  }
0xef: {  	_ =	sdelay $0x2  }
0xf0: {  	v1 =	vperm.xlane v1, v25;
	v0 =	vperm.xlane v0, v25  }
.LBB2_4:
0xf1: {  	_ =	sdelay $0x2  }
0xf2: {  	(v2sf) =	vpush v0, $0x0  }
0xf3: {  	(v2sf) =	vpush v1, $0x0;
	_ =	sdelay $0xd  }
0xf4: {  	s0 =	spop (v2sf)  }
0xf5: {  	s4 =	smov.u32 s5;
	s31 =	spop (v2sf)  }
0xf6: {  	s30 =	smov.u32 s6;
	p0 =	sgt.s32 s0, s5;
	p1 =	slt.s32 s31, s6  }
0xf7: {  	s4 =	smov.u32 @p0 s0;
	s30 =	smov.u32 @p1 s31  }
0xf8: {  	p0 =	sle.s32 s30, s4  }
.Ltmp5:
0xf9: {  	_ = 	snop;
	(pc) =	sbr.rel @p0 .LBB2_14-.Ltmp5, $1  }
0xfa: {  	_ =	sdelay $0x3  }
0xfb: {  	s0 =	sadd.s32 s4, s14  }
0xfc: {  	s31 =	simm.s32 $0x1;
	p0 =	sne.s32 s0, $0x0  }
0xfd: {  	s1 =	sshra.s32 s0, $0x1F;
	s31 =	simm.s32 @!p0 $0x0  }
0xfe: {  	s2 =	sand.u32 $0xF, s4;
	s31 =	sor.u32 s31, s1  }
0xff: {  	p1 =	sne.s32 s2, $0x0;
	p6 =	sne.s32 s31, $0x1  }
0x100: {  	s1 =	sshrl.u32 s1, $0x1C;
	p0 =	por !p1, !p6  }
0x101: {  	s2 =	simm.s32 $0x1;
	s1 =	sadd.s32 s1, s0;
	p0 =	por !p0, !p0  }
0x102: {  	s1 =	sshra.s32 s1, $0x4;
	s2 =	simm.s32 @!p0 $0x0  }
0x103: {  	s1 =	ssub.s32 s1, s2  }
0x104: {  	s2 =	sshll.u32 s1, $0x4;
	s1 =	sshll.u32 s1, $0x6  }
0x105: {  	s31 =	sand.u32 $0x70, s2;
	s1 =	sand.u32 $0xFFFFFE00, s1  }
0x106: {  	s1 =	sor.u32 s31, s1  }
0x107: {  	[tilespmem:$0x1FF30] =	vst v0;
	s2 =	ssub.s32 s0, s2;
	v0 =	vld [tilespmem:s1+$0x3100]  }
0x108: {  	[tilespmem:$0x1FF20] =	vst v1;
	v19 =	vld [tilespmem:$0x1FF90];
	v1 =	vmov s2  }
0x109: {  	v20 =	vld [tilespmem:$0x1FF40];
	s0 =	sshll.u32 s0, $0x9;
	v1 =	vshrl.u32 v1, $0x1B  }
0x10a: {  	s0 =	sshra.s32 s0, $0x2;
	v2 =	vld [tilespmem:s1+$0x3080];
	v1 =	vand.u32 $0x10, v1  }
0x10b: {  	s31 =	sadd.s32 $0x3940, s0;
	v3 =	vld [tilespmem:s1+$0x3000];
	v1 =	vadd.s32 s2, v1  }
0x10c: {  	v63 =	vld [tilespmem:s31+$0x30];
	v0 =	vperm.xlane v0, v1  }
0x10d: {  	v35 =	vld [tilespmem:s31+$0x20]  }
0x10e: {  	v28 =	vld [tilespmem:s31+$0xFFFFFFF0];
	v0 =	vshll.u32 v0, $0x7  }
0x10f: {  	v33 =	vld [tilespmem:s31+$0xFFFFFFE0];
	v2 =	vperm.xlane v2, v1;
	v4 =	vor.u32 v47, v0  }
0x110: {  	v31 =	vld [tilespmem:s31+$0xFFFFFFC0];
	v5 =	vor.u32 v19, v0  }
0x111: {  	v29 =	vld [tilespmem:s31+$0xFFFFFFD0];
	v7 =	vshll.u32 v2, $0x7;
	v6 =	vor.u32 v41, v0  }
0x112: {  	v52 =	vld [tilespmem:s31+$0x0];
	v2 =	vor.u32 v19, v7  }
0x113: {  	v45 =	vld [tilespmem:s31+$0x10];
	v8 =	vor.u32 v49, v0  }
0x114: {  	v9 =	vor.u32 v20, v0;
	v4 =	vld.idx.msk [tilespmem:v4+s3+$0x0], $0xffff  }
0x115: {  	v13 =	vor.u32 v62, v0;
	v5 =	vld.idx.msk [tilespmem:v5+s3+$0x0], $0xffff  }
0x116: {  	v10 =	vor.u32 v41, v7;
	v6 =	vld.idx.msk [tilespmem:v6+s3+$0x0], $0xffff  }
0x117: {  	v1 =	vperm.xlane v3, v1;
	v11 =	vor.u32 v47, v7;
	v2 =	vld.idx.msk [tilespmem:v2+s3+$0x0], $0xffff  }
0x118: {  	v12 =	vor.u32 v44, v0;
	v8 =	vld.idx.msk [tilespmem:v8+s3+$0x0], $0xffff  }
0x119: {  	v17 =	vshll.u32 v1, $0x7;
	v16 =	vor.u32 v62, v7;
	v9 =	vld.idx.msk [tilespmem:v9+s3+$0x0], $0xffff  }
0x11a: {  	v1 =	vld.idx.msk [tilespmem:v13+s3+$0x0], $0xffff;
	v13 =	vor.u32 v47, v17  }
0x11b: {  	v14 =	vor.u32 v20, v7;
	v10 =	vld.idx.msk [tilespmem:v10+s3+$0x0], $0xffff  }
0x11c: {  	v0 =	vor.u32 v59, v0;
	v11 =	vld.idx.msk [tilespmem:v11+s3+$0x0], $0xffff  }
0x11d: {  	v58 =	vimm.f32 $0.0e+00;
	v3 =	vor.u32 v49, v7;
	v12 =	vld.idx.msk [tilespmem:v12+s3+$0x0], $0xffff  }
0x11e: {  	v15 =	vor.u32 v44, v7;
	v16 =	vld.idx.msk [tilespmem:v16+s3+$0x0], $0xffff;
	v4 =	vmul.f32 v4, v31;
	v6 =	vmul.f32 v6, v29  }
0x11f: {  	v18 =	vor.u32 v41, v17;
	v20 =	vor.u32 v20, v17;
	v24 =	vor.u32 v59, v7;
	v13 =	vld.idx.msk [tilespmem:v13+s3+$0x0], $0xffff  }
0x120: {  	v5 =	vmul.f32 v5, v33;
	v10 =	vmul.f32 v10, v29;
	v4 =	vadd.f32 v6, v4;
	v6 =	vld.idx.msk [tilespmem:v14+s3+$0x0], $0xffff  }
0x121: {  	v0 =	vld.idx.msk [tilespmem:v0+s3+$0x0], $0xffff;
	v2 =	vmul.f32 v2, v33;
	v8 =	vmul.f32 v8, v52;
	v14 =	vor.u32 v49, v17  }
0x122: {  	s4 =	sadd.s32 $0x1, s4;
	v4 =	vadd.f32 v5, v4;
	v5 =	vmul.f32 v11, v31;
	v11 =	vld.idx.msk [tilespmem:v3+s3+$0x0], $0xffff;
	v3 =	vmul.f32 v9, v28  }
0x123: {  	p2 =	sne.s32 s30, s4;
	v61 =	vmul.f32 v12, v45;
	v22 =	vmul.f32 v16, v35;
	v9 =	vld.idx.msk [tilespmem:v15+s3+$0x0], $0xffff;
	v15 =	vor.u32 v19, v17  }
.Ltmp6:
0x124: {  	v43 =	vmul.f32 v13, v31;
	v5 =	vadd.f32 v10, v5;
	v10 =	vadd.f32 v3, v4;
	(pc) =	sbr.rel @!p2 .LBB2_6-.Ltmp6, $4  }
0x125: {  	v26 =	vld.idx.msk [tilespmem:v20+s3+$0x0], $0xffff;
	v3 =	vmul.f32 v1, v35;
	v4 =	vor.u32 v62, v17;
	v6 =	vmul.f32 v6, v28  }
0x126: {  	v12 =	vld.idx.msk [tilespmem:v18+s3+$0x0], $0xffff;
	v1 =	vadd.f32 v2, v5;
	v2 =	vmul.f32 v0, v63;
	v0 =	vadd.f32 v8, v10  }
0x127: {  	v5 =	vld.idx.msk [tilespmem:v14+s3+$0x0], $0xffff;
	v10 =	vor.u32 v44, v17;
	v8 =	vor.u32 v59, v17;
	v27 =	vmul.f32 v11, v52  }
0x128: {  	p1 =	por $0x0, $0x0;
	p0 =	por $0x0, $0x0;
	v40 =	vmul.f32 v9, v45;
	v48 =	vld.idx.msk [tilespmem:v15+s3+$0x0], $0xffff;
	v9 =	vadd.f32 v61, v0;
	v1 =	vadd.f32 v6, v1  }
0x129: {  	s0 =	sadd.s32 s4, s14  }
0x12a: {  	s1 =	simm.s32 $0x1;
	p0 =	sne.s32 s0, $0x0  }
0x12b: {  	s2 =	sshra.s32 s0, $0x1F;
	s1 =	simm.s32 @!p0 $0x0  }
0x12c: {  	s17 =	sand.u32 $0xF, s4;
	s1 =	sor.u32 s1, s2  }
0x12d: {  	p2 =	sne.s32 s17, $0x0;
	p6 =	sne.s32 s1, $0x1  }
0x12e: {  	s17 =	sshrl.u32 s2, $0x1C;
	p0 =	por !p2, !p6  }
0x12f: {  	v10 =	vld.idx.msk [tilespmem:v10+s3+$0x0], $0xffff;
	s2 =	simm.s32 $0x1;
	s1 =	sadd.s32 s17, s0;
	p0 =	por !p0, !p0  }
0x130: {  	v4 =	vld.idx.msk [tilespmem:v4+s3+$0x0], $0xffff;
	s1 =	sshra.s32 s1, $0x4;
	s2 =	simm.s32 @!p0 $0x0  }
0x131: {  	v8 =	vld.idx.msk [tilespmem:v8+s3+$0x0], $0xffff;
	s1 =	ssub.s32 s1, s2  }
0x132: {  	v23 =	vld [tilespmem:$0x1FF90];
	s2 =	sshll.u32 s1, $0x4;
	s1 =	sshll.u32 s1, $0x6  }
0x133: {  	v34 =	vld [tilespmem:$0x1FF40];
	v0 =	vmul.f32 v12, v29;
	s18 =	sand.u32 $0x70, s2;
	s1 =	sand.u32 $0xFFFFFE00, s1  }
0x134: {  	v18 =	vld [tilespmem:$0x1FF50];
	s1 =	sor.u32 s18, s1  }
0x135: {  	v11 =	vmul.f32 v48, v33;
	v0 =	vadd.f32 v0, v43;
	s0 =	ssub.s32 s0, s2;
	v6 =	vld [tilespmem:s1+$0x3100]  }
0x136: {  	s31 =	sadd.s32 $0x80, s31;
	v21 =	vld [tilespmem:$0x1FF60];
	v7 =	vmov s0  }
0x137: {  	v13 =	vmul.f32 v26, v28;
	v42 =	vld [tilespmem:s31+$0x30];
	v0 =	vadd.f32 v11, v0;
	v7 =	vshrl.u32 v7, $0x1B  }
0x138: {  	v37 =	vld [tilespmem:s31+$0x20];
	v7 =	vand.u32 $0x10, v7  }
0x139: {  	v5 =	vmul.f32 v5, v52;
	v0 =	vadd.f32 v13, v0;
	v12 =	vld [tilespmem:s1+$0x3080];
	v7 =	vadd.s32 s0, v7  }
0x13a: {  	v3 =	vadd.f32 v3, v9;
	v32 =	vld [tilespmem:s31+$0xFFFFFFF0];
	v6 =	vperm.xlane v6, v7  }
0x13b: {  	v53 =	vld [tilespmem:s31+$0xFFFFFFE0];
	v9 =	vmul.f32 v10, v45;
	v0 =	vadd.f32 v5, v0  }
0x13c: {  	v30 =	vld [tilespmem:s31+$0xFFFFFFC0];
	v2 =	vadd.f32 v2, v3;
	v6 =	vshll.u32 v6, $0x7  }
0x13d: {  	v39 =	vld [tilespmem:s31+$0xFFFFFFD0];
	v3 =	vmul.f32 v4, v35;
	v0 =	vadd.f32 v9, v0;
	v10 =	vor.u32 v47, v6  }
0x13e: {  	v36 =	vld [tilespmem:s31+$0x0];
	v5 =	vperm.xlane v12, v7;
	v4 =	vor.u32 v23, v6  }
0x13f: {  	v50 =	vld [tilespmem:s31+$0x10];
	v0 =	vadd.f32 v3, v0;
	v9 =	vor.u32 v41, v6  }
0x140: {  	v26 =	vld [tilespmem:$0x1FF70];
	v13 =	vshll.u32 v5, $0x7;
	v5 =	vmul.f32 v8, v63;
	v3 =	vor.u32 v49, v6  }
0x141: {  	v11 =	vld [tilespmem:s1+$0x3000];
	v12 =	vperm.xlane v2, v54;
	v14 =	vor.u32 v34, v6  }
0x142: {  	v15 =	vor.u32 v47, v13;
	v0 =	vadd.f32 v5, v0;
	v10 =	vld.idx.msk [tilespmem:v10+s3+$0x0], $0xffff  }
0x143: {  	v1 =	vadd.f32 v27, v1;
	v2 =	vadd.f32 v2, v12;
	v5 =	vor.u32 v41, v13;
	v4 =	vld.idx.msk [tilespmem:v4+s3+$0x0], $0xffff  }
0x144: {  	v8 =	vor.u32 v23, v13;
	v16 =	vperm.xlane v0, v54;
	v9 =	vld.idx.msk [tilespmem:v9+s3+$0x0], $0xffff  }
0x145: {  	v56 =	vadd.f32 v40, v1;
	v19 =	vor.u32 v49, v13;
	v12 =	vperm.xlane v2, v18;
	v1 =	vld.idx.msk [tilespmem:v3+s3+$0x0], $0xffff  }
0x146: {  	v7 =	vperm.xlane v11, v7;
	v3 =	vor.u32 v44, v6;
	v0 =	vadd.f32 v0, v16;
	v11 =	vld.idx.msk [tilespmem:v14+s3+$0x0], $0xffff  }
0x147: {  	v2 =	vadd.f32 v2, v12;
	v12 =	vor.u32 v62, v6;
	v6 =	vor.u32 v59, v6;
	v15 =	vld.idx.msk [tilespmem:v15+s3+$0x0], $0xffff  }
0x148: {  	v7 =	vshll.u32 v7, $0x7;
	v20 =	vor.u32 v44, v13;
	v5 =	vld.idx.msk [tilespmem:v5+s3+$0x0], $0xffff;
	v18 =	vperm.xlane v0, v18  }
0x149: {  	v8 =	vld.idx.msk [tilespmem:v8+s3+$0x0], $0xffff;
	v14 =	vor.u32 v62, v13;
	v16 =	vor.u32 v34, v13;
	v17 =	vperm.xlane v2, v21  }
0x14a: {  	v0 =	vadd.f32 v0, v18;
	v18 =	vld.idx.msk [tilespmem:v19+s3+$0x0], $0xffff;
	v10 =	vmul.f32 v10, v30;
	v9 =	vmul.f32 v9, v39  }
0x14b: {  	v23 =	vor.u32 v23, v7;
	v51 =	vor.u32 v59, v13;
	v2 =	vadd.f32 v2, v17;
	v3 =	vld.idx.msk [tilespmem:v3+s3+$0x0], $0xffff  }
0x14c: {  	v4 =	vmul.f32 v4, v53;
	v6 =	vld.idx.msk [tilespmem:v6+s3+$0x0], $0xffff;
	v15 =	vmul.f32 v15, v30;
	v9 =	vadd.f32 v9, v10  }
0x14d: {  	v17 =	vor.u32 v41, v7;
	v5 =	vmul.f32 v5, v39;
	v10 =	vmul.f32 v11, v32;
	v11 =	vld.idx.msk [tilespmem:v12+s3+$0x0], $0xffff  }
0x14e: {  	v19 =	vperm.xlane v0, v21;
	v4 =	vadd.f32 v4, v9;
	v9 =	vld.idx.msk [tilespmem:v16+s3+$0x0], $0xffff;
	v16 =	vor.u32 v47, v7  }
0x14f: {  	v8 =	vmul.f32 v8, v53;
	v1 =	vmul.f32 v1, v36;
	v14 =	vld.idx.msk [tilespmem:v14+s3+$0x0], $0xffff;
	v12 =	vor.u32 v49, v7  }
0x150: {  	v5 =	vadd.f32 v5, v15;
	v15 =	vld.idx.msk [tilespmem:v20+s3+$0x0], $0xffff;
	v0 =	vadd.f32 v0, v19;
	v27 =	vmul.f32 v18, v36  }
0x151: {  	v19 =	vld.idx.msk [tilespmem:v24+s3+$0x0], $0xffff;
	v21 =	vmul.f32 v3, v50;
	v10 =	vadd.f32 v10, v4;
	v4 =	vperm.xlane v2, v26  }
0x152: {  	s4 =	sadd.s32 $0x1, s4;
	v8 =	vadd.f32 v8, v5;
	v20 =	vperm.xlane v0, v26;
	v3 =	vmul.f32 v11, v37  }
0x153: {  	p2 =	sne.s32 s30, s4;
	v11 =	vadd.f32 v2, v4;
	v2 =	vmul.f32 v6, v42;
	v6 =	vor.u32 v34, v7;
	v16 =	vld.idx.msk [tilespmem:v16+s3+$0x0], $0xffff  }
.Ltmp7:
0x154: {  	v14 =	vmul.f32 v14, v37;
	v0 =	vadd.f32 v0, v20;
	v4 =	vor.u32 v62, v7;
	(pc) =	sbr.rel @!p2 .LBB2_8-.Ltmp7, $4  }
0x155: {  	v5 =	vld.idx.msk [tilespmem:v12+s3+$0x0], $0xffff;
	v1 =	vadd.f32 v1, v10;
	v40 =	vmul.f32 v15, v50;
	v18 =	vmul.f32 v9, v32  }
0x156: {  	v12 =	vld.idx.msk [tilespmem:v17+s3+$0x0], $0xffff;
	v10 =	vor.u32 v44, v7;
	v17 =	vmul.f32 v19, v63;
	v11 =	vmul.f32 $1.442695020e+00, v11  }
0x157: {  	v48 =	vld.idx.msk [tilespmem:v23+s3+$0x0], $0xffff;
	v46 =	vmul.f32 $1.442695020e+00, v0;
	v9 =	vadd.f32 v21, v1;
	v1 =	vadd.f32 v18, v8  }
0x158: {  	p0 =	por $0x1, $0x1;
	v8 =	vor.u32 v59, v7;
	(erf) = vpow2.f32 v11;
	v26 =	vld.idx.msk [tilespmem:v6+s3+$0x0], $0xffff;
	v43 =	vmul.f32 v16, v30  }
0x159: {  	s0 =	sadd.s32 s4, s14  }
0x15a: {  	s1 =	simm.s32 $0x1;
	p1 =	sne.s32 s0, $0x0  }
0x15b: {  	s2 =	sshra.s32 s0, $0x1F;
	s1 =	simm.s32 @!p1 $0x0  }
0x15c: {  	s17 =	sand.u32 $0xF, s4;
	v0 =	vmul.f32 v12, v39;
	s1 =	sor.u32 s1, s2  }
0x15d: {  	p2 =	sne.s32 s17, $0x0;
	p6 =	sne.s32 s1, $0x1  }
0x15e: {  	s18 =	sshrl.u32 s2, $0x1C;
	v6 =	vmul.f32 v48, v53;
	v0 =	vadd.f32 v0, v43;
	p1 =	por !p2, !p6  }
0x15f: {  	s2 =	simm.s32 $0x1;
	s1 =	sadd.s32 s18, s0;
	p1 =	por !p1, !p1  }
0x160: {  	[tilespmem:$0x1FD50] =	vst v39;
	v7 =	vld.idx.msk [tilespmem:v10+s3+$0x0], $0xffff;
	(erf) = vpow2.f32 v46;
	v10 =	vmul.f32 v26, v32;
	s1 =	sshra.s32 s1, $0x4;
	v0 =	vadd.f32 v6, v0;
	s2 =	simm.s32 @!p1 $0x0  }
0x161: {  	[tilespmem:$0x1FD60] =	vst v53;
	v3 =	vadd.f32 v3, v9;
	s1 =	ssub.s32 s1, s2  }
0x162: {  	v4 =	vld.idx.msk [tilespmem:v4+s3+$0x0], $0xffff;
	v1 =	vadd.f32 v27, v1;
	v5 =	vmul.f32 v5, v36;
	v0 =	vadd.f32 v10, v0;
	s2 =	sshll.u32 s1, $0x4  }
0x163: {  	[tilespmem:$0x1FD70] =	vst v32;
	v2 =	vadd.f32 v2, v3;
	v6 =	vld.idx.msk [tilespmem:v8+s3+$0x0], $0xffff;
	v8 =	vadd.f32 v22, v56;
	v9 =	vpop (erf);
	s0 =	ssub.s32 s0, s2  }
0x164: {  	[tilespmem:$0x1FD80] =	vst v36;
	v10 =	vmul.f32 v9, v29;
	v5 =	vadd.f32 v5, v0;
	v0 =	vmov s0  }
0x165: {  	[tilespmem:$0x1FD90] =	vst v50;
	v13 =	vperm.xlane v2, v54;
	v7 =	vmul.f32 v7, v50;
	s1 =	sshll.u32 s1, $0x6;
	v0 =	vshrl.u32 v0, $0x1B  }
0x166: {  	[tilespmem:$0x1FDA0] =	vst v30;
	v30 =	vmovc v28;
	v3 =	vadd.f32 v17, v8;
	s2 =	sand.u32 $0x70, s2;
	s1 =	sand.u32 $0xFFFFFE00, s1;
	v10 =	vadd.f32 v10, v58;
	v0 =	vand.u32 $0x10, v0  }
0x167: {  	v60 =	vmovc v31;
	v1 =	vadd.f32 v40, v1;
	v4 =	vmul.f32 v4, v37;
	v22 =	vld [tilespmem:$0x1FF50];
	v2 =	vadd.f32 v2, v13;
	s1 =	sor.u32 s2, s1  }
0x168: {  	v38 =	vmul.f32 v9, v31;
	v12 =	vld [tilespmem:s1+$0x3100];
	v5 =	vadd.f32 v7, v5;
	[tilespmem:$0x1FE70] =	vst v10;
	v10 =	vperm.xlane v3, v54  }
0x169: {  	[tilespmem:$0x1FDB0] =	vst v37;
	v8 =	vmul.f32 v9, v35;
	v6 =	vmul.f32 v6, v42;
	v17 =	vadd.s32 s0, v0;
	v0 =	vpop (erf)  }
0x16a: {  	[tilespmem:$0x1FDC0] =	vst v1;
	v4 =	vadd.f32 v4, v5;
	v3 =	vadd.f32 v3, v10;
	v1 =	vmul.f32 v0, v31  }
0x16b: {  	v57 =	vmovc v42;
	v11 =	vadd.f32 v9, v58;
	v10 =	vld [tilespmem:s1+$0x3000];
	v24 =	vmul.f32 v0, v29;
	v15 =	vmul.f32 v0, v33  }
0x16c: {  	v61 =	vmovc v35;
	v37 =	vld [tilespmem:$0x1FF90];
	v4 =	vadd.f32 v6, v4;
	v5 =	vperm.xlane v3, v22;
	v16 =	vmul.f32 v0, v28  }
0x16d: {  	[tilespmem:$0x1FE00] =	vst v29;
	v7 =	vld [tilespmem:s1+$0x3080];
	v12 =	vperm.xlane v12, v17;
	v28 =	vperm.xlane v2, v22;
	v1 =	vadd.f32 v1, v58  }
0x16e: {  	v25 =	vld [tilespmem:$0x1FF60];
	v36 =	vmovc v33;
	v33 =	vmul.f32 v0, v61;
	v13 =	vadd.f32 v15, v58;
	v3 =	vadd.f32 v3, v5  }
0x16f: {  	[tilespmem:$0x1FE10] =	vst v30;
	v29 =	vperm.xlane v4, v54;
	v6 =	vadd.f32 v16, v58;
	v2 =	vadd.f32 v2, v28  }
0x170: {  	v23 =	vld [tilespmem:$0x1FF40];
	[tilespmem:$0x1FE60] =	vst v11;
	v11 =	vmovc v45;
	v28 =	vmul.f32 v9, v30;
	v5 =	vperm.xlane v10, v17;
	v10 =	vshll.u32 v12, $0x7  }
0x171: {  	v55 =	vld [tilespmem:$0x1FF70];
	s31 =	sadd.s32 $0x80, s31;
	v12 =	vmul.f32 v0, v11;
	v4 =	vadd.f32 v4, v29;
	[tilespmem:$0x1FDD0] =	vst v1;
	v1 =	vmul.f32 v0, v52  }
0x172: {  	v39 =	vld [tilespmem:s31+$0xFFFFFFD0];
	[tilespmem:$0x1FDF0] =	vst v6;
	v6 =	vperm.xlane v7, v17;
	v15 =	vor.u32 v47, v10;
	v53 =	vor.u32 v37, v10  }
0x173: {  	v32 =	vmovc v52;
	v35 =	vld [tilespmem:s31+$0xFFFFFFE0];
	v16 =	vperm.xlane v3, v25;
	v17 =	vor.u32 v41, v10;
	v18 =	vor.u32 v49, v10  }
0x174: {  	v50 =	vmovc v62;
	v42 =	vld [tilespmem:s31+$0xFFFFFFF0];
	v19 =	vor.u32 v62, v10;
	v21 =	vor.u32 v59, v10;
	v12 =	vadd.f32 v12, v58  }
0x175: {  	[tilespmem:$0x1FDE0] =	vst v13;
	v7 =	vld [tilespmem:s31+$0x20];
	v26 =	vor.u32 v23, v10;
	v13 =	vadd.f32 v24, v58;
	v10 =	vor.u32 v44, v10  }
0x176: {  	v1 =	vadd.f32 v1, v58;
	[tilespmem:$0x1FEB0] =	vst v12;
	v12 =	vadd.f32 v28, v58;
	v28 =	vmul.f32 v9, v52;
	v52 =	vld [tilespmem:s31+$0x10]  }
0x177: {  	v45 =	vmovc v14;
	v14 =	vimm.f32 $0.0e+00;
	[tilespmem:$0x1FEA0] =	vst v13;
	v3 =	vadd.f32 v3, v16;
	v16 =	vperm.xlane v2, v25;
	v31 =	vld.idx.msk [tilespmem:v15+s3+$0x0], $0xffff  }
0x178: {  	v46 =	vmul.f32 v0, v63;
	v22 =	vperm.xlane v4, v22;
	[tilespmem:$0x1FE80] =	vst v1;
	v1 =	vshll.u32 v6, $0x7;
	v15 =	vld.idx.msk [tilespmem:v53+s3+$0x0], $0xffff  }
0x179: {  	v6 =	vadd.f32 v8, v58;
	v2 =	vadd.f32 v2, v16;
	v8 =	vor.u32 v37, v1;
	v24 =	vld.idx.msk [tilespmem:v17+s3+$0x0], $0xffff  }
0x17a: {  	v5 =	vshll.u32 v5, $0x7;
	v26 =	vld.idx.msk [tilespmem:v26+s3+$0x0], $0xffff;
	[tilespmem:$0x1FEC0] =	vst v12;
	v53 =	vperm.xlane v3, v55;
	v12 =	vadd.f32 v38, v58  }
0x17b: {  	v30 =	vimm.f32 $0.0e+00;
	v13 =	vmovc v44;
	v16 =	vadd.f32 v4, v22;
	v48 =	vor.u32 v41, v1;
	v10 =	vld.idx.msk [tilespmem:v10+s3+$0x0], $0xffff;
	[tilespmem:$0x1FE90] =	vst v6  }
0x17c: {  	v20 =	vor.u32 v62, v1;
	v6 =	vld [tilespmem:s31+$0xFFFFFFC0];
	[tilespmem:$0x1FED0] =	vst v12;
	v12 =	vadd.f32 v28, v58;
	v3 =	vadd.f32 v3, v53  }
0x17d: {  	v34 =	vor.u32 v23, v1;
	v62 =	vor.u32 v47, v1;
	v17 =	vmul.f32 v9, v36;
	v18 =	vld.idx.msk [tilespmem:v18+s3+$0x0], $0xffff  }
0x17e: {  	v27 =	vor.u32 v49, v1;
	v19 =	vld.idx.msk [tilespmem:v19+s3+$0x0], $0xffff;
	v56 =	vperm.xlane v16, v25;
	[tilespmem:$0x1FEE0] =	vst v12;
	v3 =	vmul.f32 $1.442695020e+00, v3  }
0x17f: {  	v12 =	vadd.f32 v17, v58;
	v8 =	vld.idx.msk [tilespmem:v8+s3+$0x0], $0xffff;
	v24 =	vmul.f32 v24, v39;
	v4 =	vmul.f32 v15, v35  }
0x180: {  	v43 =	vor.u32 v44, v1;
	v40 =	vld.idx.msk [tilespmem:v48+s3+$0x0], $0xffff;
	v17 =	vmul.f32 v26, v42;
	v53 =	vmul.f32 v10, v52  }
0x181: {  	v44 =	vld [tilespmem:s31+$0x0];
	v26 =	vor.u32 v49, v5;
	v38 =	vmul.f32 v31, v6;
	[tilespmem:$0x1FE20] =	vst v12;
	v12 =	vmul.f32 v9, v11  }
0x182: {  	v62 =	vld.idx.msk [tilespmem:v62+s3+$0x0], $0xffff;
	v15 =	vimm.f32 $0.0e+00;
	v9 =	vmul.f32 v9, v63;
	(erf) = vpow2.f32 v3  }
0x183: {  	v3 =	vmul.f32 v19, v7;
	v31 =	vadd.f32 v46, v58;
	v22 =	vadd.f32 v24, v38  }
0x184: {  	v34 =	vld.idx.msk [tilespmem:v34+s3+$0x0], $0xffff;
	v38 =	vor.u32 v41, v5;
	v12 =	vadd.f32 v12, v58;
	v25 =	vadd.f32 v9, v58  }
0x185: {  	v41 =	vld [tilespmem:s31+$0x30];
	v9 =	vadd.f32 v16, v56;
	v56 =	vor.u32 v23, v5;
	v28 =	vmul.f32 v40, v39  }
0x186: {  	v8 =	vmul.f32 v8, v35;
	v4 =	vadd.f32 v4, v22;
	v22 =	vmul.f32 v18, v44;
	v18 =	vld.idx.msk [tilespmem:v21+s3+$0x0], $0xffff  }
0x187: {  	v16 =	vimm.f32 $0.0e+00;
	[tilespmem:$0x1FE30] =	vst v12;
	v12 =	vor.u32 v47, v5;
	v54 =	vmul.f32 v62, v6;
	v21 =	vld.idx.msk [tilespmem:v27+s3+$0x0], $0xffff  }
0x188: {  	v62 =	vor.u32 v37, v5;
	v37 =	vld.idx.msk [tilespmem:v43+s3+$0x0], $0xffff;
	v17 =	vadd.f32 v17, v4;
	v4 =	vperm.xlane v2, v55  }
0x189: {  	v47 =	vimm.f32 $0.0e+00;
	v10 =	vadd.f32 v28, v54;
	v28 =	vadd.f32 v33, v58  }
0x18a: {  	v20 =	vld.idx.msk [tilespmem:v20+s3+$0x0], $0xffff;
	v33 =	vadd.f32 v0, v58;
	v0 =	vimm.f32 $0.0e+00;
	v19 =	vadd.f32 v2, v4  }
0x18b: {  	v4 =	vor.u32 v50, v5;
	v8 =	vadd.f32 v8, v10;
	v10 =	vperm.xlane v9, v55  }
0x18c: {  	v22 =	vadd.f32 v22, v17;
	v17 =	vmul.f32 v34, v42;
	v2 =	vmul.f32 v18, v41  }
0x18d: {  	s4 =	sadd.s32 $0x1, s4;
	v18 =	vld.idx.msk [tilespmem:v51+s3+$0x0], $0xffff;
	v27 =	vmul.f32 v21, v44;
	v40 =	vmul.f32 v37, v52;
	v21 =	vimm.f32 $0.0e+00  }
0x18e: {  	p2 =	sne.s32 s30, s4;
	v50 =	vld.idx.msk [tilespmem:v12+s3+$0x0], $0xffff;
	v19 =	vmul.f32 $1.442695020e+00, v19;
	v12 =	vadd.f32 v9, v10;
	v10 =	vor.u32 v13, v5  }
.Ltmp8:
0x18f: {  	v13 =	vor.u32 v59, v1;
	v9 =	vadd.f32 v53, v22;
	v22 =	vmul.f32 v20, v7;
	v53 =	vpop (erf);
	(pc) =	sbr.rel @!p2 .LBB2_10-.Ltmp8, $4  }
0x190: {  	v48 =	vld.idx.msk [tilespmem:v62+s3+$0x0], $0xffff;
	v1 =	vadd.f32 v17, v8;
	v8 =	vor.u32 v59, v5;
	v20 =	vmul.f32 v53, v63  }
0x191: {  	v5 =	vld.idx.msk [tilespmem:v26+s3+$0x0], $0xffff;
	v0 =	vadd.f32 v53, v0;
	v49 =	vmul.f32 v53, v60;
	v46 =	vmul.f32 $1.442695020e+00, v12  }
0x192: {  	v26 =	vld.idx.msk [tilespmem:v56+s3+$0x0], $0xffff;
	v63 =	vimm.f32 $0.0e+00;
	(erf) = vpow2.f32 v19;
	v19 =	vmul.f32 v53, v61  }
0x193: {  	p1 =	por $0x1, $0x1;
	v37 =	vmovc v42;
	v42 =	vmovc v57;
	v12 =	vld.idx.msk [tilespmem:v38+s3+$0x0], $0xffff;
	v38 =	vimm.f32 $0.0e+00;
	v17 =	vmul.f32 v18, v57;
	v43 =	vmul.f32 v50, v6  }
.LBB2_11:
0x194: {  	v9 =	vadd.f32 v3, v9;
	v3 =	vld [tilespmem:$0x1FDB0];
	_ =	sdelay $0x4  }
0x195: {  	v34 =	vmov v3;
	v3 =	vmul.f32 v12, v39;
	v12 =	vld [tilespmem:$0x1FE10];
	_ =	sdelay $0x4  }
0x196: {  	v12 =	vmul.f32 v53, v12  }
0x197: {  	v15 =	vadd.f32 v19, v15;
	v19 =	vld [tilespmem:$0x1FE00]  }
0x198: {  	v10 =	vld.idx.msk [tilespmem:v10+s3+$0x0], $0xffff;
	v30 =	vadd.f32 v12, v30;
	v12 =	vmul.f32 v53, v32  }
0x199: {  	v4 =	vld.idx.msk [tilespmem:v4+s3+$0x0], $0xffff  }
0x19a: {  	v24 =	vmul.f32 v53, v36;
	v38 =	vadd.f32 v20, v38;
	v14 =	vadd.f32 v12, v14;
	v12 =	vld [tilespmem:$0x1FDC0]  }
0x19b: {  	v20 =	vmul.f32 v53, v11;
	v11 =	vld [tilespmem:$0x1FD70];
	v18 =	vmul.f32 v48, v35;
	v23 =	vadd.f32 v3, v43;
	v3 =	vmovc v37  }
0x19c: {  	s0 =	sadd.s32 s4, s14;
	(erf) = vpow2.f32 v46;
	v27 =	vadd.f32 v27, v1;
	v19 =	vmul.f32 v53, v19;
	[tilespmem:$0x1FD70] =	vst v3;
	v3 =	vld [tilespmem:$0x1FD60]  }
0x19d: {  	v29 =	vmovc v7;
	s18 =	simm.s32 $0x1;
	p3 =	sne.s32 s0, $0x0;
	v21 =	vadd.f32 v20, v21;
	v20 =	vld [tilespmem:$0x1FD50];
	v7 =	vmul.f32 v26, v37;
	v18 =	vadd.f32 v18, v23  }
0x19e: {  	s1 =	smov.u32 s4;
	v5 =	vmul.f32 v5, v44;
	s2 =	sshra.s32 s0, $0x1F;
	s18 =	simm.s32 @!p3 $0x0;
	v16 =	vadd.f32 v24, v16;
	v24 =	vld [tilespmem:$0x1FFF0];
	v2 =	vadd.f32 v2, v9  }
0x19f: {  	v8 =	vld.idx.msk [tilespmem:v8+s3+$0x0], $0xffff;
	[tilespmem:$0x1FCF0] =	vst v25;
	s1 =	sand.u32 $0xF, s1;
	s17 =	sshrl.u32 s2, $0x1C;
	s2 =	sor.u32 s18, s2;
	v7 =	vadd.f32 v7, v18;
	v12 =	vadd.f32 v45, v12  }
0x1a0: {  	p4 =	sne.s32 s1, $0x0;
	p6 =	sne.s32 s2, $0x1;
	v10 =	vmul.f32 v10, v52;
	v62 =	vmovc v11;
	v11 =	vmovc v6;
	v6 =	vld [tilespmem:$0x1FE70];
	v63 =	vadd.f32 v19, v63;
	v19 =	vmov v35  }
0x1a1: {  	p3 =	por !p4, !p6;
	[tilespmem:$0x1FD60] =	vst v19;
	v19 =	vld [tilespmem:$0x1FE60];
	v5 =	vadd.f32 v5, v7;
	v25 =	vmov v3;
	v3 =	vpop (erf);
	v9 =	vadd.f32 v17, v12  }
0x1a2: {  	s1 =	simm.s32 $0x1;
	s17 =	sadd.s32 s17, s0;
	p3 =	por !p3, !p3;
	v23 =	vld [tilespmem:$0x1FDA0];
	v18 =	vmul.f32 v3, v20  }
0x1a3: {  	s17 =	sshra.s32 s17, $0x4;
	s1 =	simm.s32 @!p3 $0x0;
	v5 =	vadd.f32 v10, v5;
	v10 =	vadd.f32 v40, v27;
	v7 =	vperm.xlane v9, v24  }
0x1a4: {  	[tilespmem:$0x1FDB0] =	vst v29;
	v4 =	vmul.f32 v4, v29;
	v29 =	vld [tilespmem:$0x1FF50];
	s1 =	ssub.s32 s17, s1  }
0x1a5: {  	s18 =	sshll.u32 s1, $0x4;
	s1 =	sshll.u32 s1, $0x6;
	[tilespmem:$0x1FDC0] =	vst v10;
	v17 =	vmov v39;
	v7 =	vadd.f32 v9, v7;
	v9 =	vmov v22;
	v22 =	vld [tilespmem:$0x1FDD0]  }
0x1a6: {  	s2 =	sand.u32 $0x70, s18;
	s1 =	sand.u32 $0xFFFFFE00, s1;
	v19 =	vadd.f32 v3, v19;
	v6 =	vadd.f32 v18, v6;
	v18 =	vmov v44;
	[tilespmem:$0x1FD50] =	vst v17;
	v17 =	vld [tilespmem:$0x1FD80]  }
0x1a7: {  	v8 =	vmul.f32 v8, v41;
	s1 =	sor.u32 s2, s1;
	v26 =	vmov v23;
	v1 =	vpop (erf);
	v4 =	vadd.f32 v4, v5;
	[tilespmem:$0x1FD80] =	vst v18;
	v18 =	vld [tilespmem:$0x1FD90]  }
0x1a8: {  	v10 =	vmul.f32 v1, v26;
	[tilespmem:$0x1FE60] =	vst v19;
	v19 =	vmul.f32 v3, v23;
	v23 =	vmov v20;
	v20 =	vld [tilespmem:s1+$0x3080]  }
0x1a9: {  	[tilespmem:$0x1FDA0] =	vst v11;
	v4 =	vadd.f32 v8, v4;
	v8 =	vld [tilespmem:$0x1FE80]  }
0x1aa: {  	[tilespmem:$0x1FD00] =	vst v9;
	v9 =	vld [tilespmem:s1+$0x3000];
	v22 =	vadd.f32 v10, v22  }
0x1ab: {  	s0 =	ssub.s32 s0, s18;
	[tilespmem:$0x1FE70] =	vst v6;
	v32 =	vmov v17;
	v17 =	vld [tilespmem:s1+$0x3100]  }
0x1ac: {  	v5 =	vmul.f32 v1, v25;
	v6 =	vmov s0;
	v11 =	vmovc v18;
	v18 =	vmov v52;
	[tilespmem:$0x1FDD0] =	vst v22;
	v22 =	vld [tilespmem:$0x1FDE0]  }
0x1ad: {  	v56 =	vmul.f32 v1, v34;
	v6 =	vshrl.u32 v6, $0x1B;
	[tilespmem:$0x1FD90] =	vst v18;
	v18 =	vperm.xlane v2, v24  }
0x1ae: {  	v50 =	vld [tilespmem:$0x1FF90];
	v12 =	vmul.f32 v3, v34;
	v6 =	vand.u32 $0x10, v6;
	v61 =	vmul.f32 v1, v32  }
0x1af: {  	[tilespmem:$0x1FD20] =	vst v34;
	v34 =	vld [tilespmem:$0x1FEA0];
	v6 =	vadd.s32 s0, v6;
	v2 =	vadd.f32 v2, v18;
	v18 =	vperm.xlane v7, v29  }
0x1b0: {  	v45 =	vld [tilespmem:$0x1FF60];
	v8 =	vadd.f32 v61, v8;
	v9 =	vperm.xlane v9, v6;
	v17 =	vperm.xlane v17, v6  }
0x1b1: {  	v6 =	vperm.xlane v20, v6;
	v22 =	vadd.f32 v5, v22;
	v5 =	vadd.f32 v7, v18;
	v7 =	vld [tilespmem:$0x1FDF0]  }
0x1b2: {  	v36 =	vld [tilespmem:$0x1FF80];
	[tilespmem:$0x1FD10] =	vst v26;
	v26 =	vmul.f32 v1, v23  }
0x1b3: {  	[tilespmem:$0x1FE80] =	vst v8;
	v8 =	vshll.u32 v6, $0x7;
	v6 =	vld [tilespmem:$0x1FE90]  }
0x1b4: {  	v34 =	vadd.f32 v26, v34;
	v26 =	vld [tilespmem:$0x1FEB0];
	v10 =	vmul.f32 v1, v62  }
0x1b5: {  	v54 =	vlaneseq.u32;
	v51 =	vld [tilespmem:$0x1FFB0]  }
0x1b6: {  	v55 =	vld [tilespmem:$0x1FF40];
	v44 =	vperm.xlane v5, v45;
	v7 =	vadd.f32 v10, v7;
	v10 =	vshll.u32 v17, $0x7  }
0x1b7: {  	v60 =	vld [tilespmem:$0x1FFE0];
	v17 =	vmul.f32 v1, v11;
	v20 =	vor.u32 v54, v10  }
0x1b8: {  	s31 =	sadd.s32 $0x80, s31;
	v6 =	vadd.f32 v12, v6;
	v5 =	vadd.f32 v5, v44;
	v44 =	vld [tilespmem:$0x1FEC0]  }
0x1b9: {  	v47 =	vadd.f32 v49, v47;
	v49 =	vld [tilespmem:s31+$0x30];
	v26 =	vadd.f32 v17, v26  }
0x1ba: {  	v37 =	vld [tilespmem:s31+$0xFFFFFFF0];
	[tilespmem:$0x1FE90] =	vst v6  }
0x1bb: {  	v6 =	vld [tilespmem:s31+$0xFFFFFFC0];
	[tilespmem:$0x1FEB0] =	vst v26;
	v26 =	vmul.f32 v3, v62  }
0x1bc: {  	v20 =	vld.idx.msk [tilespmem:v20+s3+$0x0], $0xffff  }
0x1bd: {  	[tilespmem:$0x1FEA0] =	vst v34;
	v34 =	vadd.f32 v26, v44;
	v44 =	vld [tilespmem:$0x1FED0]  }
0x1be: {  	v35 =	vld [tilespmem:s31+$0xFFFFFFE0]  }
0x1bf: {  	v40 =	vor.u32 v36, v8;
	[tilespmem:$0x1FDE0] =	vst v22;
	v22 =	vld [tilespmem:$0x1FFC0]  }
0x1c0: {  	v18 =	vmov v13;
	v13 =	vld [tilespmem:$0x1FFA0]  }
0x1c1: {  	v24 =	vperm.xlane v4, v24;
	v12 =	vor.u32 v50, v8;
	[tilespmem:$0x1FEC0] =	vst v34;
	v34 =	vld [tilespmem:$0x1FF70]  }
0x1c2: {  	v46 =	vor.u32 v36, v10;
	v44 =	vadd.f32 v19, v44;
	v19 =	vmul.f32 v20, v6;
	v20 =	vld [tilespmem:$0x1FEE0]  }
0x1c3: {  	v39 =	vld [tilespmem:s31+$0xFFFFFFD0];
	v4 =	vadd.f32 v4, v24  }
0x1c4: {  	v40 =	vld.idx.msk [tilespmem:v40+s3+$0x0], $0xffff;
	v43 =	vor.u32 v50, v10;
	v59 =	vor.u32 v22, v10;
	v22 =	vperm.xlane v2, v29  }
0x1c5: {  	v52 =	vor.u32 v55, v10;
	[tilespmem:$0x1FDF0] =	vst v7;
	v7 =	vld [tilespmem:s31+$0x20];
	v17 =	vmul.f32 v1, v42;
	v26 =	vmul.f32 v3, v32  }
0x1c6: {  	[tilespmem:$0x1FE10] =	vst v62;
	v12 =	vld.idx.msk [tilespmem:v12+s3+$0x0], $0xffff;
	v62 =	vmov v42;
	v42 =	vperm.xlane v4, v29;
	v29 =	vperm.xlane v5, v34  }
0x1c7: {  	v48 =	vor.u32 v13, v10;
	v46 =	vld.idx.msk [tilespmem:v46+s3+$0x0], $0xffff;
	v20 =	vadd.f32 v26, v20  }
0x1c8: {  	[tilespmem:$0x1FE00] =	vst v23;
	v23 =	vor.u32 v54, v8;
	v26 =	vadd.f32 v4, v42;
	v4 =	vadd.f32 v5, v29;
	v29 =	vld [tilespmem:$0x1FE20]  }
0x1c9: {  	v33 =	vadd.f32 v1, v33;
	v1 =	vld [tilespmem:$0x1FFC0]  }
0x1ca: {  	v53 =	vor.u32 v51, v10;
	v24 =	vld.idx.msk [tilespmem:v52+s3+$0x0], $0xffff  }
0x1cb: {  	v2 =	vadd.f32 v2, v22;
	v22 =	vmul.f32 v3, v25;
	v43 =	vld.idx.msk [tilespmem:v43+s3+$0x0], $0xffff  }
0x1cc: {  	v10 =	vor.u32 v60, v10;
	v48 =	vld.idx.msk [tilespmem:v48+s3+$0x0], $0xffff  }
0x1cd: {  	[tilespmem:$0x1FEE0] =	vst v20;
	v20 =	vld.idx.msk [tilespmem:v23+s3+$0x0], $0xffff;
	v23 =	vmul.f32 v46, v39;
	v29 =	vadd.f32 v22, v29  }
0x1ce: {  	v61 =	vor.u32 v55, v8;
	[tilespmem:$0x1FED0] =	vst v44;
	v44 =	vld [tilespmem:s31+$0x0]  }
0x1cf: {  	[tilespmem:$0x1FE20] =	vst v29;
	v29 =	vshll.u32 v9, $0x7;
	v9 =	vadd.f32 v23, v19;
	v23 =	vmul.f32 v24, v37;
	v24 =	vld.idx.msk [tilespmem:v53+s3+$0x0], $0xffff  }
0x1d0: {  	v52 =	vperm.xlane v2, v45;
	v53 =	vld [tilespmem:$0x1FE30]  }
0x1d1: {  	v58 =	vor.u32 v51, v8;
	v57 =	vor.u32 v13, v8;
	v10 =	vld.idx.msk [tilespmem:v10+s3+$0x0], $0xffff  }
0x1d2: {  	v40 =	vmul.f32 v40, v39;
	v2 =	vadd.f32 v2, v52;
	v52 =	vld [tilespmem:s31+$0x10];
	v4 =	vmul.f32 $1.442695020e+00, v4  }
0x1d3: {  	v27 =	vor.u32 v60, v8;
	v5 =	vmul.f32 v43, v35;
	v43 =	vld.idx.msk [tilespmem:v61+s3+$0x0], $0xffff;
	v22 =	vmul.f32 v3, v11  }
0x1d4: {  	v42 =	vmul.f32 v3, v62;
	v46 =	vld.idx.msk [tilespmem:v59+s3+$0x0], $0xffff;
	(erf) = vpow2.f32 v4;
	v3 =	vor.u32 v13, v29  }
0x1d5: {  	v59 =	vld.idx.msk [tilespmem:v18+s3+$0x0], $0xffff;
	v5 =	vadd.f32 v5, v9;
	v9 =	vmul.f32 v48, v44;
	v48 =	vadd.f32 v22, v53  }
0x1d6: {  	v18 =	vld [tilespmem:$0x1FD10];
	v20 =	vmul.f32 v20, v6;
	v19 =	vor.u32 v36, v29;
	v53 =	vperm.xlane v26, v45  }
0x1d7: {  	[tilespmem:$0x1FE30] =	vst v48;
	v48 =	vld.idx.msk [tilespmem:v57+s3+$0x0], $0xffff;
	v57 =	vmul.f32 v10, v52;
	v10 =	vperm.xlane v2, v34  }
0x1d8: {  	v12 =	vmul.f32 v12, v35;
	v36 =	vmovc v25;
	v25 =	vld [tilespmem:$0x1FCF0];
	v20 =	vadd.f32 v40, v20;
	v22 =	vor.u32 v54, v29  }
0x1d9: {  	v54 =	vld.idx.msk [tilespmem:v27+s3+$0x0], $0xffff;
	v26 =	vadd.f32 v26, v53;
	v10 =	vadd.f32 v2, v10  }
0x1da: {  	v23 =	vadd.f32 v23, v5;
	v20 =	vadd.f32 v12, v20;
	v5 =	vld.idx.msk [tilespmem:v3+s3+$0x0], $0xffff  }
0x1db: {  	v12 =	vld.idx.msk [tilespmem:v19+s3+$0x0], $0xffff;
	v19 =	vor.u32 v55, v29;
	v55 =	vmul.f32 $1.442695020e+00, v10;
	v10 =	vperm.xlane v26, v34  }
0x1dc: {  	v28 =	vadd.f32 v56, v28;
	v3 =	vmul.f32 v24, v7;
	v24 =	vld.idx.msk [tilespmem:v58+s3+$0x0], $0xffff  }
0x1dd: {  	v31 =	vadd.f32 v17, v31;
	v61 =	vor.u32 v50, v29;
	v53 =	vpop (erf);
	v58 =	vld.idx.msk [tilespmem:v22+s3+$0x0], $0xffff;
	v17 =	vadd.f32 v26, v10  }
0x1de: {  	s4 =	sadd.s32 $0x1, s4;
	v4 =	vor.u32 v51, v29;
	v50 =	vmovc v49;
	v2 =	vmul.f32 v46, v49;
	v49 =	vmul.f32 v53, v18;
	v18 =	vld [tilespmem:$0x1FD20]  }
0x1df: {  	p2 =	sne.s32 s30, s4;
	v9 =	vadd.f32 v9, v23;
	v46 =	vmul.f32 $1.442695020e+00, v17;
	v17 =	vmul.f32 v59, v41;
	v59 =	vld [tilespmem:$0x1FFC0]  }
.Ltmp9:
0x1e0: {  	v13 =	vor.u32 v1, v8;
	v25 =	vadd.f32 v42, v25;
	v22 =	vmul.f32 v43, v37;
	(pc) =	sbr.rel @p2 .LBB2_11-.Ltmp9, $4  }
0x1e1: {  	v9 =	vadd.f32 v57, v9;
	v40 =	vmul.f32 v54, v52;
	v0 =	vadd.f32 v53, v0  }
0x1e2: {  	v27 =	vmul.f32 v48, v44;
	v48 =	vld.idx.msk [tilespmem:v61+s3+$0x0], $0xffff;
	v1 =	vadd.f32 v22, v20;
	v22 =	vmul.f32 v24, v7  }
0x1e3: {  	v42 =	vmovc v41;
	v20 =	vmul.f32 v53, v62;
	v10 =	vor.u32 v60, v29;
	v26 =	vld.idx.msk [tilespmem:v19+s3+$0x0], $0xffff;
	(erf) = vpow2.f32 v55  }
0x1e4: {  	v45 =	vld [tilespmem:$0x1FD00];
	v43 =	vmul.f32 v58, v6;
	v19 =	vmul.f32 v53, v18;
	v41 =	vmovc v50;
	v8 =	vor.u32 v59, v29  }
0x1e5: {  	v56 =	vld [tilespmem:$0x1FDC0]  }
0x1e6: {  	[tilespmem:$0x1FE50] =	vst v13;
	v13 =	vld [tilespmem:$0x1FE10]  }
0x1e7: {  	[tilespmem:$0x1FF10] =	vst v0;
	v0 =	vld [tilespmem:$0x1FE00]  }
0x1e8: {  	[tilespmem:$0x1FEF0] =	vst v28;
	v28 =	vld [tilespmem:$0x1FD70]  }
0x1e9: {  	[tilespmem:$0x1FF00] =	vst v33;
	v33 =	vld [tilespmem:$0x1FD60]  }
0x1ea: {  	v29 =	vld [tilespmem:$0x1FD50]  }
0x1eb: {  	v50 =	vld [tilespmem:$0x1FDA0]  }
0x1ec: {  	v23 =	vld [tilespmem:$0x1FD80]  }
0x1ed: {  	v61 =	vld [tilespmem:$0x1FFF0]  }
0x1ee: {  	v18 =	vmov v32;
	v32 =	vld [tilespmem:$0x1FF60]  }
0x1ef: {  	v55 =	vld [tilespmem:$0x1FE20]  }
0x1f0: {  	[tilespmem:$0x1FD40] =	vst v0;
	v0 =	vld [tilespmem:$0x1FDB0]  }
.Ltmp10:
0x1f1: {  	[tilespmem:$0x1FD30] =	vst v11;
	v11 =	vmov v36;
	v36 =	vld [tilespmem:$0x1FE30];
	(pc) =	sbr.rel .LBB2_13-.Ltmp10, $4  }
0x1f2: {  	v60 =	vmov v25;
	v25 =	vld [tilespmem:$0x1FDD0]  }
0x1f3: {  	v34 =	vld [tilespmem:$0x1FDE0]  }
0x1f4: {  	v51 =	vmovc v42;
	v42 =	vmovc v37;
	v58 =	vmov v7;
	v62 =	vmov v6;
	v57 =	vimm.f32 $0.0e+00;
	v37 =	vld [tilespmem:$0x1FDF0]  }
0x1f5: {  	v24 =	vmovc v14;
	v7 =	vmovc v45;
	v45 =	vld [tilespmem:$0x1FD90];
	v14 =	vmov v13;
	v13 =	vmov v30;
	v30 =	vmov v31;
	[tilespmem:$0x1FE40] =	vst v0  }
.LBB2_8:
0x1f6: {  	[tilespmem:$0x1FE50] =	vst v51  }
0x1f7: {  	v0 =	vimm.f32 $0.0e+00;
	[tilespmem:$0x1FE40] =	vst v35  }
0x1f8: {  	v6 =	vimm.f32 $0.0e+00;
	[tilespmem:$0x1FE60] =	vst v0  }
0x1f9: {  	[tilespmem:$0x1FE70] =	vst v6;
	v6 =	vimm.f32 $0.0e+00  }
0x1fa: {  	v0 =	vimm.f32 $0.0e+00;
	[tilespmem:$0x1FE80] =	vst v6  }
0x1fb: {  	v6 =	vimm.f32 $0.0e+00;
	[tilespmem:$0x1FE90] =	vst v0  }
0x1fc: {  	v13 =	vimm.f32 $0.0e+00;
	v21 =	vimm.f32 $0.0e+00;
	v0 =	vimm.f32 $0.0e+00;
	[tilespmem:$0x1FEA0] =	vst v6  }
0x1fd: {  	v16 =	vimm.f32 $0.0e+00;
	v51 =	vmovc v63;
	v63 =	vimm.f32 $0.0e+00;
	[tilespmem:$0x1FEC0] =	vst v0;
	v0 =	vimm.f32 $0.0e+00  }
0x1fe: {  	v24 =	vimm.f32 $0.0e+00;
	v25 =	vimm.f32 $0.0e+00;
	v61 =	vmovc v54;
	v11 =	vmovc v32;
	[tilespmem:$0x1FED0] =	vst v0;
	v0 =	vimm.f32 $0.0e+00  }
.Ltmp11:
0x1ff: {  	v54 =	vmovc v50;
	v55 =	vimm.f32 $0.0e+00;
	v7 =	vmovc v22;
	v50 =	vmov v31;
	v6 =	vimm.f32 $0.0e+00;
	[tilespmem:$0x1FEF0] =	vst v0;
	(pc) =	sbr.rel .LBB2_13-.Ltmp11, $4  }
0x200: {  	v44 =	vmovc v36;
	v36 =	vimm.f32 $0.0e+00;
	v60 =	vimm.f32 $0.0e+00;
	v35 =	vmovc v53;
	[tilespmem:$0x1FEB0] =	vst v6;
	v6 =	vimm.f32 $0.0e+00  }
0x201: {  	v58 =	vmovc v37;
	v37 =	vimm.f32 $0.0e+00;
	v34 =	vimm.f32 $0.0e+00;
	v41 =	vmovc v42;
	[tilespmem:$0x1FEE0] =	vst v6;
	v0 =	vimm.f32 $0.0e+00  }
0x202: {  	v23 =	vmovc v52;
	v62 =	vmovc v30;
	v22 =	vmov v14;
	v15 =	vimm.f32 $0.0e+00;
	[tilespmem:$0x1FF00] =	vst v0;
	v0 =	vimm.f32 $0.0e+00  }
0x203: {  	v32 =	vld [tilespmem:$0x1FF60];
	v47 =	vimm.f32 $0.0e+00;
	v38 =	vimm.f32 $0.0e+00;
	v30 =	vimm.f32 $0.0e+00;
	v42 =	vmovc v11;
	v52 =	vmovc v54;
	[tilespmem:$0x1FF10] =	vst v0  }
.LBB2_10:
0x204: {  	v56 =	vld [tilespmem:$0x1FDC0]  }
0x205: {  	v14 =	vld [tilespmem:$0x1FE10]  }
0x206: {  	[tilespmem:$0x1FF10] =	vst v0;
	v0 =	vld [tilespmem:$0x1FE00]  }
0x207: {  	[tilespmem:$0x1FEF0] =	vst v28;
	v28 =	vld [tilespmem:$0x1FD70]  }
0x208: {  	[tilespmem:$0x1FF00] =	vst v33;
	v33 =	vld [tilespmem:$0x1FD60]  }
0x209: {  	v29 =	vld [tilespmem:$0x1FD50]  }
0x20a: {  	v50 =	vld [tilespmem:$0x1FDA0]  }
0x20b: {  	v23 =	vld [tilespmem:$0x1FD80]  }
0x20c: {  	v58 =	vmov v7;
	v7 =	vmov v45;
	v45 =	vld [tilespmem:$0x1FD90]  }
0x20d: {  	v61 =	vld [tilespmem:$0x1FFF0]  }
0x20e: {  	v18 =	vmov v32;
	v32 =	vld [tilespmem:$0x1FF60]  }
0x20f: {  	[tilespmem:$0x1FD40] =	vst v0;
	v0 =	vld [tilespmem:$0x1FDB0]  }
.Ltmp12:
0x210: {  	v55 =	vld [tilespmem:$0x1FE20];
	(pc) =	sbr.rel .LBB2_13-.Ltmp12, $4  }
0x211: {  	[tilespmem:$0x1FD30] =	vst v11;
	v11 =	vmov v36;
	v36 =	vld [tilespmem:$0x1FE30]  }
0x212: {  	v38 =	vimm.f32 $0.0e+00;
	v47 =	vimm.f32 $0.0e+00;
	v15 =	vimm.f32 $0.0e+00;
	v60 =	vmovc v25;
	v25 =	vld [tilespmem:$0x1FDD0]  }
0x213: {  	v51 =	vmovc v42;
	v42 =	vmovc v37;
	[tilespmem:$0x1FE50] =	vst v13;
	v13 =	vimm.f32 $0.0e+00;
	v21 =	vimm.f32 $0.0e+00;
	v16 =	vimm.f32 $0.0e+00;
	v34 =	vld [tilespmem:$0x1FDE0]  }
0x214: {  	v63 =	vimm.f32 $0.0e+00;
	v24 =	vimm.f32 $0.0e+00;
	v62 =	vmovc v6;
	v57 =	vimm.f32 $0.0e+00;
	v37 =	vld [tilespmem:$0x1FDF0];
	v30 =	vmovc v31;
	[tilespmem:$0x1FE40] =	vst v0  }
.LBB2_15:
.Ltmp13:
0x215: {  	_ =	swait.ge [sflag:s22], $0x8000;
	(pc) =	sbr.rel .LBB2_16-.Ltmp13, $4  }
0x216: {  	[sflag:s22] =	ssyncset.done $0x0  }
0x217: {  	[sflag:s22] =	ssyncadd.s32 $0xFFFF8000  }
0x218: {  	v0 =	vld [tilespmem:$0x3800]  }
0x219: {  	s29 =	simm.s32 $0x0;
	v1 =	vld [tilespmem:$0x3880]  }
.LBB2_18:
0x21a: {  	[tilespmem:$0x1FC10] =	vst v30;
	v6 =	vimm.f32 $0.0e+00  }
0x21b: {  	v0 =	vimm.f32 $0.0e+00;
	[tilespmem:$0x1FC20] =	vst v6  }
0x21c: {  	v6 =	vimm.f32 $0.0e+00;
	[tilespmem:$0x1FCA0] =	vst v0  }
0x21d: {  	v0 =	vimm.f32 $0.0e+00;
	[tilespmem:$0x1FC30] =	vst v6  }
0x21e: {  	v47 =	vimm.f32 $0.0e+00;
	v33 =	vimm.f32 $0.0e+00;
	v6 =	vimm.f32 $0.0e+00;
	[tilespmem:$0x1FCB0] =	vst v0  }
0x21f: {  	v34 =	vimm.f32 $0.0e+00;
	v15 =	vimm.f32 $0.0e+00;
	v0 =	vimm.f32 $0.0e+00;
	[tilespmem:$0x1FC40] =	vst v6  }
0x220: {  	v16 =	vimm.f32 $0.0e+00;
	v13 =	vimm.f32 $0.0e+00;
	v6 =	vimm.f32 $0.0e+00;
	[tilespmem:$0x1FCC0] =	vst v0  }
0x221: {  	v25 =	vimm.f32 $0.0e+00;
	v21 =	vimm.f32 $0.0e+00;
	[tilespmem:$0x1FC50] =	vst v6;
	v6 =	vimm.f32 $0.0e+00  }
0x222: {  	v50 =	vmovc v54;
	v55 =	vimm.f32 $0.0e+00;
	v28 =	vimm.f32 $0.0e+00;
	[tilespmem:$0x1FC60] =	vst v6;
	v6 =	vimm.f32 $0.0e+00  }
0x223: {  	v42 =	vimm.f32 $0.0e+00;
	v61 =	vmovc v35;
	v35 =	vmovc v51;
	v39 =	vmov v29;
	[tilespmem:$0x1FC70] =	vst v6;
	v6 =	vimm.f32 $0.0e+00  }
0x224: {  	v56 =	vmovc v38;
	v44 =	vmovc v32;
	v63 =	vimm.f32 $0.0e+00;
	v36 =	vimm.f32 $0.0e+00;
	[tilespmem:$0x1FC80] =	vst v6;
	v6 =	vimm.f32 $0.0e+00  }
0x225: {  	v62 =	vld [tilespmem:$0x1FF60];
	v52 =	vmovc v45;
	v41 =	vmovc v60;
	v37 =	vimm.f32 $0.0e+00;
	v54 =	vimm.f32 $0.0e+00;
	v30 =	vimm.f32 $0.0e+00;
	[tilespmem:$0x1FC90] =	vst v6  }
.LBB2_25:
0x226: {  	_ = 	snop  }
0x227: {  	v6 =	vmul.f32 v12, v39;
	_ =	sdelay $0x1  }
0x228: {  	v31 =	vmul.f32 v48, v35;
	v6 =	vadd.f32 v6, v43  }
0x229: {  	v10 =	vld.idx.msk [tilespmem:v10+s3+$0x0], $0xffff  }
0x22a: {  	v43 =	vmul.f32 v26, v56;
	v6 =	vadd.f32 v31, v6  }
0x22b: {  	v4 =	vld.idx.msk [tilespmem:v4+s3+$0x0], $0xffff  }
0x22c: {  	v5 =	vmul.f32 v5, v44;
	v6 =	vadd.f32 v43, v6  }
0x22d: {  	v8 =	vld.idx.msk [tilespmem:v8+s3+$0x0], $0xffff  }
0x22e: {  	v48 =	vmul.f32 v10, v52;
	v5 =	vadd.f32 v5, v6;
	_ =	sdelay $0x1  }
0x22f: {  	v7 =	vadd.f32 @p0 v7, v32;
	v4 =	vmul.f32 v4, v61;
	v5 =	vadd.f32 v48, v5  }
0x230: {  	v3 =	vadd.f32 v3, v9  }
0x231: {  	v8 =	vmul.f32 v8, v41;
	v6 =	vadd.f32 @p0 v17, v7;
	v4 =	vadd.f32 v4, v5  }
0x232: {  	v31 =	vld [tilespmem:$0x1FF50]  }
0x233: {  	v2 =	vadd.f32 v2, v3;
	v3 =	vperm.xlane @p0 v6, v50;
	v4 =	vadd.f32 v8, v4;
	_ =	sdelay $0x1  }
0x234: {  	v3 =	vadd.f32 @p0 v6, v3;
	v10 =	vperm.xlane v4, v50;
	_ =	sdelay $0x1  }
0x235: {  	v9 =	vperm.xlane v2, v50;
	v5 =	vperm.xlane @p0 v3, v31;
	v4 =	vadd.f32 v4, v10;
	_ =	sdelay $0x1  }
0x236: {  	v2 =	vadd.f32 v2, v9;
	v43 =	vld [tilespmem:$0x1FC10];
	v3 =	vadd.f32 @p0 v3, v5;
	v17 =	vperm.xlane v4, v31  }
0x237: {  	v48 =	vld [tilespmem:$0x1FF70]  }
0x238: {  	v12 =	vperm.xlane v2, v31;
	v6 =	vperm.xlane @p0 v3, v62;
	v4 =	vadd.f32 v4, v17;
	_ =	sdelay $0x1  }
0x239: {  	v2 =	vadd.f32 v2, v12;
	v12 =	vadd.f32 @p0 v3, v6;
	v3 =	vperm.xlane v4, v62  }
0x23a: {  	v1 =	vadd.f32 v27, v1  }
0x23b: {  	v32 =	vperm.xlane v2, v62;
	v6 =	vld [tilespmem:$0x1FB10];
	v3 =	vadd.f32 v4, v3;
	v4 =	vperm.xlane @p0 v12, v48  }
0x23c: {  	(erf) = vpow2.f32 @p0 v46;
	v1 =	vadd.f32 v40, v1  }
0x23d: {  	v8 =	vmul.f32 @p1 v53, v0;
	v2 =	vadd.f32 v2, v32;
	v0 =	vadd.f32 @p0 v12, v4;
	v4 =	vld.idx.msk [tilespmem:v43+s3+$0x0], $0xffff  }
0x23e: {  	v11 =	vmul.f32 @p1 v53, v11;
	v1 =	vadd.f32 v22, v1;
	v46 =	vperm.xlane v3, v48  }
0x23f: {  	v9 =	vadd.f32 @p1 v19, v34;
	v7 =	vadd.f32 @p1 v20, v47;
	v34 =	vperm.xlane v2, v48  }
0x240: {  	v5 =	vmul.f32 @p1 v53, v14;
	v6 =	vmul.f32 @p1 v53, v6;
	v47 =	vadd.f32 v3, v46  }
0x241: {  	v2 =	vadd.f32 v2, v34;
	v12 =	vmul.f32 @p1 v53, v18;
	v0 =	vmul.f32 @p0 $1.442695020e+00, v0  }
0x242: {  	v14 =	vadd.f32 @p1 v5, v15;
	v5 =	vmul.f32 $1.442695020e+00, v47;
	v53 =	vmul.f32 v4, v41  }
0x243: {  	v10 =	vadd.f32 @p1 v49, v33;
	v49 =	vmul.f32 $1.442695020e+00, v2  }
0x244: {  	(erf) = vpow2.f32 @p0 v0;
	v1 =	vadd.f32 v53, v1  }
0x245: {  	v0 =	vpop @p0 (erf);
	(erf) = vpow2.f32 v49  }
0x246: {  	v17 =	vpop @p0 (erf);
	(erf) = vpow2.f32 v5;
	v5 =	vmov @p0 v24;
	v24 =	vperm.xlane v1, v50;
	_ =	sdelay $0x1  }
0x247: {  	v24 =	vadd.f32 v1, v24;
	v1 =	vld [tilespmem:$0x1FCB0];
	_ =	sdelay $0x2  }
0x248: {  	v11 =	vadd.f32 @p1 v11, v13;
	v13 =	vmovc @p0 v23;
	v19 =	vadd.f32 @p1 v6, v25;
	v25 =	vmul.f32 @p0 v17, v5  }
0x249: {  	v2 =	vld [tilespmem:$0x1FC00];
	v6 =	vmul.f32 @p0 v17, v13  }
0x24a: {  	v25 =	vadd.f32 @p0 v25, v1;
	v1 =	vld [tilespmem:$0x1FC50]  }
0x24b: {  	v32 =	vld [tilespmem:$0x1FC60];
	v4 =	vmov @p0 v51  }
0x24c: {  	v15 =	vmovc @p0 v29;
	v18 =	vadd.f32 @p1 v8, v16;
	v12 =	vadd.f32 @p1 v12, v21;
	v8 =	vmul.f32 @p0 v17, v4  }
0x24d: {  	v3 =	vmovc @p0 v38;
	v47 =	vmovc v23;
	v22 =	vmul.f32 @p0 v17, v15;
	v23 =	vadd.f32 @p0 v6, v55;
	v6 =	vmov @p0 v45  }
0x24e: {  	v20 =	vmul.f32 @p0 v17, v3;
	v26 =	vadd.f32 @p0 v8, v28;
	v27 =	vmul.f32 @p0 v17, v6  }
0x24f: {  	v28 =	vmul.f32 @p0 v17, v2;
	v22 =	vadd.f32 @p0 v22, v1;
	v1 =	vmul.f32 @p0 v17, v60  }
0x250: {  	v46 =	vimm.f32 $0.0e+00;
	v27 =	vadd.f32 @p0 v27, v32;
	v32 =	vperm.xlane v24, v31  }
0x251: {  	v7 =	vpsel p1, v7, v46;
	v20 =	vadd.f32 @p0 v20, v42;
	v28 =	vadd.f32 @p0 v28, v30  }
0x252: {  	s0 =	sshll.u32 s29, $0x7;
	v16 =	vadd.f32 @p0 v17, v37;
	v34 =	vpsel p0, v26, v46;
	v8 =	vpop @p0 (erf);
	v24 =	vadd.f32 v24, v32  }
0x253: {  	s0 =	sand.u32 $0x3FFFFF80, s0;
	v20 =	vpsel p0, v20, v46;
	v28 =	vpsel p0, v28, v46;
	v21 =	vadd.f32 @p0 v1, v36;
	v1 =	vpop (erf)  }
0x254: {  	v31 =	vmov v41;
	v41 =	vld [tilespmem:s0+$0x13900];
	v27 =	vpsel p0, v27, v46;
	v51 =	vperm.xlane v24, v62;
	v26 =	vpop (erf)  }
0x255: {  	v45 =	vld [tilespmem:s0+$0x13910];
	v25 =	vpsel p0, v25, v46;
	v17 =	vpsel p0, v23, v46;
	v49 =	vmul.f32 v26, v58  }
0x256: {  	v32 =	vld [tilespmem:s0+$0x13920];
	v24 =	vadd.f32 v24, v51;
	v38 =	vmul.f32 v26, v39;
	v53 =	vmul.f32 v26, v35  }
0x257: {  	v22 =	vpsel p0, v22, v46;
	v55 =	vmul.f32 v26, v56;
	v17 =	vadd.f32 v49, v17;
	v49 =	vld [tilespmem:s0+$0x13930]  }
0x258: {  	v62 =	vmul.f32 v26, v44;
	v23 =	vadd.f32 v53, v34;
	v22 =	vadd.f32 v38, v22;
	v53 =	vld [tilespmem:s0+$0x13940]  }
0x259: {  	v51 =	vperm.xlane v24, v48;
	v20 =	vadd.f32 v55, v20;
	v55 =	vld [tilespmem:s0+$0x13950];
	v17 =	vadd.f32 v41, v17  }
0x25a: {  	v34 =	vmul.f32 v26, v52;
	v25 =	vadd.f32 v62, v25;
	v62 =	vld [tilespmem:s0+$0x13960];
	v22 =	vadd.f32 v45, v22  }
0x25b: {  	v24 =	vadd.f32 v24, v51;
	v30 =	vmul.f32 v26, v61;
	v23 =	vadd.f32 v32, v23;
	v32 =	vld [tilespmem:s0+$0x13970];
	[tilespmem:s0+$0x13900] =	vst v17  }
0x25c: {  	v27 =	vadd.f32 v34, v27;
	v34 =	vmul.f32 v26, v31;
	[tilespmem:s0+$0x13910] =	vst v22;
	v20 =	vadd.f32 v49, v20  }
0x25d: {  	v21 =	vpsel p0, v21, v46;
	v17 =	vadd.f32 v30, v28;
	[tilespmem:s0+$0x13920] =	vst v23;
	v36 =	vadd.f32 v53, v25  }
0x25e: {  	v24 =	vmul.f32 $1.442695020e+00, v24;
	v21 =	vadd.f32 v34, v21;
	v37 =	vadd.f32 v55, v27;
	[tilespmem:s0+$0x13930] =	vst v20  }
0x25f: {  	v10 =	vpsel p1, v10, v46;
	v9 =	vpsel p1, v9, v46;
	v17 =	vadd.f32 v62, v17;
	[tilespmem:s0+$0x13940] =	vst v36  }
0x260: {  	v14 =	vpsel p1, v14, v46;
	(erf) = vpow2.f32 v24;
	[tilespmem:s0+$0x13950] =	vst v37;
	v38 =	vadd.f32 v32, v21  }
0x261: {  	s1 =	sshll.u32 s29, $0x4;
	v18 =	vpsel p1, v18, v46;
	v11 =	vpsel p1, v11, v46;
	v13 =	vmul.f32 @p0 v8, v13;
	[tilespmem:s0+$0x13960] =	vst v17  }
0x262: {  	s30 =	sand.u32 $0x3FFFFFF0, s1;
	v19 =	vpsel p1, v19, v46;
	v12 =	vpsel p1, v12, v46;
	v22 =	vmul.f32 @p0 v8, v60;
	[tilespmem:s0+$0x13970] =	vst v38  }
0x263: {  	v15 =	vpsel p0, v15, v0;
	v16 =	vpsel p0, v16, v46;
	v13 =	vpsel p0, v13, v0;
	v40 =	vld [tilespmem:s30+$0x15100]  }
0x264: {  	v10 =	vadd.f32 @p0 v13, v10;
	v22 =	vpsel p0, v22, v0;
	v21 =	vmul.f32 @p0 v8, v2  }
0x265: {  	v20 =	vpsel p0, v8, v0;
	v7 =	vadd.f32 @p0 v22, v7;
	v22 =	vpsel p0, v6, v0  }
0x266: {  	v16 =	vadd.f32 v26, v16;
	v17 =	vpsel p0, v3, v0;
	v22 =	vmul.f32 @p0 v20, v22  }
0x267: {  	v15 =	vmul.f32 @p0 v20, v15;
	v21 =	vpsel p0, v21, v0;
	v17 =	vmul.f32 @p0 v20, v17  }
0x268: {  	s31 =	sor.u32 $0x10, s29;
	v9 =	vadd.f32 @p0 v21, v9;
	v21 =	vpsel p0, v4, v0;
	v13 =	vadd.f32 v40, v16  }
0x269: {  	s2 =	sshll.u32 s31, $0x7;
	v21 =	vmul.f32 @p0 v20, v21;
	v14 =	vadd.f32 @p0 v17, v14;
	v17 =	vadd.f32 @p0 v22, v18;
	v18 =	vpop (erf)  }
0x26a: {  	s2 =	sand.u32 $0x3FFFFF80, s2;
	v10 =	vpsel p0, v10, v46;
	v41 =	vmul.f32 v18, v58;
	v45 =	vmul.f32 v18, v56;
	[tilespmem:s30+$0x15100] =	vst v13  }
0x26b: {  	v23 =	vpsel p0, v5, v0;
	v48 =	vmul.f32 v18, v39;
	v51 =	vmul.f32 v18, v35;
	v42 =	vld [tilespmem:s2+$0x13900]  }
0x26c: {  	v55 =	vmul.f32 v18, v52;
	v28 =	vmul.f32 v18, v44;
	v13 =	vadd.f32 @p0 v15, v19;
	v43 =	vld [tilespmem:s2+$0x13910]  }
0x26d: {  	v32 =	vmul.f32 v18, v61;
	v11 =	vadd.f32 @p0 v21, v11;
	v16 =	vmul.f32 @p0 v20, v23;
	v49 =	vld [tilespmem:s2+$0x13920]  }
0x26e: {  	v37 =	vmul.f32 v18, v31;
	v10 =	vadd.f32 v41, v10;
	v53 =	vld [tilespmem:s2+$0x13930];
	v13 =	vpsel p0, v13, v46  }
0x26f: {  	v11 =	vpsel p0, v11, v46;
	v12 =	vadd.f32 @p0 v16, v12;
	v62 =	vld [tilespmem:s2+$0x13940];
	v13 =	vadd.f32 v48, v13  }
0x270: {  	v33 =	vmovc v29;
	v14 =	vpsel p0, v14, v46;
	v11 =	vadd.f32 v51, v11;
	v29 =	vld [tilespmem:s2+$0x13950];
	v10 =	vadd.f32 v42, v10  }
0x271: {  	v14 =	vadd.f32 v45, v14;
	v30 =	vld [tilespmem:s2+$0x13960];
	v12 =	vpsel p0, v12, v46;
	v13 =	vadd.f32 v43, v13  }
0x272: {  	v17 =	vpsel p0, v17, v46;
	v34 =	vld [tilespmem:s2+$0x13970];
	v12 =	vadd.f32 v28, v12;
	v11 =	vadd.f32 v49, v11;
	[tilespmem:s2+$0x13900] =	vst v10  }
0x273: {  	v9 =	vpsel p0, v9, v46;
	v17 =	vadd.f32 v55, v17;
	v36 =	vadd.f32 v53, v14;
	[tilespmem:s2+$0x13910] =	vst v13  }
0x274: {  	v7 =	vpsel p0, v7, v46;
	v9 =	vadd.f32 v32, v9;
	v38 =	vadd.f32 v62, v12;
	[tilespmem:s2+$0x13920] =	vst v11  }
0x275: {  	v7 =	vadd.f32 v37, v7;
	v40 =	vadd.f32 v29, v17;
	[tilespmem:s2+$0x13930] =	vst v36  }
0x276: {  	v9 =	vadd.f32 v30, v9;
	[tilespmem:s2+$0x13940] =	vst v38  }
0x277: {  	v7 =	vadd.f32 v34, v7;
	[tilespmem:s2+$0x13950] =	vst v40  }
0x278: {  	s1 =	sshll.u32 s31, $0x4;
	[tilespmem:s2+$0x13960] =	vst v9  }
0x279: {  	s4 =	sand.u32 $0x3FFFFFF0, s1;
	[tilespmem:s2+$0x13970] =	vst v7  }
0x27a: {  	v7 =	vadd.f32 @p0 v8, v54;
	v41 =	vld [tilespmem:s4+$0x15100]  }
0x27b: {  	v10 =	vld [tilespmem:$0x1FC30]  }
0x27c: {  	v7 =	vpsel p0, v7, v46  }
0x27d: {  	v7 =	vadd.f32 v18, v7  }
0x27e: {  	v9 =	vmul.f32 @p0 v0, v33  }
0x27f: {  	v7 =	vadd.f32 v41, v7  }
0x280: {  	v9 =	vadd.f32 @p0 v9, v10;
	v10 =	vld [tilespmem:$0x1FC40]  }
0x281: {  	[tilespmem:s4+$0x15100] =	vst v7;
	v7 =	vld [tilespmem:$0x1FC90];
	_ =	sdelay $0x1  }
0x282: {  	v2 =	vmul.f32 @p0 v0, v2  }
0x283: {  	v5 =	vmul.f32 @p0 v0, v5;
	v6 =	vmul.f32 @p0 v0, v6  }
0x284: {  	s17 =	sor.u32 $0x20, s29;
	v2 =	vadd.f32 @p0 v2, v10;
	v10 =	vld [tilespmem:$0x1FC70]  }
0x285: {  	s18 =	sshll.u32 s17, $0x7;
	v3 =	vmul.f32 @p0 v0, v3;
	v6 =	vadd.f32 @p0 v6, v63;
	v5 =	vadd.f32 @p0 v5, v7;
	v7 =	vld [tilespmem:$0x1FCA0]  }
0x286: {  	v4 =	vmul.f32 @p0 v0, v4;
	s30 =	sand.u32 $0x3FFFFF80, s18;
	v42 =	vmul.f32 v1, v39;
	v8 =	vld [tilespmem:$0x1FC80]  }
0x287: {  	v6 =	vpsel p0, v6, v46;
	v45 =	vmul.f32 v1, v35;
	v9 =	vpsel p0, v9, v46;
	v13 =	vld [tilespmem:s30+$0x13910]  }
0x288: {  	v43 =	vmul.f32 v1, v58;
	v58 =	vmul.f32 v1, v61;
	v9 =	vadd.f32 v42, v9;
	v49 =	vld [tilespmem:s30+$0x13930]  }
0x289: {  	v53 =	vld [tilespmem:s30+$0x13940];
	v2 =	vpsel p0, v2, v46;
	v3 =	vadd.f32 @p0 v3, v10;
	v10 =	vmul.f32 @p0 v0, v47  }
0x28a: {  	v51 =	vmul.f32 v1, v44;
	v2 =	vadd.f32 v58, v2;
	v4 =	vadd.f32 @p0 v4, v7;
	v7 =	vld [tilespmem:$0x1FCC0]  }
0x28b: {  	v47 =	vmul.f32 v1, v56;
	v5 =	vpsel p0, v5, v46;
	v56 =	vld [tilespmem:s30+$0x13960];
	v8 =	vadd.f32 @p0 v10, v8  }
0x28c: {  	v11 =	vld [tilespmem:s30+$0x13900];
	v9 =	vadd.f32 v13, v9;
	v5 =	vadd.f32 v51, v5;
	v3 =	vpsel p0, v3, v46  }
0x28d: {  	v55 =	vld [tilespmem:s30+$0x13950];
	v10 =	vmul.f32 @p0 v0, v60;
	v3 =	vadd.f32 v47, v3;
	v8 =	vpsel p0, v8, v46  }
0x28e: {  	v54 =	vmul.f32 v1, v52;
	v48 =	vld [tilespmem:s30+$0x13920];
	v62 =	vadd.f32 v53, v5;
	v8 =	vadd.f32 v43, v8  }
0x28f: {  	v61 =	vmul.f32 v1, v31;
	[tilespmem:s30+$0x13910] =	vst v9;
	v60 =	vld [tilespmem:s30+$0x13970];
	v3 =	vadd.f32 v49, v3;
	v7 =	vadd.f32 @p0 v10, v7  }
0x290: {  	v6 =	vadd.f32 v54, v6;
	v4 =	vpsel p0, v4, v46;
	[tilespmem:s30+$0x13940] =	vst v62;
	v2 =	vadd.f32 v56, v2  }
0x291: {  	v4 =	vadd.f32 v45, v4;
	v8 =	vadd.f32 v11, v8;
	[tilespmem:s30+$0x13930] =	vst v3;
	v63 =	vpsel p0, v7, v46  }
0x292: {  	v3 =	vadd.f32 v55, v6;
	[tilespmem:s30+$0x13960] =	vst v2;
	v2 =	vld [tilespmem:$0x1FC20];
	v5 =	vadd.f32 v61, v63  }
0x293: {  	v4 =	vadd.f32 v48, v4;
	[tilespmem:s30+$0x13900] =	vst v8  }
0x294: {  	[tilespmem:s30+$0x13950] =	vst v3;
	v3 =	vadd.f32 v60, v5  }
0x295: {  	s1 =	sshll.u32 s17, $0x4;
	[tilespmem:s30+$0x13920] =	vst v4  }
0x296: {  	s31 =	sand.u32 $0x3FFFFFF0, s1;
	[tilespmem:s30+$0x13970] =	vst v3  }
0x297: {  	v0 =	vadd.f32 @p0 v0, v2;
	v2 =	vld [tilespmem:s31+$0x15100]  }
0x298: {  	v25 =	vld [tilespmem:$0x1FFD0]  }
0x299: {  	v44 =	vld [tilespmem:$0x1FFE0];
	v0 =	vpsel p0, v0, v46  }
0x29a: {  	v41 =	vld [tilespmem:$0x1FF80];
	v0 =	vadd.f32 v1, v0  }
0x29b: {  	v49 =	vld [tilespmem:$0x1FFA0]  }
0x29c: {  	v62 =	vld [tilespmem:$0x1FFB0];
	v0 =	vadd.f32 v2, v0  }
0x29d: {  	v1 =	vld [tilespmem:$0x1FCD0]  }
0x29e: {  	v54 =	vmov v50;
	v47 =	vlaneseq.u32;
	[tilespmem:s31+$0x15100] =	vst v0;
	v0 =	vld [tilespmem:$0x1FCE0]  }
.LBB2_26:
0x29f: {  	s29 =	sadd.s32 $0x1, s29  }
0x2a0: {  	p0 =	sne.s32 s29, $0x10  }
.Ltmp14:
0x2a1: {  	_ = 	snop;
	(pc) =	sbr.rel @!p0 .LBB2_27-.Ltmp14, $2  }
0x2a2: {  	_ =	sdelay $0x2  }
0x2a3: {  	v1 =	vperm.xlane v1, v25;
	v0 =	vperm.xlane v0, v25  }
.LBB2_16:
0x2a4: {  	_ =	sdelay $0x2  }
0x2a5: {  	(v2sf) =	vpush v0, $0x0  }
0x2a6: {  	(v2sf) =	vpush v1, $0x0;
	_ =	sdelay $0xd  }
0x2a7: {  	s0 =	spop (v2sf)  }
0x2a8: {  	s4 =	smov.u32 s6;
	s1 =	spop (v2sf)  }
0x2a9: {  	s30 =	smov.u32 s10;
	p0 =	sgt.s32 s0, s6;
	p1 =	slt.s32 s1, s10  }
0x2aa: {  	s4 =	smov.u32 @p0 s0;
	s30 =	smov.u32 @p1 s1  }
0x2ab: {  	p0 =	sle.s32 s30, s4  }
.Ltmp15:
0x2ac: {  	_ = 	snop;
	(pc) =	sbr.rel @p0 .LBB2_26-.Ltmp15, $1  }
0x2ad: {  	_ =	sdelay $0x3  }
0x2ae: {  	s0 =	sadd.s32 s4, s14  }
0x2af: {  	s1 =	simm.s32 $0x1;
	p0 =	sne.s32 s0, $0x0  }
0x2b0: {  	s2 =	sshra.s32 s0, $0x1F;
	s1 =	simm.s32 @!p0 $0x0  }
0x2b1: {  	s17 =	sand.u32 $0xF, s4;
	s1 =	sor.u32 s1, s2  }
0x2b2: {  	p1 =	sne.s32 s17, $0x0;
	p6 =	sne.s32 s1, $0x1  }
0x2b3: {  	s17 =	sshrl.u32 s2, $0x1C;
	p0 =	por !p1, !p6  }
0x2b4: {  	s2 =	simm.s32 $0x1;
	s1 =	sadd.s32 s17, s0;
	p0 =	por !p0, !p0  }
0x2b5: {  	s1 =	sshra.s32 s1, $0x4;
	s2 =	simm.s32 @!p0 $0x0  }
0x2b6: {  	s1 =	ssub.s32 s1, s2  }
0x2b7: {  	s2 =	sshll.u32 s1, $0x4;
	s1 =	sshll.u32 s1, $0x6  }
0x2b8: {  	s18 =	sand.u32 $0x70, s2;
	s1 =	sand.u32 $0xFFFFFE00, s1  }
0x2b9: {  	s1 =	sor.u32 s18, s1  }
0x2ba: {  	[tilespmem:$0x1FCE0] =	vst v0;
	s0 =	ssub.s32 s0, s2;
	v0 =	vld [tilespmem:s1+$0x3100]  }
0x2bb: {  	[tilespmem:$0x1FCD0] =	vst v1;
	v19 =	vld [tilespmem:$0x1FF90];
	v1 =	vmov s0  }
0x2bc: {  	v20 =	vld [tilespmem:$0x1FF40];
	s17 =	sshll.u32 s4, $0x9;
	v1 =	vshrl.u32 v1, $0x1B  }
0x2bd: {  	s18 =	sshra.s32 s17, $0x2;
	v2 =	vld [tilespmem:s1+$0x3080];
	v1 =	vand.u32 $0x10, v1  }
0x2be: {  	s31 =	sadd.s32 s18, s15;
	v3 =	vld [tilespmem:s1+$0x3000];
	v1 =	vadd.s32 s0, v1  }
0x2bf: {  	v60 =	vld [tilespmem:s31+$0x30];
	v0 =	vperm.xlane v0, v1  }
0x2c0: {  	v35 =	vld [tilespmem:s31+$0x20]  }
0x2c1: {  	v38 =	vld [tilespmem:s31+$0xFFFFFFF0];
	v0 =	vshll.u32 v0, $0x7  }
0x2c2: {  	v51 =	vld [tilespmem:s31+$0xFFFFFFE0];
	v2 =	vperm.xlane v2, v1;
	v4 =	vor.u32 v47, v0  }
0x2c3: {  	v58 =	vld [tilespmem:s31+$0xFFFFFFC0];
	v5 =	vor.u32 v19, v0  }
0x2c4: {  	v29 =	vld [tilespmem:s31+$0xFFFFFFD0];
	v7 =	vshll.u32 v2, $0x7;
	v6 =	vor.u32 v41, v0  }
0x2c5: {  	v32 =	vld [tilespmem:s31+$0x0];
	v2 =	vor.u32 v19, v7  }
0x2c6: {  	v45 =	vld [tilespmem:s31+$0x10];
	v8 =	vor.u32 v49, v0  }
0x2c7: {  	v9 =	vor.u32 v20, v0;
	v4 =	vld.idx.msk [tilespmem:v4+s3+$0x0], $0xffff  }
0x2c8: {  	v13 =	vor.u32 v62, v0;
	v5 =	vld.idx.msk [tilespmem:v5+s3+$0x0], $0xffff  }
0x2c9: {  	v10 =	vor.u32 v41, v7;
	v6 =	vld.idx.msk [tilespmem:v6+s3+$0x0], $0xffff  }
0x2ca: {  	v1 =	vperm.xlane v3, v1;
	v11 =	vor.u32 v47, v7;
	v2 =	vld.idx.msk [tilespmem:v2+s3+$0x0], $0xffff  }
0x2cb: {  	v12 =	vor.u32 v44, v0;
	v8 =	vld.idx.msk [tilespmem:v8+s3+$0x0], $0xffff  }
0x2cc: {  	v17 =	vshll.u32 v1, $0x7;
	v16 =	vor.u32 v62, v7;
	v9 =	vld.idx.msk [tilespmem:v9+s3+$0x0], $0xffff  }
0x2cd: {  	v1 =	vld.idx.msk [tilespmem:v13+s3+$0x0], $0xffff;
	v13 =	vor.u32 v47, v17  }
0x2ce: {  	v14 =	vor.u32 v20, v7;
	v10 =	vld.idx.msk [tilespmem:v10+s3+$0x0], $0xffff  }
0x2cf: {  	v0 =	vor.u32 v59, v0;
	v11 =	vld.idx.msk [tilespmem:v11+s3+$0x0], $0xffff  }
0x2d0: {  	v61 =	vimm.f32 $0.0e+00;
	v3 =	vor.u32 v49, v7;
	v12 =	vld.idx.msk [tilespmem:v12+s3+$0x0], $0xffff  }
0x2d1: {  	v15 =	vor.u32 v44, v7;
	v16 =	vld.idx.msk [tilespmem:v16+s3+$0x0], $0xffff;
	v4 =	vmul.f32 v4, v58;
	v6 =	vmul.f32 v6, v29  }
0x2d2: {  	v18 =	vor.u32 v41, v17;
	v20 =	vor.u32 v20, v17;
	v30 =	vor.u32 v59, v7;
	v13 =	vld.idx.msk [tilespmem:v13+s3+$0x0], $0xffff  }
0x2d3: {  	v5 =	vmul.f32 v5, v51;
	v10 =	vmul.f32 v10, v29;
	v4 =	vadd.f32 v6, v4;
	v6 =	vld.idx.msk [tilespmem:v14+s3+$0x0], $0xffff  }
0x2d4: {  	v0 =	vld.idx.msk [tilespmem:v0+s3+$0x0], $0xffff;
	v2 =	vmul.f32 v2, v51;
	v8 =	vmul.f32 v8, v32;
	v14 =	vor.u32 v49, v17  }
0x2d5: {  	s4 =	sadd.s32 $0x1, s4;
	v4 =	vadd.f32 v5, v4;
	v5 =	vmul.f32 v11, v58;
	v11 =	vld.idx.msk [tilespmem:v3+s3+$0x0], $0xffff;
	v3 =	vmul.f32 v9, v38  }
0x2d6: {  	p2 =	sne.s32 s30, s4;
	v63 =	vmul.f32 v12, v45;
	v22 =	vmul.f32 v16, v35;
	v9 =	vld.idx.msk [tilespmem:v15+s3+$0x0], $0xffff;
	v15 =	vor.u32 v19, v17  }
.Ltmp16:
0x2d7: {  	v43 =	vmul.f32 v13, v58;
	v5 =	vadd.f32 v10, v5;
	v10 =	vadd.f32 v3, v4;
	(pc) =	sbr.rel @!p2 .LBB2_18-.Ltmp16, $4  }
0x2d8: {  	v26 =	vld.idx.msk [tilespmem:v20+s3+$0x0], $0xffff;
	v3 =	vmul.f32 v1, v35;
	v4 =	vor.u32 v62, v17;
	v6 =	vmul.f32 v6, v38  }
0x2d9: {  	v12 =	vld.idx.msk [tilespmem:v18+s3+$0x0], $0xffff;
	v1 =	vadd.f32 v2, v5;
	v2 =	vmul.f32 v0, v60;
	v0 =	vadd.f32 v8, v10  }
0x2da: {  	v5 =	vld.idx.msk [tilespmem:v14+s3+$0x0], $0xffff;
	v10 =	vor.u32 v44, v17;
	v8 =	vor.u32 v59, v17;
	v27 =	vmul.f32 v11, v32  }
0x2db: {  	p1 =	por $0x0, $0x0;
	p0 =	por $0x0, $0x0;
	v40 =	vmul.f32 v9, v45;
	v48 =	vld.idx.msk [tilespmem:v15+s3+$0x0], $0xffff;
	v9 =	vadd.f32 v63, v0;
	v1 =	vadd.f32 v6, v1  }
0x2dc: {  	s0 =	sadd.s32 s4, s14  }
0x2dd: {  	s1 =	simm.s32 $0x1;
	p0 =	sne.s32 s0, $0x0  }
0x2de: {  	s2 =	sshra.s32 s0, $0x1F;
	s1 =	simm.s32 @!p0 $0x0  }
0x2df: {  	s17 =	sand.u32 $0xF, s4;
	s1 =	sor.u32 s1, s2  }
0x2e0: {  	p2 =	sne.s32 s17, $0x0;
	p6 =	sne.s32 s1, $0x1  }
0x2e1: {  	s17 =	sshrl.u32 s2, $0x1C;
	p0 =	por !p2, !p6  }
0x2e2: {  	v10 =	vld.idx.msk [tilespmem:v10+s3+$0x0], $0xffff;
	s2 =	simm.s32 $0x1;
	s1 =	sadd.s32 s17, s0;
	p0 =	por !p0, !p0  }
0x2e3: {  	v4 =	vld.idx.msk [tilespmem:v4+s3+$0x0], $0xffff;
	s1 =	sshra.s32 s1, $0x4;
	s2 =	simm.s32 @!p0 $0x0  }
0x2e4: {  	v8 =	vld.idx.msk [tilespmem:v8+s3+$0x0], $0xffff;
	s1 =	ssub.s32 s1, s2  }
0x2e5: {  	v23 =	vld [tilespmem:$0x1FF90];
	s2 =	sshll.u32 s1, $0x4;
	s1 =	sshll.u32 s1, $0x6  }
0x2e6: {  	v33 =	vld [tilespmem:$0x1FF40];
	v0 =	vmul.f32 v12, v29;
	s18 =	sand.u32 $0x70, s2;
	s1 =	sand.u32 $0xFFFFFE00, s1  }
0x2e7: {  	v18 =	vld [tilespmem:$0x1FF50];
	s1 =	sor.u32 s18, s1  }
0x2e8: {  	v11 =	vmul.f32 v48, v51;
	v0 =	vadd.f32 v0, v43;
	s0 =	ssub.s32 s0, s2;
	v6 =	vld [tilespmem:s1+$0x3100]  }
0x2e9: {  	s31 =	sadd.s32 $0x80, s31;
	v21 =	vld [tilespmem:$0x1FF60];
	v7 =	vmov s0  }
0x2ea: {  	v13 =	vmul.f32 v26, v38;
	v24 =	vld [tilespmem:s31+$0x30];
	v0 =	vadd.f32 v11, v0;
	v7 =	vshrl.u32 v7, $0x1B  }
0x2eb: {  	v42 =	vld [tilespmem:s31+$0x20];
	v7 =	vand.u32 $0x10, v7  }
0x2ec: {  	v5 =	vmul.f32 v5, v32;
	v0 =	vadd.f32 v13, v0;
	v12 =	vld [tilespmem:s1+$0x3080];
	v7 =	vadd.s32 s0, v7  }
0x2ed: {  	v3 =	vadd.f32 v3, v9;
	v52 =	vld [tilespmem:s31+$0xFFFFFFF0];
	v6 =	vperm.xlane v6, v7  }
0x2ee: {  	v53 =	vld [tilespmem:s31+$0xFFFFFFE0];
	v9 =	vmul.f32 v10, v45;
	v0 =	vadd.f32 v5, v0  }
0x2ef: {  	v31 =	vld [tilespmem:s31+$0xFFFFFFC0];
	v2 =	vadd.f32 v2, v3;
	v6 =	vshll.u32 v6, $0x7  }
0x2f0: {  	v39 =	vld [tilespmem:s31+$0xFFFFFFD0];
	v3 =	vmul.f32 v4, v35;
	v0 =	vadd.f32 v9, v0;
	v10 =	vor.u32 v47, v6  }
0x2f1: {  	v36 =	vld [tilespmem:s31+$0x0];
	v5 =	vperm.xlane v12, v7;
	v4 =	vor.u32 v23, v6  }
0x2f2: {  	v37 =	vld [tilespmem:s31+$0x10];
	v0 =	vadd.f32 v3, v0;
	v9 =	vor.u32 v41, v6  }
0x2f3: {  	v26 =	vld [tilespmem:$0x1FF70];
	v13 =	vshll.u32 v5, $0x7;
	v5 =	vmul.f32 v8, v60;
	v3 =	vor.u32 v49, v6  }
0x2f4: {  	v11 =	vld [tilespmem:s1+$0x3000];
	v12 =	vperm.xlane v2, v54;
	v14 =	vor.u32 v33, v6  }
0x2f5: {  	v15 =	vor.u32 v47, v13;
	v0 =	vadd.f32 v5, v0;
	v10 =	vld.idx.msk [tilespmem:v10+s3+$0x0], $0xffff  }
0x2f6: {  	v1 =	vadd.f32 v27, v1;
	v2 =	vadd.f32 v2, v12;
	v5 =	vor.u32 v41, v13;
	v4 =	vld.idx.msk [tilespmem:v4+s3+$0x0], $0xffff  }
0x2f7: {  	v8 =	vor.u32 v23, v13;
	v16 =	vperm.xlane v0, v54;
	v9 =	vld.idx.msk [tilespmem:v9+s3+$0x0], $0xffff  }
0x2f8: {  	v50 =	vadd.f32 v40, v1;
	v19 =	vor.u32 v49, v13;
	v12 =	vperm.xlane v2, v18;
	v1 =	vld.idx.msk [tilespmem:v3+s3+$0x0], $0xffff  }
0x2f9: {  	v7 =	vperm.xlane v11, v7;
	v3 =	vor.u32 v44, v6;
	v0 =	vadd.f32 v0, v16;
	v11 =	vld.idx.msk [tilespmem:v14+s3+$0x0], $0xffff  }
0x2fa: {  	v2 =	vadd.f32 v2, v12;
	v12 =	vor.u32 v62, v6;
	v6 =	vor.u32 v59, v6;
	v15 =	vld.idx.msk [tilespmem:v15+s3+$0x0], $0xffff  }
0x2fb: {  	v7 =	vshll.u32 v7, $0x7;
	v20 =	vor.u32 v44, v13;
	v5 =	vld.idx.msk [tilespmem:v5+s3+$0x0], $0xffff;
	v18 =	vperm.xlane v0, v18  }
0x2fc: {  	v8 =	vld.idx.msk [tilespmem:v8+s3+$0x0], $0xffff;
	v14 =	vor.u32 v62, v13;
	v16 =	vor.u32 v33, v13;
	v17 =	vperm.xlane v2, v21  }
0x2fd: {  	v0 =	vadd.f32 v0, v18;
	v18 =	vld.idx.msk [tilespmem:v19+s3+$0x0], $0xffff;
	v10 =	vmul.f32 v10, v31;
	v9 =	vmul.f32 v9, v39  }
0x2fe: {  	v23 =	vor.u32 v23, v7;
	v63 =	vor.u32 v59, v13;
	v2 =	vadd.f32 v2, v17;
	v3 =	vld.idx.msk [tilespmem:v3+s3+$0x0], $0xffff  }
0x2ff: {  	v4 =	vmul.f32 v4, v53;
	v6 =	vld.idx.msk [tilespmem:v6+s3+$0x0], $0xffff;
	v15 =	vmul.f32 v15, v31;
	v9 =	vadd.f32 v9, v10  }
0x300: {  	v17 =	vor.u32 v41, v7;
	v5 =	vmul.f32 v5, v39;
	v10 =	vmul.f32 v11, v52;
	v11 =	vld.idx.msk [tilespmem:v12+s3+$0x0], $0xffff  }
0x301: {  	v19 =	vperm.xlane v0, v21;
	v4 =	vadd.f32 v4, v9;
	v9 =	vld.idx.msk [tilespmem:v16+s3+$0x0], $0xffff;
	v16 =	vor.u32 v47, v7  }
0x302: {  	v8 =	vmul.f32 v8, v53;
	v1 =	vmul.f32 v1, v36;
	v14 =	vld.idx.msk [tilespmem:v14+s3+$0x0], $0xffff;
	v12 =	vor.u32 v49, v7  }
0x303: {  	v5 =	vadd.f32 v5, v15;
	v15 =	vld.idx.msk [tilespmem:v20+s3+$0x0], $0xffff;
	v0 =	vadd.f32 v0, v19;
	v27 =	vmul.f32 v18, v36  }
0x304: {  	v19 =	vld.idx.msk [tilespmem:v30+s3+$0x0], $0xffff;
	v21 =	vmul.f32 v3, v37;
	v10 =	vadd.f32 v10, v4;
	v4 =	vperm.xlane v2, v26  }
0x305: {  	s4 =	sadd.s32 $0x1, s4;
	v8 =	vadd.f32 v8, v5;
	v20 =	vperm.xlane v0, v26;
	v3 =	vmul.f32 v11, v42  }
0x306: {  	p2 =	sne.s32 s30, s4;
	v11 =	vadd.f32 v2, v4;
	v2 =	vmul.f32 v6, v24;
	v6 =	vor.u32 v33, v7;
	v16 =	vld.idx.msk [tilespmem:v16+s3+$0x0], $0xffff  }
.Ltmp17:
0x307: {  	v14 =	vmul.f32 v14, v42;
	v0 =	vadd.f32 v0, v20;
	v4 =	vor.u32 v62, v7;
	(pc) =	sbr.rel @!p2 .LBB2_20-.Ltmp17, $4  }
0x308: {  	v5 =	vld.idx.msk [tilespmem:v12+s3+$0x0], $0xffff;
	v1 =	vadd.f32 v1, v10;
	v40 =	vmul.f32 v15, v37;
	v18 =	vmul.f32 v9, v52  }
0x309: {  	v12 =	vld.idx.msk [tilespmem:v17+s3+$0x0], $0xffff;
	v10 =	vor.u32 v44, v7;
	v17 =	vmul.f32 v19, v60;
	v11 =	vmul.f32 $1.442695020e+00, v11  }
0x30a: {  	v48 =	vld.idx.msk [tilespmem:v23+s3+$0x0], $0xffff;
	v46 =	vmul.f32 $1.442695020e+00, v0;
	v9 =	vadd.f32 v21, v1;
	v1 =	vadd.f32 v18, v8  }
0x30b: {  	v56 =	vmovc v32;
	p0 =	por $0x1, $0x1;
	v8 =	vor.u32 v59, v7;
	(erf) = vpow2.f32 v11;
	v26 =	vld.idx.msk [tilespmem:v6+s3+$0x0], $0xffff;
	v43 =	vmul.f32 v16, v31  }
0x30c: {  	s0 =	sadd.s32 s4, s14  }
0x30d: {  	s1 =	simm.s32 $0x1;
	p1 =	sne.s32 s0, $0x0  }
0x30e: {  	s2 =	sshra.s32 s0, $0x1F;
	s1 =	simm.s32 @!p1 $0x0  }
0x30f: {  	s17 =	sand.u32 $0xF, s4;
	v0 =	vmul.f32 v12, v39;
	s1 =	sor.u32 s1, s2  }
0x310: {  	v7 =	vld.idx.msk [tilespmem:v10+s3+$0x0], $0xffff;
	v3 =	vadd.f32 v3, v9;
	p2 =	sne.s32 s17, $0x0;
	p6 =	sne.s32 s1, $0x1  }
0x311: {  	v4 =	vld.idx.msk [tilespmem:v4+s3+$0x0], $0xffff;
	s18 =	sshrl.u32 s2, $0x1C;
	v6 =	vmul.f32 v48, v53;
	v0 =	vadd.f32 v0, v43;
	p1 =	por !p2, !p6  }
0x312: {  	v2 =	vadd.f32 v2, v3;
	s2 =	simm.s32 $0x1;
	s1 =	sadd.s32 s18, s0;
	p1 =	por !p1, !p1  }
0x313: {  	(erf) = vpow2.f32 v46;
	v10 =	vmul.f32 v26, v52;
	s1 =	sshra.s32 s1, $0x4;
	v0 =	vadd.f32 v6, v0;
	s2 =	simm.s32 @!p1 $0x0  }
0x314: {  	v1 =	vadd.f32 v27, v1;
	v5 =	vmul.f32 v5, v36;
	v13 =	vperm.xlane v2, v54;
	v6 =	vld.idx.msk [tilespmem:v8+s3+$0x0], $0xffff;
	s1 =	ssub.s32 s1, s2  }
0x315: {  	v7 =	vmul.f32 v7, v37;
	v8 =	vadd.f32 v22, v50;
	v22 =	vld [tilespmem:$0x1FF50];
	v9 =	vpop (erf);
	v0 =	vadd.f32 v10, v0;
	s2 =	sshll.u32 s1, $0x4  }
0x316: {  	v1 =	vadd.f32 v40, v1;
	v4 =	vmul.f32 v4, v42;
	v10 =	vmul.f32 v9, v29;
	s0 =	ssub.s32 s0, s2  }
0x317: {  	[tilespmem:$0x1FB20] =	vst v39;
	v2 =	vadd.f32 v2, v13;
	s1 =	sshll.u32 s1, $0x6;
	v5 =	vadd.f32 v5, v0;
	v0 =	vmov s0  }
0x318: {  	[tilespmem:$0x1FB40] =	vst v52;
	v3 =	vadd.f32 v17, v8;
	s2 =	sand.u32 $0x70, s2;
	s1 =	sand.u32 $0xFFFFFE00, s1;
	v10 =	vadd.f32 v10, v61;
	v0 =	vshrl.u32 v0, $0x1B  }
0x319: {  	[tilespmem:$0x1FB50] =	vst v36;
	v33 =	vmul.f32 v9, v58;
	v8 =	vmul.f32 v9, v35;
	s1 =	sor.u32 s2, s1;
	v0 =	vand.u32 $0x10, v0  }
0x31a: {  	v11 =	vadd.f32 v9, v61;
	v28 =	vperm.xlane v2, v22;
	v12 =	vld [tilespmem:s1+$0x3100];
	[tilespmem:$0x1FC30] =	vst v10;
	v10 =	vperm.xlane v3, v54  }
0x31b: {  	[tilespmem:$0x1FB60] =	vst v37;
	v25 =	vmul.f32 v9, v45;
	v6 =	vmul.f32 v6, v24;
	v5 =	vadd.f32 v7, v5  }
0x31c: {  	[tilespmem:$0x1FB70] =	vst v42;
	v2 =	vadd.f32 v2, v28;
	v17 =	vadd.s32 s0, v0;
	v3 =	vadd.f32 v3, v10;
	v10 =	vld [tilespmem:s1+$0x3000];
	v0 =	vpop (erf)  }
0x31d: {  	[tilespmem:$0x1FB90] =	vst v1;
	v28 =	vmul.f32 v9, v38;
	v4 =	vadd.f32 v4, v5;
	v1 =	vmul.f32 v0, v58  }
0x31e: {  	[tilespmem:$0x1FB80] =	vst v31;
	v31 =	vld [tilespmem:$0x1FF90];
	v25 =	vadd.f32 v25, v61;
	v23 =	vmul.f32 v0, v29;
	v15 =	vmul.f32 v0, v51  }
0x31f: {  	v37 =	vmovc v35;
	v7 =	vld [tilespmem:s1+$0x3080];
	v4 =	vadd.f32 v6, v4;
	v5 =	vperm.xlane v3, v22;
	v12 =	vperm.xlane v12, v17  }
0x320: {  	[tilespmem:$0x1FBC0] =	vst v14;
	v16 =	vmul.f32 v0, v38;
	v36 =	vmul.f32 v0, v37;
	v13 =	vadd.f32 v15, v61  }
0x321: {  	s31 =	sadd.s32 $0x80, s31;
	v57 =	vmovc v24;
	v14 =	vld [tilespmem:$0x1FF40];
	[tilespmem:$0x1FBE0] =	vst v29;
	v3 =	vadd.f32 v3, v5;
	v5 =	vperm.xlane v10, v17;
	v10 =	vshll.u32 v12, $0x7  }
0x322: {  	v39 =	vld [tilespmem:s31+$0xFFFFFFD0];
	v29 =	vperm.xlane v4, v54;
	v6 =	vadd.f32 v16, v61;
	[tilespmem:$0x1FBB0] =	vst v13;
	v13 =	vor.u32 v47, v10  }
0x323: {  	v42 =	vld [tilespmem:s31+$0xFFFFFFF0];
	[tilespmem:$0x1FC20] =	vst v11;
	v1 =	vadd.f32 v1, v61;
	v11 =	vadd.f32 v23, v61;
	v46 =	vor.u32 v31, v10  }
0x324: {  	v15 =	vld [tilespmem:$0x1FF60];
	v12 =	vmul.f32 v0, v45;
	[tilespmem:$0x1FBD0] =	vst v6;
	v6 =	vperm.xlane v7, v17;
	v17 =	vor.u32 v41, v10  }
0x325: {  	v35 =	vld [tilespmem:s31+$0xFFFFFFE0];
	v30 =	vadd.f32 v36, v61;
	[tilespmem:$0x1FBA0] =	vst v1;
	v1 =	vmul.f32 v0, v56;
	v18 =	vor.u32 v49, v10  }
0x326: {  	v32 =	vmovc v62;
	v4 =	vadd.f32 v4, v29;
	v7 =	vld [tilespmem:s31+$0x20];
	v26 =	vor.u32 v14, v10;
	v12 =	vadd.f32 v12, v61  }
0x327: {  	v24 =	vmov v60;
	v19 =	vor.u32 v62, v10;
	[tilespmem:$0x1FC50] =	vst v11;
	v1 =	vadd.f32 v1, v61;
	v52 =	vld.idx.msk [tilespmem:v13+s3+$0x0], $0xffff  }
0x328: {  	v21 =	vor.u32 v59, v10;
	v10 =	vor.u32 v44, v10;
	v23 =	vmov v14;
	[tilespmem:$0x1FC60] =	vst v12;
	v55 =	vld.idx.msk [tilespmem:v46+s3+$0x0], $0xffff  }
0x329: {  	v22 =	vperm.xlane v4, v22;
	v16 =	vperm.xlane v3, v15;
	[tilespmem:$0x1FCB0] =	vst v1;
	v1 =	vshll.u32 v6, $0x7;
	v11 =	vld.idx.msk [tilespmem:v17+s3+$0x0], $0xffff  }
0x32a: {  	v12 =	vadd.f32 v28, v61;
	v6 =	vadd.f32 v8, v61;
	v8 =	vor.u32 v31, v1;
	v18 =	vld.idx.msk [tilespmem:v18+s3+$0x0], $0xffff  }
0x32b: {  	v20 =	vor.u32 v62, v1;
	v62 =	vor.u32 v14, v1;
	v40 =	vor.u32 v47, v1;
	v26 =	vld.idx.msk [tilespmem:v26+s3+$0x0], $0xffff  }
0x32c: {  	v29 =	vmovc v44;
	v27 =	vor.u32 v49, v1;
	v3 =	vadd.f32 v3, v16;
	v16 =	vperm.xlane v2, v15;
	v13 =	vld [tilespmem:$0x1FF70]  }
0x32d: {  	v34 =	vor.u32 v41, v1;
	v43 =	vor.u32 v44, v1;
	[tilespmem:$0x1FC70] =	vst v12;
	v12 =	vmul.f32 v9, v56;
	v44 =	vld [tilespmem:s31+$0x0]  }
0x32e: {  	v46 =	vmul.f32 v0, v60;
	v14 =	vadd.f32 v33, v61;
	[tilespmem:$0x1FC40] =	vst v6;
	v6 =	vld [tilespmem:s31+$0xFFFFFFC0];
	v2 =	vadd.f32 v2, v16  }
0x32f: {  	v17 =	vmul.f32 v9, v51;
	v10 =	vld.idx.msk [tilespmem:v10+s3+$0x0], $0xffff;
	v12 =	vadd.f32 v12, v61;
	v16 =	vadd.f32 v4, v22  }
0x330: {  	v5 =	vshll.u32 v5, $0x7;
	v19 =	vld.idx.msk [tilespmem:v19+s3+$0x0], $0xffff;
	v9 =	vmul.f32 v9, v24;
	v36 =	vor.u32 v59, v1;
	[tilespmem:$0x1FC80] =	vst v14  }
0x331: {  	v28 =	vmovc v56;
	[tilespmem:$0x1FC90] =	vst v12;
	v48 =	vperm.xlane v16, v15;
	v15 =	vimm.f32 $0.0e+00;
	v8 =	vld.idx.msk [tilespmem:v8+s3+$0x0], $0xffff;
	v56 =	vperm.xlane v3, v13  }
0x332: {  	v34 =	vld.idx.msk [tilespmem:v34+s3+$0x0], $0xffff;
	v12 =	vmul.f32 v11, v39;
	v4 =	vmul.f32 v55, v35;
	v11 =	vadd.f32 v17, v61  }
0x333: {  	v40 =	vld.idx.msk [tilespmem:v40+s3+$0x0], $0xffff;
	v17 =	vmul.f32 v26, v42;
	v55 =	vadd.f32 v9, v61;
	v14 =	vmul.f32 v52, v6  }
0x334: {  	v33 =	vld.idx.msk [tilespmem:v62+s3+$0x0], $0xffff;
	v62 =	vor.u32 v31, v5;
	v31 =	vadd.f32 v46, v61;
	v9 =	vadd.f32 v16, v48  }
0x335: {  	v26 =	vor.u32 v49, v5;
	v52 =	vld [tilespmem:s31+$0x10];
	v3 =	vadd.f32 v3, v56;
	v22 =	vadd.f32 v12, v14  }
0x336: {  	v16 =	vimm.f32 $0.0e+00;
	[tilespmem:$0x1FCA0] =	vst v11;
	v56 =	vor.u32 v41, v5;
	v41 =	vld [tilespmem:s31+$0x30];
	v12 =	vor.u32 v47, v5  }
0x337: {  	v11 =	vmovc v45;
	v3 =	vmul.f32 $1.442695020e+00, v3;
	v45 =	vld.idx.msk [tilespmem:v43+s3+$0x0], $0xffff;
	v60 =	vmul.f32 v34, v39;
	v4 =	vadd.f32 v4, v22  }
0x338: {  	v14 =	vor.u32 v23, v5;
	v22 =	vmul.f32 v18, v44;
	v18 =	vld.idx.msk [tilespmem:v21+s3+$0x0], $0xffff;
	v40 =	vmul.f32 v40, v6  }
0x339: {  	v8 =	vmul.f32 v8, v35;
	v21 =	vld.idx.msk [tilespmem:v27+s3+$0x0], $0xffff;
	v17 =	vadd.f32 v17, v4;
	v4 =	vperm.xlane v2, v13  }
0x33a: {  	v34 =	vmul.f32 v10, v52;
	(erf) = vpow2.f32 v3;
	v10 =	vadd.f32 v60, v40  }
0x33b: {  	v47 =	vimm.f32 $0.0e+00;
	v3 =	vmul.f32 v19, v7;
	v19 =	vadd.f32 v2, v4  }
0x33c: {  	v20 =	vld.idx.msk [tilespmem:v20+s3+$0x0], $0xffff;
	v4 =	vor.u32 v32, v5;
	v8 =	vadd.f32 v8, v10;
	v10 =	vperm.xlane v9, v13  }
0x33d: {  	v22 =	vadd.f32 v22, v17;
	v17 =	vmul.f32 v33, v42;
	v40 =	vmul.f32 v45, v52  }
0x33e: {  	v50 =	vld.idx.msk [tilespmem:v12+s3+$0x0], $0xffff;
	v33 =	vimm.f32 $0.0e+00;
	v2 =	vmul.f32 v18, v41;
	v27 =	vmul.f32 v21, v44  }
0x33f: {  	s4 =	sadd.s32 $0x1, s4;
	v18 =	vld.idx.msk [tilespmem:v63+s3+$0x0], $0xffff;
	v63 =	vadd.f32 v0, v61;
	v0 =	vimm.f32 $0.0e+00;
	v21 =	vimm.f32 $0.0e+00  }
0x340: {  	p2 =	sne.s32 s30, s4;
	v19 =	vmul.f32 $1.442695020e+00, v19;
	v12 =	vadd.f32 v9, v10;
	v10 =	vor.u32 v29, v5  }
.Ltmp18:
0x341: {  	v9 =	vadd.f32 v34, v22;
	v22 =	vmul.f32 v20, v7;
	v1 =	vadd.f32 v17, v8;
	(pc) =	sbr.rel @!p2 .LBB2_22-.Ltmp18, $4  }
0x342: {  	[tilespmem:$0x1FB30] =	vst v53;
	v8 =	vor.u32 v59, v5;
	v5 =	vld.idx.msk [tilespmem:v26+s3+$0x0], $0xffff;
	v34 =	vimm.f32 $0.0e+00;
	v46 =	vmul.f32 $1.442695020e+00, v12  }
0x343: {  	[tilespmem:$0x1FBF0] =	vst v51;
	v26 =	vld.idx.msk [tilespmem:v14+s3+$0x0], $0xffff;
	v14 =	vimm.f32 $0.0e+00;
	(erf) = vpow2.f32 v19;
	v43 =	vmul.f32 v50, v6;
	v53 =	vpop (erf)  }
0x344: {  	v48 =	vld.idx.msk [tilespmem:v62+s3+$0x0], $0xffff;
	v17 =	vmul.f32 v18, v57;
	v20 =	vmul.f32 v53, v24;
	v54 =	vadd.f32 v53, v0  }
0x345: {  	p1 =	por $0x1, $0x1;
	v23 =	vmovc v42;
	v42 =	vmovc v57;
	v12 =	vld.idx.msk [tilespmem:v56+s3+$0x0], $0xffff;
	v49 =	vmul.f32 v53, v58;
	v19 =	vmul.f32 v53, v37;
	v37 =	vimm.f32 $0.0e+00  }
.LBB2_23:
0x346: {  	v47 =	vadd.f32 v20, v47;
	v20 =	vmul.f32 v53, v11;
	v11 =	vld [tilespmem:$0x1FBE0];
	_ =	sdelay $0x3  }
0x347: {  	v9 =	vadd.f32 v3, v9;
	v3 =	vld [tilespmem:$0x1FB70]  }
0x348: {  	v34 =	vadd.f32 v19, v34;
	v19 =	vmul.f32 v53, v11;
	v11 =	vld [tilespmem:$0x1FBF0];
	_ =	sdelay $0x3  }
0x349: {  	v0 =	vmov v3;
	v3 =	vmul.f32 v12, v39  }
0x34a: {  	v12 =	vmul.f32 v53, v38;
	v24 =	vmul.f32 v53, v11;
	v11 =	vld [tilespmem:$0x1FB40];
	_ =	sdelay $0x1  }
0x34b: {  	v15 =	vadd.f32 v12, v15;
	v12 =	vmul.f32 v53, v28;
	_ =	sdelay $0x1  }
0x34c: {  	v21 =	vadd.f32 v12, v21;
	v12 =	vld [tilespmem:$0x1FBC0]  }
0x34d: {  	v62 =	vmov v11;
	v11 =	vld [tilespmem:$0x1FB90]  }
0x34e: {  	v13 =	vadd.f32 v3, v43;
	v3 =	vmov v23  }
0x34f: {  	[tilespmem:$0x1FB40] =	vst v3;
	v3 =	vld [tilespmem:$0x1FB30]  }
0x350: {  	v16 =	vadd.f32 v20, v16;
	v20 =	vld [tilespmem:$0x1FB20];
	v18 =	vmul.f32 v48, v35  }
0x351: {  	v29 =	vmov v7;
	(erf) = vpow2.f32 v46;
	v37 =	vadd.f32 v24, v37;
	v24 =	vld [tilespmem:$0x1FFF0]  }
0x352: {  	v10 =	vld.idx.msk [tilespmem:v10+s3+$0x0], $0xffff;
	v7 =	vmul.f32 v26, v23;
	v18 =	vadd.f32 v18, v13;
	v12 =	vadd.f32 v12, v11  }
0x353: {  	v4 =	vld.idx.msk [tilespmem:v4+s3+$0x0], $0xffff;
	v5 =	vmul.f32 v5, v44;
	v2 =	vadd.f32 v2, v9  }
0x354: {  	v23 =	vld [tilespmem:$0x1FB80];
	v7 =	vadd.f32 v7, v18;
	v28 =	vmov v3;
	v3 =	vpop (erf);
	v9 =	vadd.f32 v17, v12  }
0x355: {  	v38 =	vmov v0;
	[tilespmem:$0x1FB00] =	vst v0;
	v12 =	vmul.f32 v3, v0;
	v0 =	vmov v6;
	v6 =	vld [tilespmem:$0x1FC30]  }
0x356: {  	s0 =	sadd.s32 s4, s14;
	v8 =	vld.idx.msk [tilespmem:v8+s3+$0x0], $0xffff;
	v5 =	vadd.f32 v5, v7;
	v18 =	vmul.f32 v3, v20;
	v7 =	vperm.xlane v9, v24  }
0x357: {  	s18 =	simm.s32 $0x1;
	v45 =	vld [tilespmem:$0x1FF50];
	p3 =	sne.s32 s0, $0x0  }
0x358: {  	s1 =	smov.u32 s4;
	s2 =	sshra.s32 s0, $0x1F;
	s18 =	simm.s32 @!p3 $0x0;
	v14 =	vadd.f32 v19, v14;
	v19 =	vmovc v35;
	v7 =	vadd.f32 v9, v7;
	v9 =	vmov v22;
	v22 =	vld [tilespmem:$0x1FBA0]  }
0x359: {  	s1 =	sand.u32 $0xF, s1;
	s17 =	sshrl.u32 s2, $0x1C;
	s2 =	sor.u32 s18, s2;
	v10 =	vmul.f32 v10, v52;
	v13 =	vadd.f32 v27, v1;
	[tilespmem:$0x1FB30] =	vst v19;
	v19 =	vld [tilespmem:$0x1FC20];
	v17 =	vmov v39  }
0x35a: {  	p4 =	sne.s32 s1, $0x0;
	p6 =	sne.s32 s2, $0x1;
	v1 =	vpop (erf);
	v11 =	vmov v23;
	[tilespmem:$0x1FB20] =	vst v17;
	v17 =	vld [tilespmem:$0x1FB50];
	v6 =	vadd.f32 v18, v6;
	v18 =	vmov v44  }
0x35b: {  	p3 =	por !p4, !p6;
	v5 =	vadd.f32 v10, v5;
	v10 =	vmul.f32 v1, v11;
	[tilespmem:$0x1FB50] =	vst v18;
	v18 =	vld [tilespmem:$0x1FB60]  }
0x35c: {  	v33 =	vadd.f32 v49, v33;
	v49 =	vmov v54;
	v54 =	vld [tilespmem:$0x1FF90];
	s1 =	simm.s32 $0x1;
	s17 =	sadd.s32 s17, s0;
	p3 =	por !p3, !p3  }
0x35d: {  	v60 =	vld [tilespmem:$0x1FF80];
	s17 =	sshra.s32 s17, $0x4;
	v4 =	vmul.f32 v4, v29;
	s1 =	simm.s32 @!p3 $0x0;
	v22 =	vadd.f32 v10, v22  }
0x35e: {  	[tilespmem:$0x1FAC0] =	vst v25;
	v51 =	vld [tilespmem:$0x1FFA0];
	s1 =	ssub.s32 s17, s1  }
0x35f: {  	v8 =	vmul.f32 v8, v41;
	s18 =	sshll.u32 s1, $0x4;
	s1 =	sshll.u32 s1, $0x6;
	v4 =	vadd.f32 v4, v5;
	[tilespmem:$0x1FBA0] =	vst v22;
	v22 =	vld [tilespmem:$0x1FBB0]  }
0x360: {  	[tilespmem:$0x1FB70] =	vst v29;
	s2 =	sand.u32 $0x70, s18;
	s1 =	sand.u32 $0xFFFFFE00, s1;
	v19 =	vadd.f32 v3, v19;
	v56 =	vmul.f32 v1, v38;
	v38 =	vld [tilespmem:$0x1FC50];
	v25 =	vmovc v18;
	v18 =	vmov v52  }
0x361: {  	s1 =	sor.u32 s2, s1;
	v4 =	vadd.f32 v8, v4;
	v8 =	vld [tilespmem:$0x1FCB0];
	[tilespmem:$0x1FB60] =	vst v18;
	v18 =	vperm.xlane v2, v24  }
0x362: {  	v5 =	vmul.f32 v1, v28;
	[tilespmem:$0x1FC20] =	vst v19;
	v19 =	vmul.f32 v3, v23;
	v23 =	vmov v20;
	v20 =	vld [tilespmem:s1+$0x3080]  }
0x363: {  	s0 =	ssub.s32 s0, s18;
	[tilespmem:$0x1FBC0] =	vst v9;
	v29 =	vmov v17;
	v17 =	vld [tilespmem:s1+$0x3100];
	v2 =	vadd.f32 v2, v18;
	v18 =	vperm.xlane v7, v45  }
0x364: {  	v9 =	vld [tilespmem:s1+$0x3000];
	[tilespmem:$0x1FC30] =	vst v6;
	v6 =	vmov s0;
	v22 =	vadd.f32 v5, v22  }
0x365: {  	v6 =	vshrl.u32 v6, $0x1B;
	v5 =	vadd.f32 v7, v18;
	v7 =	vld [tilespmem:$0x1FBD0]  }
0x366: {  	v6 =	vand.u32 $0x10, v6;
	[tilespmem:$0x1FBB0] =	vst v22;
	v22 =	vld [tilespmem:$0x1FFC0]  }
0x367: {  	s31 =	sadd.s32 $0x80, s31;
	v50 =	vmovc v55;
	v55 =	vld [tilespmem:$0x1FF60];
	v26 =	vmul.f32 v1, v23;
	v39 =	vmul.f32 v1, v29;
	v6 =	vadd.s32 s0, v6  }
0x368: {  	v32 =	vld [tilespmem:s31+$0xFFFFFFF0];
	[tilespmem:$0x1FB80] =	vst v0;
	v0 =	vadd.f32 v40, v13;
	v10 =	vmul.f32 v1, v62;
	v17 =	vperm.xlane v17, v6  }
0x369: {  	[tilespmem:$0x1FAF0] =	vst v11;
	v11 =	vadd.f32 v26, v38;
	v26 =	vld [tilespmem:$0x1FC60];
	v8 =	vadd.f32 v39, v8;
	v9 =	vperm.xlane v9, v6  }
0x36a: {  	[tilespmem:$0x1FB90] =	vst v0;
	v0 =	vld [tilespmem:s31+$0x30];
	v6 =	vperm.xlane v20, v6;
	v7 =	vadd.f32 v10, v7;
	v10 =	vshll.u32 v17, $0x7  }
0x36b: {  	[tilespmem:$0x1FAD0] =	vst v63;
	v63 =	vmovc v30;
	v30 =	vmov v31;
	v31 =	vld [tilespmem:$0x1FFB0];
	v59 =	vor.u32 v22, v10;
	v22 =	vperm.xlane v2, v45  }
0x36c: {  	[tilespmem:$0x1FCB0] =	vst v8;
	v8 =	vshll.u32 v6, $0x7;
	v6 =	vld [tilespmem:$0x1FC40];
	v17 =	vmul.f32 v1, v25  }
0x36d: {  	[tilespmem:$0x1FBF0] =	vst v28;
	v40 =	vor.u32 v60, v8;
	v2 =	vadd.f32 v2, v22;
	v22 =	vmul.f32 v3, v28;
	v28 =	vld [tilespmem:$0x1FC70]  }
0x36e: {  	v35 =	vld [tilespmem:s31+$0xFFFFFFE0];
	v26 =	vadd.f32 v17, v26  }
0x36f: {  	v13 =	vld [tilespmem:$0x1FF40];
	[tilespmem:$0x1FAE0] =	vst v0  }
0x370: {  	v0 =	vmov v36;
	v36 =	vld [tilespmem:$0x1FFE0];
	[tilespmem:$0x1FC60] =	vst v26;
	v26 =	vmul.f32 v3, v62  }
0x371: {  	v39 =	vld [tilespmem:s31+$0xFFFFFFD0];
	v6 =	vadd.f32 v12, v6;
	v12 =	vor.u32 v54, v8  }
0x372: {  	[tilespmem:$0x1FC50] =	vst v11;
	v18 =	vlaneseq.u32;
	v40 =	vld.idx.msk [tilespmem:v40+s3+$0x0], $0xffff;
	v11 =	vadd.f32 v26, v28  }
0x373: {  	v24 =	vperm.xlane v4, v24;
	v44 =	vperm.xlane v5, v55;
	[tilespmem:$0x1FC40] =	vst v6;
	v6 =	vld [tilespmem:s31+$0xFFFFFFC0];
	v20 =	vor.u32 v18, v10  }
0x374: {  	v43 =	vor.u32 v54, v10;
	[tilespmem:$0x1FC70] =	vst v11;
	v11 =	vld [tilespmem:$0x1FC80]  }
0x375: {  	v4 =	vadd.f32 v4, v24;
	v5 =	vadd.f32 v5, v44;
	v44 =	vld [tilespmem:s31+$0x0];
	v46 =	vor.u32 v60, v10  }
0x376: {  	v38 =	vmov v62;
	v12 =	vld.idx.msk [tilespmem:v12+s3+$0x0], $0xffff  }
0x377: {  	v48 =	vor.u32 v51, v10;
	v17 =	vmul.f32 v1, v42;
	v62 =	vmovc v42;
	v42 =	vperm.xlane v4, v45;
	v45 =	vld [tilespmem:$0x1FF70]  }
0x378: {  	v52 =	vor.u32 v13, v10;
	v20 =	vld.idx.msk [tilespmem:v20+s3+$0x0], $0xffff  }
0x379: {  	[tilespmem:$0x1FBE0] =	vst v23;
	v23 =	vor.u32 v18, v8;
	v43 =	vld.idx.msk [tilespmem:v43+s3+$0x0], $0xffff;
	v11 =	vadd.f32 v19, v11  }
0x37a: {  	v53 =	vor.u32 v31, v10;
	v10 =	vor.u32 v36, v10;
	v46 =	vld.idx.msk [tilespmem:v46+s3+$0x0], $0xffff  }
0x37b: {  	[tilespmem:$0x1FC80] =	vst v11;
	v11 =	vld [tilespmem:$0x1FC90]  }
0x37c: {  	v48 =	vld.idx.msk [tilespmem:v48+s3+$0x0], $0xffff  }
0x37d: {  	v24 =	vld.idx.msk [tilespmem:v52+s3+$0x0], $0xffff;
	v52 =	vperm.xlane v2, v55  }
0x37e: {  	v57 =	vor.u32 v51, v8;
	v26 =	vmul.f32 v3, v29;
	v19 =	vmul.f32 v20, v6;
	v20 =	vld.idx.msk [tilespmem:v23+s3+$0x0], $0xffff  }
0x37f: {  	v40 =	vmul.f32 v40, v39;
	v10 =	vld.idx.msk [tilespmem:v10+s3+$0x0], $0xffff;
	v28 =	vmov v29;
	v29 =	vperm.xlane v5, v45  }
0x380: {  	v2 =	vadd.f32 v2, v52;
	v52 =	vld [tilespmem:s31+$0x10];
	v23 =	vmul.f32 v46, v39;
	v11 =	vadd.f32 v26, v11  }
0x381: {  	v46 =	vld.idx.msk [tilespmem:v59+s3+$0x0], $0xffff;
	v26 =	vadd.f32 v4, v42;
	v4 =	vadd.f32 v5, v29;
	v29 =	vshll.u32 v9, $0x7  }
0x382: {  	v12 =	vmul.f32 v12, v35;
	v59 =	vld.idx.msk [tilespmem:v0+s3+$0x0], $0xffff;
	v9 =	vadd.f32 v23, v19;
	v19 =	vor.u32 v60, v29  }
0x383: {  	v58 =	vor.u32 v31, v8;
	v20 =	vmul.f32 v20, v6;
	v5 =	vmul.f32 v43, v35;
	[tilespmem:$0x1FC90] =	vst v11;
	v11 =	vld [tilespmem:$0x1FCA0]  }
0x384: {  	v61 =	vor.u32 v13, v8;
	v23 =	vmul.f32 v24, v32;
	v24 =	vld.idx.msk [tilespmem:v53+s3+$0x0], $0xffff;
	v4 =	vmul.f32 $1.442695020e+00, v4  }
0x385: {  	v20 =	vadd.f32 v40, v20;
	v5 =	vadd.f32 v5, v9;
	v9 =	vmul.f32 v48, v44;
	v48 =	vld.idx.msk [tilespmem:v57+s3+$0x0], $0xffff  }
0x386: {  	v53 =	vperm.xlane v26, v55;
	(erf) = vpow2.f32 v4;
	v4 =	vor.u32 v31, v29;
	v31 =	vmovc v30;
	v30 =	vmovc v63;
	v63 =	vld [tilespmem:$0x1FAD0]  }
0x387: {  	v57 =	vmul.f32 v10, v52;
	v10 =	vperm.xlane v2, v45;
	v20 =	vadd.f32 v12, v20;
	v12 =	vld.idx.msk [tilespmem:v19+s3+$0x0], $0xffff  }
0x388: {  	v27 =	vor.u32 v36, v8;
	v19 =	vor.u32 v13, v29;
	v13 =	vld [tilespmem:$0x1FAE0];
	v22 =	vadd.f32 v22, v11  }
0x389: {  	[tilespmem:$0x1FBD0] =	vst v7;
	v10 =	vadd.f32 v2, v10;
	v26 =	vadd.f32 v26, v53;
	v11 =	vmov v25;
	v25 =	vld [tilespmem:$0x1FAC0]  }
0x38a: {  	v7 =	vld [tilespmem:s31+$0x20];
	v42 =	vmul.f32 v3, v62;
	[tilespmem:$0x1FCA0] =	vst v22;
	v22 =	vmul.f32 v3, v11;
	v3 =	vor.u32 v51, v29  }
0x38b: {  	v0 =	vld [tilespmem:$0x1FAF0];
	v51 =	vor.u32 v54, v29;
	v54 =	vmul.f32 $1.442695020e+00, v10;
	v10 =	vperm.xlane v26, v45  }
0x38c: {  	v43 =	vld.idx.msk [tilespmem:v61+s3+$0x0], $0xffff;
	v31 =	vadd.f32 v17, v31  }
0x38d: {  	v40 =	vld.idx.msk [tilespmem:v27+s3+$0x0], $0xffff;
	v63 =	vadd.f32 v1, v63;
	v17 =	vadd.f32 v26, v10  }
0x38e: {  	v1 =	vld [tilespmem:$0x1FFC0];
	v2 =	vmul.f32 v46, v13;
	v25 =	vadd.f32 v22, v25;
	v22 =	vor.u32 v18, v29  }
0x38f: {  	v46 =	vmul.f32 $1.442695020e+00, v17;
	v17 =	vmul.f32 v59, v41;
	v59 =	vld [tilespmem:$0x1FFC0]  }
0x390: {  	v23 =	vadd.f32 v23, v5;
	v5 =	vld.idx.msk [tilespmem:v3+s3+$0x0], $0xffff  }
0x391: {  	v53 =	vpop (erf);
	v3 =	vmul.f32 v24, v7;
	v24 =	vld.idx.msk [tilespmem:v58+s3+$0x0], $0xffff  }
0x392: {  	s4 =	sadd.s32 $0x1, s4;
	(erf) = vpow2.f32 v54;
	v54 =	vadd.f32 v53, v49;
	v49 =	vmul.f32 v53, v0;
	v0 =	vld [tilespmem:$0x1FB00]  }
0x393: {  	p2 =	sne.s32 s30, s4;
	v58 =	vld.idx.msk [tilespmem:v22+s3+$0x0], $0xffff  }
.Ltmp19:
0x394: {  	v55 =	vadd.f32 v42, v50;
	v42 =	vmovc v41;
	v40 =	vmul.f32 v40, v52;
	v9 =	vadd.f32 v9, v23;
	(pc) =	sbr.rel @p2 .LBB2_23-.Ltmp19, $4  }
0x395: {  	v30 =	vadd.f32 v56, v30;
	v27 =	vmul.f32 v48, v44;
	v23 =	vmovc v32;
	v22 =	vmul.f32 v43, v32  }
0x396: {  	v9 =	vadd.f32 v57, v9;
	v10 =	vor.u32 v36, v29;
	v26 =	vld.idx.msk [tilespmem:v19+s3+$0x0], $0xffff;
	v36 =	vor.u32 v1, v8  }
0x397: {  	v41 =	vmovc v13;
	v1 =	vadd.f32 v22, v20;
	v22 =	vmul.f32 v24, v7;
	v20 =	vmul.f32 v53, v62  }
0x398: {  	v48 =	vld.idx.msk [tilespmem:v51+s3+$0x0], $0xffff;
	v8 =	vor.u32 v59, v29;
	v19 =	vmul.f32 v53, v0;
	v43 =	vmul.f32 v58, v6  }
0x399: {  	v32 =	vld [tilespmem:$0x1FB90]  }
0x39a: {  	v0 =	vld [tilespmem:$0x1FBE0]  }
0x39b: {  	[tilespmem:$0x1FC10] =	vst v36;
	v36 =	vmov v11;
	v11 =	vld [tilespmem:$0x1FBF0]  }
0x39c: {  	v13 =	vmov v38;
	v38 =	vld [tilespmem:$0x1FB40]  }
0x39d: {  	v51 =	vld [tilespmem:$0x1FB30]  }
0x39e: {  	v61 =	vmov v7;
	v7 =	vld [tilespmem:$0x1FBC0]  }
0x39f: {  	v29 =	vld [tilespmem:$0x1FB20]  }
0x3a0: {  	v56 =	vmov v23;
	v23 =	vld [tilespmem:$0x1FB80]  }
0x3a1: {  	v24 =	vld [tilespmem:$0x1FB50]  }
0x3a2: {  	v45 =	vld [tilespmem:$0x1FB60]  }
0x3a3: {  	[tilespmem:$0x1FB10] =	vst v0;
	v0 =	vld [tilespmem:$0x1FB70]  }
.Ltmp20:
0x3a4: {  	v50 =	vld [tilespmem:$0x1FFF0];
	(pc) =	sbr.rel .LBB2_25-.Ltmp20, $4  }
0x3a5: {  	v62 =	vld [tilespmem:$0x1FF60]  }
0x3a6: {  	v18 =	vmov v28;
	v58 =	vmov v6;
	[tilespmem:$0x1FCC0] =	vst v55;
	v55 =	vld [tilespmem:$0x1FBA0]  }
0x3a7: {  	v60 =	vmovc v42;
	v57 =	vimm.f32 $0.0e+00;
	v6 =	vmovc v25;
	v28 =	vld [tilespmem:$0x1FBB0];
	v25 =	vmov v14;
	v14 =	vmov v13  }
0x3a8: {  	v42 =	vld [tilespmem:$0x1FBD0];
	v13 =	vmovc v37;
	v37 =	vmovc v63;
	v63 =	vmov v6;
	[tilespmem:$0x1FC00] =	vst v0;
	v0 =	vmov v36;
	v36 =	vmov v31  }
.LBB2_20:
0x3a9: {  	[tilespmem:$0x1FC10] =	vst v63  }
0x3aa: {  	v6 =	vimm.f32 $0.0e+00;
	[tilespmem:$0x1FC00] =	vst v35  }
0x3ab: {  	v0 =	vimm.f32 $0.0e+00;
	[tilespmem:$0x1FC20] =	vst v6  }
0x3ac: {  	v6 =	vimm.f32 $0.0e+00;
	[tilespmem:$0x1FCB0] =	vst v0  }
0x3ad: {  	v0 =	vimm.f32 $0.0e+00;
	[tilespmem:$0x1FC30] =	vst v6  }
0x3ae: {  	v13 =	vimm.f32 $0.0e+00;
	v25 =	vimm.f32 $0.0e+00;
	v6 =	vimm.f32 $0.0e+00;
	[tilespmem:$0x1FCA0] =	vst v0  }
0x3af: {  	v32 =	vmovc v50;
	v21 =	vimm.f32 $0.0e+00;
	v55 =	vimm.f32 $0.0e+00;
	v0 =	vimm.f32 $0.0e+00;
	[tilespmem:$0x1FC40] =	vst v6  }
0x3b0: {  	v50 =	vmovc v54;
	v7 =	vmovc v22;
	v63 =	vimm.f32 $0.0e+00;
	v30 =	vimm.f32 $0.0e+00;
	v6 =	vimm.f32 $0.0e+00;
	[tilespmem:$0x1FCC0] =	vst v0  }
.Ltmp21:
0x3b1: {  	v23 =	vmovc v58;
	v61 =	vmovc v42;
	v42 =	vimm.f32 $0.0e+00;
	v28 =	vimm.f32 $0.0e+00;
	[tilespmem:$0x1FC50] =	vst v6;
	v6 =	vimm.f32 $0.0e+00;
	(pc) =	sbr.rel .LBB2_25-.Ltmp21, $4  }
0x3b2: {  	v44 =	vmovc v36;
	v35 =	vmovc v53;
	v15 =	vimm.f32 $0.0e+00;
	v16 =	vimm.f32 $0.0e+00;
	[tilespmem:$0x1FC60] =	vst v6;
	v6 =	vimm.f32 $0.0e+00  }
0x3b3: {  	v58 =	vmovc v31;
	v41 =	vmovc v24;
	v34 =	vimm.f32 $0.0e+00;
	v47 =	vimm.f32 $0.0e+00;
	[tilespmem:$0x1FC70] =	vst v6;
	v6 =	vimm.f32 $0.0e+00  }
0x3b4: {  	v22 =	vmovc v14;
	v33 =	vimm.f32 $0.0e+00;
	v36 =	vimm.f32 $0.0e+00;
	v0 =	vmovc v56;
	[tilespmem:$0x1FC80] =	vst v6;
	v6 =	vimm.f32 $0.0e+00  }
0x3b5: {  	v62 =	vld [tilespmem:$0x1FF60];
	v54 =	vimm.f32 $0.0e+00;
	v56 =	vmovc v52;
	v52 =	vmovc v37;
	v37 =	vimm.f32 $0.0e+00;
	v24 =	vmov v0;
	[tilespmem:$0x1FC90] =	vst v6  }
.LBB2_22:
0x3b6: {  	v32 =	vld [tilespmem:$0x1FB90]  }
0x3b7: {  	v0 =	vld [tilespmem:$0x1FBE0]  }
0x3b8: {  	v13 =	vmov v11;
	v11 =	vld [tilespmem:$0x1FBF0]  }
0x3b9: {  	v14 =	vmov v38;
	v38 =	vld [tilespmem:$0x1FB40]  }
0x3ba: {  	v51 =	vld [tilespmem:$0x1FB30]  }
0x3bb: {  	v61 =	vmov v7;
	v7 =	vld [tilespmem:$0x1FBC0]  }
0x3bc: {  	v29 =	vld [tilespmem:$0x1FB20]  }
0x3bd: {  	v56 =	vmov v23;
	v23 =	vld [tilespmem:$0x1FB80]  }
0x3be: {  	v24 =	vld [tilespmem:$0x1FB50]  }
0x3bf: {  	v45 =	vld [tilespmem:$0x1FB60]  }
0x3c0: {  	[tilespmem:$0x1FB10] =	vst v0;
	v0 =	vld [tilespmem:$0x1FB70]  }
.Ltmp22:
0x3c1: {  	v50 =	vld [tilespmem:$0x1FFF0];
	(pc) =	sbr.rel .LBB2_25-.Ltmp22, $4  }
0x3c2: {  	[tilespmem:$0x1FC10] =	vst v36;
	v47 =	vimm.f32 $0.0e+00;
	v33 =	vimm.f32 $0.0e+00;
	v34 =	vimm.f32 $0.0e+00;
	v36 =	vmovc v25;
	v62 =	vld [tilespmem:$0x1FF60]  }
0x3c3: {  	v15 =	vimm.f32 $0.0e+00;
	v18 =	vmovc v28;
	v16 =	vimm.f32 $0.0e+00;
	v25 =	vimm.f32 $0.0e+00;
	[tilespmem:$0x1FCC0] =	vst v55;
	v55 =	vld [tilespmem:$0x1FBA0]  }
0x3c4: {  	v58 =	vmovc v6;
	v60 =	vmovc v42;
	v57 =	vimm.f32 $0.0e+00;
	v28 =	vld [tilespmem:$0x1FBB0];
	v21 =	vimm.f32 $0.0e+00;
	v6 =	vmov v36  }
0x3c5: {  	v42 =	vld [tilespmem:$0x1FBD0];
	v37 =	vmovc v63;
	v63 =	vmovc v6;
	v36 =	vmov v31;
	[tilespmem:$0x1FC00] =	vst v0;
	v0 =	vmov v13;
	v13 =	vimm.f32 $0.0e+00  }
.LBB2_28:
0x3c6: {  	_ =	sfence.sel $0x180000  }
0x3c7: {  	[bflag:$0x0] =	sbarrier.arrive $0xFFFF  }
0x3c8: {  	_ =	strace $0x90000047  }
0x3c9: {  	s0 =	stileid.u32;
	[bflag:$0x2] =	sbarrier.arrive $0xFFFF  }
0x3ca: {  	p0 =	sne.s32 s0, $0x0;
	s0 =	rddreg [dreg:$0x5]  }
0x3cb: {  	s0 =	sadd.s32 @!p0 $0x100000, s0  }
0x3cc: {  	[sflag:s0] =	ssyncadd.tile.s32 @!p0 $0x1;
	_ =	shalt  }
.Lfunc_end2:
_tile_overlayer_lowered:
.L_overlay_start_2:
0x3cd: {  	(tag) =	ssettag $0x2  }
0x3ce: {  	s0 =	rddreg [dreg:$0x0];
	s2 =	stileid.u32  }
0x3cf: {  	s1 =	rddreg [dreg:$0x1];
	p0 =	sne.s32 s2, $0x0  }
0x3d0: {  	s3 =	rddreg [dreg:$0x2];
	[bflag:$0x3] =	sbarrier.arrive $0xFFFF;
	s2 =	simm.s32 @!p0 $0x1C03  }
0x3d1: {  	[timem:s3], [sflag:s2] =	dma.local @!p0 [hbm:s0], s1  }
0x3d2: {  	s0 =	simm.s32 @!p0 $0x3  }
0x3d3: {  	_ =	swait.ge @!p0 [sflag:s0], s1  }
0x3d4: {  	s1 =	ssub.s32 @!p0 $0x0, s1;
	[sflag:s0] =	ssyncset.done @!p0 $0x0  }
0x3d5: {  	[sflag:s0] =	ssyncadd.s32 @!p0 s1  }
0x3d6: {  	[bflag:$0x3] =	sbarrier.arrive $0xFFFF  }
0x3d7: {  	_ =	shalt  }

</sc_bundles>
